<compile_context>
chip_gen: v7x
topology: tpu7x:2x2x1
jax: 0.10.2.dev20260603
libtpu: 0.0.44.dev20260713+nightly
codegen_flags: <defaults>
</compile_context>

<pallas_src>
import functools

import jax
import jax.numpy as jnp
from jax import lax
from jax.experimental import pallas as pl
from jax.experimental.pallas import tpu as pltpu
from jax.experimental.pallas import tpu_sc as plsc

N_NODES = 10000
NPAD = 10240
D = 128
E_TOTAL = 320000

NC = 2
NS = 16
NW = NC * NS
EB = 80
BLOCKS = E_TOTAL // (NW * EB)
ROWS_PER_TILE = NPAD // NS
DEG_W = 16


def _zero_vmem(ref, rows, width):
    z = jnp.zeros((16,), jnp.float32)

    def body(i, _):
        for j in range(width // 16):
            ref[i, pl.ds(j * 16, 16)] = z
        return 0

    lax.fori_loop(0, rows, body, 0)


def _deg_body(dst_hbm, out_hbm, dst_v, ones_v, zero_v, acc):
    c = lax.axis_index("c")
    s = lax.axis_index("s")
    w = c * NS + s

    one = jnp.full((16,), 1.0, jnp.float32)

    def fill(i, _):
        ones_v[i, pl.ds(0, 16)] = one
        zero_v[i, pl.ds(0, 16)] = jnp.zeros((16,), jnp.float32)
        return 0

    lax.fori_loop(0, EB, fill, 0)

    for r in range(ROWS_PER_TILE // EB):
        pltpu.sync_copy(zero_v, acc.at[pl.ds(s * ROWS_PER_TILE + r * EB, EB)])
    plsc.subcore_barrier()

    pltpu.sync_copy(dst_hbm.at[w], dst_v)

    def body(k, _):
        pltpu.sync_copy(ones_v, acc.at[dst_v.at[k]], add=True)
        return 0

    lax.fori_loop(0, BLOCKS, body, 0)
    plsc.subcore_barrier()

    pltpu.sync_copy(acc.at[pl.ds(s * ROWS_PER_TILE, ROWS_PER_TILE)],
                    out_hbm.at[c, pl.ds(s * ROWS_PER_TILE, ROWS_PER_TILE)])


CH = 5
N_CH = BLOCKS // CH
UNIT = 2 * CH
T_ITERS = (BLOCKS - CH) // UNIT


def _agg_body(h2_hbm, src_hbm, dst_hbm, out_hbm, sa, sb, da, db,
              rows0, rows1, acc, sem_g, sem_s, sem_d):
    c = lax.axis_index("c")
    s = lax.axis_index("s")
    w = c * NS + s

    _zero_vmem(rows0, EB, D)
    for r in range(ROWS_PER_TILE // EB):
        pltpu.sync_copy(rows0, acc.at[pl.ds(s * ROWS_PER_TILE + r * EB, EB)])
    plsc.subcore_barrier()

    rows = (rows0, rows1)
    last = jnp.int32(N_CH - 1)

    def s_load(j, buf):
        pltpu.async_copy(src_hbm.at[w, j], buf, sem_s)

    def s_wait(j, buf):
        pltpu.make_async_copy(src_hbm.at[w, j], buf, sem_s).wait()

    def d_load(j, buf):
        pltpu.async_copy(dst_hbm.at[w, j], buf, sem_d)

    def d_wait(j, buf):
        pltpu.make_async_copy(dst_hbm.at[w, j], buf, sem_d).wait()

    def gather(sbuf, b_loc, rbuf):
        pltpu.async_copy(h2_hbm.at[sbuf.at[b_loc]], rbuf, sem_g)

    def g_wait(sbuf, b_loc, rbuf):
        pltpu.make_async_copy(h2_hbm.at[sbuf.at[b_loc]], rbuf, sem_g).wait()

    def scatter(dbuf, b_loc, rbuf):
        pltpu.sync_copy(rbuf, acc.at[dbuf.at[b_loc]], add=True)

    pltpu.sync_copy(src_hbm.at[w, 0], sa)
    d_load(0, da)
    s_load(1, sb)
    d_load(1, db)
    gather(sa, 0, rows0)

    def body(t, _):
        j = 2 * t
        d_wait(j, da)
        for i in range(UNIT):
            cur_s, cur_d, b = (sa, da, i) if i < CH else (sb, db, i - CH)
            if i == CH:
                d_wait(j + 1, db)
            if i < UNIT - 1:
                if b + 1 < CH:
                    gather(cur_s, b + 1, rows[(i + 1) % 2])
                else:
                    s_wait(j + 1, sb)
                    gather(sb, 0, rows[(i + 1) % 2])
            else:
                s_wait(jnp.minimum(j + 2, last), sa)
                gather(sa, 0, rows[(i + 1) % 2])
            g_wait(cur_s, b, rows[i % 2])
            scatter(cur_d, b, rows[i % 2])
            if i == CH:
                s_load(jnp.minimum(j + 2, last), sa)
            if i == UNIT - 1:
                d_load(jnp.minimum(j + 2, last), da)
                s_load(jnp.minimum(j + 3, last), sb)
                d_load(jnp.minimum(j + 3, last), db)
        return 0

    lax.fori_loop(0, T_ITERS, body, 0)

    d_wait(last, da)
    for i in range(CH):
        gather(sa, min(i + 1, CH - 1), rows[(i + 1) % 2])
        g_wait(sa, i, rows[i % 2])
        scatter(da, i, rows[i % 2])
    g_wait(sa, CH - 1, rows[CH % 2])
    s_wait(last, sb)
    d_wait(last, db)
    plsc.subcore_barrier()

    pltpu.sync_copy(acc.at[pl.ds(s * ROWS_PER_TILE, ROWS_PER_TILE)],
                    out_hbm.at[c, pl.ds(s * ROWS_PER_TILE, ROWS_PER_TILE)])


@functools.cache
def _sc_kernels():
    mesh = plsc.VectorSubcoreMesh(core_axis_name="c", subcore_axis_name="s",
                                  num_cores=NC, num_subcores=NS)
    deg = pl.kernel(
        _deg_body,
        out_type=jax.ShapeDtypeStruct((NC, NPAD, DEG_W), jnp.float32),
        mesh=mesh,
        scratch_types=[
            pltpu.VMEM((BLOCKS, EB), jnp.int32),
            pltpu.VMEM((EB, DEG_W), jnp.float32),
            pltpu.VMEM((EB, DEG_W), jnp.float32),
            pltpu.VMEM_SHARED((NPAD, DEG_W), jnp.float32),
        ],
    )
    agg = pl.kernel(
        _agg_body,
        out_type=jax.ShapeDtypeStruct((NC, NPAD, D), jnp.float32),
        mesh=mesh,
        scratch_types=[
            pltpu.VMEM((CH, EB), jnp.int32),
            pltpu.VMEM((CH, EB), jnp.int32),
            pltpu.VMEM((CH, EB), jnp.int32),
            pltpu.VMEM((CH, EB), jnp.int32),
            pltpu.VMEM((EB, D), jnp.float32),
            pltpu.VMEM((EB, D), jnp.float32),
            pltpu.VMEM_SHARED((NPAD, D), jnp.float32),
            pltpu.SemaphoreType.DMA,
            pltpu.SemaphoreType.DMA,
            pltpu.SemaphoreType.DMA,
        ],
    )
    return deg, agg


RB = 2048


def _dinv_from_parts(dp):
    deg = dp[0, :, 0] + dp[1, :, 0] + 1.0
    return lax.rsqrt(deg)


def _first_body(x_ref, w_ref, dp_ref, h2_ref):
    dinv = _dinv_from_parts(dp_ref[...])
    h = jnp.dot(x_ref[...], w_ref[...], preferred_element_type=jnp.float32)
    h2_ref[...] = h * dinv[:, None]


def _mid_body(agg_ref, h2_ref, dp_ref, b_ref, w_ref, out_ref):
    dinv = _dinv_from_parts(dp_ref[...])
    tot = agg_ref[0] + agg_ref[1] + h2_ref[...]
    hn = jnp.maximum(tot * dinv[:, None] + b_ref[...], 0.0)
    out_ref[...] = jnp.dot(hn, w_ref[...],
                           preferred_element_type=jnp.float32) * dinv[:, None]


def _last_body(agg_ref, h2_ref, dp_ref, b_ref, out_ref):
    dinv = _dinv_from_parts(dp_ref[...])
    tot = agg_ref[0] + agg_ref[1] + h2_ref[...]
    out_ref[...] = tot * dinv[:, None] + b_ref[...]


def _row_spec(width):
    return pl.BlockSpec((RB, width), lambda i: (i, 0))


def _part_spec(width):
    return pl.BlockSpec((NC, RB, width), lambda i: (0, i, 0))


_FULL_W = pl.BlockSpec((D, D), lambda i: (0, 0))
_FULL_B = pl.BlockSpec((1, D), lambda i: (0, 0))
_GRID = (NPAD // RB,)
_OUT = jax.ShapeDtypeStruct((NPAD, D), jnp.float32)

_first_call = pl.pallas_call(
    _first_body, grid=_GRID,
    in_specs=[_row_spec(D), _FULL_W, _part_spec(DEG_W)],
    out_specs=_row_spec(D), out_shape=_OUT)

_mid_call = pl.pallas_call(
    _mid_body, grid=_GRID,
    in_specs=[_part_spec(D), _row_spec(D), _part_spec(DEG_W), _FULL_B,
              _FULL_W],
    out_specs=_row_spec(D), out_shape=_OUT)

_last_call = pl.pallas_call(
    _last_body, grid=_GRID,
    in_specs=[_part_spec(D), _row_spec(D), _part_spec(DEG_W), _FULL_B],
    out_specs=_row_spec(D), out_shape=_OUT)


@jax.jit
def kernel(x, edge_index, W1, b1, W2, b2, W3, b3):
    src4 = edge_index[0].reshape(NW, N_CH, CH, EB)
    dst4 = edge_index[1].reshape(NW, N_CH, CH, EB)
    dst2d = edge_index[1].reshape(NW, BLOCKS, EB)
    x_pad = jnp.pad(x, ((0, NPAD - N_NODES), (0, 0)))
    b1r = b1.reshape(1, D)
    b2r = b2.reshape(1, D)
    b3r = b3.reshape(1, D)

    deg_kernel, agg_kernel = _sc_kernels()
    deg_parts = deg_kernel(dst2d)

    h2 = _first_call(x_pad, W1, deg_parts)
    agg = agg_kernel(h2, src4, dst4)
    h2 = _mid_call(agg, h2, deg_parts, b1r, W2)
    agg = agg_kernel(h2, src4, dst4)
    h2 = _mid_call(agg, h2, deg_parts, b2r, W3)
    agg = agg_kernel(h2, src4, dst4)
    out = _last_call(agg, h2, deg_parts, b3r)
    return out[:N_NODES]

# --- scband reference (transcript-rebuilt; emitter-appended) ---
"""Pipeline reference for scband-gcn-83872121356313 (READ-ONLY COPY).

The authoritative reference and input builder live on the scoring server;
editing this copy changes nothing except your own understanding.
"""

import jax, jax.numpy as jnp
import numpy as np

N = 10000
E = 320000
D_IN = 128
D_HID = 128
D_OUT = 128


def gcn_conv(x, edge_index, W, b):
    # PyG GCNConv: add self-loops, symmetric normalization D^-1/2 (A+I) D^-1/2 X W + b
    n = x.shape[0]
    loop = jnp.arange(n, dtype=edge_index.dtype)
    src = jnp.concatenate([edge_index[0], loop])
    dst = jnp.concatenate([edge_index[1], loop])
    deg = jnp.zeros((n,), x.dtype).at[dst].add(1.0)
    dinv = jnp.where(deg > 0, 1.0 / jnp.sqrt(deg), 0.0)
    norm = dinv[src] * dinv[dst]
    h = x @ W
    msg = h[src] * norm[:, None]
    out = jnp.zeros((n, W.shape[1]), x.dtype).at[dst].add(msg)
    return out + b


def glorot(key, fan_in, fan_out):
    limit = np.sqrt(6.0 / (fan_in + fan_out))
    return jax.random.uniform(key, (fan_in, fan_out), jnp.float32, -limit, limit)


def setup_inputs(seed: int = 0) -> dict:
    key = jax.random.key(seed)
    ks = jax.random.split(key, 8)
    x = jax.random.normal(ks[0], (N, D_IN), jnp.float32)
    edge_index = jax.random.randint(ks[1], (2, E), 0, N)
    W1 = glorot(ks[2], D_IN, D_HID)
    b1 = jnp.zeros((D_HID,), jnp.float32)
    W2 = glorot(ks[3], D_HID, D_HID)
    b2 = jnp.zeros((D_HID,), jnp.float32)
    W3 = glorot(ks[4], D_HID, D_OUT)
    b3 = jnp.zeros((D_OUT,), jnp.float32)
    return {"x": x, "edge_index": edge_index, "W1": W1, "b1": b1, "W2": W2, "b2": b2, "W3": W3, "b3": b3}


def reference(x, edge_index, W1, b1, W2, b2, W3, b3):
    # dropout p=0.0 / eval mode -> identity
    h = jax.nn.relu(gcn_conv(x, edge_index, W1, b1))
    h = jax.nn.relu(gcn_conv(h, edge_index, W2, b2))
    out = gcn_conv(h, edge_index, W3, b3)
    return out

if __name__ == "__main__":
    import jax
    _d = setup_inputs()
    print(jax.jit(kernel)(*tuple(_d.values())))

</pallas_src>

<mosaic_0001>
#map = affine_map<(d0, d1) -> (0, 0, 0)>
module attributes {stable_mosaic.version = 14 : i64} {
  func.func @_deg_body(%arg0: i32, %arg1: i32, %arg2: memref<32x125x80xi32, #tpu.memory_space<hbm>>, %arg3: memref<2x10240x16xf32, #tpu.memory_space<hbm>>, %arg4: memref<125x80xi32, #tpu.memory_space<vmem>>, %arg5: memref<80x16xf32, #tpu.memory_space<vmem>>, %arg6: memref<80x16xf32, #tpu.memory_space<vmem>>, %arg7: memref<10240x16xf32, #tpu.memory_space<vmem_shared>>) attributes {dimension_semantics = [#tpu.dimension_semantics<core_parallel>, #tpu.dimension_semantics<subcore_parallel>], iteration_bounds = array<i64: 2, 16>, scalar_prefetch = 0 : i64, scratch_operands = 4 : i64, tpu.core_type = #tpu.core_type<sc_vector_subcore>, window_params = [{transform_indices = #map}, {transform_indices = #map}]} {
    %mul3A = arith.constant 16 : i32
    %mul3A_0 = arith.muli %arg0, %mul3A : i32
    %add3A = arith.addi %mul3A_0, %arg1 : i32
    %broadcast_in_dim3A = arith.constant 1.000000e+00 : f32
    %broadcast_in_dim3A_1 = vector.broadcast %broadcast_in_dim3A : f32 to vector<16xf32>
    %scan3A = arith.constant 0 : i32
    %scan3A_2 = arith.constant 0 : i32
    %scan3A_3 = arith.constant 80 : i32
    %scan3A_4 = arith.addi %scan3A_2, %scan3A_3 : i32
    %scan3A_5 = arith.constant 1 : i32
    %scan3A_6 = scf.for %scan3A_52 = %scan3A_2 to %scan3A_4 step %scan3A_5 iter_args(%scan3A_53 = %scan3A) -> (i32)  : i32 {
      %swap3A = arith.index_cast %scan3A_52 : i32 to index
      %swap3A_54 = arith.constant 0 : index
      %swap3A_55 = tpu.vector_load %arg5[%swap3A, %swap3A_54] {strides = array<i32>} : memref<80x16xf32, #tpu.memory_space<vmem>>, vector<1x16xf32>,
      %swap3A_56 = vector.shape_cast %swap3A_55 : vector<1x16xf32> to vector<16xf32>
      %swap3A_57 = vector.shape_cast %broadcast_in_dim3A_1 : vector<16xf32> to vector<1x16xf32>
      tpu.vector_store %arg5[%swap3A, %swap3A_54], %swap3A_57 {strides = array<i32>} : memref<80x16xf32, #tpu.memory_space<vmem>>, vector<1x16xf32>,
      %broadcast_in_dim3A_58 = arith.constant 0.000000e+00 : f32
      %broadcast_in_dim3A_59 = vector.broadcast %broadcast_in_dim3A_58 : f32 to vector<16xf32>
      %swap3A_60 = arith.index_cast %scan3A_52 : i32 to index
      %swap3A_61 = arith.constant 0 : index
      %swap3A_62 = tpu.vector_load %arg6[%swap3A_60, %swap3A_61] {strides = array<i32>} : memref<80x16xf32, #tpu.memory_space<vmem>>, vector<1x16xf32>,
      %swap3A_63 = vector.shape_cast %swap3A_62 : vector<1x16xf32> to vector<16xf32>
      %swap3A_64 = vector.shape_cast %broadcast_in_dim3A_59 : vector<16xf32> to vector<1x16xf32>
      tpu.vector_store %arg6[%swap3A_60, %swap3A_61], %swap3A_64 {strides = array<i32>} : memref<80x16xf32, #tpu.memory_space<vmem>>, vector<1x16xf32>,
      %scan3A_65 = arith.constant 0 : i32
      scf.yield %scan3A_65 : i32
    }
    %scan3A_7 = arith.constant 80 : i32
    %mul3A_8 = arith.constant 640 : i32
    %mul3A_9 = arith.muli %arg1, %mul3A_8 : i32
    %add3A_10 = arith.constant 0 : i32
    %add3A_11 = arith.addi %mul3A_9, %add3A_10 : i32
    "tpu.region"() ({
      %run_scoped3A = tpu.sem_alloc : memref<!tpu.dma_semaphore, #tpu.memory_space<semaphore_mem>>
      %dma_start3A = arith.constant 0 : i32
      %dma_start3A_52 = tpu.memref_slice %arg7[%add3A_11, %dma_start3A] : memref<10240x16xf32, #tpu.memory_space<vmem_shared>> -> memref<80x16xf32, #tpu.memory_space<vmem_shared>>
      %dma_start3A_53 = arith.constant 0 : i32
      %dma_start3A_54 = tpu.memref_slice %arg7[%add3A_11, %dma_start3A_53] : memref<10240x16xf32, #tpu.memory_space<vmem_shared>> -> memref<80x16xf32, #tpu.memory_space<vmem_shared>>
      tpu.enqueue_dma source(%arg6 : memref<80x16xf32, #tpu.memory_space<vmem>>) target(%dma_start3A_54 : memref<80x16xf32, #tpu.memory_space<vmem_shared>>) target_semaphore(%run_scoped3A : memref<!tpu.dma_semaphore, #tpu.memory_space<semaphore_mem>>)
      %dma_wait3A = arith.constant 0 : i32
      %dma_wait3A_55 = tpu.memref_slice %arg7[%add3A_11, %dma_wait3A] : memref<10240x16xf32, #tpu.memory_space<vmem_shared>> -> memref<80x16xf32, #tpu.memory_space<vmem_shared>>
      %dma_wait3A_56 = arith.constant 0 : i32
      %dma_wait3A_57 = tpu.memref_slice %arg7[%add3A_11, %dma_wait3A_56] : memref<10240x16xf32, #tpu.memory_space<vmem_shared>> -> memref<80x16xf32, #tpu.memory_space<vmem_shared>>
      tpu.wait_dma2 semaphore(%run_scoped3A : memref<!tpu.dma_semaphore, #tpu.memory_space<semaphore_mem>>) src(%arg6 : memref<80x16xf32, #tpu.memory_space<vmem>>) dst(%dma_wait3A_57 : memref<80x16xf32, #tpu.memory_space<vmem_shared>>)
      tpu.yield
    }) : () -> ()
    %mul3A_12 = arith.constant 640 : i32
    %mul3A_13 = arith.muli %arg1, %mul3A_12 : i32
    %add3A_14 = arith.constant 80 : i32
    %add3A_15 = arith.addi %mul3A_13, %add3A_14 : i32
    "tpu.region"() ({
      %run_scoped3A = tpu.sem_alloc : memref<!tpu.dma_semaphore, #tpu.memory_space<semaphore_mem>>
      %dma_start3A = arith.constant 0 : i32
      %dma_start3A_52 = tpu.memref_slice %arg7[%add3A_15, %dma_start3A] : memref<10240x16xf32, #tpu.memory_space<vmem_shared>> -> memref<80x16xf32, #tpu.memory_space<vmem_shared>>
      %dma_start3A_53 = arith.constant 0 : i32
      %dma_start3A_54 = tpu.memref_slice %arg7[%add3A_15, %dma_start3A_53] : memref<10240x16xf32, #tpu.memory_space<vmem_shared>> -> memref<80x16xf32, #tpu.memory_space<vmem_shared>>
      tpu.enqueue_dma source(%arg6 : memref<80x16xf32, #tpu.memory_space<vmem>>) target(%dma_start3A_54 : memref<80x16xf32, #tpu.memory_space<vmem_shared>>) target_semaphore(%run_scoped3A : memref<!tpu.dma_semaphore, #tpu.memory_space<semaphore_mem>>)
      %dma_wait3A = arith.constant 0 : i32
      %dma_wait3A_55 = tpu.memref_slice %arg7[%add3A_15, %dma_wait3A] : memref<10240x16xf32, #tpu.memory_space<vmem_shared>> -> memref<80x16xf32, #tpu.memory_space<vmem_shared>>
      %dma_wait3A_56 = arith.constant 0 : i32
      %dma_wait3A_57 = tpu.memref_slice %arg7[%add3A_15, %dma_wait3A_56] : memref<10240x16xf32, #tpu.memory_space<vmem_shared>> -> memref<80x16xf32, #tpu.memory_space<vmem_shared>>
      tpu.wait_dma2 semaphore(%run_scoped3A : memref<!tpu.dma_semaphore, #tpu.memory_space<semaphore_mem>>) src(%arg6 : memref<80x16xf32, #tpu.memory_space<vmem>>) dst(%dma_wait3A_57 : memref<80x16xf32, #tpu.memory_space<vmem_shared>>)
      tpu.yield
    }) : () -> ()
    %mul3A_16 = arith.constant 640 : i32
    %mul3A_17 = arith.muli %arg1, %mul3A_16 : i32
    %add3A_18 = arith.constant 160 : i32
    %add3A_19 = arith.addi %mul3A_17, %add3A_18 : i32
    "tpu.region"() ({
      %run_scoped3A = tpu.sem_alloc : memref<!tpu.dma_semaphore, #tpu.memory_space<semaphore_mem>>
      %dma_start3A = arith.constant 0 : i32
      %dma_start3A_52 = tpu.memref_slice %arg7[%add3A_19, %dma_start3A] : memref<10240x16xf32, #tpu.memory_space<vmem_shared>> -> memref<80x16xf32, #tpu.memory_space<vmem_shared>>
      %dma_start3A_53 = arith.constant 0 : i32
      %dma_start3A_54 = tpu.memref_slice %arg7[%add3A_19, %dma_start3A_53] : memref<10240x16xf32, #tpu.memory_space<vmem_shared>> -> memref<80x16xf32, #tpu.memory_space<vmem_shared>>
      tpu.enqueue_dma source(%arg6 : memref<80x16xf32, #tpu.memory_space<vmem>>) target(%dma_start3A_54 : memref<80x16xf32, #tpu.memory_space<vmem_shared>>) target_semaphore(%run_scoped3A : memref<!tpu.dma_semaphore, #tpu.memory_space<semaphore_mem>>)
      %dma_wait3A = arith.constant 0 : i32
      %dma_wait3A_55 = tpu.memref_slice %arg7[%add3A_19, %dma_wait3A] : memref<10240x16xf32, #tpu.memory_space<vmem_shared>> -> memref<80x16xf32, #tpu.memory_space<vmem_shared>>
      %dma_wait3A_56 = arith.constant 0 : i32
      %dma_wait3A_57 = tpu.memref_slice %arg7[%add3A_19, %dma_wait3A_56] : memref<10240x16xf32, #tpu.memory_space<vmem_shared>> -> memref<80x16xf32, #tpu.memory_space<vmem_shared>>
      tpu.wait_dma2 semaphore(%run_scoped3A : memref<!tpu.dma_semaphore, #tpu.memory_space<semaphore_mem>>) src(%arg6 : memref<80x16xf32, #tpu.memory_space<vmem>>) dst(%dma_wait3A_57 : memref<80x16xf32, #tpu.memory_space<vmem_shared>>)
      tpu.yield
    }) : () -> ()
    %mul3A_20 = arith.constant 640 : i32
    %mul3A_21 = arith.muli %arg1, %mul3A_20 : i32
    %add3A_22 = arith.constant 240 : i32
    %add3A_23 = arith.addi %mul3A_21, %add3A_22 : i32
    "tpu.region"() ({
      %run_scoped3A = tpu.sem_alloc : memref<!tpu.dma_semaphore, #tpu.memory_space<semaphore_mem>>
      %dma_start3A = arith.constant 0 : i32
      %dma_start3A_52 = tpu.memref_slice %arg7[%add3A_23, %dma_start3A] : memref<10240x16xf32, #tpu.memory_space<vmem_shared>> -> memref<80x16xf32, #tpu.memory_space<vmem_shared>>
      %dma_start3A_53 = arith.constant 0 : i32
      %dma_start3A_54 = tpu.memref_slice %arg7[%add3A_23, %dma_start3A_53] : memref<10240x16xf32, #tpu.memory_space<vmem_shared>> -> memref<80x16xf32, #tpu.memory_space<vmem_shared>>
      tpu.enqueue_dma source(%arg6 : memref<80x16xf32, #tpu.memory_space<vmem>>) target(%dma_start3A_54 : memref<80x16xf32, #tpu.memory_space<vmem_shared>>) target_semaphore(%run_scoped3A : memref<!tpu.dma_semaphore, #tpu.memory_space<semaphore_mem>>)
      %dma_wait3A = arith.constant 0 : i32
      %dma_wait3A_55 = tpu.memref_slice %arg7[%add3A_23, %dma_wait3A] : memref<10240x16xf32, #tpu.memory_space<vmem_shared>> -> memref<80x16xf32, #tpu.memory_space<vmem_shared>>
      %dma_wait3A_56 = arith.constant 0 : i32
      %dma_wait3A_57 = tpu.memref_slice %arg7[%add3A_23, %dma_wait3A_56] : memref<10240x16xf32, #tpu.memory_space<vmem_shared>> -> memref<80x16xf32, #tpu.memory_space<vmem_shared>>
      tpu.wait_dma2 semaphore(%run_scoped3A : memref<!tpu.dma_semaphore, #tpu.memory_space<semaphore_mem>>) src(%arg6 : memref<80x16xf32, #tpu.memory_space<vmem>>) dst(%dma_wait3A_57 : memref<80x16xf32, #tpu.memory_space<vmem_shared>>)
      tpu.yield
    }) : () -> ()
    %mul3A_24 = arith.constant 640 : i32
    %mul3A_25 = arith.muli %arg1, %mul3A_24 : i32
    %add3A_26 = arith.constant 320 : i32
    %add3A_27 = arith.addi %mul3A_25, %add3A_26 : i32
    "tpu.region"() ({
      %run_scoped3A = tpu.sem_alloc : memref<!tpu.dma_semaphore, #tpu.memory_space<semaphore_mem>>
      %dma_start3A = arith.constant 0 : i32
      %dma_start3A_52 = tpu.memref_slice %arg7[%add3A_27, %dma_start3A] : memref<10240x16xf32, #tpu.memory_space<vmem_shared>> -> memref<80x16xf32, #tpu.memory_space<vmem_shared>>
      %dma_start3A_53 = arith.constant 0 : i32
      %dma_start3A_54 = tpu.memref_slice %arg7[%add3A_27, %dma_start3A_53] : memref<10240x16xf32, #tpu.memory_space<vmem_shared>> -> memref<80x16xf32, #tpu.memory_space<vmem_shared>>
      tpu.enqueue_dma source(%arg6 : memref<80x16xf32, #tpu.memory_space<vmem>>) target(%dma_start3A_54 : memref<80x16xf32, #tpu.memory_space<vmem_shared>>) target_semaphore(%run_scoped3A : memref<!tpu.dma_semaphore, #tpu.memory_space<semaphore_mem>>)
      %dma_wait3A = arith.constant 0 : i32
      %dma_wait3A_55 = tpu.memref_slice %arg7[%add3A_27, %dma_wait3A] : memref<10240x16xf32, #tpu.memory_space<vmem_shared>> -> memref<80x16xf32, #tpu.memory_space<vmem_shared>>
      %dma_wait3A_56 = arith.constant 0 : i32
      %dma_wait3A_57 = tpu.memref_slice %arg7[%add3A_27, %dma_wait3A_56] : memref<10240x16xf32, #tpu.memory_space<vmem_shared>> -> memref<80x16xf32, #tpu.memory_space<vmem_shared>>
      tpu.wait_dma2 semaphore(%run_scoped3A : memref<!tpu.dma_semaphore, #tpu.memory_space<semaphore_mem>>) src(%arg6 : memref<80x16xf32, #tpu.memory_space<vmem>>) dst(%dma_wait3A_57 : memref<80x16xf32, #tpu.memory_space<vmem_shared>>)
      tpu.yield
    }) : () -> ()
    %mul3A_28 = arith.constant 640 : i32
    %mul3A_29 = arith.muli %arg1, %mul3A_28 : i32
    %add3A_30 = arith.constant 400 : i32
    %add3A_31 = arith.addi %mul3A_29, %add3A_30 : i32
    "tpu.region"() ({
      %run_scoped3A = tpu.sem_alloc : memref<!tpu.dma_semaphore, #tpu.memory_space<semaphore_mem>>
      %dma_start3A = arith.constant 0 : i32
      %dma_start3A_52 = tpu.memref_slice %arg7[%add3A_31, %dma_start3A] : memref<10240x16xf32, #tpu.memory_space<vmem_shared>> -> memref<80x16xf32, #tpu.memory_space<vmem_shared>>
      %dma_start3A_53 = arith.constant 0 : i32
      %dma_start3A_54 = tpu.memref_slice %arg7[%add3A_31, %dma_start3A_53] : memref<10240x16xf32, #tpu.memory_space<vmem_shared>> -> memref<80x16xf32, #tpu.memory_space<vmem_shared>>
      tpu.enqueue_dma source(%arg6 : memref<80x16xf32, #tpu.memory_space<vmem>>) target(%dma_start3A_54 : memref<80x16xf32, #tpu.memory_space<vmem_shared>>) target_semaphore(%run_scoped3A : memref<!tpu.dma_semaphore, #tpu.memory_space<semaphore_mem>>)
      %dma_wait3A = arith.constant 0 : i32
      %dma_wait3A_55 = tpu.memref_slice %arg7[%add3A_31, %dma_wait3A] : memref<10240x16xf32, #tpu.memory_space<vmem_shared>> -> memref<80x16xf32, #tpu.memory_space<vmem_shared>>
      %dma_wait3A_56 = arith.constant 0 : i32
      %dma_wait3A_57 = tpu.memref_slice %arg7[%add3A_31, %dma_wait3A_56] : memref<10240x16xf32, #tpu.memory_space<vmem_shared>> -> memref<80x16xf32, #tpu.memory_space<vmem_shared>>
      tpu.wait_dma2 semaphore(%run_scoped3A : memref<!tpu.dma_semaphore, #tpu.memory_space<semaphore_mem>>) src(%arg6 : memref<80x16xf32, #tpu.memory_space<vmem>>) dst(%dma_wait3A_57 : memref<80x16xf32, #tpu.memory_space<vmem_shared>>)
      tpu.yield
    }) : () -> ()
    %mul3A_32 = arith.constant 640 : i32
    %mul3A_33 = arith.muli %arg1, %mul3A_32 : i32
    %add3A_34 = arith.constant 480 : i32
    %add3A_35 = arith.addi %mul3A_33, %add3A_34 : i32
    "tpu.region"() ({
      %run_scoped3A = tpu.sem_alloc : memref<!tpu.dma_semaphore, #tpu.memory_space<semaphore_mem>>
      %dma_start3A = arith.constant 0 : i32
      %dma_start3A_52 = tpu.memref_slice %arg7[%add3A_35, %dma_start3A] : memref<10240x16xf32, #tpu.memory_space<vmem_shared>> -> memref<80x16xf32, #tpu.memory_space<vmem_shared>>
      %dma_start3A_53 = arith.constant 0 : i32
      %dma_start3A_54 = tpu.memref_slice %arg7[%add3A_35, %dma_start3A_53] : memref<10240x16xf32, #tpu.memory_space<vmem_shared>> -> memref<80x16xf32, #tpu.memory_space<vmem_shared>>
      tpu.enqueue_dma source(%arg6 : memref<80x16xf32, #tpu.memory_space<vmem>>) target(%dma_start3A_54 : memref<80x16xf32, #tpu.memory_space<vmem_shared>>) target_semaphore(%run_scoped3A : memref<!tpu.dma_semaphore, #tpu.memory_space<semaphore_mem>>)
      %dma_wait3A = arith.constant 0 : i32
      %dma_wait3A_55 = tpu.memref_slice %arg7[%add3A_35, %dma_wait3A] : memref<10240x16xf32, #tpu.memory_space<vmem_shared>> -> memref<80x16xf32, #tpu.memory_space<vmem_shared>>
      %dma_wait3A_56 = arith.constant 0 : i32
      %dma_wait3A_57 = tpu.memref_slice %arg7[%add3A_35, %dma_wait3A_56] : memref<10240x16xf32, #tpu.memory_space<vmem_shared>> -> memref<80x16xf32, #tpu.memory_space<vmem_shared>>
      tpu.wait_dma2 semaphore(%run_scoped3A : memref<!tpu.dma_semaphore, #tpu.memory_space<semaphore_mem>>) src(%arg6 : memref<80x16xf32, #tpu.memory_space<vmem>>) dst(%dma_wait3A_57 : memref<80x16xf32, #tpu.memory_space<vmem_shared>>)
      tpu.yield
    }) : () -> ()
    %mul3A_36 = arith.constant 640 : i32
    %mul3A_37 = arith.muli %arg1, %mul3A_36 : i32
    %add3A_38 = arith.constant 560 : i32
    %add3A_39 = arith.addi %mul3A_37, %add3A_38 : i32
    "tpu.region"() ({
      %run_scoped3A = tpu.sem_alloc : memref<!tpu.dma_semaphore, #tpu.memory_space<semaphore_mem>>
      %dma_start3A = arith.constant 0 : i32
      %dma_start3A_52 = tpu.memref_slice %arg7[%add3A_39, %dma_start3A] : memref<10240x16xf32, #tpu.memory_space<vmem_shared>> -> memref<80x16xf32, #tpu.memory_space<vmem_shared>>
      %dma_start3A_53 = arith.constant 0 : i32
      %dma_start3A_54 = tpu.memref_slice %arg7[%add3A_39, %dma_start3A_53] : memref<10240x16xf32, #tpu.memory_space<vmem_shared>> -> memref<80x16xf32, #tpu.memory_space<vmem_shared>>
      tpu.enqueue_dma source(%arg6 : memref<80x16xf32, #tpu.memory_space<vmem>>) target(%dma_start3A_54 : memref<80x16xf32, #tpu.memory_space<vmem_shared>>) target_semaphore(%run_scoped3A : memref<!tpu.dma_semaphore, #tpu.memory_space<semaphore_mem>>)
      %dma_wait3A = arith.constant 0 : i32
      %dma_wait3A_55 = tpu.memref_slice %arg7[%add3A_39, %dma_wait3A] : memref<10240x16xf32, #tpu.memory_space<vmem_shared>> -> memref<80x16xf32, #tpu.memory_space<vmem_shared>>
      %dma_wait3A_56 = arith.constant 0 : i32
      %dma_wait3A_57 = tpu.memref_slice %arg7[%add3A_39, %dma_wait3A_56] : memref<10240x16xf32, #tpu.memory_space<vmem_shared>> -> memref<80x16xf32, #tpu.memory_space<vmem_shared>>
      tpu.wait_dma2 semaphore(%run_scoped3A : memref<!tpu.dma_semaphore, #tpu.memory_space<semaphore_mem>>) src(%arg6 : memref<80x16xf32, #tpu.memory_space<vmem>>) dst(%dma_wait3A_57 : memref<80x16xf32, #tpu.memory_space<vmem_shared>>)
      tpu.yield
    }) : () -> ()
    %barrier3A = arith.constant 0 : index
    tpu.barrier barrier_id(%barrier3A)
    "tpu.region"() ({
      %run_scoped3A = tpu.sem_alloc : memref<!tpu.dma_semaphore, #tpu.memory_space<semaphore_mem>>
      %dma_start3A = arith.constant 0 : i32
      %dma_start3A_52 = arith.constant 0 : i32
      %dma_start3A_53 = tpu.memref_slice %arg2[%add3A, %dma_start3A, %dma_start3A_52] : memref<32x125x80xi32, #tpu.memory_space<hbm>> -> memref<1x125x80xi32, #tpu.memory_space<hbm>>
      %dma_start3A_54 = tpu.memref_squeeze %dma_start3A_53 : memref<1x125x80xi32, #tpu.memory_space<hbm>> -> memref<125x80xi32, #tpu.memory_space<hbm>>
      %dma_start3A_55 = arith.constant 0 : i32
      %dma_start3A_56 = arith.constant 0 : i32
      %dma_start3A_57 = tpu.memref_slice %arg2[%add3A, %dma_start3A_55, %dma_start3A_56] : memref<32x125x80xi32, #tpu.memory_space<hbm>> -> memref<1x125x80xi32, #tpu.memory_space<hbm>>
      %dma_start3A_58 = tpu.memref_squeeze %dma_start3A_57 : memref<1x125x80xi32, #tpu.memory_space<hbm>> -> memref<125x80xi32, #tpu.memory_space<hbm>>
      tpu.enqueue_dma source(%dma_start3A_58 : memref<125x80xi32, #tpu.memory_space<hbm>>) target(%arg4 : memref<125x80xi32, #tpu.memory_space<vmem>>) target_semaphore(%run_scoped3A : memref<!tpu.dma_semaphore, #tpu.memory_space<semaphore_mem>>)
      %dma_wait3A = arith.constant 0 : i32
      %dma_wait3A_59 = arith.constant 0 : i32
      %dma_wait3A_60 = tpu.memref_slice %arg2[%add3A, %dma_wait3A, %dma_wait3A_59] : memref<32x125x80xi32, #tpu.memory_space<hbm>> -> memref<1x125x80xi32, #tpu.memory_space<hbm>>
      %dma_wait3A_61 = tpu.memref_squeeze %dma_wait3A_60 : memref<1x125x80xi32, #tpu.memory_space<hbm>> -> memref<125x80xi32, #tpu.memory_space<hbm>>
      %dma_wait3A_62 = arith.constant 0 : i32
      %dma_wait3A_63 = arith.constant 0 : i32
      %dma_wait3A_64 = tpu.memref_slice %arg2[%add3A, %dma_wait3A_62, %dma_wait3A_63] : memref<32x125x80xi32, #tpu.memory_space<hbm>> -> memref<1x125x80xi32, #tpu.memory_space<hbm>>
      %dma_wait3A_65 = tpu.memref_squeeze %dma_wait3A_64 : memref<1x125x80xi32, #tpu.memory_space<hbm>> -> memref<125x80xi32, #tpu.memory_space<hbm>>
      tpu.wait_dma2 semaphore(%run_scoped3A : memref<!tpu.dma_semaphore, #tpu.memory_space<semaphore_mem>>) src(%dma_wait3A_65 : memref<125x80xi32, #tpu.memory_space<hbm>>) dst(%arg4 : memref<125x80xi32, #tpu.memory_space<vmem>>)
      tpu.yield
    }) : () -> ()
    %scan3A_40 = arith.constant 0 : i32
    %scan3A_41 = arith.constant 0 : i32
    %scan3A_42 = arith.constant 125 : i32
    %scan3A_43 = arith.addi %scan3A_41, %scan3A_42 : i32
    %scan3A_44 = arith.constant 1 : i32
    %scan3A_45 = scf.for %scan3A_52 = %scan3A_41 to %scan3A_43 step %scan3A_44 iter_args(%scan3A_53 = %scan3A_40) -> (i32)  : i32 {
      "tpu.region"() ({
        %run_scoped3A = tpu.sem_alloc : memref<!tpu.dma_semaphore, #tpu.memory_space<semaphore_mem>>
        %dma_start3A = arith.constant 0 : i32
        %dma_start3A_55 = tpu.memref_slice %arg4[%scan3A_52, %dma_start3A] : memref<125x80xi32, #tpu.memory_space<vmem>> -> memref<1x80xi32, #tpu.memory_space<vmem>>
        %dma_start3A_56 = tpu.memref_squeeze %dma_start3A_55 : memref<1x80xi32, #tpu.memory_space<vmem>> -> memref<80xi32, #tpu.memory_space<vmem>>
        %dma_start3A_57 = arith.constant 0 : i32
        %dma_start3A_58 = arith.constant 0 : i32
        %dma_start3A_59 = tpu.memref_slice %arg7[%dma_start3A_57, %dma_start3A_58] : memref<10240x16xf32, #tpu.memory_space<vmem_shared>> -> memref<10240x16xf32, #tpu.memory_space<vmem_shared>>
        tpu.enqueue_indirect_dma source(%arg5 : memref<80x16xf32, #tpu.memory_space<vmem>>) target(%dma_start3A_59 : memref<10240x16xf32, #tpu.memory_space<vmem_shared>>) offsets(%dma_start3A_56 : memref<80xi32, #tpu.memory_space<vmem>>) semaphore(%run_scoped3A : memref<!tpu.dma_semaphore, #tpu.memory_space<semaphore_mem>>) {add = true}
        %dma_wait3A = arith.constant 0 : i32
        %dma_wait3A_60 = tpu.memref_slice %arg4[%scan3A_52, %dma_wait3A] : memref<125x80xi32, #tpu.memory_space<vmem>> -> memref<1x80xi32, #tpu.memory_space<vmem>>
        %dma_wait3A_61 = tpu.memref_squeeze %dma_wait3A_60 : memref<1x80xi32, #tpu.memory_space<vmem>> -> memref<80xi32, #tpu.memory_space<vmem>>
        %dma_wait3A_62 = arith.constant 0 : i32
        %dma_wait3A_63 = arith.constant 0 : i32
        %dma_wait3A_64 = tpu.memref_slice %arg7[%dma_wait3A_62, %dma_wait3A_63] : memref<10240x16xf32, #tpu.memory_space<vmem_shared>> -> memref<10240x16xf32, #tpu.memory_space<vmem_shared>>
        tpu.wait_indirect_dma semaphore(%run_scoped3A : memref<!tpu.dma_semaphore, #tpu.memory_space<semaphore_mem>>) src(%arg5 : memref<80x16xf32, #tpu.memory_space<vmem>>) dst(%dma_wait3A_64 : memref<10240x16xf32, #tpu.memory_space<vmem_shared>>)
        tpu.yield
      }) : () -> ()
      %scan3A_54 = arith.constant 0 : i32
      scf.yield %scan3A_54 : i32
    }
    %scan3A_46 = arith.constant 125 : i32
    %barrier3A_47 = arith.constant 0 : index
    tpu.barrier barrier_id(%barrier3A_47)
    %mul3A_48 = arith.constant 640 : i32
    %mul3A_49 = arith.muli %arg1, %mul3A_48 : i32
    %mul3A_50 = arith.constant 640 : i32
    %mul3A_51 = arith.muli %arg1, %mul3A_50 : i32
    "tpu.region"() ({
      %run_scoped3A = tpu.sem_alloc : memref<!tpu.dma_semaphore, #tpu.memory_space<semaphore_mem>>
      %dma_start3A = arith.constant 0 : i32
      %dma_start3A_52 = tpu.memref_slice %arg3[%arg0, %mul3A_51, %dma_start3A] : memref<2x10240x16xf32, #tpu.memory_space<hbm>> -> memref<1x640x16xf32, #tpu.memory_space<hbm>>
      %dma_start3A_53 = tpu.memref_squeeze %dma_start3A_52 : memref<1x640x16xf32, #tpu.memory_space<hbm>> -> memref<640x16xf32, #tpu.memory_space<hbm>>
      %dma_start3A_54 = arith.constant 0 : i32
      %dma_start3A_55 = tpu.memref_slice %arg7[%mul3A_49, %dma_start3A_54] : memref<10240x16xf32, #tpu.memory_space<vmem_shared>> -> memref<640x16xf32, #tpu.memory_space<vmem_shared>>
      tpu.enqueue_dma source(%dma_start3A_55 : memref<640x16xf32, #tpu.memory_space<vmem_shared>>) target(%dma_start3A_53 : memref<640x16xf32, #tpu.memory_space<hbm>>) target_semaphore(%run_scoped3A : memref<!tpu.dma_semaphore, #tpu.memory_space<semaphore_mem>>)
      %dma_wait3A = arith.constant 0 : i32
      %dma_wait3A_56 = tpu.memref_slice %arg3[%arg0, %mul3A_51, %dma_wait3A] : memref<2x10240x16xf32, #tpu.memory_space<hbm>> -> memref<1x640x16xf32, #tpu.memory_space<hbm>>
      %dma_wait3A_57 = tpu.memref_squeeze %dma_wait3A_56 : memref<1x640x16xf32, #tpu.memory_space<hbm>> -> memref<640x16xf32, #tpu.memory_space<hbm>>
      %dma_wait3A_58 = arith.constant 0 : i32
      %dma_wait3A_59 = tpu.memref_slice %arg7[%mul3A_49, %dma_wait3A_58] : memref<10240x16xf32, #tpu.memory_space<vmem_shared>> -> memref<640x16xf32, #tpu.memory_space<vmem_shared>>
      tpu.wait_dma2 semaphore(%run_scoped3A : memref<!tpu.dma_semaphore, #tpu.memory_space<semaphore_mem>>) src(%dma_wait3A_59 : memref<640x16xf32, #tpu.memory_space<vmem_shared>>) dst(%dma_wait3A_57 : memref<640x16xf32, #tpu.memory_space<hbm>>)
      tpu.yield
    }) : () -> ()
    return
  }
}

#map = affine_map<(d0, d1) -> (0, 0)>
#map1 = affine_map<(d0, d1) -> (0, 0, 0, 0)>
#map2 = affine_map<(d0, d1) -> (0, 0, 0)>
module attributes {stable_mosaic.version = 14 : i64} {
  func.func @_agg_body(%arg0: i32, %arg1: i32, %arg2: memref<10240x128xf32, #tpu.memory_space<hbm>>, %arg3: memref<32x25x5x80xi32, #tpu.memory_space<hbm>>, %arg4: memref<32x25x5x80xi32, #tpu.memory_space<hbm>>, %arg5: memref<2x10240x128xf32, #tpu.memory_space<hbm>>, %arg6: memref<5x80xi32, #tpu.memory_space<vmem>>, %arg7: memref<5x80xi32, #tpu.memory_space<vmem>>, %arg8: memref<5x80xi32, #tpu.memory_space<vmem>>, %arg9: memref<5x80xi32, #tpu.memory_space<vmem>>, %arg10: memref<80x128xf32, #tpu.memory_space<vmem>>, %arg11: memref<80x128xf32, #tpu.memory_space<vmem>>, %arg12: memref<10240x128xf32, #tpu.memory_space<vmem_shared>>, %arg13: memref<!tpu.dma_semaphore, #tpu.memory_space<semaphore_mem>>, %arg14: memref<!tpu.dma_semaphore, #tpu.memory_space<semaphore_mem>>, %arg15: memref<!tpu.dma_semaphore, #tpu.memory_space<semaphore_mem>>) attributes {dimension_semantics = [#tpu.dimension_semantics<core_parallel>, #tpu.dimension_semantics<subcore_parallel>], iteration_bounds = array<i64: 2, 16>, scalar_prefetch = 0 : i64, scratch_operands = 10 : i64, tpu.core_type = #tpu.core_type<sc_vector_subcore>, window_params = [{transform_indices = #map}, {transform_indices = #map1}, {transform_indices = #map1}, {transform_indices = #map2}]} {
    %mul3A = arith.constant 16 : i32
    %mul3A_0 = arith.muli %arg0, %mul3A : i32
    %add3A = arith.addi %mul3A_0, %arg1 : i32
    %broadcast_in_dim3A = arith.constant 0.000000e+00 : f32
    %broadcast_in_dim3A_1 = vector.broadcast %broadcast_in_dim3A : f32 to vector<16xf32>
    %scan3A = arith.constant 0 : i32
    %scan3A_2 = arith.constant 0 : i32
    %scan3A_3 = arith.constant 80 : i32
    %scan3A_4 = arith.addi %scan3A_2, %scan3A_3 : i32
    %scan3A_5 = arith.constant 1 : i32
    %scan3A_6 = scf.for %scan3A_194 = %scan3A_2 to %scan3A_4 step %scan3A_5 iter_args(%scan3A_195 = %scan3A) -> (i32)  : i32 {
      %swap3A = arith.index_cast %scan3A_194 : i32 to index
      %swap3A_196 = arith.constant 0 : index
      %swap3A_197 = tpu.vector_load %arg10[%swap3A, %swap3A_196] {strides = array<i32>} : memref<80x128xf32, #tpu.memory_space<vmem>>, vector<1x16xf32>,
      %swap3A_198 = vector.shape_cast %swap3A_197 : vector<1x16xf32> to vector<16xf32>
      %swap3A_199 = vector.shape_cast %broadcast_in_dim3A_1 : vector<16xf32> to vector<1x16xf32>
      tpu.vector_store %arg10[%swap3A, %swap3A_196], %swap3A_199 {strides = array<i32>} : memref<80x128xf32, #tpu.memory_space<vmem>>, vector<1x16xf32>,
      %swap3A_200 = arith.index_cast %scan3A_194 : i32 to index
      %swap3A_201 = arith.constant 16 : index
      %swap3A_202 = tpu.vector_load %arg10[%swap3A_200, %swap3A_201] {strides = array<i32>} : memref<80x128xf32, #tpu.memory_space<vmem>>, vector<1x16xf32>,
      %swap3A_203 = vector.shape_cast %swap3A_202 : vector<1x16xf32> to vector<16xf32>
      %swap3A_204 = vector.shape_cast %broadcast_in_dim3A_1 : vector<16xf32> to vector<1x16xf32>
      tpu.vector_store %arg10[%swap3A_200, %swap3A_201], %swap3A_204 {strides = array<i32>} : memref<80x128xf32, #tpu.memory_space<vmem>>, vector<1x16xf32>,
      %swap3A_205 = arith.index_cast %scan3A_194 : i32 to index
      %swap3A_206 = arith.constant 32 : index
      %swap3A_207 = tpu.vector_load %arg10[%swap3A_205, %swap3A_206] {strides = array<i32>} : memref<80x128xf32, #tpu.memory_space<vmem>>, vector<1x16xf32>,
      %swap3A_208 = vector.shape_cast %swap3A_207 : vector<1x16xf32> to vector<16xf32>
      %swap3A_209 = vector.shape_cast %broadcast_in_dim3A_1 : vector<16xf32> to vector<1x16xf32>
      tpu.vector_store %arg10[%swap3A_205, %swap3A_206], %swap3A_209 {strides = array<i32>} : memref<80x128xf32, #tpu.memory_space<vmem>>, vector<1x16xf32>,
      %swap3A_210 = arith.index_cast %scan3A_194 : i32 to index
      %swap3A_211 = arith.constant 48 : index
      %swap3A_212 = tpu.vector_load %arg10[%swap3A_210, %swap3A_211] {strides = array<i32>} : memref<80x128xf32, #tpu.memory_space<vmem>>, vector<1x16xf32>,
      %swap3A_213 = vector.shape_cast %swap3A_212 : vector<1x16xf32> to vector<16xf32>
      %swap3A_214 = vector.shape_cast %broadcast_in_dim3A_1 : vector<16xf32> to vector<1x16xf32>
      tpu.vector_store %arg10[%swap3A_210, %swap3A_211], %swap3A_214 {strides = array<i32>} : memref<80x128xf32, #tpu.memory_space<vmem>>, vector<1x16xf32>,
      %swap3A_215 = arith.index_cast %scan3A_194 : i32 to index
      %swap3A_216 = arith.constant 64 : index
      %swap3A_217 = tpu.vector_load %arg10[%swap3A_215, %swap3A_216] {strides = array<i32>} : memref<80x128xf32, #tpu.memory_space<vmem>>, vector<1x16xf32>,
      %swap3A_218 = vector.shape_cast %swap3A_217 : vector<1x16xf32> to vector<16xf32>
      %swap3A_219 = vector.shape_cast %broadcast_in_dim3A_1 : vector<16xf32> to vector<1x16xf32>
      tpu.vector_store %arg10[%swap3A_215, %swap3A_216], %swap3A_219 {strides = array<i32>} : memref<80x128xf32, #tpu.memory_space<vmem>>, vector<1x16xf32>,
      %swap3A_220 = arith.index_cast %scan3A_194 : i32 to index
      %swap3A_221 = arith.constant 80 : index
      %swap3A_222 = tpu.vector_load %arg10[%swap3A_220, %swap3A_221] {strides = array<i32>} : memref<80x128xf32, #tpu.memory_space<vmem>>, vector<1x16xf32>,
      %swap3A_223 = vector.shape_cast %swap3A_222 : vector<1x16xf32> to vector<16xf32>
      %swap3A_224 = vector.shape_cast %broadcast_in_dim3A_1 : vector<16xf32> to vector<1x16xf32>
      tpu.vector_store %arg10[%swap3A_220, %swap3A_221], %swap3A_224 {strides = array<i32>} : memref<80x128xf32, #tpu.memory_space<vmem>>, vector<1x16xf32>,
      %swap3A_225 = arith.index_cast %scan3A_194 : i32 to index
      %swap3A_226 = arith.constant 96 : index
      %swap3A_227 = tpu.vector_load %arg10[%swap3A_225, %swap3A_226] {strides = array<i32>} : memref<80x128xf32, #tpu.memory_space<vmem>>, vector<1x16xf32>,
      %swap3A_228 = vector.shape_cast %swap3A_227 : vector<1x16xf32> to vector<16xf32>
      %swap3A_229 = vector.shape_cast %broadcast_in_dim3A_1 : vector<16xf32> to vector<1x16xf32>
      tpu.vector_store %arg10[%swap3A_225, %swap3A_226], %swap3A_229 {strides = array<i32>} : memref<80x128xf32, #tpu.memory_space<vmem>>, vector<1x16xf32>,
      %swap3A_230 = arith.index_cast %scan3A_194 : i32 to index
      %swap3A_231 = arith.constant 112 : index
      %swap3A_232 = tpu.vector_load %arg10[%swap3A_230, %swap3A_231] {strides = array<i32>} : memref<80x128xf32, #tpu.memory_space<vmem>>, vector<1x16xf32>,
      %swap3A_233 = vector.shape_cast %swap3A_232 : vector<1x16xf32> to vector<16xf32>
      %swap3A_234 = vector.shape_cast %broadcast_in_dim3A_1 : vector<16xf32> to vector<1x16xf32>
      tpu.vector_store %arg10[%swap3A_230, %swap3A_231], %swap3A_234 {strides = array<i32>} : memref<80x128xf32, #tpu.memory_space<vmem>>, vector<1x16xf32>,
      %scan3A_235 = arith.constant 0 : i32
      scf.yield %scan3A_235 : i32
    }
    %scan3A_7 = arith.constant 80 : i32
    %mul3A_8 = arith.constant 640 : i32
    %mul3A_9 = arith.muli %arg1, %mul3A_8 : i32
    %add3A_10 = arith.constant 0 : i32
    %add3A_11 = arith.addi %mul3A_9, %add3A_10 : i32
    "tpu.region"() ({
      %run_scoped3A_194 = tpu.sem_alloc : memref<!tpu.dma_semaphore, #tpu.memory_space<semaphore_mem>>
      %dma_start3A_195 = arith.constant 0 : i32
      %dma_start3A_196 = tpu.memref_slice %arg12[%add3A_11, %dma_start3A_195] : memref<10240x128xf32, #tpu.memory_space<vmem_shared>> -> memref<80x128xf32, #tpu.memory_space<vmem_shared>>
      %dma_start3A_197 = arith.constant 0 : i32
      %dma_start3A_198 = tpu.memref_slice %arg12[%add3A_11, %dma_start3A_197] : memref<10240x128xf32, #tpu.memory_space<vmem_shared>> -> memref<80x128xf32, #tpu.memory_space<vmem_shared>>
      tpu.enqueue_dma source(%arg10 : memref<80x128xf32, #tpu.memory_space<vmem>>) target(%dma_start3A_198 : memref<80x128xf32, #tpu.memory_space<vmem_shared>>) target_semaphore(%run_scoped3A_194 : memref<!tpu.dma_semaphore, #tpu.memory_space<semaphore_mem>>)
      %dma_wait3A_199 = arith.constant 0 : i32
      %dma_wait3A_200 = tpu.memref_slice %arg12[%add3A_11, %dma_wait3A_199] : memref<10240x128xf32, #tpu.memory_space<vmem_shared>> -> memref<80x128xf32, #tpu.memory_space<vmem_shared>>
      %dma_wait3A_201 = arith.constant 0 : i32
      %dma_wait3A_202 = tpu.memref_slice %arg12[%add3A_11, %dma_wait3A_201] : memref<10240x128xf32, #tpu.memory_space<vmem_shared>> -> memref<80x128xf32, #tpu.memory_space<vmem_shared>>
      tpu.wait_dma2 semaphore(%run_scoped3A_194 : memref<!tpu.dma_semaphore, #tpu.memory_space<semaphore_mem>>) src(%arg10 : memref<80x128xf32, #tpu.memory_space<vmem>>) dst(%dma_wait3A_202 : memref<80x128xf32, #tpu.memory_space<vmem_shared>>)
      tpu.yield
    }) : () -> ()
    %mul3A_12 = arith.constant 640 : i32
    %mul3A_13 = arith.muli %arg1, %mul3A_12 : i32
    %add3A_14 = arith.constant 80 : i32
    %add3A_15 = arith.addi %mul3A_13, %add3A_14 : i32
    "tpu.region"() ({
      %run_scoped3A_194 = tpu.sem_alloc : memref<!tpu.dma_semaphore, #tpu.memory_space<semaphore_mem>>
      %dma_start3A_195 = arith.constant 0 : i32
      %dma_start3A_196 = tpu.memref_slice %arg12[%add3A_15, %dma_start3A_195] : memref<10240x128xf32, #tpu.memory_space<vmem_shared>> -> memref<80x128xf32, #tpu.memory_space<vmem_shared>>
      %dma_start3A_197 = arith.constant 0 : i32
      %dma_start3A_198 = tpu.memref_slice %arg12[%add3A_15, %dma_start3A_197] : memref<10240x128xf32, #tpu.memory_space<vmem_shared>> -> memref<80x128xf32, #tpu.memory_space<vmem_shared>>
      tpu.enqueue_dma source(%arg10 : memref<80x128xf32, #tpu.memory_space<vmem>>) target(%dma_start3A_198 : memref<80x128xf32, #tpu.memory_space<vmem_shared>>) target_semaphore(%run_scoped3A_194 : memref<!tpu.dma_semaphore, #tpu.memory_space<semaphore_mem>>)
      %dma_wait3A_199 = arith.constant 0 : i32
      %dma_wait3A_200 = tpu.memref_slice %arg12[%add3A_15, %dma_wait3A_199] : memref<10240x128xf32, #tpu.memory_space<vmem_shared>> -> memref<80x128xf32, #tpu.memory_space<vmem_shared>>
      %dma_wait3A_201 = arith.constant 0 : i32
      %dma_wait3A_202 = tpu.memref_slice %arg12[%add3A_15, %dma_wait3A_201] : memref<10240x128xf32, #tpu.memory_space<vmem_shared>> -> memref<80x128xf32, #tpu.memory_space<vmem_shared>>
      tpu.wait_dma2 semaphore(%run_scoped3A_194 : memref<!tpu.dma_semaphore, #tpu.memory_space<semaphore_mem>>) src(%arg10 : memref<80x128xf32, #tpu.memory_space<vmem>>) dst(%dma_wait3A_202 : memref<80x128xf32, #tpu.memory_space<vmem_shared>>)
      tpu.yield
    }) : () -> ()
    %mul3A_16 = arith.constant 640 : i32
    %mul3A_17 = arith.muli %arg1, %mul3A_16 : i32
    %add3A_18 = arith.constant 160 : i32
    %add3A_19 = arith.addi %mul3A_17, %add3A_18 : i32
    "tpu.region"() ({
      %run_scoped3A_194 = tpu.sem_alloc : memref<!tpu.dma_semaphore, #tpu.memory_space<semaphore_mem>>
      %dma_start3A_195 = arith.constant 0 : i32
      %dma_start3A_196 = tpu.memref_slice %arg12[%add3A_19, %dma_start3A_195] : memref<10240x128xf32, #tpu.memory_space<vmem_shared>> -> memref<80x128xf32, #tpu.memory_space<vmem_shared>>
      %dma_start3A_197 = arith.constant 0 : i32
      %dma_start3A_198 = tpu.memref_slice %arg12[%add3A_19, %dma_start3A_197] : memref<10240x128xf32, #tpu.memory_space<vmem_shared>> -> memref<80x128xf32, #tpu.memory_space<vmem_shared>>
      tpu.enqueue_dma source(%arg10 : memref<80x128xf32, #tpu.memory_space<vmem>>) target(%dma_start3A_198 : memref<80x128xf32, #tpu.memory_space<vmem_shared>>) target_semaphore(%run_scoped3A_194 : memref<!tpu.dma_semaphore, #tpu.memory_space<semaphore_mem>>)
      %dma_wait3A_199 = arith.constant 0 : i32
      %dma_wait3A_200 = tpu.memref_slice %arg12[%add3A_19, %dma_wait3A_199] : memref<10240x128xf32, #tpu.memory_space<vmem_shared>> -> memref<80x128xf32, #tpu.memory_space<vmem_shared>>
      %dma_wait3A_201 = arith.constant 0 : i32
      %dma_wait3A_202 = tpu.memref_slice %arg12[%add3A_19, %dma_wait3A_201] : memref<10240x128xf32, #tpu.memory_space<vmem_shared>> -> memref<80x128xf32, #tpu.memory_space<vmem_shared>>
      tpu.wait_dma2 semaphore(%run_scoped3A_194 : memref<!tpu.dma_semaphore, #tpu.memory_space<semaphore_mem>>) src(%arg10 : memref<80x128xf32, #tpu.memory_space<vmem>>) dst(%dma_wait3A_202 : memref<80x128xf32, #tpu.memory_space<vmem_shared>>)
      tpu.yield
    }) : () -> ()
    %mul3A_20 = arith.constant 640 : i32
    %mul3A_21 = arith.muli %arg1, %mul3A_20 : i32
    %add3A_22 = arith.constant 240 : i32
    %add3A_23 = arith.addi %mul3A_21, %add3A_22 : i32
    "tpu.region"() ({
      %run_scoped3A_194 = tpu.sem_alloc : memref<!tpu.dma_semaphore, #tpu.memory_space<semaphore_mem>>
      %dma_start3A_195 = arith.constant 0 : i32
      %dma_start3A_196 = tpu.memref_slice %arg12[%add3A_23, %dma_start3A_195] : memref<10240x128xf32, #tpu.memory_space<vmem_shared>> -> memref<80x128xf32, #tpu.memory_space<vmem_shared>>
      %dma_start3A_197 = arith.constant 0 : i32
      %dma_start3A_198 = tpu.memref_slice %arg12[%add3A_23, %dma_start3A_197] : memref<10240x128xf32, #tpu.memory_space<vmem_shared>> -> memref<80x128xf32, #tpu.memory_space<vmem_shared>>
      tpu.enqueue_dma source(%arg10 : memref<80x128xf32, #tpu.memory_space<vmem>>) target(%dma_start3A_198 : memref<80x128xf32, #tpu.memory_space<vmem_shared>>) target_semaphore(%run_scoped3A_194 : memref<!tpu.dma_semaphore, #tpu.memory_space<semaphore_mem>>)
      %dma_wait3A_199 = arith.constant 0 : i32
      %dma_wait3A_200 = tpu.memref_slice %arg12[%add3A_23, %dma_wait3A_199] : memref<10240x128xf32, #tpu.memory_space<vmem_shared>> -> memref<80x128xf32, #tpu.memory_space<vmem_shared>>
      %dma_wait3A_201 = arith.constant 0 : i32
      %dma_wait3A_202 = tpu.memref_slice %arg12[%add3A_23, %dma_wait3A_201] : memref<10240x128xf32, #tpu.memory_space<vmem_shared>> -> memref<80x128xf32, #tpu.memory_space<vmem_shared>>
      tpu.wait_dma2 semaphore(%run_scoped3A_194 : memref<!tpu.dma_semaphore, #tpu.memory_space<semaphore_mem>>) src(%arg10 : memref<80x128xf32, #tpu.memory_space<vmem>>) dst(%dma_wait3A_202 : memref<80x128xf32, #tpu.memory_space<vmem_shared>>)
      tpu.yield
    }) : () -> ()
    %mul3A_24 = arith.constant 640 : i32
    %mul3A_25 = arith.muli %arg1, %mul3A_24 : i32
    %add3A_26 = arith.constant 320 : i32
    %add3A_27 = arith.addi %mul3A_25, %add3A_26 : i32
    "tpu.region"() ({
      %run_scoped3A_194 = tpu.sem_alloc : memref<!tpu.dma_semaphore, #tpu.memory_space<semaphore_mem>>
      %dma_start3A_195 = arith.constant 0 : i32
      %dma_start3A_196 = tpu.memref_slice %arg12[%add3A_27, %dma_start3A_195] : memref<10240x128xf32, #tpu.memory_space<vmem_shared>> -> memref<80x128xf32, #tpu.memory_space<vmem_shared>>
      %dma_start3A_197 = arith.constant 0 : i32
      %dma_start3A_198 = tpu.memref_slice %arg12[%add3A_27, %dma_start3A_197] : memref<10240x128xf32, #tpu.memory_space<vmem_shared>> -> memref<80x128xf32, #tpu.memory_space<vmem_shared>>
      tpu.enqueue_dma source(%arg10 : memref<80x128xf32, #tpu.memory_space<vmem>>) target(%dma_start3A_198 : memref<80x128xf32, #tpu.memory_space<vmem_shared>>) target_semaphore(%run_scoped3A_194 : memref<!tpu.dma_semaphore, #tpu.memory_space<semaphore_mem>>)
      %dma_wait3A_199 = arith.constant 0 : i32
      %dma_wait3A_200 = tpu.memref_slice %arg12[%add3A_27, %dma_wait3A_199] : memref<10240x128xf32, #tpu.memory_space<vmem_shared>> -> memref<80x128xf32, #tpu.memory_space<vmem_shared>>
      %dma_wait3A_201 = arith.constant 0 : i32
      %dma_wait3A_202 = tpu.memref_slice %arg12[%add3A_27, %dma_wait3A_201] : memref<10240x128xf32, #tpu.memory_space<vmem_shared>> -> memref<80x128xf32, #tpu.memory_space<vmem_shared>>
      tpu.wait_dma2 semaphore(%run_scoped3A_194 : memref<!tpu.dma_semaphore, #tpu.memory_space<semaphore_mem>>) src(%arg10 : memref<80x128xf32, #tpu.memory_space<vmem>>) dst(%dma_wait3A_202 : memref<80x128xf32, #tpu.memory_space<vmem_shared>>)
      tpu.yield
    }) : () -> ()
    %mul3A_28 = arith.constant 640 : i32
    %mul3A_29 = arith.muli %arg1, %mul3A_28 : i32
    %add3A_30 = arith.constant 400 : i32
    %add3A_31 = arith.addi %mul3A_29, %add3A_30 : i32
    "tpu.region"() ({
      %run_scoped3A_194 = tpu.sem_alloc : memref<!tpu.dma_semaphore, #tpu.memory_space<semaphore_mem>>
      %dma_start3A_195 = arith.constant 0 : i32
      %dma_start3A_196 = tpu.memref_slice %arg12[%add3A_31, %dma_start3A_195] : memref<10240x128xf32, #tpu.memory_space<vmem_shared>> -> memref<80x128xf32, #tpu.memory_space<vmem_shared>>
      %dma_start3A_197 = arith.constant 0 : i32
      %dma_start3A_198 = tpu.memref_slice %arg12[%add3A_31, %dma_start3A_197] : memref<10240x128xf32, #tpu.memory_space<vmem_shared>> -> memref<80x128xf32, #tpu.memory_space<vmem_shared>>
      tpu.enqueue_dma source(%arg10 : memref<80x128xf32, #tpu.memory_space<vmem>>) target(%dma_start3A_198 : memref<80x128xf32, #tpu.memory_space<vmem_shared>>) target_semaphore(%run_scoped3A_194 : memref<!tpu.dma_semaphore, #tpu.memory_space<semaphore_mem>>)
      %dma_wait3A_199 = arith.constant 0 : i32
      %dma_wait3A_200 = tpu.memref_slice %arg12[%add3A_31, %dma_wait3A_199] : memref<10240x128xf32, #tpu.memory_space<vmem_shared>> -> memref<80x128xf32, #tpu.memory_space<vmem_shared>>
      %dma_wait3A_201 = arith.constant 0 : i32
      %dma_wait3A_202 = tpu.memref_slice %arg12[%add3A_31, %dma_wait3A_201] : memref<10240x128xf32, #tpu.memory_space<vmem_shared>> -> memref<80x128xf32, #tpu.memory_space<vmem_shared>>
      tpu.wait_dma2 semaphore(%run_scoped3A_194 : memref<!tpu.dma_semaphore, #tpu.memory_space<semaphore_mem>>) src(%arg10 : memref<80x128xf32, #tpu.memory_space<vmem>>) dst(%dma_wait3A_202 : memref<80x128xf32, #tpu.memory_space<vmem_shared>>)
      tpu.yield
    }) : () -> ()
    %mul3A_32 = arith.constant 640 : i32
    %mul3A_33 = arith.muli %arg1, %mul3A_32 : i32
    %add3A_34 = arith.constant 480 : i32
    %add3A_35 = arith.addi %mul3A_33, %add3A_34 : i32
    "tpu.region"() ({
      %run_scoped3A_194 = tpu.sem_alloc : memref<!tpu.dma_semaphore, #tpu.memory_space<semaphore_mem>>
      %dma_start3A_195 = arith.constant 0 : i32
      %dma_start3A_196 = tpu.memref_slice %arg12[%add3A_35, %dma_start3A_195] : memref<10240x128xf32, #tpu.memory_space<vmem_shared>> -> memref<80x128xf32, #tpu.memory_space<vmem_shared>>
      %dma_start3A_197 = arith.constant 0 : i32
      %dma_start3A_198 = tpu.memref_slice %arg12[%add3A_35, %dma_start3A_197] : memref<10240x128xf32, #tpu.memory_space<vmem_shared>> -> memref<80x128xf32, #tpu.memory_space<vmem_shared>>
      tpu.enqueue_dma source(%arg10 : memref<80x128xf32, #tpu.memory_space<vmem>>) target(%dma_start3A_198 : memref<80x128xf32, #tpu.memory_space<vmem_shared>>) target_semaphore(%run_scoped3A_194 : memref<!tpu.dma_semaphore, #tpu.memory_space<semaphore_mem>>)
      %dma_wait3A_199 = arith.constant 0 : i32
      %dma_wait3A_200 = tpu.memref_slice %arg12[%add3A_35, %dma_wait3A_199] : memref<10240x128xf32, #tpu.memory_space<vmem_shared>> -> memref<80x128xf32, #tpu.memory_space<vmem_shared>>
      %dma_wait3A_201 = arith.constant 0 : i32
      %dma_wait3A_202 = tpu.memref_slice %arg12[%add3A_35, %dma_wait3A_201] : memref<10240x128xf32, #tpu.memory_space<vmem_shared>> -> memref<80x128xf32, #tpu.memory_space<vmem_shared>>
      tpu.wait_dma2 semaphore(%run_scoped3A_194 : memref<!tpu.dma_semaphore, #tpu.memory_space<semaphore_mem>>) src(%arg10 : memref<80x128xf32, #tpu.memory_space<vmem>>) dst(%dma_wait3A_202 : memref<80x128xf32, #tpu.memory_space<vmem_shared>>)
      tpu.yield
    }) : () -> ()
    %mul3A_36 = arith.constant 640 : i32
    %mul3A_37 = arith.muli %arg1, %mul3A_36 : i32
    %add3A_38 = arith.constant 560 : i32
    %add3A_39 = arith.addi %mul3A_37, %add3A_38 : i32
    "tpu.region"() ({
      %run_scoped3A_194 = tpu.sem_alloc : memref<!tpu.dma_semaphore, #tpu.memory_space<semaphore_mem>>
      %dma_start3A_195 = arith.constant 0 : i32
      %dma_start3A_196 = tpu.memref_slice %arg12[%add3A_39, %dma_start3A_195] : memref<10240x128xf32, #tpu.memory_space<vmem_shared>> -> memref<80x128xf32, #tpu.memory_space<vmem_shared>>
      %dma_start3A_197 = arith.constant 0 : i32
      %dma_start3A_198 = tpu.memref_slice %arg12[%add3A_39, %dma_start3A_197] : memref<10240x128xf32, #tpu.memory_space<vmem_shared>> -> memref<80x128xf32, #tpu.memory_space<vmem_shared>>
      tpu.enqueue_dma source(%arg10 : memref<80x128xf32, #tpu.memory_space<vmem>>) target(%dma_start3A_198 : memref<80x128xf32, #tpu.memory_space<vmem_shared>>) target_semaphore(%run_scoped3A_194 : memref<!tpu.dma_semaphore, #tpu.memory_space<semaphore_mem>>)
      %dma_wait3A_199 = arith.constant 0 : i32
      %dma_wait3A_200 = tpu.memref_slice %arg12[%add3A_39, %dma_wait3A_199] : memref<10240x128xf32, #tpu.memory_space<vmem_shared>> -> memref<80x128xf32, #tpu.memory_space<vmem_shared>>
      %dma_wait3A_201 = arith.constant 0 : i32
      %dma_wait3A_202 = tpu.memref_slice %arg12[%add3A_39, %dma_wait3A_201] : memref<10240x128xf32, #tpu.memory_space<vmem_shared>> -> memref<80x128xf32, #tpu.memory_space<vmem_shared>>
      tpu.wait_dma2 semaphore(%run_scoped3A_194 : memref<!tpu.dma_semaphore, #tpu.memory_space<semaphore_mem>>) src(%arg10 : memref<80x128xf32, #tpu.memory_space<vmem>>) dst(%dma_wait3A_202 : memref<80x128xf32, #tpu.memory_space<vmem_shared>>)
      tpu.yield
    }) : () -> ()
    %barrier3A = arith.constant 0 : index
    tpu.barrier barrier_id(%barrier3A)
    %run_scoped3A = arith.constant 0 : i32
    "tpu.region"() ({
      %run_scoped3A_194 = tpu.sem_alloc : memref<!tpu.dma_semaphore, #tpu.memory_space<semaphore_mem>>
      %dma_start3A_195 = arith.constant 0 : i32
      %dma_start3A_196 = arith.constant 0 : i32
      %dma_start3A_197 = tpu.memref_slice %arg3[%add3A, %run_scoped3A, %dma_start3A_195, %dma_start3A_196] : memref<32x25x5x80xi32, #tpu.memory_space<hbm>> -> memref<1x1x5x80xi32, #tpu.memory_space<hbm>>
      %dma_start3A_198 = tpu.memref_squeeze %dma_start3A_197 : memref<1x1x5x80xi32, #tpu.memory_space<hbm>> -> memref<5x80xi32, #tpu.memory_space<hbm>>
      %dma_start3A_199 = arith.constant 0 : i32
      %dma_start3A_200 = arith.constant 0 : i32
      %dma_start3A_201 = tpu.memref_slice %arg3[%add3A, %run_scoped3A, %dma_start3A_199, %dma_start3A_200] : memref<32x25x5x80xi32, #tpu.memory_space<hbm>> -> memref<1x1x5x80xi32, #tpu.memory_space<hbm>>
      %dma_start3A_202 = tpu.memref_squeeze %dma_start3A_201 : memref<1x1x5x80xi32, #tpu.memory_space<hbm>> -> memref<5x80xi32, #tpu.memory_space<hbm>>
      tpu.enqueue_dma source(%dma_start3A_202 : memref<5x80xi32, #tpu.memory_space<hbm>>) target(%arg6 : memref<5x80xi32, #tpu.memory_space<vmem>>) target_semaphore(%run_scoped3A_194 : memref<!tpu.dma_semaphore, #tpu.memory_space<semaphore_mem>>)
      %dma_wait3A_203 = arith.constant 0 : i32
      %dma_wait3A_204 = arith.constant 0 : i32
      %dma_wait3A_205 = tpu.memref_slice %arg3[%add3A, %run_scoped3A, %dma_wait3A_203, %dma_wait3A_204] : memref<32x25x5x80xi32, #tpu.memory_space<hbm>> -> memref<1x1x5x80xi32, #tpu.memory_space<hbm>>
      %dma_wait3A_206 = tpu.memref_squeeze %dma_wait3A_205 : memref<1x1x5x80xi32, #tpu.memory_space<hbm>> -> memref<5x80xi32, #tpu.memory_space<hbm>>
      %dma_wait3A_207 = arith.constant 0 : i32
      %dma_wait3A_208 = arith.constant 0 : i32
      %dma_wait3A_209 = tpu.memref_slice %arg3[%add3A, %run_scoped3A, %dma_wait3A_207, %dma_wait3A_208] : memref<32x25x5x80xi32, #tpu.memory_space<hbm>> -> memref<1x1x5x80xi32, #tpu.memory_space<hbm>>
      %dma_wait3A_210 = tpu.memref_squeeze %dma_wait3A_209 : memref<1x1x5x80xi32, #tpu.memory_space<hbm>> -> memref<5x80xi32, #tpu.memory_space<hbm>>
      tpu.wait_dma2 semaphore(%run_scoped3A_194 : memref<!tpu.dma_semaphore, #tpu.memory_space<semaphore_mem>>) src(%dma_wait3A_210 : memref<5x80xi32, #tpu.memory_space<hbm>>) dst(%arg6 : memref<5x80xi32, #tpu.memory_space<vmem>>)
      tpu.yield
    }) : () -> ()
    %dma_start3A = arith.constant 0 : i32
    %dma_start3A_40 = arith.constant 0 : i32
    %dma_start3A_41 = arith.constant 0 : i32
    %dma_start3A_42 = tpu.memref_slice %arg4[%add3A, %dma_start3A, %dma_start3A_40, %dma_start3A_41] : memref<32x25x5x80xi32, #tpu.memory_space<hbm>> -> memref<1x1x5x80xi32, #tpu.memory_space<hbm>>
    %dma_start3A_43 = tpu.memref_squeeze %dma_start3A_42 : memref<1x1x5x80xi32, #tpu.memory_space<hbm>> -> memref<5x80xi32, #tpu.memory_space<hbm>>
    %dma_start3A_44 = arith.constant 0 : i32
    %dma_start3A_45 = arith.constant 0 : i32
    %dma_start3A_46 = tpu.memref_slice %arg4[%add3A, %dma_start3A, %dma_start3A_44, %dma_start3A_45] : memref<32x25x5x80xi32, #tpu.memory_space<hbm>> -> memref<1x1x5x80xi32, #tpu.memory_space<hbm>>
    %dma_start3A_47 = tpu.memref_squeeze %dma_start3A_46 : memref<1x1x5x80xi32, #tpu.memory_space<hbm>> -> memref<5x80xi32, #tpu.memory_space<hbm>>
    tpu.enqueue_dma source(%dma_start3A_47 : memref<5x80xi32, #tpu.memory_space<hbm>>) target(%arg8 : memref<5x80xi32, #tpu.memory_space<vmem>>) target_semaphore(%arg15 : memref<!tpu.dma_semaphore, #tpu.memory_space<semaphore_mem>>)
    %dma_start3A_48 = arith.constant 1 : i32
    %dma_start3A_49 = arith.constant 0 : i32
    %dma_start3A_50 = arith.constant 0 : i32
    %dma_start3A_51 = tpu.memref_slice %arg3[%add3A, %dma_start3A_48, %dma_start3A_49, %dma_start3A_50] : memref<32x25x5x80xi32, #tpu.memory_space<hbm>> -> memref<1x1x5x80xi32, #tpu.memory_space<hbm>>
    %dma_start3A_52 = tpu.memref_squeeze %dma_start3A_51 : memref<1x1x5x80xi32, #tpu.memory_space<hbm>> -> memref<5x80xi32, #tpu.memory_space<hbm>>
    %dma_start3A_53 = arith.constant 0 : i32
    %dma_start3A_54 = arith.constant 0 : i32
    %dma_start3A_55 = tpu.memref_slice %arg3[%add3A, %dma_start3A_48, %dma_start3A_53, %dma_start3A_54] : memref<32x25x5x80xi32, #tpu.memory_space<hbm>> -> memref<1x1x5x80xi32, #tpu.memory_space<hbm>>
    %dma_start3A_56 = tpu.memref_squeeze %dma_start3A_55 : memref<1x1x5x80xi32, #tpu.memory_space<hbm>> -> memref<5x80xi32, #tpu.memory_space<hbm>>
    tpu.enqueue_dma source(%dma_start3A_56 : memref<5x80xi32, #tpu.memory_space<hbm>>) target(%arg7 : memref<5x80xi32, #tpu.memory_space<vmem>>) target_semaphore(%arg14 : memref<!tpu.dma_semaphore, #tpu.memory_space<semaphore_mem>>)
    %dma_start3A_57 = arith.constant 1 : i32
    %dma_start3A_58 = arith.constant 0 : i32
    %dma_start3A_59 = arith.constant 0 : i32
    %dma_start3A_60 = tpu.memref_slice %arg4[%add3A, %dma_start3A_57, %dma_start3A_58, %dma_start3A_59] : memref<32x25x5x80xi32, #tpu.memory_space<hbm>> -> memref<1x1x5x80xi32, #tpu.memory_space<hbm>>
    %dma_start3A_61 = tpu.memref_squeeze %dma_start3A_60 : memref<1x1x5x80xi32, #tpu.memory_space<hbm>> -> memref<5x80xi32, #tpu.memory_space<hbm>>
    %dma_start3A_62 = arith.constant 0 : i32
    %dma_start3A_63 = arith.constant 0 : i32
    %dma_start3A_64 = tpu.memref_slice %arg4[%add3A, %dma_start3A_57, %dma_start3A_62, %dma_start3A_63] : memref<32x25x5x80xi32, #tpu.memory_space<hbm>> -> memref<1x1x5x80xi32, #tpu.memory_space<hbm>>
    %dma_start3A_65 = tpu.memref_squeeze %dma_start3A_64 : memref<1x1x5x80xi32, #tpu.memory_space<hbm>> -> memref<5x80xi32, #tpu.memory_space<hbm>>
    tpu.enqueue_dma source(%dma_start3A_65 : memref<5x80xi32, #tpu.memory_space<hbm>>) target(%arg9 : memref<5x80xi32, #tpu.memory_space<vmem>>) target_semaphore(%arg15 : memref<!tpu.dma_semaphore, #tpu.memory_space<semaphore_mem>>)
    %dma_start3A_66 = arith.constant 0 : i32
    %dma_start3A_67 = arith.constant 0 : i32
    %dma_start3A_68 = tpu.memref_slice %arg6[%dma_start3A_66, %dma_start3A_67] : memref<5x80xi32, #tpu.memory_space<vmem>> -> memref<1x80xi32, #tpu.memory_space<vmem>>
    %dma_start3A_69 = tpu.memref_squeeze %dma_start3A_68 : memref<1x80xi32, #tpu.memory_space<vmem>> -> memref<80xi32, #tpu.memory_space<vmem>>
    %dma_start3A_70 = arith.constant 0 : i32
    %dma_start3A_71 = arith.constant 0 : i32
    %dma_start3A_72 = tpu.memref_slice %arg2[%dma_start3A_70, %dma_start3A_71] : memref<10240x128xf32, #tpu.memory_space<hbm>> -> memref<10240x128xf32, #tpu.memory_space<hbm>>
    tpu.enqueue_indirect_dma source(%dma_start3A_72 : memref<10240x128xf32, #tpu.memory_space<hbm>>) target(%arg10 : memref<80x128xf32, #tpu.memory_space<vmem>>) offsets(%dma_start3A_69 : memref<80xi32, #tpu.memory_space<vmem>>) semaphore(%arg13 : memref<!tpu.dma_semaphore, #tpu.memory_space<semaphore_mem>>)
    %scan3A_73 = arith.constant 24 : i32
    %scan3A_74 = arith.constant 0 : i32
    %scan3A_75 = arith.constant 0 : i32
    %scan3A_76 = arith.constant 12 : i32
    %scan3A_77 = arith.addi %scan3A_75, %scan3A_76 : i32
    %scan3A_78 = arith.constant 1 : i32
    %scan3A_79 = scf.for %scan3A_194 = %scan3A_75 to %scan3A_77 step %scan3A_78 iter_args(%scan3A_195 = %scan3A_74) -> (i32)  : i32 {
      %mul3A_196 = arith.constant 2 : i32
      %mul3A_197 = arith.muli %mul3A_196, %scan3A_194 : i32
      %dma_wait3A_198 = arith.constant 0 : i32
      %dma_wait3A_199 = arith.constant 0 : i32
      %dma_wait3A_200 = tpu.memref_slice %arg4[%add3A, %mul3A_197, %dma_wait3A_198, %dma_wait3A_199] : memref<32x25x5x80xi32, #tpu.memory_space<hbm>> -> memref<1x1x5x80xi32, #tpu.memory_space<hbm>>
      %dma_wait3A_201 = tpu.memref_squeeze %dma_wait3A_200 : memref<1x1x5x80xi32, #tpu.memory_space<hbm>> -> memref<5x80xi32, #tpu.memory_space<hbm>>
      %dma_wait3A_202 = arith.constant 0 : i32
      %dma_wait3A_203 = arith.constant 0 : i32
      %dma_wait3A_204 = tpu.memref_slice %arg4[%add3A, %mul3A_197, %dma_wait3A_202, %dma_wait3A_203] : memref<32x25x5x80xi32, #tpu.memory_space<hbm>> -> memref<1x1x5x80xi32, #tpu.memory_space<hbm>>
      %dma_wait3A_205 = tpu.memref_squeeze %dma_wait3A_204 : memref<1x1x5x80xi32, #tpu.memory_space<hbm>> -> memref<5x80xi32, #tpu.memory_space<hbm>>
      tpu.wait_dma2 semaphore(%arg15 : memref<!tpu.dma_semaphore, #tpu.memory_space<semaphore_mem>>) src(%dma_wait3A_205 : memref<5x80xi32, #tpu.memory_space<hbm>>) dst(%arg8 : memref<5x80xi32, #tpu.memory_space<vmem>>)
      %dma_start3A_206 = arith.constant 1 : i32
      %dma_start3A_207 = arith.constant 0 : i32
      %dma_start3A_208 = tpu.memref_slice %arg6[%dma_start3A_206, %dma_start3A_207] : memref<5x80xi32, #tpu.memory_space<vmem>> -> memref<1x80xi32, #tpu.memory_space<vmem>>
      %dma_start3A_209 = tpu.memref_squeeze %dma_start3A_208 : memref<1x80xi32, #tpu.memory_space<vmem>> -> memref<80xi32, #tpu.memory_space<vmem>>
      %dma_start3A_210 = arith.constant 0 : i32
      %dma_start3A_211 = arith.constant 0 : i32
      %dma_start3A_212 = tpu.memref_slice %arg2[%dma_start3A_210, %dma_start3A_211] : memref<10240x128xf32, #tpu.memory_space<hbm>> -> memref<10240x128xf32, #tpu.memory_space<hbm>>
      tpu.enqueue_indirect_dma source(%dma_start3A_212 : memref<10240x128xf32, #tpu.memory_space<hbm>>) target(%arg11 : memref<80x128xf32, #tpu.memory_space<vmem>>) offsets(%dma_start3A_209 : memref<80xi32, #tpu.memory_space<vmem>>) semaphore(%arg13 : memref<!tpu.dma_semaphore, #tpu.memory_space<semaphore_mem>>)
      %dma_wait3A_213 = arith.constant 0 : i32
      %dma_wait3A_214 = arith.constant 0 : i32
      %dma_wait3A_215 = tpu.memref_slice %arg6[%dma_wait3A_213, %dma_wait3A_214] : memref<5x80xi32, #tpu.memory_space<vmem>> -> memref<1x80xi32, #tpu.memory_space<vmem>>
      %dma_wait3A_216 = tpu.memref_squeeze %dma_wait3A_215 : memref<1x80xi32, #tpu.memory_space<vmem>> -> memref<80xi32, #tpu.memory_space<vmem>>
      %dma_wait3A_217 = arith.constant 0 : i32
      %dma_wait3A_218 = arith.constant 0 : i32
      %dma_wait3A_219 = tpu.memref_slice %arg2[%dma_wait3A_217, %dma_wait3A_218] : memref<10240x128xf32, #tpu.memory_space<hbm>> -> memref<10240x128xf32, #tpu.memory_space<hbm>>
      tpu.wait_indirect_dma semaphore(%arg13 : memref<!tpu.dma_semaphore, #tpu.memory_space<semaphore_mem>>) src(%dma_wait3A_219 : memref<10240x128xf32, #tpu.memory_space<hbm>>) dst(%arg10 : memref<80x128xf32, #tpu.memory_space<vmem>>)
      %run_scoped3A_220 = arith.constant 0 : i32
      "tpu.region"() ({
        %run_scoped3A_431 = tpu.sem_alloc : memref<!tpu.dma_semaphore, #tpu.memory_space<semaphore_mem>>
        %dma_start3A_432 = arith.constant 0 : i32
        %dma_start3A_433 = tpu.memref_slice %arg8[%run_scoped3A_220, %dma_start3A_432] : memref<5x80xi32, #tpu.memory_space<vmem>> -> memref<1x80xi32, #tpu.memory_space<vmem>>
        %dma_start3A_434 = tpu.memref_squeeze %dma_start3A_433 : memref<1x80xi32, #tpu.memory_space<vmem>> -> memref<80xi32, #tpu.memory_space<vmem>>
        %dma_start3A_435 = arith.constant 0 : i32
        %dma_start3A_436 = arith.constant 0 : i32
        %dma_start3A_437 = tpu.memref_slice %arg12[%dma_start3A_435, %dma_start3A_436] : memref<10240x128xf32, #tpu.memory_space<vmem_shared>> -> memref<10240x128xf32, #tpu.memory_space<vmem_shared>>
        tpu.enqueue_indirect_dma source(%arg10 : memref<80x128xf32, #tpu.memory_space<vmem>>) target(%dma_start3A_437 : memref<10240x128xf32, #tpu.memory_space<vmem_shared>>) offsets(%dma_start3A_434 : memref<80xi32, #tpu.memory_space<vmem>>) semaphore(%run_scoped3A_431 : memref<!tpu.dma_semaphore, #tpu.memory_space<semaphore_mem>>) {add = true}
        %dma_wait3A_438 = arith.constant 0 : i32
        %dma_wait3A_439 = tpu.memref_slice %arg8[%run_scoped3A_220, %dma_wait3A_438] : memref<5x80xi32, #tpu.memory_space<vmem>> -> memref<1x80xi32, #tpu.memory_space<vmem>>
        %dma_wait3A_440 = tpu.memref_squeeze %dma_wait3A_439 : memref<1x80xi32, #tpu.memory_space<vmem>> -> memref<80xi32, #tpu.memory_space<vmem>>
        %dma_wait3A_441 = arith.constant 0 : i32
        %dma_wait3A_442 = arith.constant 0 : i32
        %dma_wait3A_443 = tpu.memref_slice %arg12[%dma_wait3A_441, %dma_wait3A_442] : memref<10240x128xf32, #tpu.memory_space<vmem_shared>> -> memref<10240x128xf32, #tpu.memory_space<vmem_shared>>
        tpu.wait_indirect_dma semaphore(%run_scoped3A_431 : memref<!tpu.dma_semaphore, #tpu.memory_space<semaphore_mem>>) src(%arg10 : memref<80x128xf32, #tpu.memory_space<vmem>>) dst(%dma_wait3A_443 : memref<10240x128xf32, #tpu.memory_space<vmem_shared>>)
        tpu.yield
      }) : () -> ()
      %dma_start3A_221 = arith.constant 2 : i32
      %dma_start3A_222 = arith.constant 0 : i32
      %dma_start3A_223 = tpu.memref_slice %arg6[%dma_start3A_221, %dma_start3A_222] : memref<5x80xi32, #tpu.memory_space<vmem>> -> memref<1x80xi32, #tpu.memory_space<vmem>>
      %dma_start3A_224 = tpu.memref_squeeze %dma_start3A_223 : memref<1x80xi32, #tpu.memory_space<vmem>> -> memref<80xi32, #tpu.memory_space<vmem>>
      %dma_start3A_225 = arith.constant 0 : i32
      %dma_start3A_226 = arith.constant 0 : i32
      %dma_start3A_227 = tpu.memref_slice %arg2[%dma_start3A_225, %dma_start3A_226] : memref<10240x128xf32, #tpu.memory_space<hbm>> -> memref<10240x128xf32, #tpu.memory_space<hbm>>
      tpu.enqueue_indirect_dma source(%dma_start3A_227 : memref<10240x128xf32, #tpu.memory_space<hbm>>) target(%arg10 : memref<80x128xf32, #tpu.memory_space<vmem>>) offsets(%dma_start3A_224 : memref<80xi32, #tpu.memory_space<vmem>>) semaphore(%arg13 : memref<!tpu.dma_semaphore, #tpu.memory_space<semaphore_mem>>)
      %dma_wait3A_228 = arith.constant 1 : i32
      %dma_wait3A_229 = arith.constant 0 : i32
      %dma_wait3A_230 = tpu.memref_slice %arg6[%dma_wait3A_228, %dma_wait3A_229] : memref<5x80xi32, #tpu.memory_space<vmem>> -> memref<1x80xi32, #tpu.memory_space<vmem>>
      %dma_wait3A_231 = tpu.memref_squeeze %dma_wait3A_230 : memref<1x80xi32, #tpu.memory_space<vmem>> -> memref<80xi32, #tpu.memory_space<vmem>>
      %dma_wait3A_232 = arith.constant 0 : i32
      %dma_wait3A_233 = arith.constant 0 : i32
      %dma_wait3A_234 = tpu.memref_slice %arg2[%dma_wait3A_232, %dma_wait3A_233] : memref<10240x128xf32, #tpu.memory_space<hbm>> -> memref<10240x128xf32, #tpu.memory_space<hbm>>
      tpu.wait_indirect_dma semaphore(%arg13 : memref<!tpu.dma_semaphore, #tpu.memory_space<semaphore_mem>>) src(%dma_wait3A_234 : memref<10240x128xf32, #tpu.memory_space<hbm>>) dst(%arg11 : memref<80x128xf32, #tpu.memory_space<vmem>>)
      %run_scoped3A_235 = arith.constant 1 : i32
      "tpu.region"() ({
        %run_scoped3A_431 = tpu.sem_alloc : memref<!tpu.dma_semaphore, #tpu.memory_space<semaphore_mem>>
        %dma_start3A_432 = arith.constant 0 : i32
        %dma_start3A_433 = tpu.memref_slice %arg8[%run_scoped3A_235, %dma_start3A_432] : memref<5x80xi32, #tpu.memory_space<vmem>> -> memref<1x80xi32, #tpu.memory_space<vmem>>
        %dma_start3A_434 = tpu.memref_squeeze %dma_start3A_433 : memref<1x80xi32, #tpu.memory_space<vmem>> -> memref<80xi32, #tpu.memory_space<vmem>>
        %dma_start3A_435 = arith.constant 0 : i32
        %dma_start3A_436 = arith.constant 0 : i32
        %dma_start3A_437 = tpu.memref_slice %arg12[%dma_start3A_435, %dma_start3A_436] : memref<10240x128xf32, #tpu.memory_space<vmem_shared>> -> memref<10240x128xf32, #tpu.memory_space<vmem_shared>>
        tpu.enqueue_indirect_dma source(%arg11 : memref<80x128xf32, #tpu.memory_space<vmem>>) target(%dma_start3A_437 : memref<10240x128xf32, #tpu.memory_space<vmem_shared>>) offsets(%dma_start3A_434 : memref<80xi32, #tpu.memory_space<vmem>>) semaphore(%run_scoped3A_431 : memref<!tpu.dma_semaphore, #tpu.memory_space<semaphore_mem>>) {add = true}
        %dma_wait3A_438 = arith.constant 0 : i32
        %dma_wait3A_439 = tpu.memref_slice %arg8[%run_scoped3A_235, %dma_wait3A_438] : memref<5x80xi32, #tpu.memory_space<vmem>> -> memref<1x80xi32, #tpu.memory_space<vmem>>
        %dma_wait3A_440 = tpu.memref_squeeze %dma_wait3A_439 : memref<1x80xi32, #tpu.memory_space<vmem>> -> memref<80xi32, #tpu.memory_space<vmem>>
        %dma_wait3A_441 = arith.constant 0 : i32
        %dma_wait3A_442 = arith.constant 0 : i32
        %dma_wait3A_443 = tpu.memref_slice %arg12[%dma_wait3A_441, %dma_wait3A_442] : memref<10240x128xf32, #tpu.memory_space<vmem_shared>> -> memref<10240x128xf32, #tpu.memory_space<vmem_shared>>
        tpu.wait_indirect_dma semaphore(%run_scoped3A_431 : memref<!tpu.dma_semaphore, #tpu.memory_space<semaphore_mem>>) src(%arg11 : memref<80x128xf32, #tpu.memory_space<vmem>>) dst(%dma_wait3A_443 : memref<10240x128xf32, #tpu.memory_space<vmem_shared>>)
        tpu.yield
      }) : () -> ()
      %dma_start3A_236 = arith.constant 3 : i32
      %dma_start3A_237 = arith.constant 0 : i32
      %dma_start3A_238 = tpu.memref_slice %arg6[%dma_start3A_236, %dma_start3A_237] : memref<5x80xi32, #tpu.memory_space<vmem>> -> memref<1x80xi32, #tpu.memory_space<vmem>>
      %dma_start3A_239 = tpu.memref_squeeze %dma_start3A_238 : memref<1x80xi32, #tpu.memory_space<vmem>> -> memref<80xi32, #tpu.memory_space<vmem>>
      %dma_start3A_240 = arith.constant 0 : i32
      %dma_start3A_241 = arith.constant 0 : i32
      %dma_start3A_242 = tpu.memref_slice %arg2[%dma_start3A_240, %dma_start3A_241] : memref<10240x128xf32, #tpu.memory_space<hbm>> -> memref<10240x128xf32, #tpu.memory_space<hbm>>
      tpu.enqueue_indirect_dma source(%dma_start3A_242 : memref<10240x128xf32, #tpu.memory_space<hbm>>) target(%arg11 : memref<80x128xf32, #tpu.memory_space<vmem>>) offsets(%dma_start3A_239 : memref<80xi32, #tpu.memory_space<vmem>>) semaphore(%arg13 : memref<!tpu.dma_semaphore, #tpu.memory_space<semaphore_mem>>)
      %dma_wait3A_243 = arith.constant 2 : i32
      %dma_wait3A_244 = arith.constant 0 : i32
      %dma_wait3A_245 = tpu.memref_slice %arg6[%dma_wait3A_243, %dma_wait3A_244] : memref<5x80xi32, #tpu.memory_space<vmem>> -> memref<1x80xi32, #tpu.memory_space<vmem>>
      %dma_wait3A_246 = tpu.memref_squeeze %dma_wait3A_245 : memref<1x80xi32, #tpu.memory_space<vmem>> -> memref<80xi32, #tpu.memory_space<vmem>>
      %dma_wait3A_247 = arith.constant 0 : i32
      %dma_wait3A_248 = arith.constant 0 : i32
      %dma_wait3A_249 = tpu.memref_slice %arg2[%dma_wait3A_247, %dma_wait3A_248] : memref<10240x128xf32, #tpu.memory_space<hbm>> -> memref<10240x128xf32, #tpu.memory_space<hbm>>
      tpu.wait_indirect_dma semaphore(%arg13 : memref<!tpu.dma_semaphore, #tpu.memory_space<semaphore_mem>>) src(%dma_wait3A_249 : memref<10240x128xf32, #tpu.memory_space<hbm>>) dst(%arg10 : memref<80x128xf32, #tpu.memory_space<vmem>>)
      %run_scoped3A_250 = arith.constant 2 : i32
      "tpu.region"() ({
        %run_scoped3A_431 = tpu.sem_alloc : memref<!tpu.dma_semaphore, #tpu.memory_space<semaphore_mem>>
        %dma_start3A_432 = arith.constant 0 : i32
        %dma_start3A_433 = tpu.memref_slice %arg8[%run_scoped3A_250, %dma_start3A_432] : memref<5x80xi32, #tpu.memory_space<vmem>> -> memref<1x80xi32, #tpu.memory_space<vmem>>
        %dma_start3A_434 = tpu.memref_squeeze %dma_start3A_433 : memref<1x80xi32, #tpu.memory_space<vmem>> -> memref<80xi32, #tpu.memory_space<vmem>>
        %dma_start3A_435 = arith.constant 0 : i32
        %dma_start3A_436 = arith.constant 0 : i32
        %dma_start3A_437 = tpu.memref_slice %arg12[%dma_start3A_435, %dma_start3A_436] : memref<10240x128xf32, #tpu.memory_space<vmem_shared>> -> memref<10240x128xf32, #tpu.memory_space<vmem_shared>>
        tpu.enqueue_indirect_dma source(%arg10 : memref<80x128xf32, #tpu.memory_space<vmem>>) target(%dma_start3A_437 : memref<10240x128xf32, #tpu.memory_space<vmem_shared>>) offsets(%dma_start3A_434 : memref<80xi32, #tpu.memory_space<vmem>>) semaphore(%run_scoped3A_431 : memref<!tpu.dma_semaphore, #tpu.memory_space<semaphore_mem>>) {add = true}
        %dma_wait3A_438 = arith.constant 0 : i32
        %dma_wait3A_439 = tpu.memref_slice %arg8[%run_scoped3A_250, %dma_wait3A_438] : memref<5x80xi32, #tpu.memory_space<vmem>> -> memref<1x80xi32, #tpu.memory_space<vmem>>
        %dma_wait3A_440 = tpu.memref_squeeze %dma_wait3A_439 : memref<1x80xi32, #tpu.memory_space<vmem>> -> memref<80xi32, #tpu.memory_space<vmem>>
        %dma_wait3A_441 = arith.constant 0 : i32
        %dma_wait3A_442 = arith.constant 0 : i32
        %dma_wait3A_443 = tpu.memref_slice %arg12[%dma_wait3A_441, %dma_wait3A_442] : memref<10240x128xf32, #tpu.memory_space<vmem_shared>> -> memref<10240x128xf32, #tpu.memory_space<vmem_shared>>
        tpu.wait_indirect_dma semaphore(%run_scoped3A_431 : memref<!tpu.dma_semaphore, #tpu.memory_space<semaphore_mem>>) src(%arg10 : memref<80x128xf32, #tpu.memory_space<vmem>>) dst(%dma_wait3A_443 : memref<10240x128xf32, #tpu.memory_space<vmem_shared>>)
        tpu.yield
      }) : () -> ()
      %dma_start3A_251 = arith.constant 4 : i32
      %dma_start3A_252 = arith.constant 0 : i32
      %dma_start3A_253 = tpu.memref_slice %arg6[%dma_start3A_251, %dma_start3A_252] : memref<5x80xi32, #tpu.memory_space<vmem>> -> memref<1x80xi32, #tpu.memory_space<vmem>>
      %dma_start3A_254 = tpu.memref_squeeze %dma_start3A_253 : memref<1x80xi32, #tpu.memory_space<vmem>> -> memref<80xi32, #tpu.memory_space<vmem>>
      %dma_start3A_255 = arith.constant 0 : i32
      %dma_start3A_256 = arith.constant 0 : i32
      %dma_start3A_257 = tpu.memref_slice %arg2[%dma_start3A_255, %dma_start3A_256] : memref<10240x128xf32, #tpu.memory_space<hbm>> -> memref<10240x128xf32, #tpu.memory_space<hbm>>
      tpu.enqueue_indirect_dma source(%dma_start3A_257 : memref<10240x128xf32, #tpu.memory_space<hbm>>) target(%arg10 : memref<80x128xf32, #tpu.memory_space<vmem>>) offsets(%dma_start3A_254 : memref<80xi32, #tpu.memory_space<vmem>>) semaphore(%arg13 : memref<!tpu.dma_semaphore, #tpu.memory_space<semaphore_mem>>)
      %dma_wait3A_258 = arith.constant 3 : i32
      %dma_wait3A_259 = arith.constant 0 : i32
      %dma_wait3A_260 = tpu.memref_slice %arg6[%dma_wait3A_258, %dma_wait3A_259] : memref<5x80xi32, #tpu.memory_space<vmem>> -> memref<1x80xi32, #tpu.memory_space<vmem>>
      %dma_wait3A_261 = tpu.memref_squeeze %dma_wait3A_260 : memref<1x80xi32, #tpu.memory_space<vmem>> -> memref<80xi32, #tpu.memory_space<vmem>>
      %dma_wait3A_262 = arith.constant 0 : i32
      %dma_wait3A_263 = arith.constant 0 : i32
      %dma_wait3A_264 = tpu.memref_slice %arg2[%dma_wait3A_262, %dma_wait3A_263] : memref<10240x128xf32, #tpu.memory_space<hbm>> -> memref<10240x128xf32, #tpu.memory_space<hbm>>
      tpu.wait_indirect_dma semaphore(%arg13 : memref<!tpu.dma_semaphore, #tpu.memory_space<semaphore_mem>>) src(%dma_wait3A_264 : memref<10240x128xf32, #tpu.memory_space<hbm>>) dst(%arg11 : memref<80x128xf32, #tpu.memory_space<vmem>>)
      %run_scoped3A_265 = arith.constant 3 : i32
      "tpu.region"() ({
        %run_scoped3A_431 = tpu.sem_alloc : memref<!tpu.dma_semaphore, #tpu.memory_space<semaphore_mem>>
        %dma_start3A_432 = arith.constant 0 : i32
        %dma_start3A_433 = tpu.memref_slice %arg8[%run_scoped3A_265, %dma_start3A_432] : memref<5x80xi32, #tpu.memory_space<vmem>> -> memref<1x80xi32, #tpu.memory_space<vmem>>
        %dma_start3A_434 = tpu.memref_squeeze %dma_start3A_433 : memref<1x80xi32, #tpu.memory_space<vmem>> -> memref<80xi32, #tpu.memory_space<vmem>>
        %dma_start3A_435 = arith.constant 0 : i32
        %dma_start3A_436 = arith.constant 0 : i32
        %dma_start3A_437 = tpu.memref_slice %arg12[%dma_start3A_435, %dma_start3A_436] : memref<10240x128xf32, #tpu.memory_space<vmem_shared>> -> memref<10240x128xf32, #tpu.memory_space<vmem_shared>>
        tpu.enqueue_indirect_dma source(%arg11 : memref<80x128xf32, #tpu.memory_space<vmem>>) target(%dma_start3A_437 : memref<10240x128xf32, #tpu.memory_space<vmem_shared>>) offsets(%dma_start3A_434 : memref<80xi32, #tpu.memory_space<vmem>>) semaphore(%run_scoped3A_431 : memref<!tpu.dma_semaphore, #tpu.memory_space<semaphore_mem>>) {add = true}
        %dma_wait3A_438 = arith.constant 0 : i32
        %dma_wait3A_439 = tpu.memref_slice %arg8[%run_scoped3A_265, %dma_wait3A_438] : memref<5x80xi32, #tpu.memory_space<vmem>> -> memref<1x80xi32, #tpu.memory_space<vmem>>
        %dma_wait3A_440 = tpu.memref_squeeze %dma_wait3A_439 : memref<1x80xi32, #tpu.memory_space<vmem>> -> memref<80xi32, #tpu.memory_space<vmem>>
        %dma_wait3A_441 = arith.constant 0 : i32
        %dma_wait3A_442 = arith.constant 0 : i32
        %dma_wait3A_443 = tpu.memref_slice %arg12[%dma_wait3A_441, %dma_wait3A_442] : memref<10240x128xf32, #tpu.memory_space<vmem_shared>> -> memref<10240x128xf32, #tpu.memory_space<vmem_shared>>
        tpu.wait_indirect_dma semaphore(%run_scoped3A_431 : memref<!tpu.dma_semaphore, #tpu.memory_space<semaphore_mem>>) src(%arg11 : memref<80x128xf32, #tpu.memory_space<vmem>>) dst(%dma_wait3A_443 : memref<10240x128xf32, #tpu.memory_space<vmem_shared>>)
        tpu.yield
      }) : () -> ()
      %add3A_266 = arith.constant 1 : i32
      %add3A_267 = arith.addi %mul3A_197, %add3A_266 : i32
      %dma_wait3A_268 = arith.constant 0 : i32
      %dma_wait3A_269 = arith.constant 0 : i32
      %dma_wait3A_270 = tpu.memref_slice %arg3[%add3A, %add3A_267, %dma_wait3A_268, %dma_wait3A_269] : memref<32x25x5x80xi32, #tpu.memory_space<hbm>> -> memref<1x1x5x80xi32, #tpu.memory_space<hbm>>
      %dma_wait3A_271 = tpu.memref_squeeze %dma_wait3A_270 : memref<1x1x5x80xi32, #tpu.memory_space<hbm>> -> memref<5x80xi32, #tpu.memory_space<hbm>>
      %dma_wait3A_272 = arith.constant 0 : i32
      %dma_wait3A_273 = arith.constant 0 : i32
      %dma_wait3A_274 = tpu.memref_slice %arg3[%add3A, %add3A_267, %dma_wait3A_272, %dma_wait3A_273] : memref<32x25x5x80xi32, #tpu.memory_space<hbm>> -> memref<1x1x5x80xi32, #tpu.memory_space<hbm>>
      %dma_wait3A_275 = tpu.memref_squeeze %dma_wait3A_274 : memref<1x1x5x80xi32, #tpu.memory_space<hbm>> -> memref<5x80xi32, #tpu.memory_space<hbm>>
      tpu.wait_dma2 semaphore(%arg14 : memref<!tpu.dma_semaphore, #tpu.memory_space<semaphore_mem>>) src(%dma_wait3A_275 : memref<5x80xi32, #tpu.memory_space<hbm>>) dst(%arg7 : memref<5x80xi32, #tpu.memory_space<vmem>>)
      %dma_start3A_276 = arith.constant 0 : i32
      %dma_start3A_277 = arith.constant 0 : i32
      %dma_start3A_278 = tpu.memref_slice %arg7[%dma_start3A_276, %dma_start3A_277] : memref<5x80xi32, #tpu.memory_space<vmem>> -> memref<1x80xi32, #tpu.memory_space<vmem>>
      %dma_start3A_279 = tpu.memref_squeeze %dma_start3A_278 : memref<1x80xi32, #tpu.memory_space<vmem>> -> memref<80xi32, #tpu.memory_space<vmem>>
      %dma_start3A_280 = arith.constant 0 : i32
      %dma_start3A_281 = arith.constant 0 : i32
      %dma_start3A_282 = tpu.memref_slice %arg2[%dma_start3A_280, %dma_start3A_281] : memref<10240x128xf32, #tpu.memory_space<hbm>> -> memref<10240x128xf32, #tpu.memory_space<hbm>>
      tpu.enqueue_indirect_dma source(%dma_start3A_282 : memref<10240x128xf32, #tpu.memory_space<hbm>>) target(%arg11 : memref<80x128xf32, #tpu.memory_space<vmem>>) offsets(%dma_start3A_279 : memref<80xi32, #tpu.memory_space<vmem>>) semaphore(%arg13 : memref<!tpu.dma_semaphore, #tpu.memory_space<semaphore_mem>>)
      %dma_wait3A_283 = arith.constant 4 : i32
      %dma_wait3A_284 = arith.constant 0 : i32
      %dma_wait3A_285 = tpu.memref_slice %arg6[%dma_wait3A_283, %dma_wait3A_284] : memref<5x80xi32, #tpu.memory_space<vmem>> -> memref<1x80xi32, #tpu.memory_space<vmem>>
      %dma_wait3A_286 = tpu.memref_squeeze %dma_wait3A_285 : memref<1x80xi32, #tpu.memory_space<vmem>> -> memref<80xi32, #tpu.memory_space<vmem>>
      %dma_wait3A_287 = arith.constant 0 : i32
      %dma_wait3A_288 = arith.constant 0 : i32
      %dma_wait3A_289 = tpu.memref_slice %arg2[%dma_wait3A_287, %dma_wait3A_288] : memref<10240x128xf32, #tpu.memory_space<hbm>> -> memref<10240x128xf32, #tpu.memory_space<hbm>>
      tpu.wait_indirect_dma semaphore(%arg13 : memref<!tpu.dma_semaphore, #tpu.memory_space<semaphore_mem>>) src(%dma_wait3A_289 : memref<10240x128xf32, #tpu.memory_space<hbm>>) dst(%arg10 : memref<80x128xf32, #tpu.memory_space<vmem>>)
      %run_scoped3A_290 = arith.constant 4 : i32
      "tpu.region"() ({
        %run_scoped3A_431 = tpu.sem_alloc : memref<!tpu.dma_semaphore, #tpu.memory_space<semaphore_mem>>
        %dma_start3A_432 = arith.constant 0 : i32
        %dma_start3A_433 = tpu.memref_slice %arg8[%run_scoped3A_290, %dma_start3A_432] : memref<5x80xi32, #tpu.memory_space<vmem>> -> memref<1x80xi32, #tpu.memory_space<vmem>>
        %dma_start3A_434 = tpu.memref_squeeze %dma_start3A_433 : memref<1x80xi32, #tpu.memory_space<vmem>> -> memref<80xi32, #tpu.memory_space<vmem>>
        %dma_start3A_435 = arith.constant 0 : i32
        %dma_start3A_436 = arith.constant 0 : i32
        %dma_start3A_437 = tpu.memref_slice %arg12[%dma_start3A_435, %dma_start3A_436] : memref<10240x128xf32, #tpu.memory_space<vmem_shared>> -> memref<10240x128xf32, #tpu.memory_space<vmem_shared>>
        tpu.enqueue_indirect_dma source(%arg10 : memref<80x128xf32, #tpu.memory_space<vmem>>) target(%dma_start3A_437 : memref<10240x128xf32, #tpu.memory_space<vmem_shared>>) offsets(%dma_start3A_434 : memref<80xi32, #tpu.memory_space<vmem>>) semaphore(%run_scoped3A_431 : memref<!tpu.dma_semaphore, #tpu.memory_space<semaphore_mem>>) {add = true}
        %dma_wait3A_438 = arith.constant 0 : i32
        %dma_wait3A_439 = tpu.memref_slice %arg8[%run_scoped3A_290, %dma_wait3A_438] : memref<5x80xi32, #tpu.memory_space<vmem>> -> memref<1x80xi32, #tpu.memory_space<vmem>>
        %dma_wait3A_440 = tpu.memref_squeeze %dma_wait3A_439 : memref<1x80xi32, #tpu.memory_space<vmem>> -> memref<80xi32, #tpu.memory_space<vmem>>
        %dma_wait3A_441 = arith.constant 0 : i32
        %dma_wait3A_442 = arith.constant 0 : i32
        %dma_wait3A_443 = tpu.memref_slice %arg12[%dma_wait3A_441, %dma_wait3A_442] : memref<10240x128xf32, #tpu.memory_space<vmem_shared>> -> memref<10240x128xf32, #tpu.memory_space<vmem_shared>>
        tpu.wait_indirect_dma semaphore(%run_scoped3A_431 : memref<!tpu.dma_semaphore, #tpu.memory_space<semaphore_mem>>) src(%arg10 : memref<80x128xf32, #tpu.memory_space<vmem>>) dst(%dma_wait3A_443 : memref<10240x128xf32, #tpu.memory_space<vmem_shared>>)
        tpu.yield
      }) : () -> ()
      %add3A_291 = arith.constant 1 : i32
      %add3A_292 = arith.addi %mul3A_197, %add3A_291 : i32
      %dma_wait3A_293 = arith.constant 0 : i32
      %dma_wait3A_294 = arith.constant 0 : i32
      %dma_wait3A_295 = tpu.memref_slice %arg4[%add3A, %add3A_292, %dma_wait3A_293, %dma_wait3A_294] : memref<32x25x5x80xi32, #tpu.memory_space<hbm>> -> memref<1x1x5x80xi32, #tpu.memory_space<hbm>>
      %dma_wait3A_296 = tpu.memref_squeeze %dma_wait3A_295 : memref<1x1x5x80xi32, #tpu.memory_space<hbm>> -> memref<5x80xi32, #tpu.memory_space<hbm>>
      %dma_wait3A_297 = arith.constant 0 : i32
      %dma_wait3A_298 = arith.constant 0 : i32
      %dma_wait3A_299 = tpu.memref_slice %arg4[%add3A, %add3A_292, %dma_wait3A_297, %dma_wait3A_298] : memref<32x25x5x80xi32, #tpu.memory_space<hbm>> -> memref<1x1x5x80xi32, #tpu.memory_space<hbm>>
      %dma_wait3A_300 = tpu.memref_squeeze %dma_wait3A_299 : memref<1x1x5x80xi32, #tpu.memory_space<hbm>> -> memref<5x80xi32, #tpu.memory_space<hbm>>
      tpu.wait_dma2 semaphore(%arg15 : memref<!tpu.dma_semaphore, #tpu.memory_space<semaphore_mem>>) src(%dma_wait3A_300 : memref<5x80xi32, #tpu.memory_space<hbm>>) dst(%arg9 : memref<5x80xi32, #tpu.memory_space<vmem>>)
      %dma_start3A_301 = arith.constant 1 : i32
      %dma_start3A_302 = arith.constant 0 : i32
      %dma_start3A_303 = tpu.memref_slice %arg7[%dma_start3A_301, %dma_start3A_302] : memref<5x80xi32, #tpu.memory_space<vmem>> -> memref<1x80xi32, #tpu.memory_space<vmem>>
      %dma_start3A_304 = tpu.memref_squeeze %dma_start3A_303 : memref<1x80xi32, #tpu.memory_space<vmem>> -> memref<80xi32, #tpu.memory_space<vmem>>
      %dma_start3A_305 = arith.constant 0 : i32
      %dma_start3A_306 = arith.constant 0 : i32
      %dma_start3A_307 = tpu.memref_slice %arg2[%dma_start3A_305, %dma_start3A_306] : memref<10240x128xf32, #tpu.memory_space<hbm>> -> memref<10240x128xf32, #tpu.memory_space<hbm>>
      tpu.enqueue_indirect_dma source(%dma_start3A_307 : memref<10240x128xf32, #tpu.memory_space<hbm>>) target(%arg10 : memref<80x128xf32, #tpu.memory_space<vmem>>) offsets(%dma_start3A_304 : memref<80xi32, #tpu.memory_space<vmem>>) semaphore(%arg13 : memref<!tpu.dma_semaphore, #tpu.memory_space<semaphore_mem>>)
      %dma_wait3A_308 = arith.constant 0 : i32
      %dma_wait3A_309 = arith.constant 0 : i32
      %dma_wait3A_310 = tpu.memref_slice %arg7[%dma_wait3A_308, %dma_wait3A_309] : memref<5x80xi32, #tpu.memory_space<vmem>> -> memref<1x80xi32, #tpu.memory_space<vmem>>
      %dma_wait3A_311 = tpu.memref_squeeze %dma_wait3A_310 : memref<1x80xi32, #tpu.memory_space<vmem>> -> memref<80xi32, #tpu.memory_space<vmem>>
      %dma_wait3A_312 = arith.constant 0 : i32
      %dma_wait3A_313 = arith.constant 0 : i32
      %dma_wait3A_314 = tpu.memref_slice %arg2[%dma_wait3A_312, %dma_wait3A_313] : memref<10240x128xf32, #tpu.memory_space<hbm>> -> memref<10240x128xf32, #tpu.memory_space<hbm>>
      tpu.wait_indirect_dma semaphore(%arg13 : memref<!tpu.dma_semaphore, #tpu.memory_space<semaphore_mem>>) src(%dma_wait3A_314 : memref<10240x128xf32, #tpu.memory_space<hbm>>) dst(%arg11 : memref<80x128xf32, #tpu.memory_space<vmem>>)
      %run_scoped3A_315 = arith.constant 0 : i32
      "tpu.region"() ({
        %run_scoped3A_431 = tpu.sem_alloc : memref<!tpu.dma_semaphore, #tpu.memory_space<semaphore_mem>>
        %dma_start3A_432 = arith.constant 0 : i32
        %dma_start3A_433 = tpu.memref_slice %arg9[%run_scoped3A_315, %dma_start3A_432] : memref<5x80xi32, #tpu.memory_space<vmem>> -> memref<1x80xi32, #tpu.memory_space<vmem>>
        %dma_start3A_434 = tpu.memref_squeeze %dma_start3A_433 : memref<1x80xi32, #tpu.memory_space<vmem>> -> memref<80xi32, #tpu.memory_space<vmem>>
        %dma_start3A_435 = arith.constant 0 : i32
        %dma_start3A_436 = arith.constant 0 : i32
        %dma_start3A_437 = tpu.memref_slice %arg12[%dma_start3A_435, %dma_start3A_436] : memref<10240x128xf32, #tpu.memory_space<vmem_shared>> -> memref<10240x128xf32, #tpu.memory_space<vmem_shared>>
        tpu.enqueue_indirect_dma source(%arg11 : memref<80x128xf32, #tpu.memory_space<vmem>>) target(%dma_start3A_437 : memref<10240x128xf32, #tpu.memory_space<vmem_shared>>) offsets(%dma_start3A_434 : memref<80xi32, #tpu.memory_space<vmem>>) semaphore(%run_scoped3A_431 : memref<!tpu.dma_semaphore, #tpu.memory_space<semaphore_mem>>) {add = true}
        %dma_wait3A_438 = arith.constant 0 : i32
        %dma_wait3A_439 = tpu.memref_slice %arg9[%run_scoped3A_315, %dma_wait3A_438] : memref<5x80xi32, #tpu.memory_space<vmem>> -> memref<1x80xi32, #tpu.memory_space<vmem>>
        %dma_wait3A_440 = tpu.memref_squeeze %dma_wait3A_439 : memref<1x80xi32, #tpu.memory_space<vmem>> -> memref<80xi32, #tpu.memory_space<vmem>>
        %dma_wait3A_441 = arith.constant 0 : i32
        %dma_wait3A_442 = arith.constant 0 : i32
        %dma_wait3A_443 = tpu.memref_slice %arg12[%dma_wait3A_441, %dma_wait3A_442] : memref<10240x128xf32, #tpu.memory_space<vmem_shared>> -> memref<10240x128xf32, #tpu.memory_space<vmem_shared>>
        tpu.wait_indirect_dma semaphore(%run_scoped3A_431 : memref<!tpu.dma_semaphore, #tpu.memory_space<semaphore_mem>>) src(%arg11 : memref<80x128xf32, #tpu.memory_space<vmem>>) dst(%dma_wait3A_443 : memref<10240x128xf32, #tpu.memory_space<vmem_shared>>)
        tpu.yield
      }) : () -> ()
      %add3A_316 = arith.constant 2 : i32
      %add3A_317 = arith.addi %mul3A_197, %add3A_316 : i32
      %min3A = arith.minsi %add3A_317, %scan3A_73 : i32
      %dma_start3A_318 = arith.constant 0 : i32
      %dma_start3A_319 = arith.constant 0 : i32
      %dma_start3A_320 = tpu.memref_slice %arg3[%add3A, %min3A, %dma_start3A_318, %dma_start3A_319] : memref<32x25x5x80xi32, #tpu.memory_space<hbm>> -> memref<1x1x5x80xi32, #tpu.memory_space<hbm>>
      %dma_start3A_321 = tpu.memref_squeeze %dma_start3A_320 : memref<1x1x5x80xi32, #tpu.memory_space<hbm>> -> memref<5x80xi32, #tpu.memory_space<hbm>>
      %dma_start3A_322 = arith.constant 0 : i32
      %dma_start3A_323 = arith.constant 0 : i32
      %dma_start3A_324 = tpu.memref_slice %arg3[%add3A, %min3A, %dma_start3A_322, %dma_start3A_323] : memref<32x25x5x80xi32, #tpu.memory_space<hbm>> -> memref<1x1x5x80xi32, #tpu.memory_space<hbm>>
      %dma_start3A_325 = tpu.memref_squeeze %dma_start3A_324 : memref<1x1x5x80xi32, #tpu.memory_space<hbm>> -> memref<5x80xi32, #tpu.memory_space<hbm>>
      tpu.enqueue_dma source(%dma_start3A_325 : memref<5x80xi32, #tpu.memory_space<hbm>>) target(%arg6 : memref<5x80xi32, #tpu.memory_space<vmem>>) target_semaphore(%arg14 : memref<!tpu.dma_semaphore, #tpu.memory_space<semaphore_mem>>)
      %dma_start3A_326 = arith.constant 2 : i32
      %dma_start3A_327 = arith.constant 0 : i32
      %dma_start3A_328 = tpu.memref_slice %arg7[%dma_start3A_326, %dma_start3A_327] : memref<5x80xi32, #tpu.memory_space<vmem>> -> memref<1x80xi32, #tpu.memory_space<vmem>>
      %dma_start3A_329 = tpu.memref_squeeze %dma_start3A_328 : memref<1x80xi32, #tpu.memory_space<vmem>> -> memref<80xi32, #tpu.memory_space<vmem>>
      %dma_start3A_330 = arith.constant 0 : i32
      %dma_start3A_331 = arith.constant 0 : i32
      %dma_start3A_332 = tpu.memref_slice %arg2[%dma_start3A_330, %dma_start3A_331] : memref<10240x128xf32, #tpu.memory_space<hbm>> -> memref<10240x128xf32, #tpu.memory_space<hbm>>
      tpu.enqueue_indirect_dma source(%dma_start3A_332 : memref<10240x128xf32, #tpu.memory_space<hbm>>) target(%arg11 : memref<80x128xf32, #tpu.memory_space<vmem>>) offsets(%dma_start3A_329 : memref<80xi32, #tpu.memory_space<vmem>>) semaphore(%arg13 : memref<!tpu.dma_semaphore, #tpu.memory_space<semaphore_mem>>)
      %dma_wait3A_333 = arith.constant 1 : i32
      %dma_wait3A_334 = arith.constant 0 : i32
      %dma_wait3A_335 = tpu.memref_slice %arg7[%dma_wait3A_333, %dma_wait3A_334] : memref<5x80xi32, #tpu.memory_space<vmem>> -> memref<1x80xi32, #tpu.memory_space<vmem>>
      %dma_wait3A_336 = tpu.memref_squeeze %dma_wait3A_335 : memref<1x80xi32, #tpu.memory_space<vmem>> -> memref<80xi32, #tpu.memory_space<vmem>>
      %dma_wait3A_337 = arith.constant 0 : i32
      %dma_wait3A_338 = arith.constant 0 : i32
      %dma_wait3A_339 = tpu.memref_slice %arg2[%dma_wait3A_337, %dma_wait3A_338] : memref<10240x128xf32, #tpu.memory_space<hbm>> -> memref<10240x128xf32, #tpu.memory_space<hbm>>
      tpu.wait_indirect_dma semaphore(%arg13 : memref<!tpu.dma_semaphore, #tpu.memory_space<semaphore_mem>>) src(%dma_wait3A_339 : memref<10240x128xf32, #tpu.memory_space<hbm>>) dst(%arg10 : memref<80x128xf32, #tpu.memory_space<vmem>>)
      %run_scoped3A_340 = arith.constant 1 : i32
      "tpu.region"() ({
        %run_scoped3A_431 = tpu.sem_alloc : memref<!tpu.dma_semaphore, #tpu.memory_space<semaphore_mem>>
        %dma_start3A_432 = arith.constant 0 : i32
        %dma_start3A_433 = tpu.memref_slice %arg9[%run_scoped3A_340, %dma_start3A_432] : memref<5x80xi32, #tpu.memory_space<vmem>> -> memref<1x80xi32, #tpu.memory_space<vmem>>
        %dma_start3A_434 = tpu.memref_squeeze %dma_start3A_433 : memref<1x80xi32, #tpu.memory_space<vmem>> -> memref<80xi32, #tpu.memory_space<vmem>>
        %dma_start3A_435 = arith.constant 0 : i32
        %dma_start3A_436 = arith.constant 0 : i32
        %dma_start3A_437 = tpu.memref_slice %arg12[%dma_start3A_435, %dma_start3A_436] : memref<10240x128xf32, #tpu.memory_space<vmem_shared>> -> memref<10240x128xf32, #tpu.memory_space<vmem_shared>>
        tpu.enqueue_indirect_dma source(%arg10 : memref<80x128xf32, #tpu.memory_space<vmem>>) target(%dma_start3A_437 : memref<10240x128xf32, #tpu.memory_space<vmem_shared>>) offsets(%dma_start3A_434 : memref<80xi32, #tpu.memory_space<vmem>>) semaphore(%run_scoped3A_431 : memref<!tpu.dma_semaphore, #tpu.memory_space<semaphore_mem>>) {add = true}
        %dma_wait3A_438 = arith.constant 0 : i32
        %dma_wait3A_439 = tpu.memref_slice %arg9[%run_scoped3A_340, %dma_wait3A_438] : memref<5x80xi32, #tpu.memory_space<vmem>> -> memref<1x80xi32, #tpu.memory_space<vmem>>
        %dma_wait3A_440 = tpu.memref_squeeze %dma_wait3A_439 : memref<1x80xi32, #tpu.memory_space<vmem>> -> memref<80xi32, #tpu.memory_space<vmem>>
        %dma_wait3A_441 = arith.constant 0 : i32
        %dma_wait3A_442 = arith.constant 0 : i32
        %dma_wait3A_443 = tpu.memref_slice %arg12[%dma_wait3A_441, %dma_wait3A_442] : memref<10240x128xf32, #tpu.memory_space<vmem_shared>> -> memref<10240x128xf32, #tpu.memory_space<vmem_shared>>
        tpu.wait_indirect_dma semaphore(%run_scoped3A_431 : memref<!tpu.dma_semaphore, #tpu.memory_space<semaphore_mem>>) src(%arg10 : memref<80x128xf32, #tpu.memory_space<vmem>>) dst(%dma_wait3A_443 : memref<10240x128xf32, #tpu.memory_space<vmem_shared>>)
        tpu.yield
      }) : () -> ()
      %dma_start3A_341 = arith.constant 3 : i32
      %dma_start3A_342 = arith.constant 0 : i32
      %dma_start3A_343 = tpu.memref_slice %arg7[%dma_start3A_341, %dma_start3A_342] : memref<5x80xi32, #tpu.memory_space<vmem>> -> memref<1x80xi32, #tpu.memory_space<vmem>>
      %dma_start3A_344 = tpu.memref_squeeze %dma_start3A_343 : memref<1x80xi32, #tpu.memory_space<vmem>> -> memref<80xi32, #tpu.memory_space<vmem>>
      %dma_start3A_345 = arith.constant 0 : i32
      %dma_start3A_346 = arith.constant 0 : i32
      %dma_start3A_347 = tpu.memref_slice %arg2[%dma_start3A_345, %dma_start3A_346] : memref<10240x128xf32, #tpu.memory_space<hbm>> -> memref<10240x128xf32, #tpu.memory_space<hbm>>
      tpu.enqueue_indirect_dma source(%dma_start3A_347 : memref<10240x128xf32, #tpu.memory_space<hbm>>) target(%arg10 : memref<80x128xf32, #tpu.memory_space<vmem>>) offsets(%dma_start3A_344 : memref<80xi32, #tpu.memory_space<vmem>>) semaphore(%arg13 : memref<!tpu.dma_semaphore, #tpu.memory_space<semaphore_mem>>)
      %dma_wait3A_348 = arith.constant 2 : i32
      %dma_wait3A_349 = arith.constant 0 : i32
      %dma_wait3A_350 = tpu.memref_slice %arg7[%dma_wait3A_348, %dma_wait3A_349] : memref<5x80xi32, #tpu.memory_space<vmem>> -> memref<1x80xi32, #tpu.memory_space<vmem>>
      %dma_wait3A_351 = tpu.memref_squeeze %dma_wait3A_350 : memref<1x80xi32, #tpu.memory_space<vmem>> -> memref<80xi32, #tpu.memory_space<vmem>>
      %dma_wait3A_352 = arith.constant 0 : i32
      %dma_wait3A_353 = arith.constant 0 : i32
      %dma_wait3A_354 = tpu.memref_slice %arg2[%dma_wait3A_352, %dma_wait3A_353] : memref<10240x128xf32, #tpu.memory_space<hbm>> -> memref<10240x128xf32, #tpu.memory_space<hbm>>
      tpu.wait_indirect_dma semaphore(%arg13 : memref<!tpu.dma_semaphore, #tpu.memory_space<semaphore_mem>>) src(%dma_wait3A_354 : memref<10240x128xf32, #tpu.memory_space<hbm>>) dst(%arg11 : memref<80x128xf32, #tpu.memory_space<vmem>>)
      %run_scoped3A_355 = arith.constant 2 : i32
      "tpu.region"() ({
        %run_scoped3A_431 = tpu.sem_alloc : memref<!tpu.dma_semaphore, #tpu.memory_space<semaphore_mem>>
        %dma_start3A_432 = arith.constant 0 : i32
        %dma_start3A_433 = tpu.memref_slice %arg9[%run_scoped3A_355, %dma_start3A_432] : memref<5x80xi32, #tpu.memory_space<vmem>> -> memref<1x80xi32, #tpu.memory_space<vmem>>
        %dma_start3A_434 = tpu.memref_squeeze %dma_start3A_433 : memref<1x80xi32, #tpu.memory_space<vmem>> -> memref<80xi32, #tpu.memory_space<vmem>>
        %dma_start3A_435 = arith.constant 0 : i32
        %dma_start3A_436 = arith.constant 0 : i32
        %dma_start3A_437 = tpu.memref_slice %arg12[%dma_start3A_435, %dma_start3A_436] : memref<10240x128xf32, #tpu.memory_space<vmem_shared>> -> memref<10240x128xf32, #tpu.memory_space<vmem_shared>>
        tpu.enqueue_indirect_dma source(%arg11 : memref<80x128xf32, #tpu.memory_space<vmem>>) target(%dma_start3A_437 : memref<10240x128xf32, #tpu.memory_space<vmem_shared>>) offsets(%dma_start3A_434 : memref<80xi32, #tpu.memory_space<vmem>>) semaphore(%run_scoped3A_431 : memref<!tpu.dma_semaphore, #tpu.memory_space<semaphore_mem>>) {add = true}
        %dma_wait3A_438 = arith.constant 0 : i32
        %dma_wait3A_439 = tpu.memref_slice %arg9[%run_scoped3A_355, %dma_wait3A_438] : memref<5x80xi32, #tpu.memory_space<vmem>> -> memref<1x80xi32, #tpu.memory_space<vmem>>
        %dma_wait3A_440 = tpu.memref_squeeze %dma_wait3A_439 : memref<1x80xi32, #tpu.memory_space<vmem>> -> memref<80xi32, #tpu.memory_space<vmem>>
        %dma_wait3A_441 = arith.constant 0 : i32
        %dma_wait3A_442 = arith.constant 0 : i32
        %dma_wait3A_443 = tpu.memref_slice %arg12[%dma_wait3A_441, %dma_wait3A_442] : memref<10240x128xf32, #tpu.memory_space<vmem_shared>> -> memref<10240x128xf32, #tpu.memory_space<vmem_shared>>
        tpu.wait_indirect_dma semaphore(%run_scoped3A_431 : memref<!tpu.dma_semaphore, #tpu.memory_space<semaphore_mem>>) src(%arg11 : memref<80x128xf32, #tpu.memory_space<vmem>>) dst(%dma_wait3A_443 : memref<10240x128xf32, #tpu.memory_space<vmem_shared>>)
        tpu.yield
      }) : () -> ()
      %dma_start3A_356 = arith.constant 4 : i32
      %dma_start3A_357 = arith.constant 0 : i32
      %dma_start3A_358 = tpu.memref_slice %arg7[%dma_start3A_356, %dma_start3A_357] : memref<5x80xi32, #tpu.memory_space<vmem>> -> memref<1x80xi32, #tpu.memory_space<vmem>>
      %dma_start3A_359 = tpu.memref_squeeze %dma_start3A_358 : memref<1x80xi32, #tpu.memory_space<vmem>> -> memref<80xi32, #tpu.memory_space<vmem>>
      %dma_start3A_360 = arith.constant 0 : i32
      %dma_start3A_361 = arith.constant 0 : i32
      %dma_start3A_362 = tpu.memref_slice %arg2[%dma_start3A_360, %dma_start3A_361] : memref<10240x128xf32, #tpu.memory_space<hbm>> -> memref<10240x128xf32, #tpu.memory_space<hbm>>
      tpu.enqueue_indirect_dma source(%dma_start3A_362 : memref<10240x128xf32, #tpu.memory_space<hbm>>) target(%arg11 : memref<80x128xf32, #tpu.memory_space<vmem>>) offsets(%dma_start3A_359 : memref<80xi32, #tpu.memory_space<vmem>>) semaphore(%arg13 : memref<!tpu.dma_semaphore, #tpu.memory_space<semaphore_mem>>)
      %dma_wait3A_363 = arith.constant 3 : i32
      %dma_wait3A_364 = arith.constant 0 : i32
      %dma_wait3A_365 = tpu.memref_slice %arg7[%dma_wait3A_363, %dma_wait3A_364] : memref<5x80xi32, #tpu.memory_space<vmem>> -> memref<1x80xi32, #tpu.memory_space<vmem>>
      %dma_wait3A_366 = tpu.memref_squeeze %dma_wait3A_365 : memref<1x80xi32, #tpu.memory_space<vmem>> -> memref<80xi32, #tpu.memory_space<vmem>>
      %dma_wait3A_367 = arith.constant 0 : i32
      %dma_wait3A_368 = arith.constant 0 : i32
      %dma_wait3A_369 = tpu.memref_slice %arg2[%dma_wait3A_367, %dma_wait3A_368] : memref<10240x128xf32, #tpu.memory_space<hbm>> -> memref<10240x128xf32, #tpu.memory_space<hbm>>
      tpu.wait_indirect_dma semaphore(%arg13 : memref<!tpu.dma_semaphore, #tpu.memory_space<semaphore_mem>>) src(%dma_wait3A_369 : memref<10240x128xf32, #tpu.memory_space<hbm>>) dst(%arg10 : memref<80x128xf32, #tpu.memory_space<vmem>>)
      %run_scoped3A_370 = arith.constant 3 : i32
      "tpu.region"() ({
        %run_scoped3A_431 = tpu.sem_alloc : memref<!tpu.dma_semaphore, #tpu.memory_space<semaphore_mem>>
        %dma_start3A_432 = arith.constant 0 : i32
        %dma_start3A_433 = tpu.memref_slice %arg9[%run_scoped3A_370, %dma_start3A_432] : memref<5x80xi32, #tpu.memory_space<vmem>> -> memref<1x80xi32, #tpu.memory_space<vmem>>
        %dma_start3A_434 = tpu.memref_squeeze %dma_start3A_433 : memref<1x80xi32, #tpu.memory_space<vmem>> -> memref<80xi32, #tpu.memory_space<vmem>>
        %dma_start3A_435 = arith.constant 0 : i32
        %dma_start3A_436 = arith.constant 0 : i32
        %dma_start3A_437 = tpu.memref_slice %arg12[%dma_start3A_435, %dma_start3A_436] : memref<10240x128xf32, #tpu.memory_space<vmem_shared>> -> memref<10240x128xf32, #tpu.memory_space<vmem_shared>>
        tpu.enqueue_indirect_dma source(%arg10 : memref<80x128xf32, #tpu.memory_space<vmem>>) target(%dma_start3A_437 : memref<10240x128xf32, #tpu.memory_space<vmem_shared>>) offsets(%dma_start3A_434 : memref<80xi32, #tpu.memory_space<vmem>>) semaphore(%run_scoped3A_431 : memref<!tpu.dma_semaphore, #tpu.memory_space<semaphore_mem>>) {add = true}
        %dma_wait3A_438 = arith.constant 0 : i32
        %dma_wait3A_439 = tpu.memref_slice %arg9[%run_scoped3A_370, %dma_wait3A_438] : memref<5x80xi32, #tpu.memory_space<vmem>> -> memref<1x80xi32, #tpu.memory_space<vmem>>
        %dma_wait3A_440 = tpu.memref_squeeze %dma_wait3A_439 : memref<1x80xi32, #tpu.memory_space<vmem>> -> memref<80xi32, #tpu.memory_space<vmem>>
        %dma_wait3A_441 = arith.constant 0 : i32
        %dma_wait3A_442 = arith.constant 0 : i32
        %dma_wait3A_443 = tpu.memref_slice %arg12[%dma_wait3A_441, %dma_wait3A_442] : memref<10240x128xf32, #tpu.memory_space<vmem_shared>> -> memref<10240x128xf32, #tpu.memory_space<vmem_shared>>
        tpu.wait_indirect_dma semaphore(%run_scoped3A_431 : memref<!tpu.dma_semaphore, #tpu.memory_space<semaphore_mem>>) src(%arg10 : memref<80x128xf32, #tpu.memory_space<vmem>>) dst(%dma_wait3A_443 : memref<10240x128xf32, #tpu.memory_space<vmem_shared>>)
        tpu.yield
      }) : () -> ()
      %add3A_371 = arith.constant 2 : i32
      %add3A_372 = arith.addi %mul3A_197, %add3A_371 : i32
      %min3A_373 = arith.minsi %add3A_372, %scan3A_73 : i32
      %dma_wait3A_374 = arith.constant 0 : i32
      %dma_wait3A_375 = arith.constant 0 : i32
      %dma_wait3A_376 = tpu.memref_slice %arg3[%add3A, %min3A_373, %dma_wait3A_374, %dma_wait3A_375] : memref<32x25x5x80xi32, #tpu.memory_space<hbm>> -> memref<1x1x5x80xi32, #tpu.memory_space<hbm>>
      %dma_wait3A_377 = tpu.memref_squeeze %dma_wait3A_376 : memref<1x1x5x80xi32, #tpu.memory_space<hbm>> -> memref<5x80xi32, #tpu.memory_space<hbm>>
      %dma_wait3A_378 = arith.constant 0 : i32
      %dma_wait3A_379 = arith.constant 0 : i32
      %dma_wait3A_380 = tpu.memref_slice %arg3[%add3A, %min3A_373, %dma_wait3A_378, %dma_wait3A_379] : memref<32x25x5x80xi32, #tpu.memory_space<hbm>> -> memref<1x1x5x80xi32, #tpu.memory_space<hbm>>
      %dma_wait3A_381 = tpu.memref_squeeze %dma_wait3A_380 : memref<1x1x5x80xi32, #tpu.memory_space<hbm>> -> memref<5x80xi32, #tpu.memory_space<hbm>>
      tpu.wait_dma2 semaphore(%arg14 : memref<!tpu.dma_semaphore, #tpu.memory_space<semaphore_mem>>) src(%dma_wait3A_381 : memref<5x80xi32, #tpu.memory_space<hbm>>) dst(%arg6 : memref<5x80xi32, #tpu.memory_space<vmem>>)
      %dma_start3A_382 = arith.constant 0 : i32
      %dma_start3A_383 = arith.constant 0 : i32
      %dma_start3A_384 = tpu.memref_slice %arg6[%dma_start3A_382, %dma_start3A_383] : memref<5x80xi32, #tpu.memory_space<vmem>> -> memref<1x80xi32, #tpu.memory_space<vmem>>
      %dma_start3A_385 = tpu.memref_squeeze %dma_start3A_384 : memref<1x80xi32, #tpu.memory_space<vmem>> -> memref<80xi32, #tpu.memory_space<vmem>>
      %dma_start3A_386 = arith.constant 0 : i32
      %dma_start3A_387 = arith.constant 0 : i32
      %dma_start3A_388 = tpu.memref_slice %arg2[%dma_start3A_386, %dma_start3A_387] : memref<10240x128xf32, #tpu.memory_space<hbm>> -> memref<10240x128xf32, #tpu.memory_space<hbm>>
      tpu.enqueue_indirect_dma source(%dma_start3A_388 : memref<10240x128xf32, #tpu.memory_space<hbm>>) target(%arg10 : memref<80x128xf32, #tpu.memory_space<vmem>>) offsets(%dma_start3A_385 : memref<80xi32, #tpu.memory_space<vmem>>) semaphore(%arg13 : memref<!tpu.dma_semaphore, #tpu.memory_space<semaphore_mem>>)
      %dma_wait3A_389 = arith.constant 4 : i32
      %dma_wait3A_390 = arith.constant 0 : i32
      %dma_wait3A_391 = tpu.memref_slice %arg7[%dma_wait3A_389, %dma_wait3A_390] : memref<5x80xi32, #tpu.memory_space<vmem>> -> memref<1x80xi32, #tpu.memory_space<vmem>>
      %dma_wait3A_392 = tpu.memref_squeeze %dma_wait3A_391 : memref<1x80xi32, #tpu.memory_space<vmem>> -> memref<80xi32, #tpu.memory_space<vmem>>
      %dma_wait3A_393 = arith.constant 0 : i32
      %dma_wait3A_394 = arith.constant 0 : i32
      %dma_wait3A_395 = tpu.memref_slice %arg2[%dma_wait3A_393, %dma_wait3A_394] : memref<10240x128xf32, #tpu.memory_space<hbm>> -> memref<10240x128xf32, #tpu.memory_space<hbm>>
      tpu.wait_indirect_dma semaphore(%arg13 : memref<!tpu.dma_semaphore, #tpu.memory_space<semaphore_mem>>) src(%dma_wait3A_395 : memref<10240x128xf32, #tpu.memory_space<hbm>>) dst(%arg11 : memref<80x128xf32, #tpu.memory_space<vmem>>)
      %run_scoped3A_396 = arith.constant 4 : i32
      "tpu.region"() ({
        %run_scoped3A_431 = tpu.sem_alloc : memref<!tpu.dma_semaphore, #tpu.memory_space<semaphore_mem>>
        %dma_start3A_432 = arith.constant 0 : i32
        %dma_start3A_433 = tpu.memref_slice %arg9[%run_scoped3A_396, %dma_start3A_432] : memref<5x80xi32, #tpu.memory_space<vmem>> -> memref<1x80xi32, #tpu.memory_space<vmem>>
        %dma_start3A_434 = tpu.memref_squeeze %dma_start3A_433 : memref<1x80xi32, #tpu.memory_space<vmem>> -> memref<80xi32, #tpu.memory_space<vmem>>
        %dma_start3A_435 = arith.constant 0 : i32
        %dma_start3A_436 = arith.constant 0 : i32
        %dma_start3A_437 = tpu.memref_slice %arg12[%dma_start3A_435, %dma_start3A_436] : memref<10240x128xf32, #tpu.memory_space<vmem_shared>> -> memref<10240x128xf32, #tpu.memory_space<vmem_shared>>
        tpu.enqueue_indirect_dma source(%arg11 : memref<80x128xf32, #tpu.memory_space<vmem>>) target(%dma_start3A_437 : memref<10240x128xf32, #tpu.memory_space<vmem_shared>>) offsets(%dma_start3A_434 : memref<80xi32, #tpu.memory_space<vmem>>) semaphore(%run_scoped3A_431 : memref<!tpu.dma_semaphore, #tpu.memory_space<semaphore_mem>>) {add = true}
        %dma_wait3A_438 = arith.constant 0 : i32
        %dma_wait3A_439 = tpu.memref_slice %arg9[%run_scoped3A_396, %dma_wait3A_438] : memref<5x80xi32, #tpu.memory_space<vmem>> -> memref<1x80xi32, #tpu.memory_space<vmem>>
        %dma_wait3A_440 = tpu.memref_squeeze %dma_wait3A_439 : memref<1x80xi32, #tpu.memory_space<vmem>> -> memref<80xi32, #tpu.memory_space<vmem>>
        %dma_wait3A_441 = arith.constant 0 : i32
        %dma_wait3A_442 = arith.constant 0 : i32
        %dma_wait3A_443 = tpu.memref_slice %arg12[%dma_wait3A_441, %dma_wait3A_442] : memref<10240x128xf32, #tpu.memory_space<vmem_shared>> -> memref<10240x128xf32, #tpu.memory_space<vmem_shared>>
        tpu.wait_indirect_dma semaphore(%run_scoped3A_431 : memref<!tpu.dma_semaphore, #tpu.memory_space<semaphore_mem>>) src(%arg11 : memref<80x128xf32, #tpu.memory_space<vmem>>) dst(%dma_wait3A_443 : memref<10240x128xf32, #tpu.memory_space<vmem_shared>>)
        tpu.yield
      }) : () -> ()
      %add3A_397 = arith.constant 2 : i32
      %add3A_398 = arith.addi %mul3A_197, %add3A_397 : i32
      %min3A_399 = arith.minsi %add3A_398, %scan3A_73 : i32
      %dma_start3A_400 = arith.constant 0 : i32
      %dma_start3A_401 = arith.constant 0 : i32
      %dma_start3A_402 = tpu.memref_slice %arg4[%add3A, %min3A_399, %dma_start3A_400, %dma_start3A_401] : memref<32x25x5x80xi32, #tpu.memory_space<hbm>> -> memref<1x1x5x80xi32, #tpu.memory_space<hbm>>
      %dma_start3A_403 = tpu.memref_squeeze %dma_start3A_402 : memref<1x1x5x80xi32, #tpu.memory_space<hbm>> -> memref<5x80xi32, #tpu.memory_space<hbm>>
      %dma_start3A_404 = arith.constant 0 : i32
      %dma_start3A_405 = arith.constant 0 : i32
      %dma_start3A_406 = tpu.memref_slice %arg4[%add3A, %min3A_399, %dma_start3A_404, %dma_start3A_405] : memref<32x25x5x80xi32, #tpu.memory_space<hbm>> -> memref<1x1x5x80xi32, #tpu.memory_space<hbm>>
      %dma_start3A_407 = tpu.memref_squeeze %dma_start3A_406 : memref<1x1x5x80xi32, #tpu.memory_space<hbm>> -> memref<5x80xi32, #tpu.memory_space<hbm>>
      tpu.enqueue_dma source(%dma_start3A_407 : memref<5x80xi32, #tpu.memory_space<hbm>>) target(%arg8 : memref<5x80xi32, #tpu.memory_space<vmem>>) target_semaphore(%arg15 : memref<!tpu.dma_semaphore, #tpu.memory_space<semaphore_mem>>)
      %add3A_408 = arith.constant 3 : i32
      %add3A_409 = arith.addi %mul3A_197, %add3A_408 : i32
      %min3A_410 = arith.minsi %add3A_409, %scan3A_73 : i32
      %dma_start3A_411 = arith.constant 0 : i32
      %dma_start3A_412 = arith.constant 0 : i32
      %dma_start3A_413 = tpu.memref_slice %arg3[%add3A, %min3A_410, %dma_start3A_411, %dma_start3A_412] : memref<32x25x5x80xi32, #tpu.memory_space<hbm>> -> memref<1x1x5x80xi32, #tpu.memory_space<hbm>>
      %dma_start3A_414 = tpu.memref_squeeze %dma_start3A_413 : memref<1x1x5x80xi32, #tpu.memory_space<hbm>> -> memref<5x80xi32, #tpu.memory_space<hbm>>
      %dma_start3A_415 = arith.constant 0 : i32
      %dma_start3A_416 = arith.constant 0 : i32
      %dma_start3A_417 = tpu.memref_slice %arg3[%add3A, %min3A_410, %dma_start3A_415, %dma_start3A_416] : memref<32x25x5x80xi32, #tpu.memory_space<hbm>> -> memref<1x1x5x80xi32, #tpu.memory_space<hbm>>
      %dma_start3A_418 = tpu.memref_squeeze %dma_start3A_417 : memref<1x1x5x80xi32, #tpu.memory_space<hbm>> -> memref<5x80xi32, #tpu.memory_space<hbm>>
      tpu.enqueue_dma source(%dma_start3A_418 : memref<5x80xi32, #tpu.memory_space<hbm>>) target(%arg7 : memref<5x80xi32, #tpu.memory_space<vmem>>) target_semaphore(%arg14 : memref<!tpu.dma_semaphore, #tpu.memory_space<semaphore_mem>>)
      %add3A_419 = arith.constant 3 : i32
      %add3A_420 = arith.addi %mul3A_197, %add3A_419 : i32
      %min3A_421 = arith.minsi %add3A_420, %scan3A_73 : i32
      %dma_start3A_422 = arith.constant 0 : i32
      %dma_start3A_423 = arith.constant 0 : i32
      %dma_start3A_424 = tpu.memref_slice %arg4[%add3A, %min3A_421, %dma_start3A_422, %dma_start3A_423] : memref<32x25x5x80xi32, #tpu.memory_space<hbm>> -> memref<1x1x5x80xi32, #tpu.memory_space<hbm>>
      %dma_start3A_425 = tpu.memref_squeeze %dma_start3A_424 : memref<1x1x5x80xi32, #tpu.memory_space<hbm>> -> memref<5x80xi32, #tpu.memory_space<hbm>>
      %dma_start3A_426 = arith.constant 0 : i32
      %dma_start3A_427 = arith.constant 0 : i32
      %dma_start3A_428 = tpu.memref_slice %arg4[%add3A, %min3A_421, %dma_start3A_426, %dma_start3A_427] : memref<32x25x5x80xi32, #tpu.memory_space<hbm>> -> memref<1x1x5x80xi32, #tpu.memory_space<hbm>>
      %dma_start3A_429 = tpu.memref_squeeze %dma_start3A_428 : memref<1x1x5x80xi32, #tpu.memory_space<hbm>> -> memref<5x80xi32, #tpu.memory_space<hbm>>
      tpu.enqueue_dma source(%dma_start3A_429 : memref<5x80xi32, #tpu.memory_space<hbm>>) target(%arg9 : memref<5x80xi32, #tpu.memory_space<vmem>>) target_semaphore(%arg15 : memref<!tpu.dma_semaphore, #tpu.memory_space<semaphore_mem>>)
      %scan3A_430 = arith.constant 0 : i32
      scf.yield %scan3A_430 : i32
    }
    %scan3A_80 = arith.constant 12 : i32
    %dma_wait3A = arith.constant 24 : i32
    %dma_wait3A_81 = arith.constant 0 : i32
    %dma_wait3A_82 = arith.constant 0 : i32
    %dma_wait3A_83 = tpu.memref_slice %arg4[%add3A, %dma_wait3A, %dma_wait3A_81, %dma_wait3A_82] : memref<32x25x5x80xi32, #tpu.memory_space<hbm>> -> memref<1x1x5x80xi32, #tpu.memory_space<hbm>>
    %dma_wait3A_84 = tpu.memref_squeeze %dma_wait3A_83 : memref<1x1x5x80xi32, #tpu.memory_space<hbm>> -> memref<5x80xi32, #tpu.memory_space<hbm>>
    %dma_wait3A_85 = arith.constant 0 : i32
    %dma_wait3A_86 = arith.constant 0 : i32
    %dma_wait3A_87 = tpu.memref_slice %arg4[%add3A, %dma_wait3A, %dma_wait3A_85, %dma_wait3A_86] : memref<32x25x5x80xi32, #tpu.memory_space<hbm>> -> memref<1x1x5x80xi32, #tpu.memory_space<hbm>>
    %dma_wait3A_88 = tpu.memref_squeeze %dma_wait3A_87 : memref<1x1x5x80xi32, #tpu.memory_space<hbm>> -> memref<5x80xi32, #tpu.memory_space<hbm>>
    tpu.wait_dma2 semaphore(%arg15 : memref<!tpu.dma_semaphore, #tpu.memory_space<semaphore_mem>>) src(%dma_wait3A_88 : memref<5x80xi32, #tpu.memory_space<hbm>>) dst(%arg8 : memref<5x80xi32, #tpu.memory_space<vmem>>)
    %dma_start3A_89 = arith.constant 1 : i32
    %dma_start3A_90 = arith.constant 0 : i32
    %dma_start3A_91 = tpu.memref_slice %arg6[%dma_start3A_89, %dma_start3A_90] : memref<5x80xi32, #tpu.memory_space<vmem>> -> memref<1x80xi32, #tpu.memory_space<vmem>>
    %dma_start3A_92 = tpu.memref_squeeze %dma_start3A_91 : memref<1x80xi32, #tpu.memory_space<vmem>> -> memref<80xi32, #tpu.memory_space<vmem>>
    %dma_start3A_93 = arith.constant 0 : i32
    %dma_start3A_94 = arith.constant 0 : i32
    %dma_start3A_95 = tpu.memref_slice %arg2[%dma_start3A_93, %dma_start3A_94] : memref<10240x128xf32, #tpu.memory_space<hbm>> -> memref<10240x128xf32, #tpu.memory_space<hbm>>
    tpu.enqueue_indirect_dma source(%dma_start3A_95 : memref<10240x128xf32, #tpu.memory_space<hbm>>) target(%arg11 : memref<80x128xf32, #tpu.memory_space<vmem>>) offsets(%dma_start3A_92 : memref<80xi32, #tpu.memory_space<vmem>>) semaphore(%arg13 : memref<!tpu.dma_semaphore, #tpu.memory_space<semaphore_mem>>)
    %dma_wait3A_96 = arith.constant 0 : i32
    %dma_wait3A_97 = arith.constant 0 : i32
    %dma_wait3A_98 = tpu.memref_slice %arg6[%dma_wait3A_96, %dma_wait3A_97] : memref<5x80xi32, #tpu.memory_space<vmem>> -> memref<1x80xi32, #tpu.memory_space<vmem>>
    %dma_wait3A_99 = tpu.memref_squeeze %dma_wait3A_98 : memref<1x80xi32, #tpu.memory_space<vmem>> -> memref<80xi32, #tpu.memory_space<vmem>>
    %dma_wait3A_100 = arith.constant 0 : i32
    %dma_wait3A_101 = arith.constant 0 : i32
    %dma_wait3A_102 = tpu.memref_slice %arg2[%dma_wait3A_100, %dma_wait3A_101] : memref<10240x128xf32, #tpu.memory_space<hbm>> -> memref<10240x128xf32, #tpu.memory_space<hbm>>
    tpu.wait_indirect_dma semaphore(%arg13 : memref<!tpu.dma_semaphore, #tpu.memory_space<semaphore_mem>>) src(%dma_wait3A_102 : memref<10240x128xf32, #tpu.memory_space<hbm>>) dst(%arg10 : memref<80x128xf32, #tpu.memory_space<vmem>>)
    %run_scoped3A_103 = arith.constant 0 : i32
    "tpu.region"() ({
      %run_scoped3A_194 = tpu.sem_alloc : memref<!tpu.dma_semaphore, #tpu.memory_space<semaphore_mem>>
      %dma_start3A_195 = arith.constant 0 : i32
      %dma_start3A_196 = tpu.memref_slice %arg8[%run_scoped3A_103, %dma_start3A_195] : memref<5x80xi32, #tpu.memory_space<vmem>> -> memref<1x80xi32, #tpu.memory_space<vmem>>
      %dma_start3A_197 = tpu.memref_squeeze %dma_start3A_196 : memref<1x80xi32, #tpu.memory_space<vmem>> -> memref<80xi32, #tpu.memory_space<vmem>>
      %dma_start3A_198 = arith.constant 0 : i32
      %dma_start3A_199 = arith.constant 0 : i32
      %dma_start3A_200 = tpu.memref_slice %arg12[%dma_start3A_198, %dma_start3A_199] : memref<10240x128xf32, #tpu.memory_space<vmem_shared>> -> memref<10240x128xf32, #tpu.memory_space<vmem_shared>>
      tpu.enqueue_indirect_dma source(%arg10 : memref<80x128xf32, #tpu.memory_space<vmem>>) target(%dma_start3A_200 : memref<10240x128xf32, #tpu.memory_space<vmem_shared>>) offsets(%dma_start3A_197 : memref<80xi32, #tpu.memory_space<vmem>>) semaphore(%run_scoped3A_194 : memref<!tpu.dma_semaphore, #tpu.memory_space<semaphore_mem>>) {add = true}
      %dma_wait3A_201 = arith.constant 0 : i32
      %dma_wait3A_202 = tpu.memref_slice %arg8[%run_scoped3A_103, %dma_wait3A_201] : memref<5x80xi32, #tpu.memory_space<vmem>> -> memref<1x80xi32, #tpu.memory_space<vmem>>
      %dma_wait3A_203 = tpu.memref_squeeze %dma_wait3A_202 : memref<1x80xi32, #tpu.memory_space<vmem>> -> memref<80xi32, #tpu.memory_space<vmem>>
      %dma_wait3A_204 = arith.constant 0 : i32
      %dma_wait3A_205 = arith.constant 0 : i32
      %dma_wait3A_206 = tpu.memref_slice %arg12[%dma_wait3A_204, %dma_wait3A_205] : memref<10240x128xf32, #tpu.memory_space<vmem_shared>> -> memref<10240x128xf32, #tpu.memory_space<vmem_shared>>
      tpu.wait_indirect_dma semaphore(%run_scoped3A_194 : memref<!tpu.dma_semaphore, #tpu.memory_space<semaphore_mem>>) src(%arg10 : memref<80x128xf32, #tpu.memory_space<vmem>>) dst(%dma_wait3A_206 : memref<10240x128xf32, #tpu.memory_space<vmem_shared>>)
      tpu.yield
    }) : () -> ()
    %dma_start3A_104 = arith.constant 2 : i32
    %dma_start3A_105 = arith.constant 0 : i32
    %dma_start3A_106 = tpu.memref_slice %arg6[%dma_start3A_104, %dma_start3A_105] : memref<5x80xi32, #tpu.memory_space<vmem>> -> memref<1x80xi32, #tpu.memory_space<vmem>>
    %dma_start3A_107 = tpu.memref_squeeze %dma_start3A_106 : memref<1x80xi32, #tpu.memory_space<vmem>> -> memref<80xi32, #tpu.memory_space<vmem>>
    %dma_start3A_108 = arith.constant 0 : i32
    %dma_start3A_109 = arith.constant 0 : i32
    %dma_start3A_110 = tpu.memref_slice %arg2[%dma_start3A_108, %dma_start3A_109] : memref<10240x128xf32, #tpu.memory_space<hbm>> -> memref<10240x128xf32, #tpu.memory_space<hbm>>
    tpu.enqueue_indirect_dma source(%dma_start3A_110 : memref<10240x128xf32, #tpu.memory_space<hbm>>) target(%arg10 : memref<80x128xf32, #tpu.memory_space<vmem>>) offsets(%dma_start3A_107 : memref<80xi32, #tpu.memory_space<vmem>>) semaphore(%arg13 : memref<!tpu.dma_semaphore, #tpu.memory_space<semaphore_mem>>)
    %dma_wait3A_111 = arith.constant 1 : i32
    %dma_wait3A_112 = arith.constant 0 : i32
    %dma_wait3A_113 = tpu.memref_slice %arg6[%dma_wait3A_111, %dma_wait3A_112] : memref<5x80xi32, #tpu.memory_space<vmem>> -> memref<1x80xi32, #tpu.memory_space<vmem>>
    %dma_wait3A_114 = tpu.memref_squeeze %dma_wait3A_113 : memref<1x80xi32, #tpu.memory_space<vmem>> -> memref<80xi32, #tpu.memory_space<vmem>>
    %dma_wait3A_115 = arith.constant 0 : i32
    %dma_wait3A_116 = arith.constant 0 : i32
    %dma_wait3A_117 = tpu.memref_slice %arg2[%dma_wait3A_115, %dma_wait3A_116] : memref<10240x128xf32, #tpu.memory_space<hbm>> -> memref<10240x128xf32, #tpu.memory_space<hbm>>
    tpu.wait_indirect_dma semaphore(%arg13 : memref<!tpu.dma_semaphore, #tpu.memory_space<semaphore_mem>>) src(%dma_wait3A_117 : memref<10240x128xf32, #tpu.memory_space<hbm>>) dst(%arg11 : memref<80x128xf32, #tpu.memory_space<vmem>>)
    %run_scoped3A_118 = arith.constant 1 : i32
    "tpu.region"() ({
      %run_scoped3A_194 = tpu.sem_alloc : memref<!tpu.dma_semaphore, #tpu.memory_space<semaphore_mem>>
      %dma_start3A_195 = arith.constant 0 : i32
      %dma_start3A_196 = tpu.memref_slice %arg8[%run_scoped3A_118, %dma_start3A_195] : memref<5x80xi32, #tpu.memory_space<vmem>> -> memref<1x80xi32, #tpu.memory_space<vmem>>
      %dma_start3A_197 = tpu.memref_squeeze %dma_start3A_196 : memref<1x80xi32, #tpu.memory_space<vmem>> -> memref<80xi32, #tpu.memory_space<vmem>>
      %dma_start3A_198 = arith.constant 0 : i32
      %dma_start3A_199 = arith.constant 0 : i32
      %dma_start3A_200 = tpu.memref_slice %arg12[%dma_start3A_198, %dma_start3A_199] : memref<10240x128xf32, #tpu.memory_space<vmem_shared>> -> memref<10240x128xf32, #tpu.memory_space<vmem_shared>>
      tpu.enqueue_indirect_dma source(%arg11 : memref<80x128xf32, #tpu.memory_space<vmem>>) target(%dma_start3A_200 : memref<10240x128xf32, #tpu.memory_space<vmem_shared>>) offsets(%dma_start3A_197 : memref<80xi32, #tpu.memory_space<vmem>>) semaphore(%run_scoped3A_194 : memref<!tpu.dma_semaphore, #tpu.memory_space<semaphore_mem>>) {add = true}
      %dma_wait3A_201 = arith.constant 0 : i32
      %dma_wait3A_202 = tpu.memref_slice %arg8[%run_scoped3A_118, %dma_wait3A_201] : memref<5x80xi32, #tpu.memory_space<vmem>> -> memref<1x80xi32, #tpu.memory_space<vmem>>
      %dma_wait3A_203 = tpu.memref_squeeze %dma_wait3A_202 : memref<1x80xi32, #tpu.memory_space<vmem>> -> memref<80xi32, #tpu.memory_space<vmem>>
      %dma_wait3A_204 = arith.constant 0 : i32
      %dma_wait3A_205 = arith.constant 0 : i32
      %dma_wait3A_206 = tpu.memref_slice %arg12[%dma_wait3A_204, %dma_wait3A_205] : memref<10240x128xf32, #tpu.memory_space<vmem_shared>> -> memref<10240x128xf32, #tpu.memory_space<vmem_shared>>
      tpu.wait_indirect_dma semaphore(%run_scoped3A_194 : memref<!tpu.dma_semaphore, #tpu.memory_space<semaphore_mem>>) src(%arg11 : memref<80x128xf32, #tpu.memory_space<vmem>>) dst(%dma_wait3A_206 : memref<10240x128xf32, #tpu.memory_space<vmem_shared>>)
      tpu.yield
    }) : () -> ()
    %dma_start3A_119 = arith.constant 3 : i32
    %dma_start3A_120 = arith.constant 0 : i32
    %dma_start3A_121 = tpu.memref_slice %arg6[%dma_start3A_119, %dma_start3A_120] : memref<5x80xi32, #tpu.memory_space<vmem>> -> memref<1x80xi32, #tpu.memory_space<vmem>>
    %dma_start3A_122 = tpu.memref_squeeze %dma_start3A_121 : memref<1x80xi32, #tpu.memory_space<vmem>> -> memref<80xi32, #tpu.memory_space<vmem>>
    %dma_start3A_123 = arith.constant 0 : i32
    %dma_start3A_124 = arith.constant 0 : i32
    %dma_start3A_125 = tpu.memref_slice %arg2[%dma_start3A_123, %dma_start3A_124] : memref<10240x128xf32, #tpu.memory_space<hbm>> -> memref<10240x128xf32, #tpu.memory_space<hbm>>
    tpu.enqueue_indirect_dma source(%dma_start3A_125 : memref<10240x128xf32, #tpu.memory_space<hbm>>) target(%arg11 : memref<80x128xf32, #tpu.memory_space<vmem>>) offsets(%dma_start3A_122 : memref<80xi32, #tpu.memory_space<vmem>>) semaphore(%arg13 : memref<!tpu.dma_semaphore, #tpu.memory_space<semaphore_mem>>)
    %dma_wait3A_126 = arith.constant 2 : i32
    %dma_wait3A_127 = arith.constant 0 : i32
    %dma_wait3A_128 = tpu.memref_slice %arg6[%dma_wait3A_126, %dma_wait3A_127] : memref<5x80xi32, #tpu.memory_space<vmem>> -> memref<1x80xi32, #tpu.memory_space<vmem>>
    %dma_wait3A_129 = tpu.memref_squeeze %dma_wait3A_128 : memref<1x80xi32, #tpu.memory_space<vmem>> -> memref<80xi32, #tpu.memory_space<vmem>>
    %dma_wait3A_130 = arith.constant 0 : i32
    %dma_wait3A_131 = arith.constant 0 : i32
    %dma_wait3A_132 = tpu.memref_slice %arg2[%dma_wait3A_130, %dma_wait3A_131] : memref<10240x128xf32, #tpu.memory_space<hbm>> -> memref<10240x128xf32, #tpu.memory_space<hbm>>
    tpu.wait_indirect_dma semaphore(%arg13 : memref<!tpu.dma_semaphore, #tpu.memory_space<semaphore_mem>>) src(%dma_wait3A_132 : memref<10240x128xf32, #tpu.memory_space<hbm>>) dst(%arg10 : memref<80x128xf32, #tpu.memory_space<vmem>>)
    %run_scoped3A_133 = arith.constant 2 : i32
    "tpu.region"() ({
      %run_scoped3A_194 = tpu.sem_alloc : memref<!tpu.dma_semaphore, #tpu.memory_space<semaphore_mem>>
      %dma_start3A_195 = arith.constant 0 : i32
      %dma_start3A_196 = tpu.memref_slice %arg8[%run_scoped3A_133, %dma_start3A_195] : memref<5x80xi32, #tpu.memory_space<vmem>> -> memref<1x80xi32, #tpu.memory_space<vmem>>
      %dma_start3A_197 = tpu.memref_squeeze %dma_start3A_196 : memref<1x80xi32, #tpu.memory_space<vmem>> -> memref<80xi32, #tpu.memory_space<vmem>>
      %dma_start3A_198 = arith.constant 0 : i32
      %dma_start3A_199 = arith.constant 0 : i32
      %dma_start3A_200 = tpu.memref_slice %arg12[%dma_start3A_198, %dma_start3A_199] : memref<10240x128xf32, #tpu.memory_space<vmem_shared>> -> memref<10240x128xf32, #tpu.memory_space<vmem_shared>>
      tpu.enqueue_indirect_dma source(%arg10 : memref<80x128xf32, #tpu.memory_space<vmem>>) target(%dma_start3A_200 : memref<10240x128xf32, #tpu.memory_space<vmem_shared>>) offsets(%dma_start3A_197 : memref<80xi32, #tpu.memory_space<vmem>>) semaphore(%run_scoped3A_194 : memref<!tpu.dma_semaphore, #tpu.memory_space<semaphore_mem>>) {add = true}
      %dma_wait3A_201 = arith.constant 0 : i32
      %dma_wait3A_202 = tpu.memref_slice %arg8[%run_scoped3A_133, %dma_wait3A_201] : memref<5x80xi32, #tpu.memory_space<vmem>> -> memref<1x80xi32, #tpu.memory_space<vmem>>
      %dma_wait3A_203 = tpu.memref_squeeze %dma_wait3A_202 : memref<1x80xi32, #tpu.memory_space<vmem>> -> memref<80xi32, #tpu.memory_space<vmem>>
      %dma_wait3A_204 = arith.constant 0 : i32
      %dma_wait3A_205 = arith.constant 0 : i32
      %dma_wait3A_206 = tpu.memref_slice %arg12[%dma_wait3A_204, %dma_wait3A_205] : memref<10240x128xf32, #tpu.memory_space<vmem_shared>> -> memref<10240x128xf32, #tpu.memory_space<vmem_shared>>
      tpu.wait_indirect_dma semaphore(%run_scoped3A_194 : memref<!tpu.dma_semaphore, #tpu.memory_space<semaphore_mem>>) src(%arg10 : memref<80x128xf32, #tpu.memory_space<vmem>>) dst(%dma_wait3A_206 : memref<10240x128xf32, #tpu.memory_space<vmem_shared>>)
      tpu.yield
    }) : () -> ()
    %dma_start3A_134 = arith.constant 4 : i32
    %dma_start3A_135 = arith.constant 0 : i32
    %dma_start3A_136 = tpu.memref_slice %arg6[%dma_start3A_134, %dma_start3A_135] : memref<5x80xi32, #tpu.memory_space<vmem>> -> memref<1x80xi32, #tpu.memory_space<vmem>>
    %dma_start3A_137 = tpu.memref_squeeze %dma_start3A_136 : memref<1x80xi32, #tpu.memory_space<vmem>> -> memref<80xi32, #tpu.memory_space<vmem>>
    %dma_start3A_138 = arith.constant 0 : i32
    %dma_start3A_139 = arith.constant 0 : i32
    %dma_start3A_140 = tpu.memref_slice %arg2[%dma_start3A_138, %dma_start3A_139] : memref<10240x128xf32, #tpu.memory_space<hbm>> -> memref<10240x128xf32, #tpu.memory_space<hbm>>
    tpu.enqueue_indirect_dma source(%dma_start3A_140 : memref<10240x128xf32, #tpu.memory_space<hbm>>) target(%arg10 : memref<80x128xf32, #tpu.memory_space<vmem>>) offsets(%dma_start3A_137 : memref<80xi32, #tpu.memory_space<vmem>>) semaphore(%arg13 : memref<!tpu.dma_semaphore, #tpu.memory_space<semaphore_mem>>)
    %dma_wait3A_141 = arith.constant 3 : i32
    %dma_wait3A_142 = arith.constant 0 : i32
    %dma_wait3A_143 = tpu.memref_slice %arg6[%dma_wait3A_141, %dma_wait3A_142] : memref<5x80xi32, #tpu.memory_space<vmem>> -> memref<1x80xi32, #tpu.memory_space<vmem>>
    %dma_wait3A_144 = tpu.memref_squeeze %dma_wait3A_143 : memref<1x80xi32, #tpu.memory_space<vmem>> -> memref<80xi32, #tpu.memory_space<vmem>>
    %dma_wait3A_145 = arith.constant 0 : i32
    %dma_wait3A_146 = arith.constant 0 : i32
    %dma_wait3A_147 = tpu.memref_slice %arg2[%dma_wait3A_145, %dma_wait3A_146] : memref<10240x128xf32, #tpu.memory_space<hbm>> -> memref<10240x128xf32, #tpu.memory_space<hbm>>
    tpu.wait_indirect_dma semaphore(%arg13 : memref<!tpu.dma_semaphore, #tpu.memory_space<semaphore_mem>>) src(%dma_wait3A_147 : memref<10240x128xf32, #tpu.memory_space<hbm>>) dst(%arg11 : memref<80x128xf32, #tpu.memory_space<vmem>>)
    %run_scoped3A_148 = arith.constant 3 : i32
    "tpu.region"() ({
      %run_scoped3A_194 = tpu.sem_alloc : memref<!tpu.dma_semaphore, #tpu.memory_space<semaphore_mem>>
      %dma_start3A_195 = arith.constant 0 : i32
      %dma_start3A_196 = tpu.memref_slice %arg8[%run_scoped3A_148, %dma_start3A_195] : memref<5x80xi32, #tpu.memory_space<vmem>> -> memref<1x80xi32, #tpu.memory_space<vmem>>
      %dma_start3A_197 = tpu.memref_squeeze %dma_start3A_196 : memref<1x80xi32, #tpu.memory_space<vmem>> -> memref<80xi32, #tpu.memory_space<vmem>>
      %dma_start3A_198 = arith.constant 0 : i32
      %dma_start3A_199 = arith.constant 0 : i32
      %dma_start3A_200 = tpu.memref_slice %arg12[%dma_start3A_198, %dma_start3A_199] : memref<10240x128xf32, #tpu.memory_space<vmem_shared>> -> memref<10240x128xf32, #tpu.memory_space<vmem_shared>>
      tpu.enqueue_indirect_dma source(%arg11 : memref<80x128xf32, #tpu.memory_space<vmem>>) target(%dma_start3A_200 : memref<10240x128xf32, #tpu.memory_space<vmem_shared>>) offsets(%dma_start3A_197 : memref<80xi32, #tpu.memory_space<vmem>>) semaphore(%run_scoped3A_194 : memref<!tpu.dma_semaphore, #tpu.memory_space<semaphore_mem>>) {add = true}
      %dma_wait3A_201 = arith.constant 0 : i32
      %dma_wait3A_202 = tpu.memref_slice %arg8[%run_scoped3A_148, %dma_wait3A_201] : memref<5x80xi32, #tpu.memory_space<vmem>> -> memref<1x80xi32, #tpu.memory_space<vmem>>
      %dma_wait3A_203 = tpu.memref_squeeze %dma_wait3A_202 : memref<1x80xi32, #tpu.memory_space<vmem>> -> memref<80xi32, #tpu.memory_space<vmem>>
      %dma_wait3A_204 = arith.constant 0 : i32
      %dma_wait3A_205 = arith.constant 0 : i32
      %dma_wait3A_206 = tpu.memref_slice %arg12[%dma_wait3A_204, %dma_wait3A_205] : memref<10240x128xf32, #tpu.memory_space<vmem_shared>> -> memref<10240x128xf32, #tpu.memory_space<vmem_shared>>
      tpu.wait_indirect_dma semaphore(%run_scoped3A_194 : memref<!tpu.dma_semaphore, #tpu.memory_space<semaphore_mem>>) src(%arg11 : memref<80x128xf32, #tpu.memory_space<vmem>>) dst(%dma_wait3A_206 : memref<10240x128xf32, #tpu.memory_space<vmem_shared>>)
      tpu.yield
    }) : () -> ()
    %dma_start3A_149 = arith.constant 4 : i32
    %dma_start3A_150 = arith.constant 0 : i32
    %dma_start3A_151 = tpu.memref_slice %arg6[%dma_start3A_149, %dma_start3A_150] : memref<5x80xi32, #tpu.memory_space<vmem>> -> memref<1x80xi32, #tpu.memory_space<vmem>>
    %dma_start3A_152 = tpu.memref_squeeze %dma_start3A_151 : memref<1x80xi32, #tpu.memory_space<vmem>> -> memref<80xi32, #tpu.memory_space<vmem>>
    %dma_start3A_153 = arith.constant 0 : i32
    %dma_start3A_154 = arith.constant 0 : i32
    %dma_start3A_155 = tpu.memref_slice %arg2[%dma_start3A_153, %dma_start3A_154] : memref<10240x128xf32, #tpu.memory_space<hbm>> -> memref<10240x128xf32, #tpu.memory_space<hbm>>
    tpu.enqueue_indirect_dma source(%dma_start3A_155 : memref<10240x128xf32, #tpu.memory_space<hbm>>) target(%arg11 : memref<80x128xf32, #tpu.memory_space<vmem>>) offsets(%dma_start3A_152 : memref<80xi32, #tpu.memory_space<vmem>>) semaphore(%arg13 : memref<!tpu.dma_semaphore, #tpu.memory_space<semaphore_mem>>)
    %dma_wait3A_156 = arith.constant 4 : i32
    %dma_wait3A_157 = arith.constant 0 : i32
    %dma_wait3A_158 = tpu.memref_slice %arg6[%dma_wait3A_156, %dma_wait3A_157] : memref<5x80xi32, #tpu.memory_space<vmem>> -> memref<1x80xi32, #tpu.memory_space<vmem>>
    %dma_wait3A_159 = tpu.memref_squeeze %dma_wait3A_158 : memref<1x80xi32, #tpu.memory_space<vmem>> -> memref<80xi32, #tpu.memory_space<vmem>>
    %dma_wait3A_160 = arith.constant 0 : i32
    %dma_wait3A_161 = arith.constant 0 : i32
    %dma_wait3A_162 = tpu.memref_slice %arg2[%dma_wait3A_160, %dma_wait3A_161] : memref<10240x128xf32, #tpu.memory_space<hbm>> -> memref<10240x128xf32, #tpu.memory_space<hbm>>
    tpu.wait_indirect_dma semaphore(%arg13 : memref<!tpu.dma_semaphore, #tpu.memory_space<semaphore_mem>>) src(%dma_wait3A_162 : memref<10240x128xf32, #tpu.memory_space<hbm>>) dst(%arg10 : memref<80x128xf32, #tpu.memory_space<vmem>>)
    %run_scoped3A_163 = arith.constant 4 : i32
    "tpu.region"() ({
      %run_scoped3A_194 = tpu.sem_alloc : memref<!tpu.dma_semaphore, #tpu.memory_space<semaphore_mem>>
      %dma_start3A_195 = arith.constant 0 : i32
      %dma_start3A_196 = tpu.memref_slice %arg8[%run_scoped3A_163, %dma_start3A_195] : memref<5x80xi32, #tpu.memory_space<vmem>> -> memref<1x80xi32, #tpu.memory_space<vmem>>
      %dma_start3A_197 = tpu.memref_squeeze %dma_start3A_196 : memref<1x80xi32, #tpu.memory_space<vmem>> -> memref<80xi32, #tpu.memory_space<vmem>>
      %dma_start3A_198 = arith.constant 0 : i32
      %dma_start3A_199 = arith.constant 0 : i32
      %dma_start3A_200 = tpu.memref_slice %arg12[%dma_start3A_198, %dma_start3A_199] : memref<10240x128xf32, #tpu.memory_space<vmem_shared>> -> memref<10240x128xf32, #tpu.memory_space<vmem_shared>>
      tpu.enqueue_indirect_dma source(%arg10 : memref<80x128xf32, #tpu.memory_space<vmem>>) target(%dma_start3A_200 : memref<10240x128xf32, #tpu.memory_space<vmem_shared>>) offsets(%dma_start3A_197 : memref<80xi32, #tpu.memory_space<vmem>>) semaphore(%run_scoped3A_194 : memref<!tpu.dma_semaphore, #tpu.memory_space<semaphore_mem>>) {add = true}
      %dma_wait3A_201 = arith.constant 0 : i32
      %dma_wait3A_202 = tpu.memref_slice %arg8[%run_scoped3A_163, %dma_wait3A_201] : memref<5x80xi32, #tpu.memory_space<vmem>> -> memref<1x80xi32, #tpu.memory_space<vmem>>
      %dma_wait3A_203 = tpu.memref_squeeze %dma_wait3A_202 : memref<1x80xi32, #tpu.memory_space<vmem>> -> memref<80xi32, #tpu.memory_space<vmem>>
      %dma_wait3A_204 = arith.constant 0 : i32
      %dma_wait3A_205 = arith.constant 0 : i32
      %dma_wait3A_206 = tpu.memref_slice %arg12[%dma_wait3A_204, %dma_wait3A_205] : memref<10240x128xf32, #tpu.memory_space<vmem_shared>> -> memref<10240x128xf32, #tpu.memory_space<vmem_shared>>
      tpu.wait_indirect_dma semaphore(%run_scoped3A_194 : memref<!tpu.dma_semaphore, #tpu.memory_space<semaphore_mem>>) src(%arg10 : memref<80x128xf32, #tpu.memory_space<vmem>>) dst(%dma_wait3A_206 : memref<10240x128xf32, #tpu.memory_space<vmem_shared>>)
      tpu.yield
    }) : () -> ()
    %dma_wait3A_164 = arith.constant 4 : i32
    %dma_wait3A_165 = arith.constant 0 : i32
    %dma_wait3A_166 = tpu.memref_slice %arg6[%dma_wait3A_164, %dma_wait3A_165] : memref<5x80xi32, #tpu.memory_space<vmem>> -> memref<1x80xi32, #tpu.memory_space<vmem>>
    %dma_wait3A_167 = tpu.memref_squeeze %dma_wait3A_166 : memref<1x80xi32, #tpu.memory_space<vmem>> -> memref<80xi32, #tpu.memory_space<vmem>>
    %dma_wait3A_168 = arith.constant 0 : i32
    %dma_wait3A_169 = arith.constant 0 : i32
    %dma_wait3A_170 = tpu.memref_slice %arg2[%dma_wait3A_168, %dma_wait3A_169] : memref<10240x128xf32, #tpu.memory_space<hbm>> -> memref<10240x128xf32, #tpu.memory_space<hbm>>
    tpu.wait_indirect_dma semaphore(%arg13 : memref<!tpu.dma_semaphore, #tpu.memory_space<semaphore_mem>>) src(%dma_wait3A_170 : memref<10240x128xf32, #tpu.memory_space<hbm>>) dst(%arg11 : memref<80x128xf32, #tpu.memory_space<vmem>>)
    %dma_wait3A_171 = arith.constant 24 : i32
    %dma_wait3A_172 = arith.constant 0 : i32
    %dma_wait3A_173 = arith.constant 0 : i32
    %dma_wait3A_174 = tpu.memref_slice %arg3[%add3A, %dma_wait3A_171, %dma_wait3A_172, %dma_wait3A_173] : memref<32x25x5x80xi32, #tpu.memory_space<hbm>> -> memref<1x1x5x80xi32, #tpu.memory_space<hbm>>
    %dma_wait3A_175 = tpu.memref_squeeze %dma_wait3A_174 : memref<1x1x5x80xi32, #tpu.memory_space<hbm>> -> memref<5x80xi32, #tpu.memory_space<hbm>>
    %dma_wait3A_176 = arith.constant 0 : i32
    %dma_wait3A_177 = arith.constant 0 : i32
    %dma_wait3A_178 = tpu.memref_slice %arg3[%add3A, %dma_wait3A_171, %dma_wait3A_176, %dma_wait3A_177] : memref<32x25x5x80xi32, #tpu.memory_space<hbm>> -> memref<1x1x5x80xi32, #tpu.memory_space<hbm>>
    %dma_wait3A_179 = tpu.memref_squeeze %dma_wait3A_178 : memref<1x1x5x80xi32, #tpu.memory_space<hbm>> -> memref<5x80xi32, #tpu.memory_space<hbm>>
    tpu.wait_dma2 semaphore(%arg14 : memref<!tpu.dma_semaphore, #tpu.memory_space<semaphore_mem>>) src(%dma_wait3A_179 : memref<5x80xi32, #tpu.memory_space<hbm>>) dst(%arg7 : memref<5x80xi32, #tpu.memory_space<vmem>>)
    %dma_wait3A_180 = arith.constant 24 : i32
    %dma_wait3A_181 = arith.constant 0 : i32
    %dma_wait3A_182 = arith.constant 0 : i32
    %dma_wait3A_183 = tpu.memref_slice %arg4[%add3A, %dma_wait3A_180, %dma_wait3A_181, %dma_wait3A_182] : memref<32x25x5x80xi32, #tpu.memory_space<hbm>> -> memref<1x1x5x80xi32, #tpu.memory_space<hbm>>
    %dma_wait3A_184 = tpu.memref_squeeze %dma_wait3A_183 : memref<1x1x5x80xi32, #tpu.memory_space<hbm>> -> memref<5x80xi32, #tpu.memory_space<hbm>>
    %dma_wait3A_185 = arith.constant 0 : i32
    %dma_wait3A_186 = arith.constant 0 : i32
    %dma_wait3A_187 = tpu.memref_slice %arg4[%add3A, %dma_wait3A_180, %dma_wait3A_185, %dma_wait3A_186] : memref<32x25x5x80xi32, #tpu.memory_space<hbm>> -> memref<1x1x5x80xi32, #tpu.memory_space<hbm>>
    %dma_wait3A_188 = tpu.memref_squeeze %dma_wait3A_187 : memref<1x1x5x80xi32, #tpu.memory_space<hbm>> -> memref<5x80xi32, #tpu.memory_space<hbm>>
    tpu.wait_dma2 semaphore(%arg15 : memref<!tpu.dma_semaphore, #tpu.memory_space<semaphore_mem>>) src(%dma_wait3A_188 : memref<5x80xi32, #tpu.memory_space<hbm>>) dst(%arg9 : memref<5x80xi32, #tpu.memory_space<vmem>>)
    %barrier3A_189 = arith.constant 0 : index
    tpu.barrier barrier_id(%barrier3A_189)
    %mul3A_190 = arith.constant 640 : i32
    %mul3A_191 = arith.muli %arg1, %mul3A_190 : i32
    %mul3A_192 = arith.constant 640 : i32
    %mul3A_193 = arith.muli %arg1, %mul3A_192 : i32
    "tpu.region"() ({
      %run_scoped3A_194 = tpu.sem_alloc : memref<!tpu.dma_semaphore, #tpu.memory_space<semaphore_mem>>
      %dma_start3A_195 = arith.constant 0 : i32
      %dma_start3A_196 = tpu.memref_slice %arg5[%arg0, %mul3A_193, %dma_start3A_195] : memref<2x10240x128xf32, #tpu.memory_space<hbm>> -> memref<1x640x128xf32, #tpu.memory_space<hbm>>
      %dma_start3A_197 = tpu.memref_squeeze %dma_start3A_196 : memref<1x640x128xf32, #tpu.memory_space<hbm>> -> memref<640x128xf32, #tpu.memory_space<hbm>>
      %dma_start3A_198 = arith.constant 0 : i32
      %dma_start3A_199 = tpu.memref_slice %arg12[%mul3A_191, %dma_start3A_198] : memref<10240x128xf32, #tpu.memory_space<vmem_shared>> -> memref<640x128xf32, #tpu.memory_space<vmem_shared>>
      tpu.enqueue_dma source(%dma_start3A_199 : memref<640x128xf32, #tpu.memory_space<vmem_shared>>) target(%dma_start3A_197 : memref<640x128xf32, #tpu.memory_space<hbm>>) target_semaphore(%run_scoped3A_194 : memref<!tpu.dma_semaphore, #tpu.memory_space<semaphore_mem>>)
      %dma_wait3A_200 = arith.constant 0 : i32
      %dma_wait3A_201 = tpu.memref_slice %arg5[%arg0, %mul3A_193, %dma_wait3A_200] : memref<2x10240x128xf32, #tpu.memory_space<hbm>> -> memref<1x640x128xf32, #tpu.memory_space<hbm>>
      %dma_wait3A_202 = tpu.memref_squeeze %dma_wait3A_201 : memref<1x640x128xf32, #tpu.memory_space<hbm>> -> memref<640x128xf32, #tpu.memory_space<hbm>>
      %dma_wait3A_203 = arith.constant 0 : i32
      %dma_wait3A_204 = tpu.memref_slice %arg12[%mul3A_191, %dma_wait3A_203] : memref<10240x128xf32, #tpu.memory_space<vmem_shared>> -> memref<640x128xf32, #tpu.memory_space<vmem_shared>>
      tpu.wait_dma2 semaphore(%run_scoped3A_194 : memref<!tpu.dma_semaphore, #tpu.memory_space<semaphore_mem>>) src(%dma_wait3A_204 : memref<640x128xf32, #tpu.memory_space<vmem_shared>>) dst(%dma_wait3A_202 : memref<640x128xf32, #tpu.memory_space<hbm>>)
      tpu.yield
    }) : () -> ()
    return
  }
}

#map = affine_map<(d0, d1) -> (0, 0)>
#map1 = affine_map<(d0, d1) -> (0, 0, 0, 0)>
#map2 = affine_map<(d0, d1) -> (0, 0, 0)>
module attributes {stable_mosaic.version = 14 : i64} {
  func.func @_agg_body(%arg0: i32, %arg1: i32, %arg2: memref<10240x128xf32, #tpu.memory_space<hbm>>, %arg3: memref<32x25x5x80xi32, #tpu.memory_space<hbm>>, %arg4: memref<32x25x5x80xi32, #tpu.memory_space<hbm>>, %arg5: memref<2x10240x128xf32, #tpu.memory_space<hbm>>, %arg6: memref<5x80xi32, #tpu.memory_space<vmem>>, %arg7: memref<5x80xi32, #tpu.memory_space<vmem>>, %arg8: memref<5x80xi32, #tpu.memory_space<vmem>>, %arg9: memref<5x80xi32, #tpu.memory_space<vmem>>, %arg10: memref<80x128xf32, #tpu.memory_space<vmem>>, %arg11: memref<80x128xf32, #tpu.memory_space<vmem>>, %arg12: memref<10240x128xf32, #tpu.memory_space<vmem_shared>>, %arg13: memref<!tpu.dma_semaphore, #tpu.memory_space<semaphore_mem>>, %arg14: memref<!tpu.dma_semaphore, #tpu.memory_space<semaphore_mem>>, %arg15: memref<!tpu.dma_semaphore, #tpu.memory_space<semaphore_mem>>) attributes {dimension_semantics = [#tpu.dimension_semantics<core_parallel>, #tpu.dimension_semantics<subcore_parallel>], iteration_bounds = array<i64: 2, 16>, scalar_prefetch = 0 : i64, scratch_operands = 10 : i64, tpu.core_type = #tpu.core_type<sc_vector_subcore>, window_params = [{transform_indices = #map}, {transform_indices = #map1}, {transform_indices = #map1}, {transform_indices = #map2}]} {
    %mul3A = arith.constant 16 : i32
    %mul3A_0 = arith.muli %arg0, %mul3A : i32
    %add3A = arith.addi %mul3A_0, %arg1 : i32
    %broadcast_in_dim3A = arith.constant 0.000000e+00 : f32
    %broadcast_in_dim3A_1 = vector.broadcast %broadcast_in_dim3A : f32 to vector<16xf32>
    %scan3A = arith.constant 0 : i32
    %scan3A_2 = arith.constant 0 : i32
    %scan3A_3 = arith.constant 80 : i32
    %scan3A_4 = arith.addi %scan3A_2, %scan3A_3 : i32
    %scan3A_5 = arith.constant 1 : i32
    %scan3A_6 = scf.for %scan3A_194 = %scan3A_2 to %scan3A_4 step %scan3A_5 iter_args(%scan3A_195 = %scan3A) -> (i32)  : i32 {
      %swap3A = arith.index_cast %scan3A_194 : i32 to index
      %swap3A_196 = arith.constant 0 : index
      %swap3A_197 = tpu.vector_load %arg10[%swap3A, %swap3A_196] {strides = array<i32>} : memref<80x128xf32, #tpu.memory_space<vmem>>, vector<1x16xf32>,
      %swap3A_198 = vector.shape_cast %swap3A_197 : vector<1x16xf32> to vector<16xf32>
      %swap3A_199 = vector.shape_cast %broadcast_in_dim3A_1 : vector<16xf32> to vector<1x16xf32>
      tpu.vector_store %arg10[%swap3A, %swap3A_196], %swap3A_199 {strides = array<i32>} : memref<80x128xf32, #tpu.memory_space<vmem>>, vector<1x16xf32>,
      %swap3A_200 = arith.index_cast %scan3A_194 : i32 to index
      %swap3A_201 = arith.constant 16 : index
      %swap3A_202 = tpu.vector_load %arg10[%swap3A_200, %swap3A_201] {strides = array<i32>} : memref<80x128xf32, #tpu.memory_space<vmem>>, vector<1x16xf32>,
      %swap3A_203 = vector.shape_cast %swap3A_202 : vector<1x16xf32> to vector<16xf32>
      %swap3A_204 = vector.shape_cast %broadcast_in_dim3A_1 : vector<16xf32> to vector<1x16xf32>
      tpu.vector_store %arg10[%swap3A_200, %swap3A_201], %swap3A_204 {strides = array<i32>} : memref<80x128xf32, #tpu.memory_space<vmem>>, vector<1x16xf32>,
      %swap3A_205 = arith.index_cast %scan3A_194 : i32 to index
      %swap3A_206 = arith.constant 32 : index
      %swap3A_207 = tpu.vector_load %arg10[%swap3A_205, %swap3A_206] {strides = array<i32>} : memref<80x128xf32, #tpu.memory_space<vmem>>, vector<1x16xf32>,
      %swap3A_208 = vector.shape_cast %swap3A_207 : vector<1x16xf32> to vector<16xf32>
      %swap3A_209 = vector.shape_cast %broadcast_in_dim3A_1 : vector<16xf32> to vector<1x16xf32>
      tpu.vector_store %arg10[%swap3A_205, %swap3A_206], %swap3A_209 {strides = array<i32>} : memref<80x128xf32, #tpu.memory_space<vmem>>, vector<1x16xf32>,
      %swap3A_210 = arith.index_cast %scan3A_194 : i32 to index
      %swap3A_211 = arith.constant 48 : index
      %swap3A_212 = tpu.vector_load %arg10[%swap3A_210, %swap3A_211] {strides = array<i32>} : memref<80x128xf32, #tpu.memory_space<vmem>>, vector<1x16xf32>,
      %swap3A_213 = vector.shape_cast %swap3A_212 : vector<1x16xf32> to vector<16xf32>
      %swap3A_214 = vector.shape_cast %broadcast_in_dim3A_1 : vector<16xf32> to vector<1x16xf32>
      tpu.vector_store %arg10[%swap3A_210, %swap3A_211], %swap3A_214 {strides = array<i32>} : memref<80x128xf32, #tpu.memory_space<vmem>>, vector<1x16xf32>,
      %swap3A_215 = arith.index_cast %scan3A_194 : i32 to index
      %swap3A_216 = arith.constant 64 : index
      %swap3A_217 = tpu.vector_load %arg10[%swap3A_215, %swap3A_216] {strides = array<i32>} : memref<80x128xf32, #tpu.memory_space<vmem>>, vector<1x16xf32>,
      %swap3A_218 = vector.shape_cast %swap3A_217 : vector<1x16xf32> to vector<16xf32>
      %swap3A_219 = vector.shape_cast %broadcast_in_dim3A_1 : vector<16xf32> to vector<1x16xf32>
      tpu.vector_store %arg10[%swap3A_215, %swap3A_216], %swap3A_219 {strides = array<i32>} : memref<80x128xf32, #tpu.memory_space<vmem>>, vector<1x16xf32>,
      %swap3A_220 = arith.index_cast %scan3A_194 : i32 to index
      %swap3A_221 = arith.constant 80 : index
      %swap3A_222 = tpu.vector_load %arg10[%swap3A_220, %swap3A_221] {strides = array<i32>} : memref<80x128xf32, #tpu.memory_space<vmem>>, vector<1x16xf32>,
      %swap3A_223 = vector.shape_cast %swap3A_222 : vector<1x16xf32> to vector<16xf32>
      %swap3A_224 = vector.shape_cast %broadcast_in_dim3A_1 : vector<16xf32> to vector<1x16xf32>
      tpu.vector_store %arg10[%swap3A_220, %swap3A_221], %swap3A_224 {strides = array<i32>} : memref<80x128xf32, #tpu.memory_space<vmem>>, vector<1x16xf32>,
      %swap3A_225 = arith.index_cast %scan3A_194 : i32 to index
      %swap3A_226 = arith.constant 96 : index
      %swap3A_227 = tpu.vector_load %arg10[%swap3A_225, %swap3A_226] {strides = array<i32>} : memref<80x128xf32, #tpu.memory_space<vmem>>, vector<1x16xf32>,
      %swap3A_228 = vector.shape_cast %swap3A_227 : vector<1x16xf32> to vector<16xf32>
      %swap3A_229 = vector.shape_cast %broadcast_in_dim3A_1 : vector<16xf32> to vector<1x16xf32>
      tpu.vector_store %arg10[%swap3A_225, %swap3A_226], %swap3A_229 {strides = array<i32>} : memref<80x128xf32, #tpu.memory_space<vmem>>, vector<1x16xf32>,
      %swap3A_230 = arith.index_cast %scan3A_194 : i32 to index
      %swap3A_231 = arith.constant 112 : index
      %swap3A_232 = tpu.vector_load %arg10[%swap3A_230, %swap3A_231] {strides = array<i32>} : memref<80x128xf32, #tpu.memory_space<vmem>>, vector<1x16xf32>,
      %swap3A_233 = vector.shape_cast %swap3A_232 : vector<1x16xf32> to vector<16xf32>
      %swap3A_234 = vector.shape_cast %broadcast_in_dim3A_1 : vector<16xf32> to vector<1x16xf32>
      tpu.vector_store %arg10[%swap3A_230, %swap3A_231], %swap3A_234 {strides = array<i32>} : memref<80x128xf32, #tpu.memory_space<vmem>>, vector<1x16xf32>,
      %scan3A_235 = arith.constant 0 : i32
      scf.yield %scan3A_235 : i32
    }
    %scan3A_7 = arith.constant 80 : i32
    %mul3A_8 = arith.constant 640 : i32
    %mul3A_9 = arith.muli %arg1, %mul3A_8 : i32
    %add3A_10 = arith.constant 0 : i32
    %add3A_11 = arith.addi %mul3A_9, %add3A_10 : i32
    "tpu.region"() ({
      %run_scoped3A_194 = tpu.sem_alloc : memref<!tpu.dma_semaphore, #tpu.memory_space<semaphore_mem>>
      %dma_start3A_195 = arith.constant 0 : i32
      %dma_start3A_196 = tpu.memref_slice %arg12[%add3A_11, %dma_start3A_195] : memref<10240x128xf32, #tpu.memory_space<vmem_shared>> -> memref<80x128xf32, #tpu.memory_space<vmem_shared>>
      %dma_start3A_197 = arith.constant 0 : i32
      %dma_start3A_198 = tpu.memref_slice %arg12[%add3A_11, %dma_start3A_197] : memref<10240x128xf32, #tpu.memory_space<vmem_shared>> -> memref<80x128xf32, #tpu.memory_space<vmem_shared>>
      tpu.enqueue_dma source(%arg10 : memref<80x128xf32, #tpu.memory_space<vmem>>) target(%dma_start3A_198 : memref<80x128xf32, #tpu.memory_space<vmem_shared>>) target_semaphore(%run_scoped3A_194 : memref<!tpu.dma_semaphore, #tpu.memory_space<semaphore_mem>>)
      %dma_wait3A_199 = arith.constant 0 : i32
      %dma_wait3A_200 = tpu.memref_slice %arg12[%add3A_11, %dma_wait3A_199] : memref<10240x128xf32, #tpu.memory_space<vmem_shared>> -> memref<80x128xf32, #tpu.memory_space<vmem_shared>>
      %dma_wait3A_201 = arith.constant 0 : i32
      %dma_wait3A_202 = tpu.memref_slice %arg12[%add3A_11, %dma_wait3A_201] : memref<10240x128xf32, #tpu.memory_space<vmem_shared>> -> memref<80x128xf32, #tpu.memory_space<vmem_shared>>
      tpu.wait_dma2 semaphore(%run_scoped3A_194 : memref<!tpu.dma_semaphore, #tpu.memory_space<semaphore_mem>>) src(%arg10 : memref<80x128xf32, #tpu.memory_space<vmem>>) dst(%dma_wait3A_202 : memref<80x128xf32, #tpu.memory_space<vmem_shared>>)
      tpu.yield
    }) : () -> ()
    %mul3A_12 = arith.constant 640 : i32
    %mul3A_13 = arith.muli %arg1, %mul3A_12 : i32
    %add3A_14 = arith.constant 80 : i32
    %add3A_15 = arith.addi %mul3A_13, %add3A_14 : i32
    "tpu.region"() ({
      %run_scoped3A_194 = tpu.sem_alloc : memref<!tpu.dma_semaphore, #tpu.memory_space<semaphore_mem>>
      %dma_start3A_195 = arith.constant 0 : i32
      %dma_start3A_196 = tpu.memref_slice %arg12[%add3A_15, %dma_start3A_195] : memref<10240x128xf32, #tpu.memory_space<vmem_shared>> -> memref<80x128xf32, #tpu.memory_space<vmem_shared>>
      %dma_start3A_197 = arith.constant 0 : i32
      %dma_start3A_198 = tpu.memref_slice %arg12[%add3A_15, %dma_start3A_197] : memref<10240x128xf32, #tpu.memory_space<vmem_shared>> -> memref<80x128xf32, #tpu.memory_space<vmem_shared>>
      tpu.enqueue_dma source(%arg10 : memref<80x128xf32, #tpu.memory_space<vmem>>) target(%dma_start3A_198 : memref<80x128xf32, #tpu.memory_space<vmem_shared>>) target_semaphore(%run_scoped3A_194 : memref<!tpu.dma_semaphore, #tpu.memory_space<semaphore_mem>>)
      %dma_wait3A_199 = arith.constant 0 : i32
      %dma_wait3A_200 = tpu.memref_slice %arg12[%add3A_15, %dma_wait3A_199] : memref<10240x128xf32, #tpu.memory_space<vmem_shared>> -> memref<80x128xf32, #tpu.memory_space<vmem_shared>>
      %dma_wait3A_201 = arith.constant 0 : i32
      %dma_wait3A_202 = tpu.memref_slice %arg12[%add3A_15, %dma_wait3A_201] : memref<10240x128xf32, #tpu.memory_space<vmem_shared>> -> memref<80x128xf32, #tpu.memory_space<vmem_shared>>
      tpu.wait_dma2 semaphore(%run_scoped3A_194 : memref<!tpu.dma_semaphore, #tpu.memory_space<semaphore_mem>>) src(%arg10 : memref<80x128xf32, #tpu.memory_space<vmem>>) dst(%dma_wait3A_202 : memref<80x128xf32, #tpu.memory_space<vmem_shared>>)
      tpu.yield
    }) : () -> ()
    %mul3A_16 = arith.constant 640 : i32
    %mul3A_17 = arith.muli %arg1, %mul3A_16 : i32
    %add3A_18 = arith.constant 160 : i32
    %add3A_19 = arith.addi %mul3A_17, %add3A_18 : i32
    "tpu.region"() ({
      %run_scoped3A_194 = tpu.sem_alloc : memref<!tpu.dma_semaphore, #tpu.memory_space<semaphore_mem>>
      %dma_start3A_195 = arith.constant 0 : i32
      %dma_start3A_196 = tpu.memref_slice %arg12[%add3A_19, %dma_start3A_195] : memref<10240x128xf32, #tpu.memory_space<vmem_shared>> -> memref<80x128xf32, #tpu.memory_space<vmem_shared>>
      %dma_start3A_197 = arith.constant 0 : i32
      %dma_start3A_198 = tpu.memref_slice %arg12[%add3A_19, %dma_start3A_197] : memref<10240x128xf32, #tpu.memory_space<vmem_shared>> -> memref<80x128xf32, #tpu.memory_space<vmem_shared>>
      tpu.enqueue_dma source(%arg10 : memref<80x128xf32, #tpu.memory_space<vmem>>) target(%dma_start3A_198 : memref<80x128xf32, #tpu.memory_space<vmem_shared>>) target_semaphore(%run_scoped3A_194 : memref<!tpu.dma_semaphore, #tpu.memory_space<semaphore_mem>>)
      %dma_wait3A_199 = arith.constant 0 : i32
      %dma_wait3A_200 = tpu.memref_slice %arg12[%add3A_19, %dma_wait3A_199] : memref<10240x128xf32, #tpu.memory_space<vmem_shared>> -> memref<80x128xf32, #tpu.memory_space<vmem_shared>>
      %dma_wait3A_201 = arith.constant 0 : i32
      %dma_wait3A_202 = tpu.memref_slice %arg12[%add3A_19, %dma_wait3A_201] : memref<10240x128xf32, #tpu.memory_space<vmem_shared>> -> memref<80x128xf32, #tpu.memory_space<vmem_shared>>
      tpu.wait_dma2 semaphore(%run_scoped3A_194 : memref<!tpu.dma_semaphore, #tpu.memory_space<semaphore_mem>>) src(%arg10 : memref<80x128xf32, #tpu.memory_space<vmem>>) dst(%dma_wait3A_202 : memref<80x128xf32, #tpu.memory_space<vmem_shared>>)
      tpu.yield
    }) : () -> ()
    %mul3A_20 = arith.constant 640 : i32
    %mul3A_21 = arith.muli %arg1, %mul3A_20 : i32
    %add3A_22 = arith.constant 240 : i32
    %add3A_23 = arith.addi %mul3A_21, %add3A_22 : i32
    "tpu.region"() ({
      %run_scoped3A_194 = tpu.sem_alloc : memref<!tpu.dma_semaphore, #tpu.memory_space<semaphore_mem>>
      %dma_start3A_195 = arith.constant 0 : i32
      %dma_start3A_196 = tpu.memref_slice %arg12[%add3A_23, %dma_start3A_195] : memref<10240x128xf32, #tpu.memory_space<vmem_shared>> -> memref<80x128xf32, #tpu.memory_space<vmem_shared>>
      %dma_start3A_197 = arith.constant 0 : i32
      %dma_start3A_198 = tpu.memref_slice %arg12[%add3A_23, %dma_start3A_197] : memref<10240x128xf32, #tpu.memory_space<vmem_shared>> -> memref<80x128xf32, #tpu.memory_space<vmem_shared>>
      tpu.enqueue_dma source(%arg10 : memref<80x128xf32, #tpu.memory_space<vmem>>) target(%dma_start3A_198 : memref<80x128xf32, #tpu.memory_space<vmem_shared>>) target_semaphore(%run_scoped3A_194 : memref<!tpu.dma_semaphore, #tpu.memory_space<semaphore_mem>>)
      %dma_wait3A_199 = arith.constant 0 : i32
      %dma_wait3A_200 = tpu.memref_slice %arg12[%add3A_23, %dma_wait3A_199] : memref<10240x128xf32, #tpu.memory_space<vmem_shared>> -> memref<80x128xf32, #tpu.memory_space<vmem_shared>>
      %dma_wait3A_201 = arith.constant 0 : i32
      %dma_wait3A_202 = tpu.memref_slice %arg12[%add3A_23, %dma_wait3A_201] : memref<10240x128xf32, #tpu.memory_space<vmem_shared>> -> memref<80x128xf32, #tpu.memory_space<vmem_shared>>
      tpu.wait_dma2 semaphore(%run_scoped3A_194 : memref<!tpu.dma_semaphore, #tpu.memory_space<semaphore_mem>>) src(%arg10 : memref<80x128xf32, #tpu.memory_space<vmem>>) dst(%dma_wait3A_202 : memref<80x128xf32, #tpu.memory_space<vmem_shared>>)
      tpu.yield
    }) : () -> ()
    %mul3A_24 = arith.constant 640 : i32
    %mul3A_25 = arith.muli %arg1, %mul3A_24 : i32
    %add3A_26 = arith.constant 320 : i32
    %add3A_27 = arith.addi %mul3A_25, %add3A_26 : i32
    "tpu.region"() ({
      %run_scoped3A_194 = tpu.sem_alloc : memref<!tpu.dma_semaphore, #tpu.memory_space<semaphore_mem>>
      %dma_start3A_195 = arith.constant 0 : i32
      %dma_start3A_196 = tpu.memref_slice %arg12[%add3A_27, %dma_start3A_195] : memref<10240x128xf32, #tpu.memory_space<vmem_shared>> -> memref<80x128xf32, #tpu.memory_space<vmem_shared>>
      %dma_start3A_197 = arith.constant 0 : i32
      %dma_start3A_198 = tpu.memref_slice %arg12[%add3A_27, %dma_start3A_197] : memref<10240x128xf32, #tpu.memory_space<vmem_shared>> -> memref<80x128xf32, #tpu.memory_space<vmem_shared>>
      tpu.enqueue_dma source(%arg10 : memref<80x128xf32, #tpu.memory_space<vmem>>) target(%dma_start3A_198 : memref<80x128xf32, #tpu.memory_space<vmem_shared>>) target_semaphore(%run_scoped3A_194 : memref<!tpu.dma_semaphore, #tpu.memory_space<semaphore_mem>>)
      %dma_wait3A_199 = arith.constant 0 : i32
      %dma_wait3A_200 = tpu.memref_slice %arg12[%add3A_27, %dma_wait3A_199] : memref<10240x128xf32, #tpu.memory_space<vmem_shared>> -> memref<80x128xf32, #tpu.memory_space<vmem_shared>>
      %dma_wait3A_201 = arith.constant 0 : i32
      %dma_wait3A_202 = tpu.memref_slice %arg12[%add3A_27, %dma_wait3A_201] : memref<10240x128xf32, #tpu.memory_space<vmem_shared>> -> memref<80x128xf32, #tpu.memory_space<vmem_shared>>
      tpu.wait_dma2 semaphore(%run_scoped3A_194 : memref<!tpu.dma_semaphore, #tpu.memory_space<semaphore_mem>>) src(%arg10 : memref<80x128xf32, #tpu.memory_space<vmem>>) dst(%dma_wait3A_202 : memref<80x128xf32, #tpu.memory_space<vmem_shared>>)
      tpu.yield
    }) : () -> ()
    %mul3A_28 = arith.constant 640 : i32
    %mul3A_29 = arith.muli %arg1, %mul3A_28 : i32
    %add3A_30 = arith.constant 400 : i32
    %add3A_31 = arith.addi %mul3A_29, %add3A_30 : i32
    "tpu.region"() ({
      %run_scoped3A_194 = tpu.sem_alloc : memref<!tpu.dma_semaphore, #tpu.memory_space<semaphore_mem>>
      %dma_start3A_195 = arith.constant 0 : i32
      %dma_start3A_196 = tpu.memref_slice %arg12[%add3A_31, %dma_start3A_195] : memref<10240x128xf32, #tpu.memory_space<vmem_shared>> -> memref<80x128xf32, #tpu.memory_space<vmem_shared>>
      %dma_start3A_197 = arith.constant 0 : i32
      %dma_start3A_198 = tpu.memref_slice %arg12[%add3A_31, %dma_start3A_197] : memref<10240x128xf32, #tpu.memory_space<vmem_shared>> -> memref<80x128xf32, #tpu.memory_space<vmem_shared>>
      tpu.enqueue_dma source(%arg10 : memref<80x128xf32, #tpu.memory_space<vmem>>) target(%dma_start3A_198 : memref<80x128xf32, #tpu.memory_space<vmem_shared>>) target_semaphore(%run_scoped3A_194 : memref<!tpu.dma_semaphore, #tpu.memory_space<semaphore_mem>>)
      %dma_wait3A_199 = arith.constant 0 : i32
      %dma_wait3A_200 = tpu.memref_slice %arg12[%add3A_31, %dma_wait3A_199] : memref<10240x128xf32, #tpu.memory_space<vmem_shared>> -> memref<80x128xf32, #tpu.memory_space<vmem_shared>>
      %dma_wait3A_201 = arith.constant 0 : i32
      %dma_wait3A_202 = tpu.memref_slice %arg12[%add3A_31, %dma_wait3A_201] : memref<10240x128xf32, #tpu.memory_space<vmem_shared>> -> memref<80x128xf32, #tpu.memory_space<vmem_shared>>
      tpu.wait_dma2 semaphore(%run_scoped3A_194 : memref<!tpu.dma_semaphore, #tpu.memory_space<semaphore_mem>>) src(%arg10 : memref<80x128xf32, #tpu.memory_space<vmem>>) dst(%dma_wait3A_202 : memref<80x128xf32, #tpu.memory_space<vmem_shared>>)
      tpu.yield
    }) : () -> ()
    %mul3A_32 = arith.constant 640 : i32
    %mul3A_33 = arith.muli %arg1, %mul3A_32 : i32
    %add3A_34 = arith.constant 480 : i32
    %add3A_35 = arith.addi %mul3A_33, %add3A_34 : i32
    "tpu.region"() ({
      %run_scoped3A_194 = tpu.sem_alloc : memref<!tpu.dma_semaphore, #tpu.memory_space<semaphore_mem>>
      %dma_start3A_195 = arith.constant 0 : i32
      %dma_start3A_196 = tpu.memref_slice %arg12[%add3A_35, %dma_start3A_195] : memref<10240x128xf32, #tpu.memory_space<vmem_shared>> -> memref<80x128xf32, #tpu.memory_space<vmem_shared>>
      %dma_start3A_197 = arith.constant 0 : i32
      %dma_start3A_198 = tpu.memref_slice %arg12[%add3A_35, %dma_start3A_197] : memref<10240x128xf32, #tpu.memory_space<vmem_shared>> -> memref<80x128xf32, #tpu.memory_space<vmem_shared>>
      tpu.enqueue_dma source(%arg10 : memref<80x128xf32, #tpu.memory_space<vmem>>) target(%dma_start3A_198 : memref<80x128xf32, #tpu.memory_space<vmem_shared>>) target_semaphore(%run_scoped3A_194 : memref<!tpu.dma_semaphore, #tpu.memory_space<semaphore_mem>>)
      %dma_wait3A_199 = arith.constant 0 : i32
      %dma_wait3A_200 = tpu.memref_slice %arg12[%add3A_35, %dma_wait3A_199] : memref<10240x128xf32, #tpu.memory_space<vmem_shared>> -> memref<80x128xf32, #tpu.memory_space<vmem_shared>>
      %dma_wait3A_201 = arith.constant 0 : i32
      %dma_wait3A_202 = tpu.memref_slice %arg12[%add3A_35, %dma_wait3A_201] : memref<10240x128xf32, #tpu.memory_space<vmem_shared>> -> memref<80x128xf32, #tpu.memory_space<vmem_shared>>
      tpu.wait_dma2 semaphore(%run_scoped3A_194 : memref<!tpu.dma_semaphore, #tpu.memory_space<semaphore_mem>>) src(%arg10 : memref<80x128xf32, #tpu.memory_space<vmem>>) dst(%dma_wait3A_202 : memref<80x128xf32, #tpu.memory_space<vmem_shared>>)
      tpu.yield
    }) : () -> ()
    %mul3A_36 = arith.constant 640 : i32
    %mul3A_37 = arith.muli %arg1, %mul3A_36 : i32
    %add3A_38 = arith.constant 560 : i32
    %add3A_39 = arith.addi %mul3A_37, %add3A_38 : i32
    "tpu.region"() ({
      %run_scoped3A_194 = tpu.sem_alloc : memref<!tpu.dma_semaphore, #tpu.memory_space<semaphore_mem>>
      %dma_start3A_195 = arith.constant 0 : i32
      %dma_start3A_196 = tpu.memref_slice %arg12[%add3A_39, %dma_start3A_195] : memref<10240x128xf32, #tpu.memory_space<vmem_shared>> -> memref<80x128xf32, #tpu.memory_space<vmem_shared>>
      %dma_start3A_197 = arith.constant 0 : i32
      %dma_start3A_198 = tpu.memref_slice %arg12[%add3A_39, %dma_start3A_197] : memref<10240x128xf32, #tpu.memory_space<vmem_shared>> -> memref<80x128xf32, #tpu.memory_space<vmem_shared>>
      tpu.enqueue_dma source(%arg10 : memref<80x128xf32, #tpu.memory_space<vmem>>) target(%dma_start3A_198 : memref<80x128xf32, #tpu.memory_space<vmem_shared>>) target_semaphore(%run_scoped3A_194 : memref<!tpu.dma_semaphore, #tpu.memory_space<semaphore_mem>>)
      %dma_wait3A_199 = arith.constant 0 : i32
      %dma_wait3A_200 = tpu.memref_slice %arg12[%add3A_39, %dma_wait3A_199] : memref<10240x128xf32, #tpu.memory_space<vmem_shared>> -> memref<80x128xf32, #tpu.memory_space<vmem_shared>>
      %dma_wait3A_201 = arith.constant 0 : i32
      %dma_wait3A_202 = tpu.memref_slice %arg12[%add3A_39, %dma_wait3A_201] : memref<10240x128xf32, #tpu.memory_space<vmem_shared>> -> memref<80x128xf32, #tpu.memory_space<vmem_shared>>
      tpu.wait_dma2 semaphore(%run_scoped3A_194 : memref<!tpu.dma_semaphore, #tpu.memory_space<semaphore_mem>>) src(%arg10 : memref<80x128xf32, #tpu.memory_space<vmem>>) dst(%dma_wait3A_202 : memref<80x128xf32, #tpu.memory_space<vmem_shared>>)
      tpu.yield
    }) : () -> ()
    %barrier3A = arith.constant 0 : index
    tpu.barrier barrier_id(%barrier3A)
    %run_scoped3A = arith.constant 0 : i32
    "tpu.region"() ({
      %run_scoped3A_194 = tpu.sem_alloc : memref<!tpu.dma_semaphore, #tpu.memory_space<semaphore_mem>>
      %dma_start3A_195 = arith.constant 0 : i32
      %dma_start3A_196 = arith.constant 0 : i32
      %dma_start3A_197 = tpu.memref_slice %arg3[%add3A, %run_scoped3A, %dma_start3A_195, %dma_start3A_196] : memref<32x25x5x80xi32, #tpu.memory_space<hbm>> -> memref<1x1x5x80xi32, #tpu.memory_space<hbm>>
      %dma_start3A_198 = tpu.memref_squeeze %dma_start3A_197 : memref<1x1x5x80xi32, #tpu.memory_space<hbm>> -> memref<5x80xi32, #tpu.memory_space<hbm>>
      %dma_start3A_199 = arith.constant 0 : i32
      %dma_start3A_200 = arith.constant 0 : i32
      %dma_start3A_201 = tpu.memref_slice %arg3[%add3A, %run_scoped3A, %dma_start3A_199, %dma_start3A_200] : memref<32x25x5x80xi32, #tpu.memory_space<hbm>> -> memref<1x1x5x80xi32, #tpu.memory_space<hbm>>
      %dma_start3A_202 = tpu.memref_squeeze %dma_start3A_201 : memref<1x1x5x80xi32, #tpu.memory_space<hbm>> -> memref<5x80xi32, #tpu.memory_space<hbm>>
      tpu.enqueue_dma source(%dma_start3A_202 : memref<5x80xi32, #tpu.memory_space<hbm>>) target(%arg6 : memref<5x80xi32, #tpu.memory_space<vmem>>) target_semaphore(%run_scoped3A_194 : memref<!tpu.dma_semaphore, #tpu.memory_space<semaphore_mem>>)
      %dma_wait3A_203 = arith.constant 0 : i32
      %dma_wait3A_204 = arith.constant 0 : i32
      %dma_wait3A_205 = tpu.memref_slice %arg3[%add3A, %run_scoped3A, %dma_wait3A_203, %dma_wait3A_204] : memref<32x25x5x80xi32, #tpu.memory_space<hbm>> -> memref<1x1x5x80xi32, #tpu.memory_space<hbm>>
      %dma_wait3A_206 = tpu.memref_squeeze %dma_wait3A_205 : memref<1x1x5x80xi32, #tpu.memory_space<hbm>> -> memref<5x80xi32, #tpu.memory_space<hbm>>
      %dma_wait3A_207 = arith.constant 0 : i32
      %dma_wait3A_208 = arith.constant 0 : i32
      %dma_wait3A_209 = tpu.memref_slice %arg3[%add3A, %run_scoped3A, %dma_wait3A_207, %dma_wait3A_208] : memref<32x25x5x80xi32, #tpu.memory_space<hbm>> -> memref<1x1x5x80xi32, #tpu.memory_space<hbm>>
      %dma_wait3A_210 = tpu.memref_squeeze %dma_wait3A_209 : memref<1x1x5x80xi32, #tpu.memory_space<hbm>> -> memref<5x80xi32, #tpu.memory_space<hbm>>
      tpu.wait_dma2 semaphore(%run_scoped3A_194 : memref<!tpu.dma_semaphore, #tpu.memory_space<semaphore_mem>>) src(%dma_wait3A_210 : memref<5x80xi32, #tpu.memory_space<hbm>>) dst(%arg6 : memref<5x80xi32, #tpu.memory_space<vmem>>)
      tpu.yield
    }) : () -> ()
    %dma_start3A = arith.constant 0 : i32
    %dma_start3A_40 = arith.constant 0 : i32
    %dma_start3A_41 = arith.constant 0 : i32
    %dma_start3A_42 = tpu.memref_slice %arg4[%add3A, %dma_start3A, %dma_start3A_40, %dma_start3A_41] : memref<32x25x5x80xi32, #tpu.memory_space<hbm>> -> memref<1x1x5x80xi32, #tpu.memory_space<hbm>>
    %dma_start3A_43 = tpu.memref_squeeze %dma_start3A_42 : memref<1x1x5x80xi32, #tpu.memory_space<hbm>> -> memref<5x80xi32, #tpu.memory_space<hbm>>
    %dma_start3A_44 = arith.constant 0 : i32
    %dma_start3A_45 = arith.constant 0 : i32
    %dma_start3A_46 = tpu.memref_slice %arg4[%add3A, %dma_start3A, %dma_start3A_44, %dma_start3A_45] : memref<32x25x5x80xi32, #tpu.memory_space<hbm>> -> memref<1x1x5x80xi32, #tpu.memory_space<hbm>>
    %dma_start3A_47 = tpu.memref_squeeze %dma_start3A_46 : memref<1x1x5x80xi32, #tpu.memory_space<hbm>> -> memref<5x80xi32, #tpu.memory_space<hbm>>
    tpu.enqueue_dma source(%dma_start3A_47 : memref<5x80xi32, #tpu.memory_space<hbm>>) target(%arg8 : memref<5x80xi32, #tpu.memory_space<vmem>>) target_semaphore(%arg15 : memref<!tpu.dma_semaphore, #tpu.memory_space<semaphore_mem>>)
    %dma_start3A_48 = arith.constant 1 : i32
    %dma_start3A_49 = arith.constant 0 : i32
    %dma_start3A_50 = arith.constant 0 : i32
    %dma_start3A_51 = tpu.memref_slice %arg3[%add3A, %dma_start3A_48, %dma_start3A_49, %dma_start3A_50] : memref<32x25x5x80xi32, #tpu.memory_space<hbm>> -> memref<1x1x5x80xi32, #tpu.memory_space<hbm>>
    %dma_start3A_52 = tpu.memref_squeeze %dma_start3A_51 : memref<1x1x5x80xi32, #tpu.memory_space<hbm>> -> memref<5x80xi32, #tpu.memory_space<hbm>>
    %dma_start3A_53 = arith.constant 0 : i32
    %dma_start3A_54 = arith.constant 0 : i32
    %dma_start3A_55 = tpu.memref_slice %arg3[%add3A, %dma_start3A_48, %dma_start3A_53, %dma_start3A_54] : memref<32x25x5x80xi32, #tpu.memory_space<hbm>> -> memref<1x1x5x80xi32, #tpu.memory_space<hbm>>
    %dma_start3A_56 = tpu.memref_squeeze %dma_start3A_55 : memref<1x1x5x80xi32, #tpu.memory_space<hbm>> -> memref<5x80xi32, #tpu.memory_space<hbm>>
    tpu.enqueue_dma source(%dma_start3A_56 : memref<5x80xi32, #tpu.memory_space<hbm>>) target(%arg7 : memref<5x80xi32, #tpu.memory_space<vmem>>) target_semaphore(%arg14 : memref<!tpu.dma_semaphore, #tpu.memory_space<semaphore_mem>>)
    %dma_start3A_57 = arith.constant 1 : i32
    %dma_start3A_58 = arith.constant 0 : i32
    %dma_start3A_59 = arith.constant 0 : i32
    %dma_start3A_60 = tpu.memref_slice %arg4[%add3A, %dma_start3A_57, %dma_start3A_58, %dma_start3A_59] : memref<32x25x5x80xi32, #tpu.memory_space<hbm>> -> memref<1x1x5x80xi32, #tpu.memory_space<hbm>>
    %dma_start3A_61 = tpu.memref_squeeze %dma_start3A_60 : memref<1x1x5x80xi32, #tpu.memory_space<hbm>> -> memref<5x80xi32, #tpu.memory_space<hbm>>
    %dma_start3A_62 = arith.constant 0 : i32
    %dma_start3A_63 = arith.constant 0 : i32
    %dma_start3A_64 = tpu.memref_slice %arg4[%add3A, %dma_start3A_57, %dma_start3A_62, %dma_start3A_63] : memref<32x25x5x80xi32, #tpu.memory_space<hbm>> -> memref<1x1x5x80xi32, #tpu.memory_space<hbm>>
    %dma_start3A_65 = tpu.memref_squeeze %dma_start3A_64 : memref<1x1x5x80xi32, #tpu.memory_space<hbm>> -> memref<5x80xi32, #tpu.memory_space<hbm>>
    tpu.enqueue_dma source(%dma_start3A_65 : memref<5x80xi32, #tpu.memory_space<hbm>>) target(%arg9 : memref<5x80xi32, #tpu.memory_space<vmem>>) target_semaphore(%arg15 : memref<!tpu.dma_semaphore, #tpu.memory_space<semaphore_mem>>)
    %dma_start3A_66 = arith.constant 0 : i32
    %dma_start3A_67 = arith.constant 0 : i32
    %dma_start3A_68 = tpu.memref_slice %arg6[%dma_start3A_66, %dma_start3A_67] : memref<5x80xi32, #tpu.memory_space<vmem>> -> memref<1x80xi32, #tpu.memory_space<vmem>>
    %dma_start3A_69 = tpu.memref_squeeze %dma_start3A_68 : memref<1x80xi32, #tpu.memory_space<vmem>> -> memref<80xi32, #tpu.memory_space<vmem>>
    %dma_start3A_70 = arith.constant 0 : i32
    %dma_start3A_71 = arith.constant 0 : i32
    %dma_start3A_72 = tpu.memref_slice %arg2[%dma_start3A_70, %dma_start3A_71] : memref<10240x128xf32, #tpu.memory_space<hbm>> -> memref<10240x128xf32, #tpu.memory_space<hbm>>
    tpu.enqueue_indirect_dma source(%dma_start3A_72 : memref<10240x128xf32, #tpu.memory_space<hbm>>) target(%arg10 : memref<80x128xf32, #tpu.memory_space<vmem>>) offsets(%dma_start3A_69 : memref<80xi32, #tpu.memory_space<vmem>>) semaphore(%arg13 : memref<!tpu.dma_semaphore, #tpu.memory_space<semaphore_mem>>)
    %scan3A_73 = arith.constant 24 : i32
    %scan3A_74 = arith.constant 0 : i32
    %scan3A_75 = arith.constant 0 : i32
    %scan3A_76 = arith.constant 12 : i32
    %scan3A_77 = arith.addi %scan3A_75, %scan3A_76 : i32
    %scan3A_78 = arith.constant 1 : i32
    %scan3A_79 = scf.for %scan3A_194 = %scan3A_75 to %scan3A_77 step %scan3A_78 iter_args(%scan3A_195 = %scan3A_74) -> (i32)  : i32 {
      %mul3A_196 = arith.constant 2 : i32
      %mul3A_197 = arith.muli %mul3A_196, %scan3A_194 : i32
      %dma_wait3A_198 = arith.constant 0 : i32
      %dma_wait3A_199 = arith.constant 0 : i32
      %dma_wait3A_200 = tpu.memref_slice %arg4[%add3A, %mul3A_197, %dma_wait3A_198, %dma_wait3A_199] : memref<32x25x5x80xi32, #tpu.memory_space<hbm>> -> memref<1x1x5x80xi32, #tpu.memory_space<hbm>>
      %dma_wait3A_201 = tpu.memref_squeeze %dma_wait3A_200 : memref<1x1x5x80xi32, #tpu.memory_space<hbm>> -> memref<5x80xi32, #tpu.memory_space<hbm>>
      %dma_wait3A_202 = arith.constant 0 : i32
      %dma_wait3A_203 = arith.constant 0 : i32
      %dma_wait3A_204 = tpu.memref_slice %arg4[%add3A, %mul3A_197, %dma_wait3A_202, %dma_wait3A_203] : memref<32x25x5x80xi32, #tpu.memory_space<hbm>> -> memref<1x1x5x80xi32, #tpu.memory_space<hbm>>
      %dma_wait3A_205 = tpu.memref_squeeze %dma_wait3A_204 : memref<1x1x5x80xi32, #tpu.memory_space<hbm>> -> memref<5x80xi32, #tpu.memory_space<hbm>>
      tpu.wait_dma2 semaphore(%arg15 : memref<!tpu.dma_semaphore, #tpu.memory_space<semaphore_mem>>) src(%dma_wait3A_205 : memref<5x80xi32, #tpu.memory_space<hbm>>) dst(%arg8 : memref<5x80xi32, #tpu.memory_space<vmem>>)
      %dma_start3A_206 = arith.constant 1 : i32
      %dma_start3A_207 = arith.constant 0 : i32
      %dma_start3A_208 = tpu.memref_slice %arg6[%dma_start3A_206, %dma_start3A_207] : memref<5x80xi32, #tpu.memory_space<vmem>> -> memref<1x80xi32, #tpu.memory_space<vmem>>
      %dma_start3A_209 = tpu.memref_squeeze %dma_start3A_208 : memref<1x80xi32, #tpu.memory_space<vmem>> -> memref<80xi32, #tpu.memory_space<vmem>>
      %dma_start3A_210 = arith.constant 0 : i32
      %dma_start3A_211 = arith.constant 0 : i32
      %dma_start3A_212 = tpu.memref_slice %arg2[%dma_start3A_210, %dma_start3A_211] : memref<10240x128xf32, #tpu.memory_space<hbm>> -> memref<10240x128xf32, #tpu.memory_space<hbm>>
      tpu.enqueue_indirect_dma source(%dma_start3A_212 : memref<10240x128xf32, #tpu.memory_space<hbm>>) target(%arg11 : memref<80x128xf32, #tpu.memory_space<vmem>>) offsets(%dma_start3A_209 : memref<80xi32, #tpu.memory_space<vmem>>) semaphore(%arg13 : memref<!tpu.dma_semaphore, #tpu.memory_space<semaphore_mem>>)
      %dma_wait3A_213 = arith.constant 0 : i32
      %dma_wait3A_214 = arith.constant 0 : i32
      %dma_wait3A_215 = tpu.memref_slice %arg6[%dma_wait3A_213, %dma_wait3A_214] : memref<5x80xi32, #tpu.memory_space<vmem>> -> memref<1x80xi32, #tpu.memory_space<vmem>>
      %dma_wait3A_216 = tpu.memref_squeeze %dma_wait3A_215 : memref<1x80xi32, #tpu.memory_space<vmem>> -> memref<80xi32, #tpu.memory_space<vmem>>
      %dma_wait3A_217 = arith.constant 0 : i32
      %dma_wait3A_218 = arith.constant 0 : i32
      %dma_wait3A_219 = tpu.memref_slice %arg2[%dma_wait3A_217, %dma_wait3A_218] : memref<10240x128xf32, #tpu.memory_space<hbm>> -> memref<10240x128xf32, #tpu.memory_space<hbm>>
      tpu.wait_indirect_dma semaphore(%arg13 : memref<!tpu.dma_semaphore, #tpu.memory_space<semaphore_mem>>) src(%dma_wait3A_219 : memref<10240x128xf32, #tpu.memory_space<hbm>>) dst(%arg10 : memref<80x128xf32, #tpu.memory_space<vmem>>)
      %run_scoped3A_220 = arith.constant 0 : i32
      "tpu.region"() ({
        %run_scoped3A_431 = tpu.sem_alloc : memref<!tpu.dma_semaphore, #tpu.memory_space<semaphore_mem>>
        %dma_start3A_432 = arith.constant 0 : i32
        %dma_start3A_433 = tpu.memref_slice %arg8[%run_scoped3A_220, %dma_start3A_432] : memref<5x80xi32, #tpu.memory_space<vmem>> -> memref<1x80xi32, #tpu.memory_space<vmem>>
        %dma_start3A_434 = tpu.memref_squeeze %dma_start3A_433 : memref<1x80xi32, #tpu.memory_space<vmem>> -> memref<80xi32, #tpu.memory_space<vmem>>
        %dma_start3A_435 = arith.constant 0 : i32
        %dma_start3A_436 = arith.constant 0 : i32
        %dma_start3A_437 = tpu.memref_slice %arg12[%dma_start3A_435, %dma_start3A_436] : memref<10240x128xf32, #tpu.memory_space<vmem_shared>> -> memref<10240x128xf32, #tpu.memory_space<vmem_shared>>
        tpu.enqueue_indirect_dma source(%arg10 : memref<80x128xf32, #tpu.memory_space<vmem>>) target(%dma_start3A_437 : memref<10240x128xf32, #tpu.memory_space<vmem_shared>>) offsets(%dma_start3A_434 : memref<80xi32, #tpu.memory_space<vmem>>) semaphore(%run_scoped3A_431 : memref<!tpu.dma_semaphore, #tpu.memory_space<semaphore_mem>>) {add = true}
        %dma_wait3A_438 = arith.constant 0 : i32
        %dma_wait3A_439 = tpu.memref_slice %arg8[%run_scoped3A_220, %dma_wait3A_438] : memref<5x80xi32, #tpu.memory_space<vmem>> -> memref<1x80xi32, #tpu.memory_space<vmem>>
        %dma_wait3A_440 = tpu.memref_squeeze %dma_wait3A_439 : memref<1x80xi32, #tpu.memory_space<vmem>> -> memref<80xi32, #tpu.memory_space<vmem>>
        %dma_wait3A_441 = arith.constant 0 : i32
        %dma_wait3A_442 = arith.constant 0 : i32
        %dma_wait3A_443 = tpu.memref_slice %arg12[%dma_wait3A_441, %dma_wait3A_442] : memref<10240x128xf32, #tpu.memory_space<vmem_shared>> -> memref<10240x128xf32, #tpu.memory_space<vmem_shared>>
        tpu.wait_indirect_dma semaphore(%run_scoped3A_431 : memref<!tpu.dma_semaphore, #tpu.memory_space<semaphore_mem>>) src(%arg10 : memref<80x128xf32, #tpu.memory_space<vmem>>) dst(%dma_wait3A_443 : memref<10240x128xf32, #tpu.memory_space<vmem_shared>>)
        tpu.yield
      }) : () -> ()
      %dma_start3A_221 = arith.constant 2 : i32
      %dma_start3A_222 = arith.constant 0 : i32
      %dma_start3A_223 = tpu.memref_slice %arg6[%dma_start3A_221, %dma_start3A_222] : memref<5x80xi32, #tpu.memory_space<vmem>> -> memref<1x80xi32, #tpu.memory_space<vmem>>
      %dma_start3A_224 = tpu.memref_squeeze %dma_start3A_223 : memref<1x80xi32, #tpu.memory_space<vmem>> -> memref<80xi32, #tpu.memory_space<vmem>>
      %dma_start3A_225 = arith.constant 0 : i32
      %dma_start3A_226 = arith.constant 0 : i32
      %dma_start3A_227 = tpu.memref_slice %arg2[%dma_start3A_225, %dma_start3A_226] : memref<10240x128xf32, #tpu.memory_space<hbm>> -> memref<10240x128xf32, #tpu.memory_space<hbm>>
      tpu.enqueue_indirect_dma source(%dma_start3A_227 : memref<10240x128xf32, #tpu.memory_space<hbm>>) target(%arg10 : memref<80x128xf32, #tpu.memory_space<vmem>>) offsets(%dma_start3A_224 : memref<80xi32, #tpu.memory_space<vmem>>) semaphore(%arg13 : memref<!tpu.dma_semaphore, #tpu.memory_space<semaphore_mem>>)
      %dma_wait3A_228 = arith.constant 1 : i32
      %dma_wait3A_229 = arith.constant 0 : i32
      %dma_wait3A_230 = tpu.memref_slice %arg6[%dma_wait3A_228, %dma_wait3A_229] : memref<5x80xi32, #tpu.memory_space<vmem>> -> memref<1x80xi32, #tpu.memory_space<vmem>>
      %dma_wait3A_231 = tpu.memref_squeeze %dma_wait3A_230 : memref<1x80xi32, #tpu.memory_space<vmem>> -> memref<80xi32, #tpu.memory_space<vmem>>
      %dma_wait3A_232 = arith.constant 0 : i32
      %dma_wait3A_233 = arith.constant 0 : i32
      %dma_wait3A_234 = tpu.memref_slice %arg2[%dma_wait3A_232, %dma_wait3A_233] : memref<10240x128xf32, #tpu.memory_space<hbm>> -> memref<10240x128xf32, #tpu.memory_space<hbm>>
      tpu.wait_indirect_dma semaphore(%arg13 : memref<!tpu.dma_semaphore, #tpu.memory_space<semaphore_mem>>) src(%dma_wait3A_234 : memref<10240x128xf32, #tpu.memory_space<hbm>>) dst(%arg11 : memref<80x128xf32, #tpu.memory_space<vmem>>)
      %run_scoped3A_235 = arith.constant 1 : i32
      "tpu.region"() ({
        %run_scoped3A_431 = tpu.sem_alloc : memref<!tpu.dma_semaphore, #tpu.memory_space<semaphore_mem>>
        %dma_start3A_432 = arith.constant 0 : i32
        %dma_start3A_433 = tpu.memref_slice %arg8[%run_scoped3A_235, %dma_start3A_432] : memref<5x80xi32, #tpu.memory_space<vmem>> -> memref<1x80xi32, #tpu.memory_space<vmem>>
        %dma_start3A_434 = tpu.memref_squeeze %dma_start3A_433 : memref<1x80xi32, #tpu.memory_space<vmem>> -> memref<80xi32, #tpu.memory_space<vmem>>
        %dma_start3A_435 = arith.constant 0 : i32
        %dma_start3A_436 = arith.constant 0 : i32
        %dma_start3A_437 = tpu.memref_slice %arg12[%dma_start3A_435, %dma_start3A_436] : memref<10240x128xf32, #tpu.memory_space<vmem_shared>> -> memref<10240x128xf32, #tpu.memory_space<vmem_shared>>
        tpu.enqueue_indirect_dma source(%arg11 : memref<80x128xf32, #tpu.memory_space<vmem>>) target(%dma_start3A_437 : memref<10240x128xf32, #tpu.memory_space<vmem_shared>>) offsets(%dma_start3A_434 : memref<80xi32, #tpu.memory_space<vmem>>) semaphore(%run_scoped3A_431 : memref<!tpu.dma_semaphore, #tpu.memory_space<semaphore_mem>>) {add = true}
        %dma_wait3A_438 = arith.constant 0 : i32
        %dma_wait3A_439 = tpu.memref_slice %arg8[%run_scoped3A_235, %dma_wait3A_438] : memref<5x80xi32, #tpu.memory_space<vmem>> -> memref<1x80xi32, #tpu.memory_space<vmem>>
        %dma_wait3A_440 = tpu.memref_squeeze %dma_wait3A_439 : memref<1x80xi32, #tpu.memory_space<vmem>> -> memref<80xi32, #tpu.memory_space<vmem>>
        %dma_wait3A_441 = arith.constant 0 : i32
        %dma_wait3A_442 = arith.constant 0 : i32
        %dma_wait3A_443 = tpu.memref_slice %arg12[%dma_wait3A_441, %dma_wait3A_442] : memref<10240x128xf32, #tpu.memory_space<vmem_shared>> -> memref<10240x128xf32, #tpu.memory_space<vmem_shared>>
        tpu.wait_indirect_dma semaphore(%run_scoped3A_431 : memref<!tpu.dma_semaphore, #tpu.memory_space<semaphore_mem>>) src(%arg11 : memref<80x128xf32, #tpu.memory_space<vmem>>) dst(%dma_wait3A_443 : memref<10240x128xf32, #tpu.memory_space<vmem_shared>>)
        tpu.yield
      }) : () -> ()
      %dma_start3A_236 = arith.constant 3 : i32
      %dma_start3A_237 = arith.constant 0 : i32
      %dma_start3A_238 = tpu.memref_slice %arg6[%dma_start3A_236, %dma_start3A_237] : memref<5x80xi32, #tpu.memory_space<vmem>> -> memref<1x80xi32, #tpu.memory_space<vmem>>
      %dma_start3A_239 = tpu.memref_squeeze %dma_start3A_238 : memref<1x80xi32, #tpu.memory_space<vmem>> -> memref<80xi32, #tpu.memory_space<vmem>>
      %dma_start3A_240 = arith.constant 0 : i32
      %dma_start3A_241 = arith.constant 0 : i32
      %dma_start3A_242 = tpu.memref_slice %arg2[%dma_start3A_240, %dma_start3A_241] : memref<10240x128xf32, #tpu.memory_space<hbm>> -> memref<10240x128xf32, #tpu.memory_space<hbm>>
      tpu.enqueue_indirect_dma source(%dma_start3A_242 : memref<10240x128xf32, #tpu.memory_space<hbm>>) target(%arg11 : memref<80x128xf32, #tpu.memory_space<vmem>>) offsets(%dma_start3A_239 : memref<80xi32, #tpu.memory_space<vmem>>) semaphore(%arg13 : memref<!tpu.dma_semaphore, #tpu.memory_space<semaphore_mem>>)
      %dma_wait3A_243 = arith.constant 2 : i32
      %dma_wait3A_244 = arith.constant 0 : i32
      %dma_wait3A_245 = tpu.memref_slice %arg6[%dma_wait3A_243, %dma_wait3A_244] : memref<5x80xi32, #tpu.memory_space<vmem>> -> memref<1x80xi32, #tpu.memory_space<vmem>>
      %dma_wait3A_246 = tpu.memref_squeeze %dma_wait3A_245 : memref<1x80xi32, #tpu.memory_space<vmem>> -> memref<80xi32, #tpu.memory_space<vmem>>
      %dma_wait3A_247 = arith.constant 0 : i32
      %dma_wait3A_248 = arith.constant 0 : i32
      %dma_wait3A_249 = tpu.memref_slice %arg2[%dma_wait3A_247, %dma_wait3A_248] : memref<10240x128xf32, #tpu.memory_space<hbm>> -> memref<10240x128xf32, #tpu.memory_space<hbm>>
      tpu.wait_indirect_dma semaphore(%arg13 : memref<!tpu.dma_semaphore, #tpu.memory_space<semaphore_mem>>) src(%dma_wait3A_249 : memref<10240x128xf32, #tpu.memory_space<hbm>>) dst(%arg10 : memref<80x128xf32, #tpu.memory_space<vmem>>)
      %run_scoped3A_250 = arith.constant 2 : i32
      "tpu.region"() ({
        %run_scoped3A_431 = tpu.sem_alloc : memref<!tpu.dma_semaphore, #tpu.memory_space<semaphore_mem>>
        %dma_start3A_432 = arith.constant 0 : i32
        %dma_start3A_433 = tpu.memref_slice %arg8[%run_scoped3A_250, %dma_start3A_432] : memref<5x80xi32, #tpu.memory_space<vmem>> -> memref<1x80xi32, #tpu.memory_space<vmem>>
        %dma_start3A_434 = tpu.memref_squeeze %dma_start3A_433 : memref<1x80xi32, #tpu.memory_space<vmem>> -> memref<80xi32, #tpu.memory_space<vmem>>
        %dma_start3A_435 = arith.constant 0 : i32
        %dma_start3A_436 = arith.constant 0 : i32
        %dma_start3A_437 = tpu.memref_slice %arg12[%dma_start3A_435, %dma_start3A_436] : memref<10240x128xf32, #tpu.memory_space<vmem_shared>> -> memref<10240x128xf32, #tpu.memory_space<vmem_shared>>
        tpu.enqueue_indirect_dma source(%arg10 : memref<80x128xf32, #tpu.memory_space<vmem>>) target(%dma_start3A_437 : memref<10240x128xf32, #tpu.memory_space<vmem_shared>>) offsets(%dma_start3A_434 : memref<80xi32, #tpu.memory_space<vmem>>) semaphore(%run_scoped3A_431 : memref<!tpu.dma_semaphore, #tpu.memory_space<semaphore_mem>>) {add = true}
        %dma_wait3A_438 = arith.constant 0 : i32
        %dma_wait3A_439 = tpu.memref_slice %arg8[%run_scoped3A_250, %dma_wait3A_438] : memref<5x80xi32, #tpu.memory_space<vmem>> -> memref<1x80xi32, #tpu.memory_space<vmem>>
        %dma_wait3A_440 = tpu.memref_squeeze %dma_wait3A_439 : memref<1x80xi32, #tpu.memory_space<vmem>> -> memref<80xi32, #tpu.memory_space<vmem>>
        %dma_wait3A_441 = arith.constant 0 : i32
        %dma_wait3A_442 = arith.constant 0 : i32
        %dma_wait3A_443 = tpu.memref_slice %arg12[%dma_wait3A_441, %dma_wait3A_442] : memref<10240x128xf32, #tpu.memory_space<vmem_shared>> -> memref<10240x128xf32, #tpu.memory_space<vmem_shared>>
        tpu.wait_indirect_dma semaphore(%run_scoped3A_431 : memref<!tpu.dma_semaphore, #tpu.memory_space<semaphore_mem>>) src(%arg10 : memref<80x128xf32, #tpu.memory_space<vmem>>) dst(%dma_wait3A_443 : memref<10240x128xf32, #tpu.memory_space<vmem_shared>>)
        tpu.yield
      }) : () -> ()
      %dma_start3A_251 = arith.constant 4 : i32
      %dma_start3A_252 = arith.constant 0 : i32
      %dma_start3A_253 = tpu.memref_slice %arg6[%dma_start3A_251, %dma_start3A_252] : memref<5x80xi32, #tpu.memory_space<vmem>> -> memref<1x80xi32, #tpu.memory_space<vmem>>
      %dma_start3A_254 = tpu.memref_squeeze %dma_start3A_253 : memref<1x80xi32, #tpu.memory_space<vmem>> -> memref<80xi32, #tpu.memory_space<vmem>>
      %dma_start3A_255 = arith.constant 0 : i32
      %dma_start3A_256 = arith.constant 0 : i32
      %dma_start3A_257 = tpu.memref_slice %arg2[%dma_start3A_255, %dma_start3A_256] : memref<10240x128xf32, #tpu.memory_space<hbm>> -> memref<10240x128xf32, #tpu.memory_space<hbm>>
      tpu.enqueue_indirect_dma source(%dma_start3A_257 : memref<10240x128xf32, #tpu.memory_space<hbm>>) target(%arg10 : memref<80x128xf32, #tpu.memory_space<vmem>>) offsets(%dma_start3A_254 : memref<80xi32, #tpu.memory_space<vmem>>) semaphore(%arg13 : memref<!tpu.dma_semaphore, #tpu.memory_space<semaphore_mem>>)
      %dma_wait3A_258 = arith.constant 3 : i32
      %dma_wait3A_259 = arith.constant 0 : i32
      %dma_wait3A_260 = tpu.memref_slice %arg6[%dma_wait3A_258, %dma_wait3A_259] : memref<5x80xi32, #tpu.memory_space<vmem>> -> memref<1x80xi32, #tpu.memory_space<vmem>>
      %dma_wait3A_261 = tpu.memref_squeeze %dma_wait3A_260 : memref<1x80xi32, #tpu.memory_space<vmem>> -> memref<80xi32, #tpu.memory_space<vmem>>
      %dma_wait3A_262 = arith.constant 0 : i32
      %dma_wait3A_263 = arith.constant 0 : i32
      %dma_wait3A_264 = tpu.memref_slice %arg2[%dma_wait3A_262, %dma_wait3A_263] : memref<10240x128xf32, #tpu.memory_space<hbm>> -> memref<10240x128xf32, #tpu.memory_space<hbm>>
      tpu.wait_indirect_dma semaphore(%arg13 : memref<!tpu.dma_semaphore, #tpu.memory_space<semaphore_mem>>) src(%dma_wait3A_264 : memref<10240x128xf32, #tpu.memory_space<hbm>>) dst(%arg11 : memref<80x128xf32, #tpu.memory_space<vmem>>)
      %run_scoped3A_265 = arith.constant 3 : i32
      "tpu.region"() ({
        %run_scoped3A_431 = tpu.sem_alloc : memref<!tpu.dma_semaphore, #tpu.memory_space<semaphore_mem>>
        %dma_start3A_432 = arith.constant 0 : i32
        %dma_start3A_433 = tpu.memref_slice %arg8[%run_scoped3A_265, %dma_start3A_432] : memref<5x80xi32, #tpu.memory_space<vmem>> -> memref<1x80xi32, #tpu.memory_space<vmem>>
        %dma_start3A_434 = tpu.memref_squeeze %dma_start3A_433 : memref<1x80xi32, #tpu.memory_space<vmem>> -> memref<80xi32, #tpu.memory_space<vmem>>
        %dma_start3A_435 = arith.constant 0 : i32
        %dma_start3A_436 = arith.constant 0 : i32
        %dma_start3A_437 = tpu.memref_slice %arg12[%dma_start3A_435, %dma_start3A_436] : memref<10240x128xf32, #tpu.memory_space<vmem_shared>> -> memref<10240x128xf32, #tpu.memory_space<vmem_shared>>
        tpu.enqueue_indirect_dma source(%arg11 : memref<80x128xf32, #tpu.memory_space<vmem>>) target(%dma_start3A_437 : memref<10240x128xf32, #tpu.memory_space<vmem_shared>>) offsets(%dma_start3A_434 : memref<80xi32, #tpu.memory_space<vmem>>) semaphore(%run_scoped3A_431 : memref<!tpu.dma_semaphore, #tpu.memory_space<semaphore_mem>>) {add = true}
        %dma_wait3A_438 = arith.constant 0 : i32
        %dma_wait3A_439 = tpu.memref_slice %arg8[%run_scoped3A_265, %dma_wait3A_438] : memref<5x80xi32, #tpu.memory_space<vmem>> -> memref<1x80xi32, #tpu.memory_space<vmem>>
        %dma_wait3A_440 = tpu.memref_squeeze %dma_wait3A_439 : memref<1x80xi32, #tpu.memory_space<vmem>> -> memref<80xi32, #tpu.memory_space<vmem>>
        %dma_wait3A_441 = arith.constant 0 : i32
        %dma_wait3A_442 = arith.constant 0 : i32
        %dma_wait3A_443 = tpu.memref_slice %arg12[%dma_wait3A_441, %dma_wait3A_442] : memref<10240x128xf32, #tpu.memory_space<vmem_shared>> -> memref<10240x128xf32, #tpu.memory_space<vmem_shared>>
        tpu.wait_indirect_dma semaphore(%run_scoped3A_431 : memref<!tpu.dma_semaphore, #tpu.memory_space<semaphore_mem>>) src(%arg11 : memref<80x128xf32, #tpu.memory_space<vmem>>) dst(%dma_wait3A_443 : memref<10240x128xf32, #tpu.memory_space<vmem_shared>>)
        tpu.yield
      }) : () -> ()
      %add3A_266 = arith.constant 1 : i32
      %add3A_267 = arith.addi %mul3A_197, %add3A_266 : i32
      %dma_wait3A_268 = arith.constant 0 : i32
      %dma_wait3A_269 = arith.constant 0 : i32
      %dma_wait3A_270 = tpu.memref_slice %arg3[%add3A, %add3A_267, %dma_wait3A_268, %dma_wait3A_269] : memref<32x25x5x80xi32, #tpu.memory_space<hbm>> -> memref<1x1x5x80xi32, #tpu.memory_space<hbm>>
      %dma_wait3A_271 = tpu.memref_squeeze %dma_wait3A_270 : memref<1x1x5x80xi32, #tpu.memory_space<hbm>> -> memref<5x80xi32, #tpu.memory_space<hbm>>
      %dma_wait3A_272 = arith.constant 0 : i32
      %dma_wait3A_273 = arith.constant 0 : i32
      %dma_wait3A_274 = tpu.memref_slice %arg3[%add3A, %add3A_267, %dma_wait3A_272, %dma_wait3A_273] : memref<32x25x5x80xi32, #tpu.memory_space<hbm>> -> memref<1x1x5x80xi32, #tpu.memory_space<hbm>>
      %dma_wait3A_275 = tpu.memref_squeeze %dma_wait3A_274 : memref<1x1x5x80xi32, #tpu.memory_space<hbm>> -> memref<5x80xi32, #tpu.memory_space<hbm>>
      tpu.wait_dma2 semaphore(%arg14 : memref<!tpu.dma_semaphore, #tpu.memory_space<semaphore_mem>>) src(%dma_wait3A_275 : memref<5x80xi32, #tpu.memory_space<hbm>>) dst(%arg7 : memref<5x80xi32, #tpu.memory_space<vmem>>)
      %dma_start3A_276 = arith.constant 0 : i32
      %dma_start3A_277 = arith.constant 0 : i32
      %dma_start3A_278 = tpu.memref_slice %arg7[%dma_start3A_276, %dma_start3A_277] : memref<5x80xi32, #tpu.memory_space<vmem>> -> memref<1x80xi32, #tpu.memory_space<vmem>>
      %dma_start3A_279 = tpu.memref_squeeze %dma_start3A_278 : memref<1x80xi32, #tpu.memory_space<vmem>> -> memref<80xi32, #tpu.memory_space<vmem>>
      %dma_start3A_280 = arith.constant 0 : i32
      %dma_start3A_281 = arith.constant 0 : i32
      %dma_start3A_282 = tpu.memref_slice %arg2[%dma_start3A_280, %dma_start3A_281] : memref<10240x128xf32, #tpu.memory_space<hbm>> -> memref<10240x128xf32, #tpu.memory_space<hbm>>
      tpu.enqueue_indirect_dma source(%dma_start3A_282 : memref<10240x128xf32, #tpu.memory_space<hbm>>) target(%arg11 : memref<80x128xf32, #tpu.memory_space<vmem>>) offsets(%dma_start3A_279 : memref<80xi32, #tpu.memory_space<vmem>>) semaphore(%arg13 : memref<!tpu.dma_semaphore, #tpu.memory_space<semaphore_mem>>)
      %dma_wait3A_283 = arith.constant 4 : i32
      %dma_wait3A_284 = arith.constant 0 : i32
      %dma_wait3A_285 = tpu.memref_slice %arg6[%dma_wait3A_283, %dma_wait3A_284] : memref<5x80xi32, #tpu.memory_space<vmem>> -> memref<1x80xi32, #tpu.memory_space<vmem>>
      %dma_wait3A_286 = tpu.memref_squeeze %dma_wait3A_285 : memref<1x80xi32, #tpu.memory_space<vmem>> -> memref<80xi32, #tpu.memory_space<vmem>>
      %dma_wait3A_287 = arith.constant 0 : i32
      %dma_wait3A_288 = arith.constant 0 : i32
      %dma_wait3A_289 = tpu.memref_slice %arg2[%dma_wait3A_287, %dma_wait3A_288] : memref<10240x128xf32, #tpu.memory_space<hbm>> -> memref<10240x128xf32, #tpu.memory_space<hbm>>
      tpu.wait_indirect_dma semaphore(%arg13 : memref<!tpu.dma_semaphore, #tpu.memory_space<semaphore_mem>>) src(%dma_wait3A_289 : memref<10240x128xf32, #tpu.memory_space<hbm>>) dst(%arg10 : memref<80x128xf32, #tpu.memory_space<vmem>>)
      %run_scoped3A_290 = arith.constant 4 : i32
      "tpu.region"() ({
        %run_scoped3A_431 = tpu.sem_alloc : memref<!tpu.dma_semaphore, #tpu.memory_space<semaphore_mem>>
        %dma_start3A_432 = arith.constant 0 : i32
        %dma_start3A_433 = tpu.memref_slice %arg8[%run_scoped3A_290, %dma_start3A_432] : memref<5x80xi32, #tpu.memory_space<vmem>> -> memref<1x80xi32, #tpu.memory_space<vmem>>
        %dma_start3A_434 = tpu.memref_squeeze %dma_start3A_433 : memref<1x80xi32, #tpu.memory_space<vmem>> -> memref<80xi32, #tpu.memory_space<vmem>>
        %dma_start3A_435 = arith.constant 0 : i32
        %dma_start3A_436 = arith.constant 0 : i32
        %dma_start3A_437 = tpu.memref_slice %arg12[%dma_start3A_435, %dma_start3A_436] : memref<10240x128xf32, #tpu.memory_space<vmem_shared>> -> memref<10240x128xf32, #tpu.memory_space<vmem_shared>>
        tpu.enqueue_indirect_dma source(%arg10 : memref<80x128xf32, #tpu.memory_space<vmem>>) target(%dma_start3A_437 : memref<10240x128xf32, #tpu.memory_space<vmem_shared>>) offsets(%dma_start3A_434 : memref<80xi32, #tpu.memory_space<vmem>>) semaphore(%run_scoped3A_431 : memref<!tpu.dma_semaphore, #tpu.memory_space<semaphore_mem>>) {add = true}
        %dma_wait3A_438 = arith.constant 0 : i32
        %dma_wait3A_439 = tpu.memref_slice %arg8[%run_scoped3A_290, %dma_wait3A_438] : memref<5x80xi32, #tpu.memory_space<vmem>> -> memref<1x80xi32, #tpu.memory_space<vmem>>
        %dma_wait3A_440 = tpu.memref_squeeze %dma_wait3A_439 : memref<1x80xi32, #tpu.memory_space<vmem>> -> memref<80xi32, #tpu.memory_space<vmem>>
        %dma_wait3A_441 = arith.constant 0 : i32
        %dma_wait3A_442 = arith.constant 0 : i32
        %dma_wait3A_443 = tpu.memref_slice %arg12[%dma_wait3A_441, %dma_wait3A_442] : memref<10240x128xf32, #tpu.memory_space<vmem_shared>> -> memref<10240x128xf32, #tpu.memory_space<vmem_shared>>
        tpu.wait_indirect_dma semaphore(%run_scoped3A_431 : memref<!tpu.dma_semaphore, #tpu.memory_space<semaphore_mem>>) src(%arg10 : memref<80x128xf32, #tpu.memory_space<vmem>>) dst(%dma_wait3A_443 : memref<10240x128xf32, #tpu.memory_space<vmem_shared>>)
        tpu.yield
      }) : () -> ()
      %add3A_291 = arith.constant 1 : i32
      %add3A_292 = arith.addi %mul3A_197, %add3A_291 : i32
      %dma_wait3A_293 = arith.constant 0 : i32
      %dma_wait3A_294 = arith.constant 0 : i32
      %dma_wait3A_295 = tpu.memref_slice %arg4[%add3A, %add3A_292, %dma_wait3A_293, %dma_wait3A_294] : memref<32x25x5x80xi32, #tpu.memory_space<hbm>> -> memref<1x1x5x80xi32, #tpu.memory_space<hbm>>
      %dma_wait3A_296 = tpu.memref_squeeze %dma_wait3A_295 : memref<1x1x5x80xi32, #tpu.memory_space<hbm>> -> memref<5x80xi32, #tpu.memory_space<hbm>>
      %dma_wait3A_297 = arith.constant 0 : i32
      %dma_wait3A_298 = arith.constant 0 : i32
      %dma_wait3A_299 = tpu.memref_slice %arg4[%add3A, %add3A_292, %dma_wait3A_297, %dma_wait3A_298] : memref<32x25x5x80xi32, #tpu.memory_space<hbm>> -> memref<1x1x5x80xi32, #tpu.memory_space<hbm>>
      %dma_wait3A_300 = tpu.memref_squeeze %dma_wait3A_299 : memref<1x1x5x80xi32, #tpu.memory_space<hbm>> -> memref<5x80xi32, #tpu.memory_space<hbm>>
      tpu.wait_dma2 semaphore(%arg15 : memref<!tpu.dma_semaphore, #tpu.memory_space<semaphore_mem>>) src(%dma_wait3A_300 : memref<5x80xi32, #tpu.memory_space<hbm>>) dst(%arg9 : memref<5x80xi32, #tpu.memory_space<vmem>>)
      %dma_start3A_301 = arith.constant 1 : i32
      %dma_start3A_302 = arith.constant 0 : i32
      %dma_start3A_303 = tpu.memref_slice %arg7[%dma_start3A_301, %dma_start3A_302] : memref<5x80xi32, #tpu.memory_space<vmem>> -> memref<1x80xi32, #tpu.memory_space<vmem>>
      %dma_start3A_304 = tpu.memref_squeeze %dma_start3A_303 : memref<1x80xi32, #tpu.memory_space<vmem>> -> memref<80xi32, #tpu.memory_space<vmem>>
      %dma_start3A_305 = arith.constant 0 : i32
      %dma_start3A_306 = arith.constant 0 : i32
      %dma_start3A_307 = tpu.memref_slice %arg2[%dma_start3A_305, %dma_start3A_306] : memref<10240x128xf32, #tpu.memory_space<hbm>> -> memref<10240x128xf32, #tpu.memory_space<hbm>>
      tpu.enqueue_indirect_dma source(%dma_start3A_307 : memref<10240x128xf32, #tpu.memory_space<hbm>>) target(%arg10 : memref<80x128xf32, #tpu.memory_space<vmem>>) offsets(%dma_start3A_304 : memref<80xi32, #tpu.memory_space<vmem>>) semaphore(%arg13 : memref<!tpu.dma_semaphore, #tpu.memory_space<semaphore_mem>>)
      %dma_wait3A_308 = arith.constant 0 : i32
      %dma_wait3A_309 = arith.constant 0 : i32
      %dma_wait3A_310 = tpu.memref_slice %arg7[%dma_wait3A_308, %dma_wait3A_309] : memref<5x80xi32, #tpu.memory_space<vmem>> -> memref<1x80xi32, #tpu.memory_space<vmem>>
      %dma_wait3A_311 = tpu.memref_squeeze %dma_wait3A_310 : memref<1x80xi32, #tpu.memory_space<vmem>> -> memref<80xi32, #tpu.memory_space<vmem>>
      %dma_wait3A_312 = arith.constant 0 : i32
      %dma_wait3A_313 = arith.constant 0 : i32
      %dma_wait3A_314 = tpu.memref_slice %arg2[%dma_wait3A_312, %dma_wait3A_313] : memref<10240x128xf32, #tpu.memory_space<hbm>> -> memref<10240x128xf32, #tpu.memory_space<hbm>>
      tpu.wait_indirect_dma semaphore(%arg13 : memref<!tpu.dma_semaphore, #tpu.memory_space<semaphore_mem>>) src(%dma_wait3A_314 : memref<10240x128xf32, #tpu.memory_space<hbm>>) dst(%arg11 : memref<80x128xf32, #tpu.memory_space<vmem>>)
      %run_scoped3A_315 = arith.constant 0 : i32
      "tpu.region"() ({
        %run_scoped3A_431 = tpu.sem_alloc : memref<!tpu.dma_semaphore, #tpu.memory_space<semaphore_mem>>
        %dma_start3A_432 = arith.constant 0 : i32
        %dma_start3A_433 = tpu.memref_slice %arg9[%run_scoped3A_315, %dma_start3A_432] : memref<5x80xi32, #tpu.memory_space<vmem>> -> memref<1x80xi32, #tpu.memory_space<vmem>>
        %dma_start3A_434 = tpu.memref_squeeze %dma_start3A_433 : memref<1x80xi32, #tpu.memory_space<vmem>> -> memref<80xi32, #tpu.memory_space<vmem>>
        %dma_start3A_435 = arith.constant 0 : i32
        %dma_start3A_436 = arith.constant 0 : i32
        %dma_start3A_437 = tpu.memref_slice %arg12[%dma_start3A_435, %dma_start3A_436] : memref<10240x128xf32, #tpu.memory_space<vmem_shared>> -> memref<10240x128xf32, #tpu.memory_space<vmem_shared>>
        tpu.enqueue_indirect_dma source(%arg11 : memref<80x128xf32, #tpu.memory_space<vmem>>) target(%dma_start3A_437 : memref<10240x128xf32, #tpu.memory_space<vmem_shared>>) offsets(%dma_start3A_434 : memref<80xi32, #tpu.memory_space<vmem>>) semaphore(%run_scoped3A_431 : memref<!tpu.dma_semaphore, #tpu.memory_space<semaphore_mem>>) {add = true}
        %dma_wait3A_438 = arith.constant 0 : i32
        %dma_wait3A_439 = tpu.memref_slice %arg9[%run_scoped3A_315, %dma_wait3A_438] : memref<5x80xi32, #tpu.memory_space<vmem>> -> memref<1x80xi32, #tpu.memory_space<vmem>>
        %dma_wait3A_440 = tpu.memref_squeeze %dma_wait3A_439 : memref<1x80xi32, #tpu.memory_space<vmem>> -> memref<80xi32, #tpu.memory_space<vmem>>
        %dma_wait3A_441 = arith.constant 0 : i32
        %dma_wait3A_442 = arith.constant 0 : i32
        %dma_wait3A_443 = tpu.memref_slice %arg12[%dma_wait3A_441, %dma_wait3A_442] : memref<10240x128xf32, #tpu.memory_space<vmem_shared>> -> memref<10240x128xf32, #tpu.memory_space<vmem_shared>>
        tpu.wait_indirect_dma semaphore(%run_scoped3A_431 : memref<!tpu.dma_semaphore, #tpu.memory_space<semaphore_mem>>) src(%arg11 : memref<80x128xf32, #tpu.memory_space<vmem>>) dst(%dma_wait3A_443 : memref<10240x128xf32, #tpu.memory_space<vmem_shared>>)
        tpu.yield
      }) : () -> ()
      %add3A_316 = arith.constant 2 : i32
      %add3A_317 = arith.addi %mul3A_197, %add3A_316 : i32
      %min3A = arith.minsi %add3A_317, %scan3A_73 : i32
      %dma_start3A_318 = arith.constant 0 : i32
      %dma_start3A_319 = arith.constant 0 : i32
      %dma_start3A_320 = tpu.memref_slice %arg3[%add3A, %min3A, %dma_start3A_318, %dma_start3A_319] : memref<32x25x5x80xi32, #tpu.memory_space<hbm>> -> memref<1x1x5x80xi32, #tpu.memory_space<hbm>>
      %dma_start3A_321 = tpu.memref_squeeze %dma_start3A_320 : memref<1x1x5x80xi32, #tpu.memory_space<hbm>> -> memref<5x80xi32, #tpu.memory_space<hbm>>
      %dma_start3A_322 = arith.constant 0 : i32
      %dma_start3A_323 = arith.constant 0 : i32
      %dma_start3A_324 = tpu.memref_slice %arg3[%add3A, %min3A, %dma_start3A_322, %dma_start3A_323] : memref<32x25x5x80xi32, #tpu.memory_space<hbm>> -> memref<1x1x5x80xi32, #tpu.memory_space<hbm>>
      %dma_start3A_325 = tpu.memref_squeeze %dma_start3A_324 : memref<1x1x5x80xi32, #tpu.memory_space<hbm>> -> memref<5x80xi32, #tpu.memory_space<hbm>>
      tpu.enqueue_dma source(%dma_start3A_325 : memref<5x80xi32, #tpu.memory_space<hbm>>) target(%arg6 : memref<5x80xi32, #tpu.memory_space<vmem>>) target_semaphore(%arg14 : memref<!tpu.dma_semaphore, #tpu.memory_space<semaphore_mem>>)
      %dma_start3A_326 = arith.constant 2 : i32
      %dma_start3A_327 = arith.constant 0 : i32
      %dma_start3A_328 = tpu.memref_slice %arg7[%dma_start3A_326, %dma_start3A_327] : memref<5x80xi32, #tpu.memory_space<vmem>> -> memref<1x80xi32, #tpu.memory_space<vmem>>
      %dma_start3A_329 = tpu.memref_squeeze %dma_start3A_328 : memref<1x80xi32, #tpu.memory_space<vmem>> -> memref<80xi32, #tpu.memory_space<vmem>>
      %dma_start3A_330 = arith.constant 0 : i32
      %dma_start3A_331 = arith.constant 0 : i32
      %dma_start3A_332 = tpu.memref_slice %arg2[%dma_start3A_330, %dma_start3A_331] : memref<10240x128xf32, #tpu.memory_space<hbm>> -> memref<10240x128xf32, #tpu.memory_space<hbm>>
      tpu.enqueue_indirect_dma source(%dma_start3A_332 : memref<10240x128xf32, #tpu.memory_space<hbm>>) target(%arg11 : memref<80x128xf32, #tpu.memory_space<vmem>>) offsets(%dma_start3A_329 : memref<80xi32, #tpu.memory_space<vmem>>) semaphore(%arg13 : memref<!tpu.dma_semaphore, #tpu.memory_space<semaphore_mem>>)
      %dma_wait3A_333 = arith.constant 1 : i32
      %dma_wait3A_334 = arith.constant 0 : i32
      %dma_wait3A_335 = tpu.memref_slice %arg7[%dma_wait3A_333, %dma_wait3A_334] : memref<5x80xi32, #tpu.memory_space<vmem>> -> memref<1x80xi32, #tpu.memory_space<vmem>>
      %dma_wait3A_336 = tpu.memref_squeeze %dma_wait3A_335 : memref<1x80xi32, #tpu.memory_space<vmem>> -> memref<80xi32, #tpu.memory_space<vmem>>
      %dma_wait3A_337 = arith.constant 0 : i32
      %dma_wait3A_338 = arith.constant 0 : i32
      %dma_wait3A_339 = tpu.memref_slice %arg2[%dma_wait3A_337, %dma_wait3A_338] : memref<10240x128xf32, #tpu.memory_space<hbm>> -> memref<10240x128xf32, #tpu.memory_space<hbm>>
      tpu.wait_indirect_dma semaphore(%arg13 : memref<!tpu.dma_semaphore, #tpu.memory_space<semaphore_mem>>) src(%dma_wait3A_339 : memref<10240x128xf32, #tpu.memory_space<hbm>>) dst(%arg10 : memref<80x128xf32, #tpu.memory_space<vmem>>)
      %run_scoped3A_340 = arith.constant 1 : i32
      "tpu.region"() ({
        %run_scoped3A_431 = tpu.sem_alloc : memref<!tpu.dma_semaphore, #tpu.memory_space<semaphore_mem>>
        %dma_start3A_432 = arith.constant 0 : i32
        %dma_start3A_433 = tpu.memref_slice %arg9[%run_scoped3A_340, %dma_start3A_432] : memref<5x80xi32, #tpu.memory_space<vmem>> -> memref<1x80xi32, #tpu.memory_space<vmem>>
        %dma_start3A_434 = tpu.memref_squeeze %dma_start3A_433 : memref<1x80xi32, #tpu.memory_space<vmem>> -> memref<80xi32, #tpu.memory_space<vmem>>
        %dma_start3A_435 = arith.constant 0 : i32
        %dma_start3A_436 = arith.constant 0 : i32
        %dma_start3A_437 = tpu.memref_slice %arg12[%dma_start3A_435, %dma_start3A_436] : memref<10240x128xf32, #tpu.memory_space<vmem_shared>> -> memref<10240x128xf32, #tpu.memory_space<vmem_shared>>
        tpu.enqueue_indirect_dma source(%arg10 : memref<80x128xf32, #tpu.memory_space<vmem>>) target(%dma_start3A_437 : memref<10240x128xf32, #tpu.memory_space<vmem_shared>>) offsets(%dma_start3A_434 : memref<80xi32, #tpu.memory_space<vmem>>) semaphore(%run_scoped3A_431 : memref<!tpu.dma_semaphore, #tpu.memory_space<semaphore_mem>>) {add = true}
        %dma_wait3A_438 = arith.constant 0 : i32
        %dma_wait3A_439 = tpu.memref_slice %arg9[%run_scoped3A_340, %dma_wait3A_438] : memref<5x80xi32, #tpu.memory_space<vmem>> -> memref<1x80xi32, #tpu.memory_space<vmem>>
        %dma_wait3A_440 = tpu.memref_squeeze %dma_wait3A_439 : memref<1x80xi32, #tpu.memory_space<vmem>> -> memref<80xi32, #tpu.memory_space<vmem>>
        %dma_wait3A_441 = arith.constant 0 : i32
        %dma_wait3A_442 = arith.constant 0 : i32
        %dma_wait3A_443 = tpu.memref_slice %arg12[%dma_wait3A_441, %dma_wait3A_442] : memref<10240x128xf32, #tpu.memory_space<vmem_shared>> -> memref<10240x128xf32, #tpu.memory_space<vmem_shared>>
        tpu.wait_indirect_dma semaphore(%run_scoped3A_431 : memref<!tpu.dma_semaphore, #tpu.memory_space<semaphore_mem>>) src(%arg10 : memref<80x128xf32, #tpu.memory_space<vmem>>) dst(%dma_wait3A_443 : memref<10240x128xf32, #tpu.memory_space<vmem_shared>>)
        tpu.yield
      }) : () -> ()
      %dma_start3A_341 = arith.constant 3 : i32
      %dma_start3A_342 = arith.constant 0 : i32
      %dma_start3A_343 = tpu.memref_slice %arg7[%dma_start3A_341, %dma_start3A_342] : memref<5x80xi32, #tpu.memory_space<vmem>> -> memref<1x80xi32, #tpu.memory_space<vmem>>
      %dma_start3A_344 = tpu.memref_squeeze %dma_start3A_343 : memref<1x80xi32, #tpu.memory_space<vmem>> -> memref<80xi32, #tpu.memory_space<vmem>>
      %dma_start3A_345 = arith.constant 0 : i32
      %dma_start3A_346 = arith.constant 0 : i32
      %dma_start3A_347 = tpu.memref_slice %arg2[%dma_start3A_345, %dma_start3A_346] : memref<10240x128xf32, #tpu.memory_space<hbm>> -> memref<10240x128xf32, #tpu.memory_space<hbm>>
      tpu.enqueue_indirect_dma source(%dma_start3A_347 : memref<10240x128xf32, #tpu.memory_space<hbm>>) target(%arg10 : memref<80x128xf32, #tpu.memory_space<vmem>>) offsets(%dma_start3A_344 : memref<80xi32, #tpu.memory_space<vmem>>) semaphore(%arg13 : memref<!tpu.dma_semaphore, #tpu.memory_space<semaphore_mem>>)
      %dma_wait3A_348 = arith.constant 2 : i32
      %dma_wait3A_349 = arith.constant 0 : i32
      %dma_wait3A_350 = tpu.memref_slice %arg7[%dma_wait3A_348, %dma_wait3A_349] : memref<5x80xi32, #tpu.memory_space<vmem>> -> memref<1x80xi32, #tpu.memory_space<vmem>>
      %dma_wait3A_351 = tpu.memref_squeeze %dma_wait3A_350 : memref<1x80xi32, #tpu.memory_space<vmem>> -> memref<80xi32, #tpu.memory_space<vmem>>
      %dma_wait3A_352 = arith.constant 0 : i32
      %dma_wait3A_353 = arith.constant 0 : i32
      %dma_wait3A_354 = tpu.memref_slice %arg2[%dma_wait3A_352, %dma_wait3A_353] : memref<10240x128xf32, #tpu.memory_space<hbm>> -> memref<10240x128xf32, #tpu.memory_space<hbm>>
      tpu.wait_indirect_dma semaphore(%arg13 : memref<!tpu.dma_semaphore, #tpu.memory_space<semaphore_mem>>) src(%dma_wait3A_354 : memref<10240x128xf32, #tpu.memory_space<hbm>>) dst(%arg11 : memref<80x128xf32, #tpu.memory_space<vmem>>)
      %run_scoped3A_355 = arith.constant 2 : i32
      "tpu.region"() ({
        %run_scoped3A_431 = tpu.sem_alloc : memref<!tpu.dma_semaphore, #tpu.memory_space<semaphore_mem>>
        %dma_start3A_432 = arith.constant 0 : i32
        %dma_start3A_433 = tpu.memref_slice %arg9[%run_scoped3A_355, %dma_start3A_432] : memref<5x80xi32, #tpu.memory_space<vmem>> -> memref<1x80xi32, #tpu.memory_space<vmem>>
        %dma_start3A_434 = tpu.memref_squeeze %dma_start3A_433 : memref<1x80xi32, #tpu.memory_space<vmem>> -> memref<80xi32, #tpu.memory_space<vmem>>
        %dma_start3A_435 = arith.constant 0 : i32
        %dma_start3A_436 = arith.constant 0 : i32
        %dma_start3A_437 = tpu.memref_slice %arg12[%dma_start3A_435, %dma_start3A_436] : memref<10240x128xf32, #tpu.memory_space<vmem_shared>> -> memref<10240x128xf32, #tpu.memory_space<vmem_shared>>
        tpu.enqueue_indirect_dma source(%arg11 : memref<80x128xf32, #tpu.memory_space<vmem>>) target(%dma_start3A_437 : memref<10240x128xf32, #tpu.memory_space<vmem_shared>>) offsets(%dma_start3A_434 : memref<80xi32, #tpu.memory_space<vmem>>) semaphore(%run_scoped3A_431 : memref<!tpu.dma_semaphore, #tpu.memory_space<semaphore_mem>>) {add = true}
        %dma_wait3A_438 = arith.constant 0 : i32
        %dma_wait3A_439 = tpu.memref_slice %arg9[%run_scoped3A_355, %dma_wait3A_438] : memref<5x80xi32, #tpu.memory_space<vmem>> -> memref<1x80xi32, #tpu.memory_space<vmem>>
        %dma_wait3A_440 = tpu.memref_squeeze %dma_wait3A_439 : memref<1x80xi32, #tpu.memory_space<vmem>> -> memref<80xi32, #tpu.memory_space<vmem>>
        %dma_wait3A_441 = arith.constant 0 : i32
        %dma_wait3A_442 = arith.constant 0 : i32
        %dma_wait3A_443 = tpu.memref_slice %arg12[%dma_wait3A_441, %dma_wait3A_442] : memref<10240x128xf32, #tpu.memory_space<vmem_shared>> -> memref<10240x128xf32, #tpu.memory_space<vmem_shared>>
        tpu.wait_indirect_dma semaphore(%run_scoped3A_431 : memref<!tpu.dma_semaphore, #tpu.memory_space<semaphore_mem>>) src(%arg11 : memref<80x128xf32, #tpu.memory_space<vmem>>) dst(%dma_wait3A_443 : memref<10240x128xf32, #tpu.memory_space<vmem_shared>>)
        tpu.yield
      }) : () -> ()
      %dma_start3A_356 = arith.constant 4 : i32
      %dma_start3A_357 = arith.constant 0 : i32
      %dma_start3A_358 = tpu.memref_slice %arg7[%dma_start3A_356, %dma_start3A_357] : memref<5x80xi32, #tpu.memory_space<vmem>> -> memref<1x80xi32, #tpu.memory_space<vmem>>
      %dma_start3A_359 = tpu.memref_squeeze %dma_start3A_358 : memref<1x80xi32, #tpu.memory_space<vmem>> -> memref<80xi32, #tpu.memory_space<vmem>>
      %dma_start3A_360 = arith.constant 0 : i32
      %dma_start3A_361 = arith.constant 0 : i32
      %dma_start3A_362 = tpu.memref_slice %arg2[%dma_start3A_360, %dma_start3A_361] : memref<10240x128xf32, #tpu.memory_space<hbm>> -> memref<10240x128xf32, #tpu.memory_space<hbm>>
      tpu.enqueue_indirect_dma source(%dma_start3A_362 : memref<10240x128xf32, #tpu.memory_space<hbm>>) target(%arg11 : memref<80x128xf32, #tpu.memory_space<vmem>>) offsets(%dma_start3A_359 : memref<80xi32, #tpu.memory_space<vmem>>) semaphore(%arg13 : memref<!tpu.dma_semaphore, #tpu.memory_space<semaphore_mem>>)
      %dma_wait3A_363 = arith.constant 3 : i32
      %dma_wait3A_364 = arith.constant 0 : i32
      %dma_wait3A_365 = tpu.memref_slice %arg7[%dma_wait3A_363, %dma_wait3A_364] : memref<5x80xi32, #tpu.memory_space<vmem>> -> memref<1x80xi32, #tpu.memory_space<vmem>>
      %dma_wait3A_366 = tpu.memref_squeeze %dma_wait3A_365 : memref<1x80xi32, #tpu.memory_space<vmem>> -> memref<80xi32, #tpu.memory_space<vmem>>
      %dma_wait3A_367 = arith.constant 0 : i32
      %dma_wait3A_368 = arith.constant 0 : i32
      %dma_wait3A_369 = tpu.memref_slice %arg2[%dma_wait3A_367, %dma_wait3A_368] : memref<10240x128xf32, #tpu.memory_space<hbm>> -> memref<10240x128xf32, #tpu.memory_space<hbm>>
      tpu.wait_indirect_dma semaphore(%arg13 : memref<!tpu.dma_semaphore, #tpu.memory_space<semaphore_mem>>) src(%dma_wait3A_369 : memref<10240x128xf32, #tpu.memory_space<hbm>>) dst(%arg10 : memref<80x128xf32, #tpu.memory_space<vmem>>)
      %run_scoped3A_370 = arith.constant 3 : i32
      "tpu.region"() ({
        %run_scoped3A_431 = tpu.sem_alloc : memref<!tpu.dma_semaphore, #tpu.memory_space<semaphore_mem>>
        %dma_start3A_432 = arith.constant 0 : i32
        %dma_start3A_433 = tpu.memref_slice %arg9[%run_scoped3A_370, %dma_start3A_432] : memref<5x80xi32, #tpu.memory_space<vmem>> -> memref<1x80xi32, #tpu.memory_space<vmem>>
        %dma_start3A_434 = tpu.memref_squeeze %dma_start3A_433 : memref<1x80xi32, #tpu.memory_space<vmem>> -> memref<80xi32, #tpu.memory_space<vmem>>
        %dma_start3A_435 = arith.constant 0 : i32
        %dma_start3A_436 = arith.constant 0 : i32
        %dma_start3A_437 = tpu.memref_slice %arg12[%dma_start3A_435, %dma_start3A_436] : memref<10240x128xf32, #tpu.memory_space<vmem_shared>> -> memref<10240x128xf32, #tpu.memory_space<vmem_shared>>
        tpu.enqueue_indirect_dma source(%arg10 : memref<80x128xf32, #tpu.memory_space<vmem>>) target(%dma_start3A_437 : memref<10240x128xf32, #tpu.memory_space<vmem_shared>>) offsets(%dma_start3A_434 : memref<80xi32, #tpu.memory_space<vmem>>) semaphore(%run_scoped3A_431 : memref<!tpu.dma_semaphore, #tpu.memory_space<semaphore_mem>>) {add = true}
        %dma_wait3A_438 = arith.constant 0 : i32
        %dma_wait3A_439 = tpu.memref_slice %arg9[%run_scoped3A_370, %dma_wait3A_438] : memref<5x80xi32, #tpu.memory_space<vmem>> -> memref<1x80xi32, #tpu.memory_space<vmem>>
        %dma_wait3A_440 = tpu.memref_squeeze %dma_wait3A_439 : memref<1x80xi32, #tpu.memory_space<vmem>> -> memref<80xi32, #tpu.memory_space<vmem>>
        %dma_wait3A_441 = arith.constant 0 : i32
        %dma_wait3A_442 = arith.constant 0 : i32
        %dma_wait3A_443 = tpu.memref_slice %arg12[%dma_wait3A_441, %dma_wait3A_442] : memref<10240x128xf32, #tpu.memory_space<vmem_shared>> -> memref<10240x128xf32, #tpu.memory_space<vmem_shared>>
        tpu.wait_indirect_dma semaphore(%run_scoped3A_431 : memref<!tpu.dma_semaphore, #tpu.memory_space<semaphore_mem>>) src(%arg10 : memref<80x128xf32, #tpu.memory_space<vmem>>) dst(%dma_wait3A_443 : memref<10240x128xf32, #tpu.memory_space<vmem_shared>>)
        tpu.yield
      }) : () -> ()
      %add3A_371 = arith.constant 2 : i32
      %add3A_372 = arith.addi %mul3A_197, %add3A_371 : i32
      %min3A_373 = arith.minsi %add3A_372, %scan3A_73 : i32
      %dma_wait3A_374 = arith.constant 0 : i32
      %dma_wait3A_375 = arith.constant 0 : i32
      %dma_wait3A_376 = tpu.memref_slice %arg3[%add3A, %min3A_373, %dma_wait3A_374, %dma_wait3A_375] : memref<32x25x5x80xi32, #tpu.memory_space<hbm>> -> memref<1x1x5x80xi32, #tpu.memory_space<hbm>>
      %dma_wait3A_377 = tpu.memref_squeeze %dma_wait3A_376 : memref<1x1x5x80xi32, #tpu.memory_space<hbm>> -> memref<5x80xi32, #tpu.memory_space<hbm>>
      %dma_wait3A_378 = arith.constant 0 : i32
      %dma_wait3A_379 = arith.constant 0 : i32
      %dma_wait3A_380 = tpu.memref_slice %arg3[%add3A, %min3A_373, %dma_wait3A_378, %dma_wait3A_379] : memref<32x25x5x80xi32, #tpu.memory_space<hbm>> -> memref<1x1x5x80xi32, #tpu.memory_space<hbm>>
      %dma_wait3A_381 = tpu.memref_squeeze %dma_wait3A_380 : memref<1x1x5x80xi32, #tpu.memory_space<hbm>> -> memref<5x80xi32, #tpu.memory_space<hbm>>
      tpu.wait_dma2 semaphore(%arg14 : memref<!tpu.dma_semaphore, #tpu.memory_space<semaphore_mem>>) src(%dma_wait3A_381 : memref<5x80xi32, #tpu.memory_space<hbm>>) dst(%arg6 : memref<5x80xi32, #tpu.memory_space<vmem>>)
      %dma_start3A_382 = arith.constant 0 : i32
      %dma_start3A_383 = arith.constant 0 : i32
      %dma_start3A_384 = tpu.memref_slice %arg6[%dma_start3A_382, %dma_start3A_383] : memref<5x80xi32, #tpu.memory_space<vmem>> -> memref<1x80xi32, #tpu.memory_space<vmem>>
      %dma_start3A_385 = tpu.memref_squeeze %dma_start3A_384 : memref<1x80xi32, #tpu.memory_space<vmem>> -> memref<80xi32, #tpu.memory_space<vmem>>
      %dma_start3A_386 = arith.constant 0 : i32
      %dma_start3A_387 = arith.constant 0 : i32
      %dma_start3A_388 = tpu.memref_slice %arg2[%dma_start3A_386, %dma_start3A_387] : memref<10240x128xf32, #tpu.memory_space<hbm>> -> memref<10240x128xf32, #tpu.memory_space<hbm>>
      tpu.enqueue_indirect_dma source(%dma_start3A_388 : memref<10240x128xf32, #tpu.memory_space<hbm>>) target(%arg10 : memref<80x128xf32, #tpu.memory_space<vmem>>) offsets(%dma_start3A_385 : memref<80xi32, #tpu.memory_space<vmem>>) semaphore(%arg13 : memref<!tpu.dma_semaphore, #tpu.memory_space<semaphore_mem>>)
      %dma_wait3A_389 = arith.constant 4 : i32
      %dma_wait3A_390 = arith.constant 0 : i32
      %dma_wait3A_391 = tpu.memref_slice %arg7[%dma_wait3A_389, %dma_wait3A_390] : memref<5x80xi32, #tpu.memory_space<vmem>> -> memref<1x80xi32, #tpu.memory_space<vmem>>
      %dma_wait3A_392 = tpu.memref_squeeze %dma_wait3A_391 : memref<1x80xi32, #tpu.memory_space<vmem>> -> memref<80xi32, #tpu.memory_space<vmem>>
      %dma_wait3A_393 = arith.constant 0 : i32
      %dma_wait3A_394 = arith.constant 0 : i32
      %dma_wait3A_395 = tpu.memref_slice %arg2[%dma_wait3A_393, %dma_wait3A_394] : memref<10240x128xf32, #tpu.memory_space<hbm>> -> memref<10240x128xf32, #tpu.memory_space<hbm>>
      tpu.wait_indirect_dma semaphore(%arg13 : memref<!tpu.dma_semaphore, #tpu.memory_space<semaphore_mem>>) src(%dma_wait3A_395 : memref<10240x128xf32, #tpu.memory_space<hbm>>) dst(%arg11 : memref<80x128xf32, #tpu.memory_space<vmem>>)
      %run_scoped3A_396 = arith.constant 4 : i32
      "tpu.region"() ({
        %run_scoped3A_431 = tpu.sem_alloc : memref<!tpu.dma_semaphore, #tpu.memory_space<semaphore_mem>>
        %dma_start3A_432 = arith.constant 0 : i32
        %dma_start3A_433 = tpu.memref_slice %arg9[%run_scoped3A_396, %dma_start3A_432] : memref<5x80xi32, #tpu.memory_space<vmem>> -> memref<1x80xi32, #tpu.memory_space<vmem>>
        %dma_start3A_434 = tpu.memref_squeeze %dma_start3A_433 : memref<1x80xi32, #tpu.memory_space<vmem>> -> memref<80xi32, #tpu.memory_space<vmem>>
        %dma_start3A_435 = arith.constant 0 : i32
        %dma_start3A_436 = arith.constant 0 : i32
        %dma_start3A_437 = tpu.memref_slice %arg12[%dma_start3A_435, %dma_start3A_436] : memref<10240x128xf32, #tpu.memory_space<vmem_shared>> -> memref<10240x128xf32, #tpu.memory_space<vmem_shared>>
        tpu.enqueue_indirect_dma source(%arg11 : memref<80x128xf32, #tpu.memory_space<vmem>>) target(%dma_start3A_437 : memref<10240x128xf32, #tpu.memory_space<vmem_shared>>) offsets(%dma_start3A_434 : memref<80xi32, #tpu.memory_space<vmem>>) semaphore(%run_scoped3A_431 : memref<!tpu.dma_semaphore, #tpu.memory_space<semaphore_mem>>) {add = true}
        %dma_wait3A_438 = arith.constant 0 : i32
        %dma_wait3A_439 = tpu.memref_slice %arg9[%run_scoped3A_396, %dma_wait3A_438] : memref<5x80xi32, #tpu.memory_space<vmem>> -> memref<1x80xi32, #tpu.memory_space<vmem>>
        %dma_wait3A_440 = tpu.memref_squeeze %dma_wait3A_439 : memref<1x80xi32, #tpu.memory_space<vmem>> -> memref<80xi32, #tpu.memory_space<vmem>>
        %dma_wait3A_441 = arith.constant 0 : i32
        %dma_wait3A_442 = arith.constant 0 : i32
        %dma_wait3A_443 = tpu.memref_slice %arg12[%dma_wait3A_441, %dma_wait3A_442] : memref<10240x128xf32, #tpu.memory_space<vmem_shared>> -> memref<10240x128xf32, #tpu.memory_space<vmem_shared>>
        tpu.wait_indirect_dma semaphore(%run_scoped3A_431 : memref<!tpu.dma_semaphore, #tpu.memory_space<semaphore_mem>>) src(%arg11 : memref<80x128xf32, #tpu.memory_space<vmem>>) dst(%dma_wait3A_443 : memref<10240x128xf32, #tpu.memory_space<vmem_shared>>)
        tpu.yield
      }) : () -> ()
      %add3A_397 = arith.constant 2 : i32
      %add3A_398 = arith.addi %mul3A_197, %add3A_397 : i32
      %min3A_399 = arith.minsi %add3A_398, %scan3A_73 : i32
      %dma_start3A_400 = arith.constant 0 : i32
      %dma_start3A_401 = arith.constant 0 : i32
      %dma_start3A_402 = tpu.memref_slice %arg4[%add3A, %min3A_399, %dma_start3A_400, %dma_start3A_401] : memref<32x25x5x80xi32, #tpu.memory_space<hbm>> -> memref<1x1x5x80xi32, #tpu.memory_space<hbm>>
      %dma_start3A_403 = tpu.memref_squeeze %dma_start3A_402 : memref<1x1x5x80xi32, #tpu.memory_space<hbm>> -> memref<5x80xi32, #tpu.memory_space<hbm>>
      %dma_start3A_404 = arith.constant 0 : i32
      %dma_start3A_405 = arith.constant 0 : i32
      %dma_start3A_406 = tpu.memref_slice %arg4[%add3A, %min3A_399, %dma_start3A_404, %dma_start3A_405] : memref<32x25x5x80xi32, #tpu.memory_space<hbm>> -> memref<1x1x5x80xi32, #tpu.memory_space<hbm>>
      %dma_start3A_407 = tpu.memref_squeeze %dma_start3A_406 : memref<1x1x5x80xi32, #tpu.memory_space<hbm>> -> memref<5x80xi32, #tpu.memory_space<hbm>>
      tpu.enqueue_dma source(%dma_start3A_407 : memref<5x80xi32, #tpu.memory_space<hbm>>) target(%arg8 : memref<5x80xi32, #tpu.memory_space<vmem>>) target_semaphore(%arg15 : memref<!tpu.dma_semaphore, #tpu.memory_space<semaphore_mem>>)
      %add3A_408 = arith.constant 3 : i32
      %add3A_409 = arith.addi %mul3A_197, %add3A_408 : i32
      %min3A_410 = arith.minsi %add3A_409, %scan3A_73 : i32
      %dma_start3A_411 = arith.constant 0 : i32
      %dma_start3A_412 = arith.constant 0 : i32
      %dma_start3A_413 = tpu.memref_slice %arg3[%add3A, %min3A_410, %dma_start3A_411, %dma_start3A_412] : memref<32x25x5x80xi32, #tpu.memory_space<hbm>> -> memref<1x1x5x80xi32, #tpu.memory_space<hbm>>
      %dma_start3A_414 = tpu.memref_squeeze %dma_start3A_413 : memref<1x1x5x80xi32, #tpu.memory_space<hbm>> -> memref<5x80xi32, #tpu.memory_space<hbm>>
      %dma_start3A_415 = arith.constant 0 : i32
      %dma_start3A_416 = arith.constant 0 : i32
      %dma_start3A_417 = tpu.memref_slice %arg3[%add3A, %min3A_410, %dma_start3A_415, %dma_start3A_416] : memref<32x25x5x80xi32, #tpu.memory_space<hbm>> -> memref<1x1x5x80xi32, #tpu.memory_space<hbm>>
      %dma_start3A_418 = tpu.memref_squeeze %dma_start3A_417 : memref<1x1x5x80xi32, #tpu.memory_space<hbm>> -> memref<5x80xi32, #tpu.memory_space<hbm>>
      tpu.enqueue_dma source(%dma_start3A_418 : memref<5x80xi32, #tpu.memory_space<hbm>>) target(%arg7 : memref<5x80xi32, #tpu.memory_space<vmem>>) target_semaphore(%arg14 : memref<!tpu.dma_semaphore, #tpu.memory_space<semaphore_mem>>)
      %add3A_419 = arith.constant 3 : i32
      %add3A_420 = arith.addi %mul3A_197, %add3A_419 : i32
      %min3A_421 = arith.minsi %add3A_420, %scan3A_73 : i32
      %dma_start3A_422 = arith.constant 0 : i32
      %dma_start3A_423 = arith.constant 0 : i32
      %dma_start3A_424 = tpu.memref_slice %arg4[%add3A, %min3A_421, %dma_start3A_422, %dma_start3A_423] : memref<32x25x5x80xi32, #tpu.memory_space<hbm>> -> memref<1x1x5x80xi32, #tpu.memory_space<hbm>>
      %dma_start3A_425 = tpu.memref_squeeze %dma_start3A_424 : memref<1x1x5x80xi32, #tpu.memory_space<hbm>> -> memref<5x80xi32, #tpu.memory_space<hbm>>
      %dma_start3A_426 = arith.constant 0 : i32
      %dma_start3A_427 = arith.constant 0 : i32
      %dma_start3A_428 = tpu.memref_slice %arg4[%add3A, %min3A_421, %dma_start3A_426, %dma_start3A_427] : memref<32x25x5x80xi32, #tpu.memory_space<hbm>> -> memref<1x1x5x80xi32, #tpu.memory_space<hbm>>
      %dma_start3A_429 = tpu.memref_squeeze %dma_start3A_428 : memref<1x1x5x80xi32, #tpu.memory_space<hbm>> -> memref<5x80xi32, #tpu.memory_space<hbm>>
      tpu.enqueue_dma source(%dma_start3A_429 : memref<5x80xi32, #tpu.memory_space<hbm>>) target(%arg9 : memref<5x80xi32, #tpu.memory_space<vmem>>) target_semaphore(%arg15 : memref<!tpu.dma_semaphore, #tpu.memory_space<semaphore_mem>>)
      %scan3A_430 = arith.constant 0 : i32
      scf.yield %scan3A_430 : i32
    }
    %scan3A_80 = arith.constant 12 : i32
    %dma_wait3A = arith.constant 24 : i32
    %dma_wait3A_81 = arith.constant 0 : i32
    %dma_wait3A_82 = arith.constant 0 : i32
    %dma_wait3A_83 = tpu.memref_slice %arg4[%add3A, %dma_wait3A, %dma_wait3A_81, %dma_wait3A_82] : memref<32x25x5x80xi32, #tpu.memory_space<hbm>> -> memref<1x1x5x80xi32, #tpu.memory_space<hbm>>
    %dma_wait3A_84 = tpu.memref_squeeze %dma_wait3A_83 : memref<1x1x5x80xi32, #tpu.memory_space<hbm>> -> memref<5x80xi32, #tpu.memory_space<hbm>>
    %dma_wait3A_85 = arith.constant 0 : i32
    %dma_wait3A_86 = arith.constant 0 : i32
    %dma_wait3A_87 = tpu.memref_slice %arg4[%add3A, %dma_wait3A, %dma_wait3A_85, %dma_wait3A_86] : memref<32x25x5x80xi32, #tpu.memory_space<hbm>> -> memref<1x1x5x80xi32, #tpu.memory_space<hbm>>
    %dma_wait3A_88 = tpu.memref_squeeze %dma_wait3A_87 : memref<1x1x5x80xi32, #tpu.memory_space<hbm>> -> memref<5x80xi32, #tpu.memory_space<hbm>>
    tpu.wait_dma2 semaphore(%arg15 : memref<!tpu.dma_semaphore, #tpu.memory_space<semaphore_mem>>) src(%dma_wait3A_88 : memref<5x80xi32, #tpu.memory_space<hbm>>) dst(%arg8 : memref<5x80xi32, #tpu.memory_space<vmem>>)
    %dma_start3A_89 = arith.constant 1 : i32
    %dma_start3A_90 = arith.constant 0 : i32
    %dma_start3A_91 = tpu.memref_slice %arg6[%dma_start3A_89, %dma_start3A_90] : memref<5x80xi32, #tpu.memory_space<vmem>> -> memref<1x80xi32, #tpu.memory_space<vmem>>
    %dma_start3A_92 = tpu.memref_squeeze %dma_start3A_91 : memref<1x80xi32, #tpu.memory_space<vmem>> -> memref<80xi32, #tpu.memory_space<vmem>>
    %dma_start3A_93 = arith.constant 0 : i32
    %dma_start3A_94 = arith.constant 0 : i32
    %dma_start3A_95 = tpu.memref_slice %arg2[%dma_start3A_93, %dma_start3A_94] : memref<10240x128xf32, #tpu.memory_space<hbm>> -> memref<10240x128xf32, #tpu.memory_space<hbm>>
    tpu.enqueue_indirect_dma source(%dma_start3A_95 : memref<10240x128xf32, #tpu.memory_space<hbm>>) target(%arg11 : memref<80x128xf32, #tpu.memory_space<vmem>>) offsets(%dma_start3A_92 : memref<80xi32, #tpu.memory_space<vmem>>) semaphore(%arg13 : memref<!tpu.dma_semaphore, #tpu.memory_space<semaphore_mem>>)
    %dma_wait3A_96 = arith.constant 0 : i32
    %dma_wait3A_97 = arith.constant 0 : i32
    %dma_wait3A_98 = tpu.memref_slice %arg6[%dma_wait3A_96, %dma_wait3A_97] : memref<5x80xi32, #tpu.memory_space<vmem>> -> memref<1x80xi32, #tpu.memory_space<vmem>>
    %dma_wait3A_99 = tpu.memref_squeeze %dma_wait3A_98 : memref<1x80xi32, #tpu.memory_space<vmem>> -> memref<80xi32, #tpu.memory_space<vmem>>
    %dma_wait3A_100 = arith.constant 0 : i32
    %dma_wait3A_101 = arith.constant 0 : i32
    %dma_wait3A_102 = tpu.memref_slice %arg2[%dma_wait3A_100, %dma_wait3A_101] : memref<10240x128xf32, #tpu.memory_space<hbm>> -> memref<10240x128xf32, #tpu.memory_space<hbm>>
    tpu.wait_indirect_dma semaphore(%arg13 : memref<!tpu.dma_semaphore, #tpu.memory_space<semaphore_mem>>) src(%dma_wait3A_102 : memref<10240x128xf32, #tpu.memory_space<hbm>>) dst(%arg10 : memref<80x128xf32, #tpu.memory_space<vmem>>)
    %run_scoped3A_103 = arith.constant 0 : i32
    "tpu.region"() ({
      %run_scoped3A_194 = tpu.sem_alloc : memref<!tpu.dma_semaphore, #tpu.memory_space<semaphore_mem>>
      %dma_start3A_195 = arith.constant 0 : i32
      %dma_start3A_196 = tpu.memref_slice %arg8[%run_scoped3A_103, %dma_start3A_195] : memref<5x80xi32, #tpu.memory_space<vmem>> -> memref<1x80xi32, #tpu.memory_space<vmem>>
      %dma_start3A_197 = tpu.memref_squeeze %dma_start3A_196 : memref<1x80xi32, #tpu.memory_space<vmem>> -> memref<80xi32, #tpu.memory_space<vmem>>
      %dma_start3A_198 = arith.constant 0 : i32
      %dma_start3A_199 = arith.constant 0 : i32
      %dma_start3A_200 = tpu.memref_slice %arg12[%dma_start3A_198, %dma_start3A_199] : memref<10240x128xf32, #tpu.memory_space<vmem_shared>> -> memref<10240x128xf32, #tpu.memory_space<vmem_shared>>
      tpu.enqueue_indirect_dma source(%arg10 : memref<80x128xf32, #tpu.memory_space<vmem>>) target(%dma_start3A_200 : memref<10240x128xf32, #tpu.memory_space<vmem_shared>>) offsets(%dma_start3A_197 : memref<80xi32, #tpu.memory_space<vmem>>) semaphore(%run_scoped3A_194 : memref<!tpu.dma_semaphore, #tpu.memory_space<semaphore_mem>>) {add = true}
      %dma_wait3A_201 = arith.constant 0 : i32
      %dma_wait3A_202 = tpu.memref_slice %arg8[%run_scoped3A_103, %dma_wait3A_201] : memref<5x80xi32, #tpu.memory_space<vmem>> -> memref<1x80xi32, #tpu.memory_space<vmem>>
      %dma_wait3A_203 = tpu.memref_squeeze %dma_wait3A_202 : memref<1x80xi32, #tpu.memory_space<vmem>> -> memref<80xi32, #tpu.memory_space<vmem>>
      %dma_wait3A_204 = arith.constant 0 : i32
      %dma_wait3A_205 = arith.constant 0 : i32
      %dma_wait3A_206 = tpu.memref_slice %arg12[%dma_wait3A_204, %dma_wait3A_205] : memref<10240x128xf32, #tpu.memory_space<vmem_shared>> -> memref<10240x128xf32, #tpu.memory_space<vmem_shared>>
      tpu.wait_indirect_dma semaphore(%run_scoped3A_194 : memref<!tpu.dma_semaphore, #tpu.memory_space<semaphore_mem>>) src(%arg10 : memref<80x128xf32, #tpu.memory_space<vmem>>) dst(%dma_wait3A_206 : memref<10240x128xf32, #tpu.memory_space<vmem_shared>>)
      tpu.yield
    }) : () -> ()
    %dma_start3A_104 = arith.constant 2 : i32
    %dma_start3A_105 = arith.constant 0 : i32
    %dma_start3A_106 = tpu.memref_slice %arg6[%dma_start3A_104, %dma_start3A_105] : memref<5x80xi32, #tpu.memory_space<vmem>> -> memref<1x80xi32, #tpu.memory_space<vmem>>
    %dma_start3A_107 = tpu.memref_squeeze %dma_start3A_106 : memref<1x80xi32, #tpu.memory_space<vmem>> -> memref<80xi32, #tpu.memory_space<vmem>>
    %dma_start3A_108 = arith.constant 0 : i32
    %dma_start3A_109 = arith.constant 0 : i32
    %dma_start3A_110 = tpu.memref_slice %arg2[%dma_start3A_108, %dma_start3A_109] : memref<10240x128xf32, #tpu.memory_space<hbm>> -> memref<10240x128xf32, #tpu.memory_space<hbm>>
    tpu.enqueue_indirect_dma source(%dma_start3A_110 : memref<10240x128xf32, #tpu.memory_space<hbm>>) target(%arg10 : memref<80x128xf32, #tpu.memory_space<vmem>>) offsets(%dma_start3A_107 : memref<80xi32, #tpu.memory_space<vmem>>) semaphore(%arg13 : memref<!tpu.dma_semaphore, #tpu.memory_space<semaphore_mem>>)
    %dma_wait3A_111 = arith.constant 1 : i32
    %dma_wait3A_112 = arith.constant 0 : i32
    %dma_wait3A_113 = tpu.memref_slice %arg6[%dma_wait3A_111, %dma_wait3A_112] : memref<5x80xi32, #tpu.memory_space<vmem>> -> memref<1x80xi32, #tpu.memory_space<vmem>>
    %dma_wait3A_114 = tpu.memref_squeeze %dma_wait3A_113 : memref<1x80xi32, #tpu.memory_space<vmem>> -> memref<80xi32, #tpu.memory_space<vmem>>
    %dma_wait3A_115 = arith.constant 0 : i32
    %dma_wait3A_116 = arith.constant 0 : i32
    %dma_wait3A_117 = tpu.memref_slice %arg2[%dma_wait3A_115, %dma_wait3A_116] : memref<10240x128xf32, #tpu.memory_space<hbm>> -> memref<10240x128xf32, #tpu.memory_space<hbm>>
    tpu.wait_indirect_dma semaphore(%arg13 : memref<!tpu.dma_semaphore, #tpu.memory_space<semaphore_mem>>) src(%dma_wait3A_117 : memref<10240x128xf32, #tpu.memory_space<hbm>>) dst(%arg11 : memref<80x128xf32, #tpu.memory_space<vmem>>)
    %run_scoped3A_118 = arith.constant 1 : i32
    "tpu.region"() ({
      %run_scoped3A_194 = tpu.sem_alloc : memref<!tpu.dma_semaphore, #tpu.memory_space<semaphore_mem>>
      %dma_start3A_195 = arith.constant 0 : i32
      %dma_start3A_196 = tpu.memref_slice %arg8[%run_scoped3A_118, %dma_start3A_195] : memref<5x80xi32, #tpu.memory_space<vmem>> -> memref<1x80xi32, #tpu.memory_space<vmem>>
      %dma_start3A_197 = tpu.memref_squeeze %dma_start3A_196 : memref<1x80xi32, #tpu.memory_space<vmem>> -> memref<80xi32, #tpu.memory_space<vmem>>
      %dma_start3A_198 = arith.constant 0 : i32
      %dma_start3A_199 = arith.constant 0 : i32
      %dma_start3A_200 = tpu.memref_slice %arg12[%dma_start3A_198, %dma_start3A_199] : memref<10240x128xf32, #tpu.memory_space<vmem_shared>> -> memref<10240x128xf32, #tpu.memory_space<vmem_shared>>
      tpu.enqueue_indirect_dma source(%arg11 : memref<80x128xf32, #tpu.memory_space<vmem>>) target(%dma_start3A_200 : memref<10240x128xf32, #tpu.memory_space<vmem_shared>>) offsets(%dma_start3A_197 : memref<80xi32, #tpu.memory_space<vmem>>) semaphore(%run_scoped3A_194 : memref<!tpu.dma_semaphore, #tpu.memory_space<semaphore_mem>>) {add = true}
      %dma_wait3A_201 = arith.constant 0 : i32
      %dma_wait3A_202 = tpu.memref_slice %arg8[%run_scoped3A_118, %dma_wait3A_201] : memref<5x80xi32, #tpu.memory_space<vmem>> -> memref<1x80xi32, #tpu.memory_space<vmem>>
      %dma_wait3A_203 = tpu.memref_squeeze %dma_wait3A_202 : memref<1x80xi32, #tpu.memory_space<vmem>> -> memref<80xi32, #tpu.memory_space<vmem>>
      %dma_wait3A_204 = arith.constant 0 : i32
      %dma_wait3A_205 = arith.constant 0 : i32
      %dma_wait3A_206 = tpu.memref_slice %arg12[%dma_wait3A_204, %dma_wait3A_205] : memref<10240x128xf32, #tpu.memory_space<vmem_shared>> -> memref<10240x128xf32, #tpu.memory_space<vmem_shared>>
      tpu.wait_indirect_dma semaphore(%run_scoped3A_194 : memref<!tpu.dma_semaphore, #tpu.memory_space<semaphore_mem>>) src(%arg11 : memref<80x128xf32, #tpu.memory_space<vmem>>) dst(%dma_wait3A_206 : memref<10240x128xf32, #tpu.memory_space<vmem_shared>>)
      tpu.yield
    }) : () -> ()
    %dma_start3A_119 = arith.constant 3 : i32
    %dma_start3A_120 = arith.constant 0 : i32
    %dma_start3A_121 = tpu.memref_slice %arg6[%dma_start3A_119, %dma_start3A_120] : memref<5x80xi32, #tpu.memory_space<vmem>> -> memref<1x80xi32, #tpu.memory_space<vmem>>
    %dma_start3A_122 = tpu.memref_squeeze %dma_start3A_121 : memref<1x80xi32, #tpu.memory_space<vmem>> -> memref<80xi32, #tpu.memory_space<vmem>>
    %dma_start3A_123 = arith.constant 0 : i32
    %dma_start3A_124 = arith.constant 0 : i32
    %dma_start3A_125 = tpu.memref_slice %arg2[%dma_start3A_123, %dma_start3A_124] : memref<10240x128xf32, #tpu.memory_space<hbm>> -> memref<10240x128xf32, #tpu.memory_space<hbm>>
    tpu.enqueue_indirect_dma source(%dma_start3A_125 : memref<10240x128xf32, #tpu.memory_space<hbm>>) target(%arg11 : memref<80x128xf32, #tpu.memory_space<vmem>>) offsets(%dma_start3A_122 : memref<80xi32, #tpu.memory_space<vmem>>) semaphore(%arg13 : memref<!tpu.dma_semaphore, #tpu.memory_space<semaphore_mem>>)
    %dma_wait3A_126 = arith.constant 2 : i32
    %dma_wait3A_127 = arith.constant 0 : i32
    %dma_wait3A_128 = tpu.memref_slice %arg6[%dma_wait3A_126, %dma_wait3A_127] : memref<5x80xi32, #tpu.memory_space<vmem>> -> memref<1x80xi32, #tpu.memory_space<vmem>>
    %dma_wait3A_129 = tpu.memref_squeeze %dma_wait3A_128 : memref<1x80xi32, #tpu.memory_space<vmem>> -> memref<80xi32, #tpu.memory_space<vmem>>
    %dma_wait3A_130 = arith.constant 0 : i32
    %dma_wait3A_131 = arith.constant 0 : i32
    %dma_wait3A_132 = tpu.memref_slice %arg2[%dma_wait3A_130, %dma_wait3A_131] : memref<10240x128xf32, #tpu.memory_space<hbm>> -> memref<10240x128xf32, #tpu.memory_space<hbm>>
    tpu.wait_indirect_dma semaphore(%arg13 : memref<!tpu.dma_semaphore, #tpu.memory_space<semaphore_mem>>) src(%dma_wait3A_132 : memref<10240x128xf32, #tpu.memory_space<hbm>>) dst(%arg10 : memref<80x128xf32, #tpu.memory_space<vmem>>)
    %run_scoped3A_133 = arith.constant 2 : i32
    "tpu.region"() ({
      %run_scoped3A_194 = tpu.sem_alloc : memref<!tpu.dma_semaphore, #tpu.memory_space<semaphore_mem>>
      %dma_start3A_195 = arith.constant 0 : i32
      %dma_start3A_196 = tpu.memref_slice %arg8[%run_scoped3A_133, %dma_start3A_195] : memref<5x80xi32, #tpu.memory_space<vmem>> -> memref<1x80xi32, #tpu.memory_space<vmem>>
      %dma_start3A_197 = tpu.memref_squeeze %dma_start3A_196 : memref<1x80xi32, #tpu.memory_space<vmem>> -> memref<80xi32, #tpu.memory_space<vmem>>
      %dma_start3A_198 = arith.constant 0 : i32
      %dma_start3A_199 = arith.constant 0 : i32
      %dma_start3A_200 = tpu.memref_slice %arg12[%dma_start3A_198, %dma_start3A_199] : memref<10240x128xf32, #tpu.memory_space<vmem_shared>> -> memref<10240x128xf32, #tpu.memory_space<vmem_shared>>
      tpu.enqueue_indirect_dma source(%arg10 : memref<80x128xf32, #tpu.memory_space<vmem>>) target(%dma_start3A_200 : memref<10240x128xf32, #tpu.memory_space<vmem_shared>>) offsets(%dma_start3A_197 : memref<80xi32, #tpu.memory_space<vmem>>) semaphore(%run_scoped3A_194 : memref<!tpu.dma_semaphore, #tpu.memory_space<semaphore_mem>>) {add = true}
      %dma_wait3A_201 = arith.constant 0 : i32
      %dma_wait3A_202 = tpu.memref_slice %arg8[%run_scoped3A_133, %dma_wait3A_201] : memref<5x80xi32, #tpu.memory_space<vmem>> -> memref<1x80xi32, #tpu.memory_space<vmem>>
      %dma_wait3A_203 = tpu.memref_squeeze %dma_wait3A_202 : memref<1x80xi32, #tpu.memory_space<vmem>> -> memref<80xi32, #tpu.memory_space<vmem>>
      %dma_wait3A_204 = arith.constant 0 : i32
      %dma_wait3A_205 = arith.constant 0 : i32
      %dma_wait3A_206 = tpu.memref_slice %arg12[%dma_wait3A_204, %dma_wait3A_205] : memref<10240x128xf32, #tpu.memory_space<vmem_shared>> -> memref<10240x128xf32, #tpu.memory_space<vmem_shared>>
      tpu.wait_indirect_dma semaphore(%run_scoped3A_194 : memref<!tpu.dma_semaphore, #tpu.memory_space<semaphore_mem>>) src(%arg10 : memref<80x128xf32, #tpu.memory_space<vmem>>) dst(%dma_wait3A_206 : memref<10240x128xf32, #tpu.memory_space<vmem_shared>>)
      tpu.yield
    }) : () -> ()
    %dma_start3A_134 = arith.constant 4 : i32
    %dma_start3A_135 = arith.constant 0 : i32
    %dma_start3A_136 = tpu.memref_slice %arg6[%dma_start3A_134, %dma_start3A_135] : memref<5x80xi32, #tpu.memory_space<vmem>> -> memref<1x80xi32, #tpu.memory_space<vmem>>
    %dma_start3A_137 = tpu.memref_squeeze %dma_start3A_136 : memref<1x80xi32, #tpu.memory_space<vmem>> -> memref<80xi32, #tpu.memory_space<vmem>>
    %dma_start3A_138 = arith.constant 0 : i32
    %dma_start3A_139 = arith.constant 0 : i32
    %dma_start3A_140 = tpu.memref_slice %arg2[%dma_start3A_138, %dma_start3A_139] : memref<10240x128xf32, #tpu.memory_space<hbm>> -> memref<10240x128xf32, #tpu.memory_space<hbm>>
    tpu.enqueue_indirect_dma source(%dma_start3A_140 : memref<10240x128xf32, #tpu.memory_space<hbm>>) target(%arg10 : memref<80x128xf32, #tpu.memory_space<vmem>>) offsets(%dma_start3A_137 : memref<80xi32, #tpu.memory_space<vmem>>) semaphore(%arg13 : memref<!tpu.dma_semaphore, #tpu.memory_space<semaphore_mem>>)
    %dma_wait3A_141 = arith.constant 3 : i32
    %dma_wait3A_142 = arith.constant 0 : i32
    %dma_wait3A_143 = tpu.memref_slice %arg6[%dma_wait3A_141, %dma_wait3A_142] : memref<5x80xi32, #tpu.memory_space<vmem>> -> memref<1x80xi32, #tpu.memory_space<vmem>>
    %dma_wait3A_144 = tpu.memref_squeeze %dma_wait3A_143 : memref<1x80xi32, #tpu.memory_space<vmem>> -> memref<80xi32, #tpu.memory_space<vmem>>
    %dma_wait3A_145 = arith.constant 0 : i32
    %dma_wait3A_146 = arith.constant 0 : i32
    %dma_wait3A_147 = tpu.memref_slice %arg2[%dma_wait3A_145, %dma_wait3A_146] : memref<10240x128xf32, #tpu.memory_space<hbm>> -> memref<10240x128xf32, #tpu.memory_space<hbm>>
    tpu.wait_indirect_dma semaphore(%arg13 : memref<!tpu.dma_semaphore, #tpu.memory_space<semaphore_mem>>) src(%dma_wait3A_147 : memref<10240x128xf32, #tpu.memory_space<hbm>>) dst(%arg11 : memref<80x128xf32, #tpu.memory_space<vmem>>)
    %run_scoped3A_148 = arith.constant 3 : i32
    "tpu.region"() ({
      %run_scoped3A_194 = tpu.sem_alloc : memref<!tpu.dma_semaphore, #tpu.memory_space<semaphore_mem>>
      %dma_start3A_195 = arith.constant 0 : i32
      %dma_start3A_196 = tpu.memref_slice %arg8[%run_scoped3A_148, %dma_start3A_195] : memref<5x80xi32, #tpu.memory_space<vmem>> -> memref<1x80xi32, #tpu.memory_space<vmem>>
      %dma_start3A_197 = tpu.memref_squeeze %dma_start3A_196 : memref<1x80xi32, #tpu.memory_space<vmem>> -> memref<80xi32, #tpu.memory_space<vmem>>
      %dma_start3A_198 = arith.constant 0 : i32
      %dma_start3A_199 = arith.constant 0 : i32
      %dma_start3A_200 = tpu.memref_slice %arg12[%dma_start3A_198, %dma_start3A_199] : memref<10240x128xf32, #tpu.memory_space<vmem_shared>> -> memref<10240x128xf32, #tpu.memory_space<vmem_shared>>
      tpu.enqueue_indirect_dma source(%arg11 : memref<80x128xf32, #tpu.memory_space<vmem>>) target(%dma_start3A_200 : memref<10240x128xf32, #tpu.memory_space<vmem_shared>>) offsets(%dma_start3A_197 : memref<80xi32, #tpu.memory_space<vmem>>) semaphore(%run_scoped3A_194 : memref<!tpu.dma_semaphore, #tpu.memory_space<semaphore_mem>>) {add = true}
      %dma_wait3A_201 = arith.constant 0 : i32
      %dma_wait3A_202 = tpu.memref_slice %arg8[%run_scoped3A_148, %dma_wait3A_201] : memref<5x80xi32, #tpu.memory_space<vmem>> -> memref<1x80xi32, #tpu.memory_space<vmem>>
      %dma_wait3A_203 = tpu.memref_squeeze %dma_wait3A_202 : memref<1x80xi32, #tpu.memory_space<vmem>> -> memref<80xi32, #tpu.memory_space<vmem>>
      %dma_wait3A_204 = arith.constant 0 : i32
      %dma_wait3A_205 = arith.constant 0 : i32
      %dma_wait3A_206 = tpu.memref_slice %arg12[%dma_wait3A_204, %dma_wait3A_205] : memref<10240x128xf32, #tpu.memory_space<vmem_shared>> -> memref<10240x128xf32, #tpu.memory_space<vmem_shared>>
      tpu.wait_indirect_dma semaphore(%run_scoped3A_194 : memref<!tpu.dma_semaphore, #tpu.memory_space<semaphore_mem>>) src(%arg11 : memref<80x128xf32, #tpu.memory_space<vmem>>) dst(%dma_wait3A_206 : memref<10240x128xf32, #tpu.memory_space<vmem_shared>>)
      tpu.yield
    }) : () -> ()
    %dma_start3A_149 = arith.constant 4 : i32
    %dma_start3A_150 = arith.constant 0 : i32
    %dma_start3A_151 = tpu.memref_slice %arg6[%dma_start3A_149, %dma_start3A_150] : memref<5x80xi32, #tpu.memory_space<vmem>> -> memref<1x80xi32, #tpu.memory_space<vmem>>
    %dma_start3A_152 = tpu.memref_squeeze %dma_start3A_151 : memref<1x80xi32, #tpu.memory_space<vmem>> -> memref<80xi32, #tpu.memory_space<vmem>>
    %dma_start3A_153 = arith.constant 0 : i32
    %dma_start3A_154 = arith.constant 0 : i32
    %dma_start3A_155 = tpu.memref_slice %arg2[%dma_start3A_153, %dma_start3A_154] : memref<10240x128xf32, #tpu.memory_space<hbm>> -> memref<10240x128xf32, #tpu.memory_space<hbm>>
    tpu.enqueue_indirect_dma source(%dma_start3A_155 : memref<10240x128xf32, #tpu.memory_space<hbm>>) target(%arg11 : memref<80x128xf32, #tpu.memory_space<vmem>>) offsets(%dma_start3A_152 : memref<80xi32, #tpu.memory_space<vmem>>) semaphore(%arg13 : memref<!tpu.dma_semaphore, #tpu.memory_space<semaphore_mem>>)
    %dma_wait3A_156 = arith.constant 4 : i32
    %dma_wait3A_157 = arith.constant 0 : i32
    %dma_wait3A_158 = tpu.memref_slice %arg6[%dma_wait3A_156, %dma_wait3A_157] : memref<5x80xi32, #tpu.memory_space<vmem>> -> memref<1x80xi32, #tpu.memory_space<vmem>>
    %dma_wait3A_159 = tpu.memref_squeeze %dma_wait3A_158 : memref<1x80xi32, #tpu.memory_space<vmem>> -> memref<80xi32, #tpu.memory_space<vmem>>
    %dma_wait3A_160 = arith.constant 0 : i32
    %dma_wait3A_161 = arith.constant 0 : i32
    %dma_wait3A_162 = tpu.memref_slice %arg2[%dma_wait3A_160, %dma_wait3A_161] : memref<10240x128xf32, #tpu.memory_space<hbm>> -> memref<10240x128xf32, #tpu.memory_space<hbm>>
    tpu.wait_indirect_dma semaphore(%arg13 : memref<!tpu.dma_semaphore, #tpu.memory_space<semaphore_mem>>) src(%dma_wait3A_162 : memref<10240x128xf32, #tpu.memory_space<hbm>>) dst(%arg10 : memref<80x128xf32, #tpu.memory_space<vmem>>)
    %run_scoped3A_163 = arith.constant 4 : i32
    "tpu.region"() ({
      %run_scoped3A_194 = tpu.sem_alloc : memref<!tpu.dma_semaphore, #tpu.memory_space<semaphore_mem>>
      %dma_start3A_195 = arith.constant 0 : i32
      %dma_start3A_196 = tpu.memref_slice %arg8[%run_scoped3A_163, %dma_start3A_195] : memref<5x80xi32, #tpu.memory_space<vmem>> -> memref<1x80xi32, #tpu.memory_space<vmem>>
      %dma_start3A_197 = tpu.memref_squeeze %dma_start3A_196 : memref<1x80xi32, #tpu.memory_space<vmem>> -> memref<80xi32, #tpu.memory_space<vmem>>
      %dma_start3A_198 = arith.constant 0 : i32
      %dma_start3A_199 = arith.constant 0 : i32
      %dma_start3A_200 = tpu.memref_slice %arg12[%dma_start3A_198, %dma_start3A_199] : memref<10240x128xf32, #tpu.memory_space<vmem_shared>> -> memref<10240x128xf32, #tpu.memory_space<vmem_shared>>
      tpu.enqueue_indirect_dma source(%arg10 : memref<80x128xf32, #tpu.memory_space<vmem>>) target(%dma_start3A_200 : memref<10240x128xf32, #tpu.memory_space<vmem_shared>>) offsets(%dma_start3A_197 : memref<80xi32, #tpu.memory_space<vmem>>) semaphore(%run_scoped3A_194 : memref<!tpu.dma_semaphore, #tpu.memory_space<semaphore_mem>>) {add = true}
      %dma_wait3A_201 = arith.constant 0 : i32
      %dma_wait3A_202 = tpu.memref_slice %arg8[%run_scoped3A_163, %dma_wait3A_201] : memref<5x80xi32, #tpu.memory_space<vmem>> -> memref<1x80xi32, #tpu.memory_space<vmem>>
      %dma_wait3A_203 = tpu.memref_squeeze %dma_wait3A_202 : memref<1x80xi32, #tpu.memory_space<vmem>> -> memref<80xi32, #tpu.memory_space<vmem>>
      %dma_wait3A_204 = arith.constant 0 : i32
      %dma_wait3A_205 = arith.constant 0 : i32
      %dma_wait3A_206 = tpu.memref_slice %arg12[%dma_wait3A_204, %dma_wait3A_205] : memref<10240x128xf32, #tpu.memory_space<vmem_shared>> -> memref<10240x128xf32, #tpu.memory_space<vmem_shared>>
      tpu.wait_indirect_dma semaphore(%run_scoped3A_194 : memref<!tpu.dma_semaphore, #tpu.memory_space<semaphore_mem>>) src(%arg10 : memref<80x128xf32, #tpu.memory_space<vmem>>) dst(%dma_wait3A_206 : memref<10240x128xf32, #tpu.memory_space<vmem_shared>>)
      tpu.yield
    }) : () -> ()
    %dma_wait3A_164 = arith.constant 4 : i32
    %dma_wait3A_165 = arith.constant 0 : i32
    %dma_wait3A_166 = tpu.memref_slice %arg6[%dma_wait3A_164, %dma_wait3A_165] : memref<5x80xi32, #tpu.memory_space<vmem>> -> memref<1x80xi32, #tpu.memory_space<vmem>>
    %dma_wait3A_167 = tpu.memref_squeeze %dma_wait3A_166 : memref<1x80xi32, #tpu.memory_space<vmem>> -> memref<80xi32, #tpu.memory_space<vmem>>
    %dma_wait3A_168 = arith.constant 0 : i32
    %dma_wait3A_169 = arith.constant 0 : i32
    %dma_wait3A_170 = tpu.memref_slice %arg2[%dma_wait3A_168, %dma_wait3A_169] : memref<10240x128xf32, #tpu.memory_space<hbm>> -> memref<10240x128xf32, #tpu.memory_space<hbm>>
    tpu.wait_indirect_dma semaphore(%arg13 : memref<!tpu.dma_semaphore, #tpu.memory_space<semaphore_mem>>) src(%dma_wait3A_170 : memref<10240x128xf32, #tpu.memory_space<hbm>>) dst(%arg11 : memref<80x128xf32, #tpu.memory_space<vmem>>)
    %dma_wait3A_171 = arith.constant 24 : i32
    %dma_wait3A_172 = arith.constant 0 : i32
    %dma_wait3A_173 = arith.constant 0 : i32
    %dma_wait3A_174 = tpu.memref_slice %arg3[%add3A, %dma_wait3A_171, %dma_wait3A_172, %dma_wait3A_173] : memref<32x25x5x80xi32, #tpu.memory_space<hbm>> -> memref<1x1x5x80xi32, #tpu.memory_space<hbm>>
    %dma_wait3A_175 = tpu.memref_squeeze %dma_wait3A_174 : memref<1x1x5x80xi32, #tpu.memory_space<hbm>> -> memref<5x80xi32, #tpu.memory_space<hbm>>
    %dma_wait3A_176 = arith.constant 0 : i32
    %dma_wait3A_177 = arith.constant 0 : i32
    %dma_wait3A_178 = tpu.memref_slice %arg3[%add3A, %dma_wait3A_171, %dma_wait3A_176, %dma_wait3A_177] : memref<32x25x5x80xi32, #tpu.memory_space<hbm>> -> memref<1x1x5x80xi32, #tpu.memory_space<hbm>>
    %dma_wait3A_179 = tpu.memref_squeeze %dma_wait3A_178 : memref<1x1x5x80xi32, #tpu.memory_space<hbm>> -> memref<5x80xi32, #tpu.memory_space<hbm>>
    tpu.wait_dma2 semaphore(%arg14 : memref<!tpu.dma_semaphore, #tpu.memory_space<semaphore_mem>>) src(%dma_wait3A_179 : memref<5x80xi32, #tpu.memory_space<hbm>>) dst(%arg7 : memref<5x80xi32, #tpu.memory_space<vmem>>)
    %dma_wait3A_180 = arith.constant 24 : i32
    %dma_wait3A_181 = arith.constant 0 : i32
    %dma_wait3A_182 = arith.constant 0 : i32
    %dma_wait3A_183 = tpu.memref_slice %arg4[%add3A, %dma_wait3A_180, %dma_wait3A_181, %dma_wait3A_182] : memref<32x25x5x80xi32, #tpu.memory_space<hbm>> -> memref<1x1x5x80xi32, #tpu.memory_space<hbm>>
    %dma_wait3A_184 = tpu.memref_squeeze %dma_wait3A_183 : memref<1x1x5x80xi32, #tpu.memory_space<hbm>> -> memref<5x80xi32, #tpu.memory_space<hbm>>
    %dma_wait3A_185 = arith.constant 0 : i32
    %dma_wait3A_186 = arith.constant 0 : i32
    %dma_wait3A_187 = tpu.memref_slice %arg4[%add3A, %dma_wait3A_180, %dma_wait3A_185, %dma_wait3A_186] : memref<32x25x5x80xi32, #tpu.memory_space<hbm>> -> memref<1x1x5x80xi32, #tpu.memory_space<hbm>>
    %dma_wait3A_188 = tpu.memref_squeeze %dma_wait3A_187 : memref<1x1x5x80xi32, #tpu.memory_space<hbm>> -> memref<5x80xi32, #tpu.memory_space<hbm>>
    tpu.wait_dma2 semaphore(%arg15 : memref<!tpu.dma_semaphore, #tpu.memory_space<semaphore_mem>>) src(%dma_wait3A_188 : memref<5x80xi32, #tpu.memory_space<hbm>>) dst(%arg9 : memref<5x80xi32, #tpu.memory_space<vmem>>)
    %barrier3A_189 = arith.constant 0 : index
    tpu.barrier barrier_id(%barrier3A_189)
    %mul3A_190 = arith.constant 640 : i32
    %mul3A_191 = arith.muli %arg1, %mul3A_190 : i32
    %mul3A_192 = arith.constant 640 : i32
    %mul3A_193 = arith.muli %arg1, %mul3A_192 : i32
    "tpu.region"() ({
      %run_scoped3A_194 = tpu.sem_alloc : memref<!tpu.dma_semaphore, #tpu.memory_space<semaphore_mem>>
      %dma_start3A_195 = arith.constant 0 : i32
      %dma_start3A_196 = tpu.memref_slice %arg5[%arg0, %mul3A_193, %dma_start3A_195] : memref<2x10240x128xf32, #tpu.memory_space<hbm>> -> memref<1x640x128xf32, #tpu.memory_space<hbm>>
      %dma_start3A_197 = tpu.memref_squeeze %dma_start3A_196 : memref<1x640x128xf32, #tpu.memory_space<hbm>> -> memref<640x128xf32, #tpu.memory_space<hbm>>
      %dma_start3A_198 = arith.constant 0 : i32
      %dma_start3A_199 = tpu.memref_slice %arg12[%mul3A_191, %dma_start3A_198] : memref<10240x128xf32, #tpu.memory_space<vmem_shared>> -> memref<640x128xf32, #tpu.memory_space<vmem_shared>>
      tpu.enqueue_dma source(%dma_start3A_199 : memref<640x128xf32, #tpu.memory_space<vmem_shared>>) target(%dma_start3A_197 : memref<640x128xf32, #tpu.memory_space<hbm>>) target_semaphore(%run_scoped3A_194 : memref<!tpu.dma_semaphore, #tpu.memory_space<semaphore_mem>>)
      %dma_wait3A_200 = arith.constant 0 : i32
      %dma_wait3A_201 = tpu.memref_slice %arg5[%arg0, %mul3A_193, %dma_wait3A_200] : memref<2x10240x128xf32, #tpu.memory_space<hbm>> -> memref<1x640x128xf32, #tpu.memory_space<hbm>>
      %dma_wait3A_202 = tpu.memref_squeeze %dma_wait3A_201 : memref<1x640x128xf32, #tpu.memory_space<hbm>> -> memref<640x128xf32, #tpu.memory_space<hbm>>
      %dma_wait3A_203 = arith.constant 0 : i32
      %dma_wait3A_204 = tpu.memref_slice %arg12[%mul3A_191, %dma_wait3A_203] : memref<10240x128xf32, #tpu.memory_space<vmem_shared>> -> memref<640x128xf32, #tpu.memory_space<vmem_shared>>
      tpu.wait_dma2 semaphore(%run_scoped3A_194 : memref<!tpu.dma_semaphore, #tpu.memory_space<semaphore_mem>>) src(%dma_wait3A_204 : memref<640x128xf32, #tpu.memory_space<vmem_shared>>) dst(%dma_wait3A_202 : memref<640x128xf32, #tpu.memory_space<hbm>>)
      tpu.yield
    }) : () -> ()
    return
  }
}

#map = affine_map<(d0, d1) -> (0, 0)>
#map1 = affine_map<(d0, d1) -> (0, 0, 0, 0)>
#map2 = affine_map<(d0, d1) -> (0, 0, 0)>
module attributes {stable_mosaic.version = 14 : i64} {
  func.func @_agg_body(%arg0: i32, %arg1: i32, %arg2: memref<10240x128xf32, #tpu.memory_space<hbm>>, %arg3: memref<32x25x5x80xi32, #tpu.memory_space<hbm>>, %arg4: memref<32x25x5x80xi32, #tpu.memory_space<hbm>>, %arg5: memref<2x10240x128xf32, #tpu.memory_space<hbm>>, %arg6: memref<5x80xi32, #tpu.memory_space<vmem>>, %arg7: memref<5x80xi32, #tpu.memory_space<vmem>>, %arg8: memref<5x80xi32, #tpu.memory_space<vmem>>, %arg9: memref<5x80xi32, #tpu.memory_space<vmem>>, %arg10: memref<80x128xf32, #tpu.memory_space<vmem>>, %arg11: memref<80x128xf32, #tpu.memory_space<vmem>>, %arg12: memref<10240x128xf32, #tpu.memory_space<vmem_shared>>, %arg13: memref<!tpu.dma_semaphore, #tpu.memory_space<semaphore_mem>>, %arg14: memref<!tpu.dma_semaphore, #tpu.memory_space<semaphore_mem>>, %arg15: memref<!tpu.dma_semaphore, #tpu.memory_space<semaphore_mem>>) attributes {dimension_semantics = [#tpu.dimension_semantics<core_parallel>, #tpu.dimension_semantics<subcore_parallel>], iteration_bounds = array<i64: 2, 16>, scalar_prefetch = 0 : i64, scratch_operands = 10 : i64, tpu.core_type = #tpu.core_type<sc_vector_subcore>, window_params = [{transform_indices = #map}, {transform_indices = #map1}, {transform_indices = #map1}, {transform_indices = #map2}]} {
    %mul3A = arith.constant 16 : i32
    %mul3A_0 = arith.muli %arg0, %mul3A : i32
    %add3A = arith.addi %mul3A_0, %arg1 : i32
    %broadcast_in_dim3A = arith.constant 0.000000e+00 : f32
    %broadcast_in_dim3A_1 = vector.broadcast %broadcast_in_dim3A : f32 to vector<16xf32>
    %scan3A = arith.constant 0 : i32
    %scan3A_2 = arith.constant 0 : i32
    %scan3A_3 = arith.constant 80 : i32
    %scan3A_4 = arith.addi %scan3A_2, %scan3A_3 : i32
    %scan3A_5 = arith.constant 1 : i32
    %scan3A_6 = scf.for %scan3A_194 = %scan3A_2 to %scan3A_4 step %scan3A_5 iter_args(%scan3A_195 = %scan3A) -> (i32)  : i32 {
      %swap3A = arith.index_cast %scan3A_194 : i32 to index
      %swap3A_196 = arith.constant 0 : index
      %swap3A_197 = tpu.vector_load %arg10[%swap3A, %swap3A_196] {strides = array<i32>} : memref<80x128xf32, #tpu.memory_space<vmem>>, vector<1x16xf32>,
      %swap3A_198 = vector.shape_cast %swap3A_197 : vector<1x16xf32> to vector<16xf32>
      %swap3A_199 = vector.shape_cast %broadcast_in_dim3A_1 : vector<16xf32> to vector<1x16xf32>
      tpu.vector_store %arg10[%swap3A, %swap3A_196], %swap3A_199 {strides = array<i32>} : memref<80x128xf32, #tpu.memory_space<vmem>>, vector<1x16xf32>,
      %swap3A_200 = arith.index_cast %scan3A_194 : i32 to index
      %swap3A_201 = arith.constant 16 : index
      %swap3A_202 = tpu.vector_load %arg10[%swap3A_200, %swap3A_201] {strides = array<i32>} : memref<80x128xf32, #tpu.memory_space<vmem>>, vector<1x16xf32>,
      %swap3A_203 = vector.shape_cast %swap3A_202 : vector<1x16xf32> to vector<16xf32>
      %swap3A_204 = vector.shape_cast %broadcast_in_dim3A_1 : vector<16xf32> to vector<1x16xf32>
      tpu.vector_store %arg10[%swap3A_200, %swap3A_201], %swap3A_204 {strides = array<i32>} : memref<80x128xf32, #tpu.memory_space<vmem>>, vector<1x16xf32>,
      %swap3A_205 = arith.index_cast %scan3A_194 : i32 to index
      %swap3A_206 = arith.constant 32 : index
      %swap3A_207 = tpu.vector_load %arg10[%swap3A_205, %swap3A_206] {strides = array<i32>} : memref<80x128xf32, #tpu.memory_space<vmem>>, vector<1x16xf32>,
      %swap3A_208 = vector.shape_cast %swap3A_207 : vector<1x16xf32> to vector<16xf32>
      %swap3A_209 = vector.shape_cast %broadcast_in_dim3A_1 : vector<16xf32> to vector<1x16xf32>
      tpu.vector_store %arg10[%swap3A_205, %swap3A_206], %swap3A_209 {strides = array<i32>} : memref<80x128xf32, #tpu.memory_space<vmem>>, vector<1x16xf32>,
      %swap3A_210 = arith.index_cast %scan3A_194 : i32 to index
      %swap3A_211 = arith.constant 48 : index
      %swap3A_212 = tpu.vector_load %arg10[%swap3A_210, %swap3A_211] {strides = array<i32>} : memref<80x128xf32, #tpu.memory_space<vmem>>, vector<1x16xf32>,
      %swap3A_213 = vector.shape_cast %swap3A_212 : vector<1x16xf32> to vector<16xf32>
      %swap3A_214 = vector.shape_cast %broadcast_in_dim3A_1 : vector<16xf32> to vector<1x16xf32>
      tpu.vector_store %arg10[%swap3A_210, %swap3A_211], %swap3A_214 {strides = array<i32>} : memref<80x128xf32, #tpu.memory_space<vmem>>, vector<1x16xf32>,
      %swap3A_215 = arith.index_cast %scan3A_194 : i32 to index
      %swap3A_216 = arith.constant 64 : index
      %swap3A_217 = tpu.vector_load %arg10[%swap3A_215, %swap3A_216] {strides = array<i32>} : memref<80x128xf32, #tpu.memory_space<vmem>>, vector<1x16xf32>,
      %swap3A_218 = vector.shape_cast %swap3A_217 : vector<1x16xf32> to vector<16xf32>
      %swap3A_219 = vector.shape_cast %broadcast_in_dim3A_1 : vector<16xf32> to vector<1x16xf32>
      tpu.vector_store %arg10[%swap3A_215, %swap3A_216], %swap3A_219 {strides = array<i32>} : memref<80x128xf32, #tpu.memory_space<vmem>>, vector<1x16xf32>,
      %swap3A_220 = arith.index_cast %scan3A_194 : i32 to index
      %swap3A_221 = arith.constant 80 : index
      %swap3A_222 = tpu.vector_load %arg10[%swap3A_220, %swap3A_221] {strides = array<i32>} : memref<80x128xf32, #tpu.memory_space<vmem>>, vector<1x16xf32>,
      %swap3A_223 = vector.shape_cast %swap3A_222 : vector<1x16xf32> to vector<16xf32>
      %swap3A_224 = vector.shape_cast %broadcast_in_dim3A_1 : vector<16xf32> to vector<1x16xf32>
      tpu.vector_store %arg10[%swap3A_220, %swap3A_221], %swap3A_224 {strides = array<i32>} : memref<80x128xf32, #tpu.memory_space<vmem>>, vector<1x16xf32>,
      %swap3A_225 = arith.index_cast %scan3A_194 : i32 to index
      %swap3A_226 = arith.constant 96 : index
      %swap3A_227 = tpu.vector_load %arg10[%swap3A_225, %swap3A_226] {strides = array<i32>} : memref<80x128xf32, #tpu.memory_space<vmem>>, vector<1x16xf32>,
      %swap3A_228 = vector.shape_cast %swap3A_227 : vector<1x16xf32> to vector<16xf32>
      %swap3A_229 = vector.shape_cast %broadcast_in_dim3A_1 : vector<16xf32> to vector<1x16xf32>
      tpu.vector_store %arg10[%swap3A_225, %swap3A_226], %swap3A_229 {strides = array<i32>} : memref<80x128xf32, #tpu.memory_space<vmem>>, vector<1x16xf32>,
      %swap3A_230 = arith.index_cast %scan3A_194 : i32 to index
      %swap3A_231 = arith.constant 112 : index
      %swap3A_232 = tpu.vector_load %arg10[%swap3A_230, %swap3A_231] {strides = array<i32>} : memref<80x128xf32, #tpu.memory_space<vmem>>, vector<1x16xf32>,
      %swap3A_233 = vector.shape_cast %swap3A_232 : vector<1x16xf32> to vector<16xf32>
      %swap3A_234 = vector.shape_cast %broadcast_in_dim3A_1 : vector<16xf32> to vector<1x16xf32>
      tpu.vector_store %arg10[%swap3A_230, %swap3A_231], %swap3A_234 {strides = array<i32>} : memref<80x128xf32, #tpu.memory_space<vmem>>, vector<1x16xf32>,
      %scan3A_235 = arith.constant 0 : i32
      scf.yield %scan3A_235 : i32
    }
    %scan3A_7 = arith.constant 80 : i32
    %mul3A_8 = arith.constant 640 : i32
    %mul3A_9 = arith.muli %arg1, %mul3A_8 : i32
    %add3A_10 = arith.constant 0 : i32
    %add3A_11 = arith.addi %mul3A_9, %add3A_10 : i32
    "tpu.region"() ({
      %run_scoped3A_194 = tpu.sem_alloc : memref<!tpu.dma_semaphore, #tpu.memory_space<semaphore_mem>>
      %dma_start3A_195 = arith.constant 0 : i32
      %dma_start3A_196 = tpu.memref_slice %arg12[%add3A_11, %dma_start3A_195] : memref<10240x128xf32, #tpu.memory_space<vmem_shared>> -> memref<80x128xf32, #tpu.memory_space<vmem_shared>>
      %dma_start3A_197 = arith.constant 0 : i32
      %dma_start3A_198 = tpu.memref_slice %arg12[%add3A_11, %dma_start3A_197] : memref<10240x128xf32, #tpu.memory_space<vmem_shared>> -> memref<80x128xf32, #tpu.memory_space<vmem_shared>>
      tpu.enqueue_dma source(%arg10 : memref<80x128xf32, #tpu.memory_space<vmem>>) target(%dma_start3A_198 : memref<80x128xf32, #tpu.memory_space<vmem_shared>>) target_semaphore(%run_scoped3A_194 : memref<!tpu.dma_semaphore, #tpu.memory_space<semaphore_mem>>)
      %dma_wait3A_199 = arith.constant 0 : i32
      %dma_wait3A_200 = tpu.memref_slice %arg12[%add3A_11, %dma_wait3A_199] : memref<10240x128xf32, #tpu.memory_space<vmem_shared>> -> memref<80x128xf32, #tpu.memory_space<vmem_shared>>
      %dma_wait3A_201 = arith.constant 0 : i32
      %dma_wait3A_202 = tpu.memref_slice %arg12[%add3A_11, %dma_wait3A_201] : memref<10240x128xf32, #tpu.memory_space<vmem_shared>> -> memref<80x128xf32, #tpu.memory_space<vmem_shared>>
      tpu.wait_dma2 semaphore(%run_scoped3A_194 : memref<!tpu.dma_semaphore, #tpu.memory_space<semaphore_mem>>) src(%arg10 : memref<80x128xf32, #tpu.memory_space<vmem>>) dst(%dma_wait3A_202 : memref<80x128xf32, #tpu.memory_space<vmem_shared>>)
      tpu.yield
    }) : () -> ()
    %mul3A_12 = arith.constant 640 : i32
    %mul3A_13 = arith.muli %arg1, %mul3A_12 : i32
    %add3A_14 = arith.constant 80 : i32
    %add3A_15 = arith.addi %mul3A_13, %add3A_14 : i32
    "tpu.region"() ({
      %run_scoped3A_194 = tpu.sem_alloc : memref<!tpu.dma_semaphore, #tpu.memory_space<semaphore_mem>>
      %dma_start3A_195 = arith.constant 0 : i32
      %dma_start3A_196 = tpu.memref_slice %arg12[%add3A_15, %dma_start3A_195] : memref<10240x128xf32, #tpu.memory_space<vmem_shared>> -> memref<80x128xf32, #tpu.memory_space<vmem_shared>>
      %dma_start3A_197 = arith.constant 0 : i32
      %dma_start3A_198 = tpu.memref_slice %arg12[%add3A_15, %dma_start3A_197] : memref<10240x128xf32, #tpu.memory_space<vmem_shared>> -> memref<80x128xf32, #tpu.memory_space<vmem_shared>>
      tpu.enqueue_dma source(%arg10 : memref<80x128xf32, #tpu.memory_space<vmem>>) target(%dma_start3A_198 : memref<80x128xf32, #tpu.memory_space<vmem_shared>>) target_semaphore(%run_scoped3A_194 : memref<!tpu.dma_semaphore, #tpu.memory_space<semaphore_mem>>)
      %dma_wait3A_199 = arith.constant 0 : i32
      %dma_wait3A_200 = tpu.memref_slice %arg12[%add3A_15, %dma_wait3A_199] : memref<10240x128xf32, #tpu.memory_space<vmem_shared>> -> memref<80x128xf32, #tpu.memory_space<vmem_shared>>
      %dma_wait3A_201 = arith.constant 0 : i32
      %dma_wait3A_202 = tpu.memref_slice %arg12[%add3A_15, %dma_wait3A_201] : memref<10240x128xf32, #tpu.memory_space<vmem_shared>> -> memref<80x128xf32, #tpu.memory_space<vmem_shared>>
      tpu.wait_dma2 semaphore(%run_scoped3A_194 : memref<!tpu.dma_semaphore, #tpu.memory_space<semaphore_mem>>) src(%arg10 : memref<80x128xf32, #tpu.memory_space<vmem>>) dst(%dma_wait3A_202 : memref<80x128xf32, #tpu.memory_space<vmem_shared>>)
      tpu.yield
    }) : () -> ()
    %mul3A_16 = arith.constant 640 : i32
    %mul3A_17 = arith.muli %arg1, %mul3A_16 : i32
    %add3A_18 = arith.constant 160 : i32
    %add3A_19 = arith.addi %mul3A_17, %add3A_18 : i32
    "tpu.region"() ({
      %run_scoped3A_194 = tpu.sem_alloc : memref<!tpu.dma_semaphore, #tpu.memory_space<semaphore_mem>>
      %dma_start3A_195 = arith.constant 0 : i32
      %dma_start3A_196 = tpu.memref_slice %arg12[%add3A_19, %dma_start3A_195] : memref<10240x128xf32, #tpu.memory_space<vmem_shared>> -> memref<80x128xf32, #tpu.memory_space<vmem_shared>>
      %dma_start3A_197 = arith.constant 0 : i32
      %dma_start3A_198 = tpu.memref_slice %arg12[%add3A_19, %dma_start3A_197] : memref<10240x128xf32, #tpu.memory_space<vmem_shared>> -> memref<80x128xf32, #tpu.memory_space<vmem_shared>>
      tpu.enqueue_dma source(%arg10 : memref<80x128xf32, #tpu.memory_space<vmem>>) target(%dma_start3A_198 : memref<80x128xf32, #tpu.memory_space<vmem_shared>>) target_semaphore(%run_scoped3A_194 : memref<!tpu.dma_semaphore, #tpu.memory_space<semaphore_mem>>)
      %dma_wait3A_199 = arith.constant 0 : i32
      %dma_wait3A_200 = tpu.memref_slice %arg12[%add3A_19, %dma_wait3A_199] : memref<10240x128xf32, #tpu.memory_space<vmem_shared>> -> memref<80x128xf32, #tpu.memory_space<vmem_shared>>
      %dma_wait3A_201 = arith.constant 0 : i32
      %dma_wait3A_202 = tpu.memref_slice %arg12[%add3A_19, %dma_wait3A_201] : memref<10240x128xf32, #tpu.memory_space<vmem_shared>> -> memref<80x128xf32, #tpu.memory_space<vmem_shared>>
      tpu.wait_dma2 semaphore(%run_scoped3A_194 : memref<!tpu.dma_semaphore, #tpu.memory_space<semaphore_mem>>) src(%arg10 : memref<80x128xf32, #tpu.memory_space<vmem>>) dst(%dma_wait3A_202 : memref<80x128xf32, #tpu.memory_space<vmem_shared>>)
      tpu.yield
    }) : () -> ()
    %mul3A_20 = arith.constant 640 : i32
    %mul3A_21 = arith.muli %arg1, %mul3A_20 : i32
    %add3A_22 = arith.constant 240 : i32
    %add3A_23 = arith.addi %mul3A_21, %add3A_22 : i32
    "tpu.region"() ({
      %run_scoped3A_194 = tpu.sem_alloc : memref<!tpu.dma_semaphore, #tpu.memory_space<semaphore_mem>>
      %dma_start3A_195 = arith.constant 0 : i32
      %dma_start3A_196 = tpu.memref_slice %arg12[%add3A_23, %dma_start3A_195] : memref<10240x128xf32, #tpu.memory_space<vmem_shared>> -> memref<80x128xf32, #tpu.memory_space<vmem_shared>>
      %dma_start3A_197 = arith.constant 0 : i32
      %dma_start3A_198 = tpu.memref_slice %arg12[%add3A_23, %dma_start3A_197] : memref<10240x128xf32, #tpu.memory_space<vmem_shared>> -> memref<80x128xf32, #tpu.memory_space<vmem_shared>>
      tpu.enqueue_dma source(%arg10 : memref<80x128xf32, #tpu.memory_space<vmem>>) target(%dma_start3A_198 : memref<80x128xf32, #tpu.memory_space<vmem_shared>>) target_semaphore(%run_scoped3A_194 : memref<!tpu.dma_semaphore, #tpu.memory_space<semaphore_mem>>)
      %dma_wait3A_199 = arith.constant 0 : i32
      %dma_wait3A_200 = tpu.memref_slice %arg12[%add3A_23, %dma_wait3A_199] : memref<10240x128xf32, #tpu.memory_space<vmem_shared>> -> memref<80x128xf32, #tpu.memory_space<vmem_shared>>
      %dma_wait3A_201 = arith.constant 0 : i32
      %dma_wait3A_202 = tpu.memref_slice %arg12[%add3A_23, %dma_wait3A_201] : memref<10240x128xf32, #tpu.memory_space<vmem_shared>> -> memref<80x128xf32, #tpu.memory_space<vmem_shared>>
      tpu.wait_dma2 semaphore(%run_scoped3A_194 : memref<!tpu.dma_semaphore, #tpu.memory_space<semaphore_mem>>) src(%arg10 : memref<80x128xf32, #tpu.memory_space<vmem>>) dst(%dma_wait3A_202 : memref<80x128xf32, #tpu.memory_space<vmem_shared>>)
      tpu.yield
    }) : () -> ()
    %mul3A_24 = arith.constant 640 : i32
    %mul3A_25 = arith.muli %arg1, %mul3A_24 : i32
    %add3A_26 = arith.constant 320 : i32
    %add3A_27 = arith.addi %mul3A_25, %add3A_26 : i32
    "tpu.region"() ({
      %run_scoped3A_194 = tpu.sem_alloc : memref<!tpu.dma_semaphore, #tpu.memory_space<semaphore_mem>>
      %dma_start3A_195 = arith.constant 0 : i32
      %dma_start3A_196 = tpu.memref_slice %arg12[%add3A_27, %dma_start3A_195] : memref<10240x128xf32, #tpu.memory_space<vmem_shared>> -> memref<80x128xf32, #tpu.memory_space<vmem_shared>>
      %dma_start3A_197 = arith.constant 0 : i32
      %dma_start3A_198 = tpu.memref_slice %arg12[%add3A_27, %dma_start3A_197] : memref<10240x128xf32, #tpu.memory_space<vmem_shared>> -> memref<80x128xf32, #tpu.memory_space<vmem_shared>>
      tpu.enqueue_dma source(%arg10 : memref<80x128xf32, #tpu.memory_space<vmem>>) target(%dma_start3A_198 : memref<80x128xf32, #tpu.memory_space<vmem_shared>>) target_semaphore(%run_scoped3A_194 : memref<!tpu.dma_semaphore, #tpu.memory_space<semaphore_mem>>)
      %dma_wait3A_199 = arith.constant 0 : i32
      %dma_wait3A_200 = tpu.memref_slice %arg12[%add3A_27, %dma_wait3A_199] : memref<10240x128xf32, #tpu.memory_space<vmem_shared>> -> memref<80x128xf32, #tpu.memory_space<vmem_shared>>
      %dma_wait3A_201 = arith.constant 0 : i32
      %dma_wait3A_202 = tpu.memref_slice %arg12[%add3A_27, %dma_wait3A_201] : memref<10240x128xf32, #tpu.memory_space<vmem_shared>> -> memref<80x128xf32, #tpu.memory_space<vmem_shared>>
      tpu.wait_dma2 semaphore(%run_scoped3A_194 : memref<!tpu.dma_semaphore, #tpu.memory_space<semaphore_mem>>) src(%arg10 : memref<80x128xf32, #tpu.memory_space<vmem>>) dst(%dma_wait3A_202 : memref<80x128xf32, #tpu.memory_space<vmem_shared>>)
      tpu.yield
    }) : () -> ()
    %mul3A_28 = arith.constant 640 : i32
    %mul3A_29 = arith.muli %arg1, %mul3A_28 : i32
    %add3A_30 = arith.constant 400 : i32
    %add3A_31 = arith.addi %mul3A_29, %add3A_30 : i32
    "tpu.region"() ({
      %run_scoped3A_194 = tpu.sem_alloc : memref<!tpu.dma_semaphore, #tpu.memory_space<semaphore_mem>>
      %dma_start3A_195 = arith.constant 0 : i32
      %dma_start3A_196 = tpu.memref_slice %arg12[%add3A_31, %dma_start3A_195] : memref<10240x128xf32, #tpu.memory_space<vmem_shared>> -> memref<80x128xf32, #tpu.memory_space<vmem_shared>>
      %dma_start3A_197 = arith.constant 0 : i32
      %dma_start3A_198 = tpu.memref_slice %arg12[%add3A_31, %dma_start3A_197] : memref<10240x128xf32, #tpu.memory_space<vmem_shared>> -> memref<80x128xf32, #tpu.memory_space<vmem_shared>>
      tpu.enqueue_dma source(%arg10 : memref<80x128xf32, #tpu.memory_space<vmem>>) target(%dma_start3A_198 : memref<80x128xf32, #tpu.memory_space<vmem_shared>>) target_semaphore(%run_scoped3A_194 : memref<!tpu.dma_semaphore, #tpu.memory_space<semaphore_mem>>)
      %dma_wait3A_199 = arith.constant 0 : i32
      %dma_wait3A_200 = tpu.memref_slice %arg12[%add3A_31, %dma_wait3A_199] : memref<10240x128xf32, #tpu.memory_space<vmem_shared>> -> memref<80x128xf32, #tpu.memory_space<vmem_shared>>
      %dma_wait3A_201 = arith.constant 0 : i32
      %dma_wait3A_202 = tpu.memref_slice %arg12[%add3A_31, %dma_wait3A_201] : memref<10240x128xf32, #tpu.memory_space<vmem_shared>> -> memref<80x128xf32, #tpu.memory_space<vmem_shared>>
      tpu.wait_dma2 semaphore(%run_scoped3A_194 : memref<!tpu.dma_semaphore, #tpu.memory_space<semaphore_mem>>) src(%arg10 : memref<80x128xf32, #tpu.memory_space<vmem>>) dst(%dma_wait3A_202 : memref<80x128xf32, #tpu.memory_space<vmem_shared>>)
      tpu.yield
    }) : () -> ()
    %mul3A_32 = arith.constant 640 : i32
    %mul3A_33 = arith.muli %arg1, %mul3A_32 : i32
    %add3A_34 = arith.constant 480 : i32
    %add3A_35 = arith.addi %mul3A_33, %add3A_34 : i32
    "tpu.region"() ({
      %run_scoped3A_194 = tpu.sem_alloc : memref<!tpu.dma_semaphore, #tpu.memory_space<semaphore_mem>>
      %dma_start3A_195 = arith.constant 0 : i32
      %dma_start3A_196 = tpu.memref_slice %arg12[%add3A_35, %dma_start3A_195] : memref<10240x128xf32, #tpu.memory_space<vmem_shared>> -> memref<80x128xf32, #tpu.memory_space<vmem_shared>>
      %dma_start3A_197 = arith.constant 0 : i32
      %dma_start3A_198 = tpu.memref_slice %arg12[%add3A_35, %dma_start3A_197] : memref<10240x128xf32, #tpu.memory_space<vmem_shared>> -> memref<80x128xf32, #tpu.memory_space<vmem_shared>>
      tpu.enqueue_dma source(%arg10 : memref<80x128xf32, #tpu.memory_space<vmem>>) target(%dma_start3A_198 : memref<80x128xf32, #tpu.memory_space<vmem_shared>>) target_semaphore(%run_scoped3A_194 : memref<!tpu.dma_semaphore, #tpu.memory_space<semaphore_mem>>)
      %dma_wait3A_199 = arith.constant 0 : i32
      %dma_wait3A_200 = tpu.memref_slice %arg12[%add3A_35, %dma_wait3A_199] : memref<10240x128xf32, #tpu.memory_space<vmem_shared>> -> memref<80x128xf32, #tpu.memory_space<vmem_shared>>
      %dma_wait3A_201 = arith.constant 0 : i32
      %dma_wait3A_202 = tpu.memref_slice %arg12[%add3A_35, %dma_wait3A_201] : memref<10240x128xf32, #tpu.memory_space<vmem_shared>> -> memref<80x128xf32, #tpu.memory_space<vmem_shared>>
      tpu.wait_dma2 semaphore(%run_scoped3A_194 : memref<!tpu.dma_semaphore, #tpu.memory_space<semaphore_mem>>) src(%arg10 : memref<80x128xf32, #tpu.memory_space<vmem>>) dst(%dma_wait3A_202 : memref<80x128xf32, #tpu.memory_space<vmem_shared>>)
      tpu.yield
    }) : () -> ()
    %mul3A_36 = arith.constant 640 : i32
    %mul3A_37 = arith.muli %arg1, %mul3A_36 : i32
    %add3A_38 = arith.constant 560 : i32
    %add3A_39 = arith.addi %mul3A_37, %add3A_38 : i32
    "tpu.region"() ({
      %run_scoped3A_194 = tpu.sem_alloc : memref<!tpu.dma_semaphore, #tpu.memory_space<semaphore_mem>>
      %dma_start3A_195 = arith.constant 0 : i32
      %dma_start3A_196 = tpu.memref_slice %arg12[%add3A_39, %dma_start3A_195] : memref<10240x128xf32, #tpu.memory_space<vmem_shared>> -> memref<80x128xf32, #tpu.memory_space<vmem_shared>>
      %dma_start3A_197 = arith.constant 0 : i32
      %dma_start3A_198 = tpu.memref_slice %arg12[%add3A_39, %dma_start3A_197] : memref<10240x128xf32, #tpu.memory_space<vmem_shared>> -> memref<80x128xf32, #tpu.memory_space<vmem_shared>>
      tpu.enqueue_dma source(%arg10 : memref<80x128xf32, #tpu.memory_space<vmem>>) target(%dma_start3A_198 : memref<80x128xf32, #tpu.memory_space<vmem_shared>>) target_semaphore(%run_scoped3A_194 : memref<!tpu.dma_semaphore, #tpu.memory_space<semaphore_mem>>)
      %dma_wait3A_199 = arith.constant 0 : i32
      %dma_wait3A_200 = tpu.memref_slice %arg12[%add3A_39, %dma_wait3A_199] : memref<10240x128xf32, #tpu.memory_space<vmem_shared>> -> memref<80x128xf32, #tpu.memory_space<vmem_shared>>
      %dma_wait3A_201 = arith.constant 0 : i32
      %dma_wait3A_202 = tpu.memref_slice %arg12[%add3A_39, %dma_wait3A_201] : memref<10240x128xf32, #tpu.memory_space<vmem_shared>> -> memref<80x128xf32, #tpu.memory_space<vmem_shared>>
      tpu.wait_dma2 semaphore(%run_scoped3A_194 : memref<!tpu.dma_semaphore, #tpu.memory_space<semaphore_mem>>) src(%arg10 : memref<80x128xf32, #tpu.memory_space<vmem>>) dst(%dma_wait3A_202 : memref<80x128xf32, #tpu.memory_space<vmem_shared>>)
      tpu.yield
    }) : () -> ()
    %barrier3A = arith.constant 0 : index
    tpu.barrier barrier_id(%barrier3A)
    %run_scoped3A = arith.constant 0 : i32
    "tpu.region"() ({
      %run_scoped3A_194 = tpu.sem_alloc : memref<!tpu.dma_semaphore, #tpu.memory_space<semaphore_mem>>
      %dma_start3A_195 = arith.constant 0 : i32
      %dma_start3A_196 = arith.constant 0 : i32
      %dma_start3A_197 = tpu.memref_slice %arg3[%add3A, %run_scoped3A, %dma_start3A_195, %dma_start3A_196] : memref<32x25x5x80xi32, #tpu.memory_space<hbm>> -> memref<1x1x5x80xi32, #tpu.memory_space<hbm>>
      %dma_start3A_198 = tpu.memref_squeeze %dma_start3A_197 : memref<1x1x5x80xi32, #tpu.memory_space<hbm>> -> memref<5x80xi32, #tpu.memory_space<hbm>>
      %dma_start3A_199 = arith.constant 0 : i32
      %dma_start3A_200 = arith.constant 0 : i32
      %dma_start3A_201 = tpu.memref_slice %arg3[%add3A, %run_scoped3A, %dma_start3A_199, %dma_start3A_200] : memref<32x25x5x80xi32, #tpu.memory_space<hbm>> -> memref<1x1x5x80xi32, #tpu.memory_space<hbm>>
      %dma_start3A_202 = tpu.memref_squeeze %dma_start3A_201 : memref<1x1x5x80xi32, #tpu.memory_space<hbm>> -> memref<5x80xi32, #tpu.memory_space<hbm>>
      tpu.enqueue_dma source(%dma_start3A_202 : memref<5x80xi32, #tpu.memory_space<hbm>>) target(%arg6 : memref<5x80xi32, #tpu.memory_space<vmem>>) target_semaphore(%run_scoped3A_194 : memref<!tpu.dma_semaphore, #tpu.memory_space<semaphore_mem>>)
      %dma_wait3A_203 = arith.constant 0 : i32
      %dma_wait3A_204 = arith.constant 0 : i32
      %dma_wait3A_205 = tpu.memref_slice %arg3[%add3A, %run_scoped3A, %dma_wait3A_203, %dma_wait3A_204] : memref<32x25x5x80xi32, #tpu.memory_space<hbm>> -> memref<1x1x5x80xi32, #tpu.memory_space<hbm>>
      %dma_wait3A_206 = tpu.memref_squeeze %dma_wait3A_205 : memref<1x1x5x80xi32, #tpu.memory_space<hbm>> -> memref<5x80xi32, #tpu.memory_space<hbm>>
      %dma_wait3A_207 = arith.constant 0 : i32
      %dma_wait3A_208 = arith.constant 0 : i32
      %dma_wait3A_209 = tpu.memref_slice %arg3[%add3A, %run_scoped3A, %dma_wait3A_207, %dma_wait3A_208] : memref<32x25x5x80xi32, #tpu.memory_space<hbm>> -> memref<1x1x5x80xi32, #tpu.memory_space<hbm>>
      %dma_wait3A_210 = tpu.memref_squeeze %dma_wait3A_209 : memref<1x1x5x80xi32, #tpu.memory_space<hbm>> -> memref<5x80xi32, #tpu.memory_space<hbm>>
      tpu.wait_dma2 semaphore(%run_scoped3A_194 : memref<!tpu.dma_semaphore, #tpu.memory_space<semaphore_mem>>) src(%dma_wait3A_210 : memref<5x80xi32, #tpu.memory_space<hbm>>) dst(%arg6 : memref<5x80xi32, #tpu.memory_space<vmem>>)
      tpu.yield
    }) : () -> ()
    %dma_start3A = arith.constant 0 : i32
    %dma_start3A_40 = arith.constant 0 : i32
    %dma_start3A_41 = arith.constant 0 : i32
    %dma_start3A_42 = tpu.memref_slice %arg4[%add3A, %dma_start3A, %dma_start3A_40, %dma_start3A_41] : memref<32x25x5x80xi32, #tpu.memory_space<hbm>> -> memref<1x1x5x80xi32, #tpu.memory_space<hbm>>
    %dma_start3A_43 = tpu.memref_squeeze %dma_start3A_42 : memref<1x1x5x80xi32, #tpu.memory_space<hbm>> -> memref<5x80xi32, #tpu.memory_space<hbm>>
    %dma_start3A_44 = arith.constant 0 : i32
    %dma_start3A_45 = arith.constant 0 : i32
    %dma_start3A_46 = tpu.memref_slice %arg4[%add3A, %dma_start3A, %dma_start3A_44, %dma_start3A_45] : memref<32x25x5x80xi32, #tpu.memory_space<hbm>> -> memref<1x1x5x80xi32, #tpu.memory_space<hbm>>
    %dma_start3A_47 = tpu.memref_squeeze %dma_start3A_46 : memref<1x1x5x80xi32, #tpu.memory_space<hbm>> -> memref<5x80xi32, #tpu.memory_space<hbm>>
    tpu.enqueue_dma source(%dma_start3A_47 : memref<5x80xi32, #tpu.memory_space<hbm>>) target(%arg8 : memref<5x80xi32, #tpu.memory_space<vmem>>) target_semaphore(%arg15 : memref<!tpu.dma_semaphore, #tpu.memory_space<semaphore_mem>>)
    %dma_start3A_48 = arith.constant 1 : i32
    %dma_start3A_49 = arith.constant 0 : i32
    %dma_start3A_50 = arith.constant 0 : i32
    %dma_start3A_51 = tpu.memref_slice %arg3[%add3A, %dma_start3A_48, %dma_start3A_49, %dma_start3A_50] : memref<32x25x5x80xi32, #tpu.memory_space<hbm>> -> memref<1x1x5x80xi32, #tpu.memory_space<hbm>>
    %dma_start3A_52 = tpu.memref_squeeze %dma_start3A_51 : memref<1x1x5x80xi32, #tpu.memory_space<hbm>> -> memref<5x80xi32, #tpu.memory_space<hbm>>
    %dma_start3A_53 = arith.constant 0 : i32
    %dma_start3A_54 = arith.constant 0 : i32
    %dma_start3A_55 = tpu.memref_slice %arg3[%add3A, %dma_start3A_48, %dma_start3A_53, %dma_start3A_54] : memref<32x25x5x80xi32, #tpu.memory_space<hbm>> -> memref<1x1x5x80xi32, #tpu.memory_space<hbm>>
    %dma_start3A_56 = tpu.memref_squeeze %dma_start3A_55 : memref<1x1x5x80xi32, #tpu.memory_space<hbm>> -> memref<5x80xi32, #tpu.memory_space<hbm>>
    tpu.enqueue_dma source(%dma_start3A_56 : memref<5x80xi32, #tpu.memory_space<hbm>>) target(%arg7 : memref<5x80xi32, #tpu.memory_space<vmem>>) target_semaphore(%arg14 : memref<!tpu.dma_semaphore, #tpu.memory_space<semaphore_mem>>)
    %dma_start3A_57 = arith.constant 1 : i32
    %dma_start3A_58 = arith.constant 0 : i32
    %dma_start3A_59 = arith.constant 0 : i32
    %dma_start3A_60 = tpu.memref_slice %arg4[%add3A, %dma_start3A_57, %dma_start3A_58, %dma_start3A_59] : memref<32x25x5x80xi32, #tpu.memory_space<hbm>> -> memref<1x1x5x80xi32, #tpu.memory_space<hbm>>
    %dma_start3A_61 = tpu.memref_squeeze %dma_start3A_60 : memref<1x1x5x80xi32, #tpu.memory_space<hbm>> -> memref<5x80xi32, #tpu.memory_space<hbm>>
    %dma_start3A_62 = arith.constant 0 : i32
    %dma_start3A_63 = arith.constant 0 : i32
    %dma_start3A_64 = tpu.memref_slice %arg4[%add3A, %dma_start3A_57, %dma_start3A_62, %dma_start3A_63] : memref<32x25x5x80xi32, #tpu.memory_space<hbm>> -> memref<1x1x5x80xi32, #tpu.memory_space<hbm>>
    %dma_start3A_65 = tpu.memref_squeeze %dma_start3A_64 : memref<1x1x5x80xi32, #tpu.memory_space<hbm>> -> memref<5x80xi32, #tpu.memory_space<hbm>>
    tpu.enqueue_dma source(%dma_start3A_65 : memref<5x80xi32, #tpu.memory_space<hbm>>) target(%arg9 : memref<5x80xi32, #tpu.memory_space<vmem>>) target_semaphore(%arg15 : memref<!tpu.dma_semaphore, #tpu.memory_space<semaphore_mem>>)
    %dma_start3A_66 = arith.constant 0 : i32
    %dma_start3A_67 = arith.constant 0 : i32
    %dma_start3A_68 = tpu.memref_slice %arg6[%dma_start3A_66, %dma_start3A_67] : memref<5x80xi32, #tpu.memory_space<vmem>> -> memref<1x80xi32, #tpu.memory_space<vmem>>
    %dma_start3A_69 = tpu.memref_squeeze %dma_start3A_68 : memref<1x80xi32, #tpu.memory_space<vmem>> -> memref<80xi32, #tpu.memory_space<vmem>>
    %dma_start3A_70 = arith.constant 0 : i32
    %dma_start3A_71 = arith.constant 0 : i32
    %dma_start3A_72 = tpu.memref_slice %arg2[%dma_start3A_70, %dma_start3A_71] : memref<10240x128xf32, #tpu.memory_space<hbm>> -> memref<10240x128xf32, #tpu.memory_space<hbm>>
    tpu.enqueue_indirect_dma source(%dma_start3A_72 : memref<10240x128xf32, #tpu.memory_space<hbm>>) target(%arg10 : memref<80x128xf32, #tpu.memory_space<vmem>>) offsets(%dma_start3A_69 : memref<80xi32, #tpu.memory_space<vmem>>) semaphore(%arg13 : memref<!tpu.dma_semaphore, #tpu.memory_space<semaphore_mem>>)
    %scan3A_73 = arith.constant 24 : i32
    %scan3A_74 = arith.constant 0 : i32
    %scan3A_75 = arith.constant 0 : i32
    %scan3A_76 = arith.constant 12 : i32
    %scan3A_77 = arith.addi %scan3A_75, %scan3A_76 : i32
    %scan3A_78 = arith.constant 1 : i32
    %scan3A_79 = scf.for %scan3A_194 = %scan3A_75 to %scan3A_77 step %scan3A_78 iter_args(%scan3A_195 = %scan3A_74) -> (i32)  : i32 {
      %mul3A_196 = arith.constant 2 : i32
      %mul3A_197 = arith.muli %mul3A_196, %scan3A_194 : i32
      %dma_wait3A_198 = arith.constant 0 : i32
      %dma_wait3A_199 = arith.constant 0 : i32
      %dma_wait3A_200 = tpu.memref_slice %arg4[%add3A, %mul3A_197, %dma_wait3A_198, %dma_wait3A_199] : memref<32x25x5x80xi32, #tpu.memory_space<hbm>> -> memref<1x1x5x80xi32, #tpu.memory_space<hbm>>
      %dma_wait3A_201 = tpu.memref_squeeze %dma_wait3A_200 : memref<1x1x5x80xi32, #tpu.memory_space<hbm>> -> memref<5x80xi32, #tpu.memory_space<hbm>>
      %dma_wait3A_202 = arith.constant 0 : i32
      %dma_wait3A_203 = arith.constant 0 : i32
      %dma_wait3A_204 = tpu.memref_slice %arg4[%add3A, %mul3A_197, %dma_wait3A_202, %dma_wait3A_203] : memref<32x25x5x80xi32, #tpu.memory_space<hbm>> -> memref<1x1x5x80xi32, #tpu.memory_space<hbm>>
      %dma_wait3A_205 = tpu.memref_squeeze %dma_wait3A_204 : memref<1x1x5x80xi32, #tpu.memory_space<hbm>> -> memref<5x80xi32, #tpu.memory_space<hbm>>
      tpu.wait_dma2 semaphore(%arg15 : memref<!tpu.dma_semaphore, #tpu.memory_space<semaphore_mem>>) src(%dma_wait3A_205 : memref<5x80xi32, #tpu.memory_space<hbm>>) dst(%arg8 : memref<5x80xi32, #tpu.memory_space<vmem>>)
      %dma_start3A_206 = arith.constant 1 : i32
      %dma_start3A_207 = arith.constant 0 : i32
      %dma_start3A_208 = tpu.memref_slice %arg6[%dma_start3A_206, %dma_start3A_207] : memref<5x80xi32, #tpu.memory_space<vmem>> -> memref<1x80xi32, #tpu.memory_space<vmem>>
      %dma_start3A_209 = tpu.memref_squeeze %dma_start3A_208 : memref<1x80xi32, #tpu.memory_space<vmem>> -> memref<80xi32, #tpu.memory_space<vmem>>
      %dma_start3A_210 = arith.constant 0 : i32
      %dma_start3A_211 = arith.constant 0 : i32
      %dma_start3A_212 = tpu.memref_slice %arg2[%dma_start3A_210, %dma_start3A_211] : memref<10240x128xf32, #tpu.memory_space<hbm>> -> memref<10240x128xf32, #tpu.memory_space<hbm>>
      tpu.enqueue_indirect_dma source(%dma_start3A_212 : memref<10240x128xf32, #tpu.memory_space<hbm>>) target(%arg11 : memref<80x128xf32, #tpu.memory_space<vmem>>) offsets(%dma_start3A_209 : memref<80xi32, #tpu.memory_space<vmem>>) semaphore(%arg13 : memref<!tpu.dma_semaphore, #tpu.memory_space<semaphore_mem>>)
      %dma_wait3A_213 = arith.constant 0 : i32
      %dma_wait3A_214 = arith.constant 0 : i32
      %dma_wait3A_215 = tpu.memref_slice %arg6[%dma_wait3A_213, %dma_wait3A_214] : memref<5x80xi32, #tpu.memory_space<vmem>> -> memref<1x80xi32, #tpu.memory_space<vmem>>
      %dma_wait3A_216 = tpu.memref_squeeze %dma_wait3A_215 : memref<1x80xi32, #tpu.memory_space<vmem>> -> memref<80xi32, #tpu.memory_space<vmem>>
      %dma_wait3A_217 = arith.constant 0 : i32
      %dma_wait3A_218 = arith.constant 0 : i32
      %dma_wait3A_219 = tpu.memref_slice %arg2[%dma_wait3A_217, %dma_wait3A_218] : memref<10240x128xf32, #tpu.memory_space<hbm>> -> memref<10240x128xf32, #tpu.memory_space<hbm>>
      tpu.wait_indirect_dma semaphore(%arg13 : memref<!tpu.dma_semaphore, #tpu.memory_space<semaphore_mem>>) src(%dma_wait3A_219 : memref<10240x128xf32, #tpu.memory_space<hbm>>) dst(%arg10 : memref<80x128xf32, #tpu.memory_space<vmem>>)
      %run_scoped3A_220 = arith.constant 0 : i32
      "tpu.region"() ({
        %run_scoped3A_431 = tpu.sem_alloc : memref<!tpu.dma_semaphore, #tpu.memory_space<semaphore_mem>>
        %dma_start3A_432 = arith.constant 0 : i32
        %dma_start3A_433 = tpu.memref_slice %arg8[%run_scoped3A_220, %dma_start3A_432] : memref<5x80xi32, #tpu.memory_space<vmem>> -> memref<1x80xi32, #tpu.memory_space<vmem>>
        %dma_start3A_434 = tpu.memref_squeeze %dma_start3A_433 : memref<1x80xi32, #tpu.memory_space<vmem>> -> memref<80xi32, #tpu.memory_space<vmem>>
        %dma_start3A_435 = arith.constant 0 : i32
        %dma_start3A_436 = arith.constant 0 : i32
        %dma_start3A_437 = tpu.memref_slice %arg12[%dma_start3A_435, %dma_start3A_436] : memref<10240x128xf32, #tpu.memory_space<vmem_shared>> -> memref<10240x128xf32, #tpu.memory_space<vmem_shared>>
        tpu.enqueue_indirect_dma source(%arg10 : memref<80x128xf32, #tpu.memory_space<vmem>>) target(%dma_start3A_437 : memref<10240x128xf32, #tpu.memory_space<vmem_shared>>) offsets(%dma_start3A_434 : memref<80xi32, #tpu.memory_space<vmem>>) semaphore(%run_scoped3A_431 : memref<!tpu.dma_semaphore, #tpu.memory_space<semaphore_mem>>) {add = true}
        %dma_wait3A_438 = arith.constant 0 : i32
        %dma_wait3A_439 = tpu.memref_slice %arg8[%run_scoped3A_220, %dma_wait3A_438] : memref<5x80xi32, #tpu.memory_space<vmem>> -> memref<1x80xi32, #tpu.memory_space<vmem>>
        %dma_wait3A_440 = tpu.memref_squeeze %dma_wait3A_439 : memref<1x80xi32, #tpu.memory_space<vmem>> -> memref<80xi32, #tpu.memory_space<vmem>>
        %dma_wait3A_441 = arith.constant 0 : i32
        %dma_wait3A_442 = arith.constant 0 : i32
        %dma_wait3A_443 = tpu.memref_slice %arg12[%dma_wait3A_441, %dma_wait3A_442] : memref<10240x128xf32, #tpu.memory_space<vmem_shared>> -> memref<10240x128xf32, #tpu.memory_space<vmem_shared>>
        tpu.wait_indirect_dma semaphore(%run_scoped3A_431 : memref<!tpu.dma_semaphore, #tpu.memory_space<semaphore_mem>>) src(%arg10 : memref<80x128xf32, #tpu.memory_space<vmem>>) dst(%dma_wait3A_443 : memref<10240x128xf32, #tpu.memory_space<vmem_shared>>)
        tpu.yield
      }) : () -> ()
      %dma_start3A_221 = arith.constant 2 : i32
      %dma_start3A_222 = arith.constant 0 : i32
      %dma_start3A_223 = tpu.memref_slice %arg6[%dma_start3A_221, %dma_start3A_222] : memref<5x80xi32, #tpu.memory_space<vmem>> -> memref<1x80xi32, #tpu.memory_space<vmem>>
      %dma_start3A_224 = tpu.memref_squeeze %dma_start3A_223 : memref<1x80xi32, #tpu.memory_space<vmem>> -> memref<80xi32, #tpu.memory_space<vmem>>
      %dma_start3A_225 = arith.constant 0 : i32
      %dma_start3A_226 = arith.constant 0 : i32
      %dma_start3A_227 = tpu.memref_slice %arg2[%dma_start3A_225, %dma_start3A_226] : memref<10240x128xf32, #tpu.memory_space<hbm>> -> memref<10240x128xf32, #tpu.memory_space<hbm>>
      tpu.enqueue_indirect_dma source(%dma_start3A_227 : memref<10240x128xf32, #tpu.memory_space<hbm>>) target(%arg10 : memref<80x128xf32, #tpu.memory_space<vmem>>) offsets(%dma_start3A_224 : memref<80xi32, #tpu.memory_space<vmem>>) semaphore(%arg13 : memref<!tpu.dma_semaphore, #tpu.memory_space<semaphore_mem>>)
      %dma_wait3A_228 = arith.constant 1 : i32
      %dma_wait3A_229 = arith.constant 0 : i32
      %dma_wait3A_230 = tpu.memref_slice %arg6[%dma_wait3A_228, %dma_wait3A_229] : memref<5x80xi32, #tpu.memory_space<vmem>> -> memref<1x80xi32, #tpu.memory_space<vmem>>
      %dma_wait3A_231 = tpu.memref_squeeze %dma_wait3A_230 : memref<1x80xi32, #tpu.memory_space<vmem>> -> memref<80xi32, #tpu.memory_space<vmem>>
      %dma_wait3A_232 = arith.constant 0 : i32
      %dma_wait3A_233 = arith.constant 0 : i32
      %dma_wait3A_234 = tpu.memref_slice %arg2[%dma_wait3A_232, %dma_wait3A_233] : memref<10240x128xf32, #tpu.memory_space<hbm>> -> memref<10240x128xf32, #tpu.memory_space<hbm>>
      tpu.wait_indirect_dma semaphore(%arg13 : memref<!tpu.dma_semaphore, #tpu.memory_space<semaphore_mem>>) src(%dma_wait3A_234 : memref<10240x128xf32, #tpu.memory_space<hbm>>) dst(%arg11 : memref<80x128xf32, #tpu.memory_space<vmem>>)
      %run_scoped3A_235 = arith.constant 1 : i32
      "tpu.region"() ({
        %run_scoped3A_431 = tpu.sem_alloc : memref<!tpu.dma_semaphore, #tpu.memory_space<semaphore_mem>>
        %dma_start3A_432 = arith.constant 0 : i32
        %dma_start3A_433 = tpu.memref_slice %arg8[%run_scoped3A_235, %dma_start3A_432] : memref<5x80xi32, #tpu.memory_space<vmem>> -> memref<1x80xi32, #tpu.memory_space<vmem>>
        %dma_start3A_434 = tpu.memref_squeeze %dma_start3A_433 : memref<1x80xi32, #tpu.memory_space<vmem>> -> memref<80xi32, #tpu.memory_space<vmem>>
        %dma_start3A_435 = arith.constant 0 : i32
        %dma_start3A_436 = arith.constant 0 : i32
        %dma_start3A_437 = tpu.memref_slice %arg12[%dma_start3A_435, %dma_start3A_436] : memref<10240x128xf32, #tpu.memory_space<vmem_shared>> -> memref<10240x128xf32, #tpu.memory_space<vmem_shared>>
        tpu.enqueue_indirect_dma source(%arg11 : memref<80x128xf32, #tpu.memory_space<vmem>>) target(%dma_start3A_437 : memref<10240x128xf32, #tpu.memory_space<vmem_shared>>) offsets(%dma_start3A_434 : memref<80xi32, #tpu.memory_space<vmem>>) semaphore(%run_scoped3A_431 : memref<!tpu.dma_semaphore, #tpu.memory_space<semaphore_mem>>) {add = true}
        %dma_wait3A_438 = arith.constant 0 : i32
        %dma_wait3A_439 = tpu.memref_slice %arg8[%run_scoped3A_235, %dma_wait3A_438] : memref<5x80xi32, #tpu.memory_space<vmem>> -> memref<1x80xi32, #tpu.memory_space<vmem>>
        %dma_wait3A_440 = tpu.memref_squeeze %dma_wait3A_439 : memref<1x80xi32, #tpu.memory_space<vmem>> -> memref<80xi32, #tpu.memory_space<vmem>>
        %dma_wait3A_441 = arith.constant 0 : i32
        %dma_wait3A_442 = arith.constant 0 : i32
        %dma_wait3A_443 = tpu.memref_slice %arg12[%dma_wait3A_441, %dma_wait3A_442] : memref<10240x128xf32, #tpu.memory_space<vmem_shared>> -> memref<10240x128xf32, #tpu.memory_space<vmem_shared>>
        tpu.wait_indirect_dma semaphore(%run_scoped3A_431 : memref<!tpu.dma_semaphore, #tpu.memory_space<semaphore_mem>>) src(%arg11 : memref<80x128xf32, #tpu.memory_space<vmem>>) dst(%dma_wait3A_443 : memref<10240x128xf32, #tpu.memory_space<vmem_shared>>)
        tpu.yield
      }) : () -> ()
      %dma_start3A_236 = arith.constant 3 : i32
      %dma_start3A_237 = arith.constant 0 : i32
      %dma_start3A_238 = tpu.memref_slice %arg6[%dma_start3A_236, %dma_start3A_237] : memref<5x80xi32, #tpu.memory_space<vmem>> -> memref<1x80xi32, #tpu.memory_space<vmem>>
      %dma_start3A_239 = tpu.memref_squeeze %dma_start3A_238 : memref<1x80xi32, #tpu.memory_space<vmem>> -> memref<80xi32, #tpu.memory_space<vmem>>
      %dma_start3A_240 = arith.constant 0 : i32
      %dma_start3A_241 = arith.constant 0 : i32
      %dma_start3A_242 = tpu.memref_slice %arg2[%dma_start3A_240, %dma_start3A_241] : memref<10240x128xf32, #tpu.memory_space<hbm>> -> memref<10240x128xf32, #tpu.memory_space<hbm>>
      tpu.enqueue_indirect_dma source(%dma_start3A_242 : memref<10240x128xf32, #tpu.memory_space<hbm>>) target(%arg11 : memref<80x128xf32, #tpu.memory_space<vmem>>) offsets(%dma_start3A_239 : memref<80xi32, #tpu.memory_space<vmem>>) semaphore(%arg13 : memref<!tpu.dma_semaphore, #tpu.memory_space<semaphore_mem>>)
      %dma_wait3A_243 = arith.constant 2 : i32
      %dma_wait3A_244 = arith.constant 0 : i32
      %dma_wait3A_245 = tpu.memref_slice %arg6[%dma_wait3A_243, %dma_wait3A_244] : memref<5x80xi32, #tpu.memory_space<vmem>> -> memref<1x80xi32, #tpu.memory_space<vmem>>
      %dma_wait3A_246 = tpu.memref_squeeze %dma_wait3A_245 : memref<1x80xi32, #tpu.memory_space<vmem>> -> memref<80xi32, #tpu.memory_space<vmem>>
      %dma_wait3A_247 = arith.constant 0 : i32
      %dma_wait3A_248 = arith.constant 0 : i32
      %dma_wait3A_249 = tpu.memref_slice %arg2[%dma_wait3A_247, %dma_wait3A_248] : memref<10240x128xf32, #tpu.memory_space<hbm>> -> memref<10240x128xf32, #tpu.memory_space<hbm>>
      tpu.wait_indirect_dma semaphore(%arg13 : memref<!tpu.dma_semaphore, #tpu.memory_space<semaphore_mem>>) src(%dma_wait3A_249 : memref<10240x128xf32, #tpu.memory_space<hbm>>) dst(%arg10 : memref<80x128xf32, #tpu.memory_space<vmem>>)
      %run_scoped3A_250 = arith.constant 2 : i32
      "tpu.region"() ({
        %run_scoped3A_431 = tpu.sem_alloc : memref<!tpu.dma_semaphore, #tpu.memory_space<semaphore_mem>>
        %dma_start3A_432 = arith.constant 0 : i32
        %dma_start3A_433 = tpu.memref_slice %arg8[%run_scoped3A_250, %dma_start3A_432] : memref<5x80xi32, #tpu.memory_space<vmem>> -> memref<1x80xi32, #tpu.memory_space<vmem>>
        %dma_start3A_434 = tpu.memref_squeeze %dma_start3A_433 : memref<1x80xi32, #tpu.memory_space<vmem>> -> memref<80xi32, #tpu.memory_space<vmem>>
        %dma_start3A_435 = arith.constant 0 : i32
        %dma_start3A_436 = arith.constant 0 : i32
        %dma_start3A_437 = tpu.memref_slice %arg12[%dma_start3A_435, %dma_start3A_436] : memref<10240x128xf32, #tpu.memory_space<vmem_shared>> -> memref<10240x128xf32, #tpu.memory_space<vmem_shared>>
        tpu.enqueue_indirect_dma source(%arg10 : memref<80x128xf32, #tpu.memory_space<vmem>>) target(%dma_start3A_437 : memref<10240x128xf32, #tpu.memory_space<vmem_shared>>) offsets(%dma_start3A_434 : memref<80xi32, #tpu.memory_space<vmem>>) semaphore(%run_scoped3A_431 : memref<!tpu.dma_semaphore, #tpu.memory_space<semaphore_mem>>) {add = true}
        %dma_wait3A_438 = arith.constant 0 : i32
        %dma_wait3A_439 = tpu.memref_slice %arg8[%run_scoped3A_250, %dma_wait3A_438] : memref<5x80xi32, #tpu.memory_space<vmem>> -> memref<1x80xi32, #tpu.memory_space<vmem>>
        %dma_wait3A_440 = tpu.memref_squeeze %dma_wait3A_439 : memref<1x80xi32, #tpu.memory_space<vmem>> -> memref<80xi32, #tpu.memory_space<vmem>>
        %dma_wait3A_441 = arith.constant 0 : i32
        %dma_wait3A_442 = arith.constant 0 : i32
        %dma_wait3A_443 = tpu.memref_slice %arg12[%dma_wait3A_441, %dma_wait3A_442] : memref<10240x128xf32, #tpu.memory_space<vmem_shared>> -> memref<10240x128xf32, #tpu.memory_space<vmem_shared>>
        tpu.wait_indirect_dma semaphore(%run_scoped3A_431 : memref<!tpu.dma_semaphore, #tpu.memory_space<semaphore_mem>>) src(%arg10 : memref<80x128xf32, #tpu.memory_space<vmem>>) dst(%dma_wait3A_443 : memref<10240x128xf32, #tpu.memory_space<vmem_shared>>)
        tpu.yield
      }) : () -> ()
      %dma_start3A_251 = arith.constant 4 : i32
      %dma_start3A_252 = arith.constant 0 : i32
      %dma_start3A_253 = tpu.memref_slice %arg6[%dma_start3A_251, %dma_start3A_252] : memref<5x80xi32, #tpu.memory_space<vmem>> -> memref<1x80xi32, #tpu.memory_space<vmem>>
      %dma_start3A_254 = tpu.memref_squeeze %dma_start3A_253 : memref<1x80xi32, #tpu.memory_space<vmem>> -> memref<80xi32, #tpu.memory_space<vmem>>
      %dma_start3A_255 = arith.constant 0 : i32
      %dma_start3A_256 = arith.constant 0 : i32
      %dma_start3A_257 = tpu.memref_slice %arg2[%dma_start3A_255, %dma_start3A_256] : memref<10240x128xf32, #tpu.memory_space<hbm>> -> memref<10240x128xf32, #tpu.memory_space<hbm>>
      tpu.enqueue_indirect_dma source(%dma_start3A_257 : memref<10240x128xf32, #tpu.memory_space<hbm>>) target(%arg10 : memref<80x128xf32, #tpu.memory_space<vmem>>) offsets(%dma_start3A_254 : memref<80xi32, #tpu.memory_space<vmem>>) semaphore(%arg13 : memref<!tpu.dma_semaphore, #tpu.memory_space<semaphore_mem>>)
      %dma_wait3A_258 = arith.constant 3 : i32
      %dma_wait3A_259 = arith.constant 0 : i32
      %dma_wait3A_260 = tpu.memref_slice %arg6[%dma_wait3A_258, %dma_wait3A_259] : memref<5x80xi32, #tpu.memory_space<vmem>> -> memref<1x80xi32, #tpu.memory_space<vmem>>
      %dma_wait3A_261 = tpu.memref_squeeze %dma_wait3A_260 : memref<1x80xi32, #tpu.memory_space<vmem>> -> memref<80xi32, #tpu.memory_space<vmem>>
      %dma_wait3A_262 = arith.constant 0 : i32
      %dma_wait3A_263 = arith.constant 0 : i32
      %dma_wait3A_264 = tpu.memref_slice %arg2[%dma_wait3A_262, %dma_wait3A_263] : memref<10240x128xf32, #tpu.memory_space<hbm>> -> memref<10240x128xf32, #tpu.memory_space<hbm>>
      tpu.wait_indirect_dma semaphore(%arg13 : memref<!tpu.dma_semaphore, #tpu.memory_space<semaphore_mem>>) src(%dma_wait3A_264 : memref<10240x128xf32, #tpu.memory_space<hbm>>) dst(%arg11 : memref<80x128xf32, #tpu.memory_space<vmem>>)
      %run_scoped3A_265 = arith.constant 3 : i32
      "tpu.region"() ({
        %run_scoped3A_431 = tpu.sem_alloc : memref<!tpu.dma_semaphore, #tpu.memory_space<semaphore_mem>>
        %dma_start3A_432 = arith.constant 0 : i32
        %dma_start3A_433 = tpu.memref_slice %arg8[%run_scoped3A_265, %dma_start3A_432] : memref<5x80xi32, #tpu.memory_space<vmem>> -> memref<1x80xi32, #tpu.memory_space<vmem>>
        %dma_start3A_434 = tpu.memref_squeeze %dma_start3A_433 : memref<1x80xi32, #tpu.memory_space<vmem>> -> memref<80xi32, #tpu.memory_space<vmem>>
        %dma_start3A_435 = arith.constant 0 : i32
        %dma_start3A_436 = arith.constant 0 : i32
        %dma_start3A_437 = tpu.memref_slice %arg12[%dma_start3A_435, %dma_start3A_436] : memref<10240x128xf32, #tpu.memory_space<vmem_shared>> -> memref<10240x128xf32, #tpu.memory_space<vmem_shared>>
        tpu.enqueue_indirect_dma source(%arg11 : memref<80x128xf32, #tpu.memory_space<vmem>>) target(%dma_start3A_437 : memref<10240x128xf32, #tpu.memory_space<vmem_shared>>) offsets(%dma_start3A_434 : memref<80xi32, #tpu.memory_space<vmem>>) semaphore(%run_scoped3A_431 : memref<!tpu.dma_semaphore, #tpu.memory_space<semaphore_mem>>) {add = true}
        %dma_wait3A_438 = arith.constant 0 : i32
        %dma_wait3A_439 = tpu.memref_slice %arg8[%run_scoped3A_265, %dma_wait3A_438] : memref<5x80xi32, #tpu.memory_space<vmem>> -> memref<1x80xi32, #tpu.memory_space<vmem>>
        %dma_wait3A_440 = tpu.memref_squeeze %dma_wait3A_439 : memref<1x80xi32, #tpu.memory_space<vmem>> -> memref<80xi32, #tpu.memory_space<vmem>>
        %dma_wait3A_441 = arith.constant 0 : i32
        %dma_wait3A_442 = arith.constant 0 : i32
        %dma_wait3A_443 = tpu.memref_slice %arg12[%dma_wait3A_441, %dma_wait3A_442] : memref<10240x128xf32, #tpu.memory_space<vmem_shared>> -> memref<10240x128xf32, #tpu.memory_space<vmem_shared>>
        tpu.wait_indirect_dma semaphore(%run_scoped3A_431 : memref<!tpu.dma_semaphore, #tpu.memory_space<semaphore_mem>>) src(%arg11 : memref<80x128xf32, #tpu.memory_space<vmem>>) dst(%dma_wait3A_443 : memref<10240x128xf32, #tpu.memory_space<vmem_shared>>)
        tpu.yield
      }) : () -> ()
      %add3A_266 = arith.constant 1 : i32
      %add3A_267 = arith.addi %mul3A_197, %add3A_266 : i32
      %dma_wait3A_268 = arith.constant 0 : i32
      %dma_wait3A_269 = arith.constant 0 : i32
      %dma_wait3A_270 = tpu.memref_slice %arg3[%add3A, %add3A_267, %dma_wait3A_268, %dma_wait3A_269] : memref<32x25x5x80xi32, #tpu.memory_space<hbm>> -> memref<1x1x5x80xi32, #tpu.memory_space<hbm>>
      %dma_wait3A_271 = tpu.memref_squeeze %dma_wait3A_270 : memref<1x1x5x80xi32, #tpu.memory_space<hbm>> -> memref<5x80xi32, #tpu.memory_space<hbm>>
      %dma_wait3A_272 = arith.constant 0 : i32
      %dma_wait3A_273 = arith.constant 0 : i32
      %dma_wait3A_274 = tpu.memref_slice %arg3[%add3A, %add3A_267, %dma_wait3A_272, %dma_wait3A_273] : memref<32x25x5x80xi32, #tpu.memory_space<hbm>> -> memref<1x1x5x80xi32, #tpu.memory_space<hbm>>
      %dma_wait3A_275 = tpu.memref_squeeze %dma_wait3A_274 : memref<1x1x5x80xi32, #tpu.memory_space<hbm>> -> memref<5x80xi32, #tpu.memory_space<hbm>>
      tpu.wait_dma2 semaphore(%arg14 : memref<!tpu.dma_semaphore, #tpu.memory_space<semaphore_mem>>) src(%dma_wait3A_275 : memref<5x80xi32, #tpu.memory_space<hbm>>) dst(%arg7 : memref<5x80xi32, #tpu.memory_space<vmem>>)
      %dma_start3A_276 = arith.constant 0 : i32
      %dma_start3A_277 = arith.constant 0 : i32
      %dma_start3A_278 = tpu.memref_slice %arg7[%dma_start3A_276, %dma_start3A_277] : memref<5x80xi32, #tpu.memory_space<vmem>> -> memref<1x80xi32, #tpu.memory_space<vmem>>
      %dma_start3A_279 = tpu.memref_squeeze %dma_start3A_278 : memref<1x80xi32, #tpu.memory_space<vmem>> -> memref<80xi32, #tpu.memory_space<vmem>>
      %dma_start3A_280 = arith.constant 0 : i32
      %dma_start3A_281 = arith.constant 0 : i32
      %dma_start3A_282 = tpu.memref_slice %arg2[%dma_start3A_280, %dma_start3A_281] : memref<10240x128xf32, #tpu.memory_space<hbm>> -> memref<10240x128xf32, #tpu.memory_space<hbm>>
      tpu.enqueue_indirect_dma source(%dma_start3A_282 : memref<10240x128xf32, #tpu.memory_space<hbm>>) target(%arg11 : memref<80x128xf32, #tpu.memory_space<vmem>>) offsets(%dma_start3A_279 : memref<80xi32, #tpu.memory_space<vmem>>) semaphore(%arg13 : memref<!tpu.dma_semaphore, #tpu.memory_space<semaphore_mem>>)
      %dma_wait3A_283 = arith.constant 4 : i32
      %dma_wait3A_284 = arith.constant 0 : i32
      %dma_wait3A_285 = tpu.memref_slice %arg6[%dma_wait3A_283, %dma_wait3A_284] : memref<5x80xi32, #tpu.memory_space<vmem>> -> memref<1x80xi32, #tpu.memory_space<vmem>>
      %dma_wait3A_286 = tpu.memref_squeeze %dma_wait3A_285 : memref<1x80xi32, #tpu.memory_space<vmem>> -> memref<80xi32, #tpu.memory_space<vmem>>
      %dma_wait3A_287 = arith.constant 0 : i32
      %dma_wait3A_288 = arith.constant 0 : i32
      %dma_wait3A_289 = tpu.memref_slice %arg2[%dma_wait3A_287, %dma_wait3A_288] : memref<10240x128xf32, #tpu.memory_space<hbm>> -> memref<10240x128xf32, #tpu.memory_space<hbm>>
      tpu.wait_indirect_dma semaphore(%arg13 : memref<!tpu.dma_semaphore, #tpu.memory_space<semaphore_mem>>) src(%dma_wait3A_289 : memref<10240x128xf32, #tpu.memory_space<hbm>>) dst(%arg10 : memref<80x128xf32, #tpu.memory_space<vmem>>)
      %run_scoped3A_290 = arith.constant 4 : i32
      "tpu.region"() ({
        %run_scoped3A_431 = tpu.sem_alloc : memref<!tpu.dma_semaphore, #tpu.memory_space<semaphore_mem>>
        %dma_start3A_432 = arith.constant 0 : i32
        %dma_start3A_433 = tpu.memref_slice %arg8[%run_scoped3A_290, %dma_start3A_432] : memref<5x80xi32, #tpu.memory_space<vmem>> -> memref<1x80xi32, #tpu.memory_space<vmem>>
        %dma_start3A_434 = tpu.memref_squeeze %dma_start3A_433 : memref<1x80xi32, #tpu.memory_space<vmem>> -> memref<80xi32, #tpu.memory_space<vmem>>
        %dma_start3A_435 = arith.constant 0 : i32
        %dma_start3A_436 = arith.constant 0 : i32
        %dma_start3A_437 = tpu.memref_slice %arg12[%dma_start3A_435, %dma_start3A_436] : memref<10240x128xf32, #tpu.memory_space<vmem_shared>> -> memref<10240x128xf32, #tpu.memory_space<vmem_shared>>
        tpu.enqueue_indirect_dma source(%arg10 : memref<80x128xf32, #tpu.memory_space<vmem>>) target(%dma_start3A_437 : memref<10240x128xf32, #tpu.memory_space<vmem_shared>>) offsets(%dma_start3A_434 : memref<80xi32, #tpu.memory_space<vmem>>) semaphore(%run_scoped3A_431 : memref<!tpu.dma_semaphore, #tpu.memory_space<semaphore_mem>>) {add = true}
        %dma_wait3A_438 = arith.constant 0 : i32
        %dma_wait3A_439 = tpu.memref_slice %arg8[%run_scoped3A_290, %dma_wait3A_438] : memref<5x80xi32, #tpu.memory_space<vmem>> -> memref<1x80xi32, #tpu.memory_space<vmem>>
        %dma_wait3A_440 = tpu.memref_squeeze %dma_wait3A_439 : memref<1x80xi32, #tpu.memory_space<vmem>> -> memref<80xi32, #tpu.memory_space<vmem>>
        %dma_wait3A_441 = arith.constant 0 : i32
        %dma_wait3A_442 = arith.constant 0 : i32
        %dma_wait3A_443 = tpu.memref_slice %arg12[%dma_wait3A_441, %dma_wait3A_442] : memref<10240x128xf32, #tpu.memory_space<vmem_shared>> -> memref<10240x128xf32, #tpu.memory_space<vmem_shared>>
        tpu.wait_indirect_dma semaphore(%run_scoped3A_431 : memref<!tpu.dma_semaphore, #tpu.memory_space<semaphore_mem>>) src(%arg10 : memref<80x128xf32, #tpu.memory_space<vmem>>) dst(%dma_wait3A_443 : memref<10240x128xf32, #tpu.memory_space<vmem_shared>>)
        tpu.yield
      }) : () -> ()
      %add3A_291 = arith.constant 1 : i32
      %add3A_292 = arith.addi %mul3A_197, %add3A_291 : i32
      %dma_wait3A_293 = arith.constant 0 : i32
      %dma_wait3A_294 = arith.constant 0 : i32
      %dma_wait3A_295 = tpu.memref_slice %arg4[%add3A, %add3A_292, %dma_wait3A_293, %dma_wait3A_294] : memref<32x25x5x80xi32, #tpu.memory_space<hbm>> -> memref<1x1x5x80xi32, #tpu.memory_space<hbm>>
      %dma_wait3A_296 = tpu.memref_squeeze %dma_wait3A_295 : memref<1x1x5x80xi32, #tpu.memory_space<hbm>> -> memref<5x80xi32, #tpu.memory_space<hbm>>
      %dma_wait3A_297 = arith.constant 0 : i32
      %dma_wait3A_298 = arith.constant 0 : i32
      %dma_wait3A_299 = tpu.memref_slice %arg4[%add3A, %add3A_292, %dma_wait3A_297, %dma_wait3A_298] : memref<32x25x5x80xi32, #tpu.memory_space<hbm>> -> memref<1x1x5x80xi32, #tpu.memory_space<hbm>>
      %dma_wait3A_300 = tpu.memref_squeeze %dma_wait3A_299 : memref<1x1x5x80xi32, #tpu.memory_space<hbm>> -> memref<5x80xi32, #tpu.memory_space<hbm>>
      tpu.wait_dma2 semaphore(%arg15 : memref<!tpu.dma_semaphore, #tpu.memory_space<semaphore_mem>>) src(%dma_wait3A_300 : memref<5x80xi32, #tpu.memory_space<hbm>>) dst(%arg9 : memref<5x80xi32, #tpu.memory_space<vmem>>)
      %dma_start3A_301 = arith.constant 1 : i32
      %dma_start3A_302 = arith.constant 0 : i32
      %dma_start3A_303 = tpu.memref_slice %arg7[%dma_start3A_301, %dma_start3A_302] : memref<5x80xi32, #tpu.memory_space<vmem>> -> memref<1x80xi32, #tpu.memory_space<vmem>>
      %dma_start3A_304 = tpu.memref_squeeze %dma_start3A_303 : memref<1x80xi32, #tpu.memory_space<vmem>> -> memref<80xi32, #tpu.memory_space<vmem>>
      %dma_start3A_305 = arith.constant 0 : i32
      %dma_start3A_306 = arith.constant 0 : i32
      %dma_start3A_307 = tpu.memref_slice %arg2[%dma_start3A_305, %dma_start3A_306] : memref<10240x128xf32, #tpu.memory_space<hbm>> -> memref<10240x128xf32, #tpu.memory_space<hbm>>
      tpu.enqueue_indirect_dma source(%dma_start3A_307 : memref<10240x128xf32, #tpu.memory_space<hbm>>) target(%arg10 : memref<80x128xf32, #tpu.memory_space<vmem>>) offsets(%dma_start3A_304 : memref<80xi32, #tpu.memory_space<vmem>>) semaphore(%arg13 : memref<!tpu.dma_semaphore, #tpu.memory_space<semaphore_mem>>)
      %dma_wait3A_308 = arith.constant 0 : i32
      %dma_wait3A_309 = arith.constant 0 : i32
      %dma_wait3A_310 = tpu.memref_slice %arg7[%dma_wait3A_308, %dma_wait3A_309] : memref<5x80xi32, #tpu.memory_space<vmem>> -> memref<1x80xi32, #tpu.memory_space<vmem>>
      %dma_wait3A_311 = tpu.memref_squeeze %dma_wait3A_310 : memref<1x80xi32, #tpu.memory_space<vmem>> -> memref<80xi32, #tpu.memory_space<vmem>>
      %dma_wait3A_312 = arith.constant 0 : i32
      %dma_wait3A_313 = arith.constant 0 : i32
      %dma_wait3A_314 = tpu.memref_slice %arg2[%dma_wait3A_312, %dma_wait3A_313] : memref<10240x128xf32, #tpu.memory_space<hbm>> -> memref<10240x128xf32, #tpu.memory_space<hbm>>
      tpu.wait_indirect_dma semaphore(%arg13 : memref<!tpu.dma_semaphore, #tpu.memory_space<semaphore_mem>>) src(%dma_wait3A_314 : memref<10240x128xf32, #tpu.memory_space<hbm>>) dst(%arg11 : memref<80x128xf32, #tpu.memory_space<vmem>>)
      %run_scoped3A_315 = arith.constant 0 : i32
      "tpu.region"() ({
        %run_scoped3A_431 = tpu.sem_alloc : memref<!tpu.dma_semaphore, #tpu.memory_space<semaphore_mem>>
        %dma_start3A_432 = arith.constant 0 : i32
        %dma_start3A_433 = tpu.memref_slice %arg9[%run_scoped3A_315, %dma_start3A_432] : memref<5x80xi32, #tpu.memory_space<vmem>> -> memref<1x80xi32, #tpu.memory_space<vmem>>
        %dma_start3A_434 = tpu.memref_squeeze %dma_start3A_433 : memref<1x80xi32, #tpu.memory_space<vmem>> -> memref<80xi32, #tpu.memory_space<vmem>>
        %dma_start3A_435 = arith.constant 0 : i32
        %dma_start3A_436 = arith.constant 0 : i32
        %dma_start3A_437 = tpu.memref_slice %arg12[%dma_start3A_435, %dma_start3A_436] : memref<10240x128xf32, #tpu.memory_space<vmem_shared>> -> memref<10240x128xf32, #tpu.memory_space<vmem_shared>>
        tpu.enqueue_indirect_dma source(%arg11 : memref<80x128xf32, #tpu.memory_space<vmem>>) target(%dma_start3A_437 : memref<10240x128xf32, #tpu.memory_space<vmem_shared>>) offsets(%dma_start3A_434 : memref<80xi32, #tpu.memory_space<vmem>>) semaphore(%run_scoped3A_431 : memref<!tpu.dma_semaphore, #tpu.memory_space<semaphore_mem>>) {add = true}
        %dma_wait3A_438 = arith.constant 0 : i32
        %dma_wait3A_439 = tpu.memref_slice %arg9[%run_scoped3A_315, %dma_wait3A_438] : memref<5x80xi32, #tpu.memory_space<vmem>> -> memref<1x80xi32, #tpu.memory_space<vmem>>
        %dma_wait3A_440 = tpu.memref_squeeze %dma_wait3A_439 : memref<1x80xi32, #tpu.memory_space<vmem>> -> memref<80xi32, #tpu.memory_space<vmem>>
        %dma_wait3A_441 = arith.constant 0 : i32
        %dma_wait3A_442 = arith.constant 0 : i32
        %dma_wait3A_443 = tpu.memref_slice %arg12[%dma_wait3A_441, %dma_wait3A_442] : memref<10240x128xf32, #tpu.memory_space<vmem_shared>> -> memref<10240x128xf32, #tpu.memory_space<vmem_shared>>
        tpu.wait_indirect_dma semaphore(%run_scoped3A_431 : memref<!tpu.dma_semaphore, #tpu.memory_space<semaphore_mem>>) src(%arg11 : memref<80x128xf32, #tpu.memory_space<vmem>>) dst(%dma_wait3A_443 : memref<10240x128xf32, #tpu.memory_space<vmem_shared>>)
        tpu.yield
      }) : () -> ()
      %add3A_316 = arith.constant 2 : i32
      %add3A_317 = arith.addi %mul3A_197, %add3A_316 : i32
      %min3A = arith.minsi %add3A_317, %scan3A_73 : i32
      %dma_start3A_318 = arith.constant 0 : i32
      %dma_start3A_319 = arith.constant 0 : i32
      %dma_start3A_320 = tpu.memref_slice %arg3[%add3A, %min3A, %dma_start3A_318, %dma_start3A_319] : memref<32x25x5x80xi32, #tpu.memory_space<hbm>> -> memref<1x1x5x80xi32, #tpu.memory_space<hbm>>
      %dma_start3A_321 = tpu.memref_squeeze %dma_start3A_320 : memref<1x1x5x80xi32, #tpu.memory_space<hbm>> -> memref<5x80xi32, #tpu.memory_space<hbm>>
      %dma_start3A_322 = arith.constant 0 : i32
      %dma_start3A_323 = arith.constant 0 : i32
      %dma_start3A_324 = tpu.memref_slice %arg3[%add3A, %min3A, %dma_start3A_322, %dma_start3A_323] : memref<32x25x5x80xi32, #tpu.memory_space<hbm>> -> memref<1x1x5x80xi32, #tpu.memory_space<hbm>>
      %dma_start3A_325 = tpu.memref_squeeze %dma_start3A_324 : memref<1x1x5x80xi32, #tpu.memory_space<hbm>> -> memref<5x80xi32, #tpu.memory_space<hbm>>
      tpu.enqueue_dma source(%dma_start3A_325 : memref<5x80xi32, #tpu.memory_space<hbm>>) target(%arg6 : memref<5x80xi32, #tpu.memory_space<vmem>>) target_semaphore(%arg14 : memref<!tpu.dma_semaphore, #tpu.memory_space<semaphore_mem>>)
      %dma_start3A_326 = arith.constant 2 : i32
      %dma_start3A_327 = arith.constant 0 : i32
      %dma_start3A_328 = tpu.memref_slice %arg7[%dma_start3A_326, %dma_start3A_327] : memref<5x80xi32, #tpu.memory_space<vmem>> -> memref<1x80xi32, #tpu.memory_space<vmem>>
      %dma_start3A_329 = tpu.memref_squeeze %dma_start3A_328 : memref<1x80xi32, #tpu.memory_space<vmem>> -> memref<80xi32, #tpu.memory_space<vmem>>
      %dma_start3A_330 = arith.constant 0 : i32
      %dma_start3A_331 = arith.constant 0 : i32
      %dma_start3A_332 = tpu.memref_slice %arg2[%dma_start3A_330, %dma_start3A_331] : memref<10240x128xf32, #tpu.memory_space<hbm>> -> memref<10240x128xf32, #tpu.memory_space<hbm>>
      tpu.enqueue_indirect_dma source(%dma_start3A_332 : memref<10240x128xf32, #tpu.memory_space<hbm>>) target(%arg11 : memref<80x128xf32, #tpu.memory_space<vmem>>) offsets(%dma_start3A_329 : memref<80xi32, #tpu.memory_space<vmem>>) semaphore(%arg13 : memref<!tpu.dma_semaphore, #tpu.memory_space<semaphore_mem>>)
      %dma_wait3A_333 = arith.constant 1 : i32
      %dma_wait3A_334 = arith.constant 0 : i32
      %dma_wait3A_335 = tpu.memref_slice %arg7[%dma_wait3A_333, %dma_wait3A_334] : memref<5x80xi32, #tpu.memory_space<vmem>> -> memref<1x80xi32, #tpu.memory_space<vmem>>
      %dma_wait3A_336 = tpu.memref_squeeze %dma_wait3A_335 : memref<1x80xi32, #tpu.memory_space<vmem>> -> memref<80xi32, #tpu.memory_space<vmem>>
      %dma_wait3A_337 = arith.constant 0 : i32
      %dma_wait3A_338 = arith.constant 0 : i32
      %dma_wait3A_339 = tpu.memref_slice %arg2[%dma_wait3A_337, %dma_wait3A_338] : memref<10240x128xf32, #tpu.memory_space<hbm>> -> memref<10240x128xf32, #tpu.memory_space<hbm>>
      tpu.wait_indirect_dma semaphore(%arg13 : memref<!tpu.dma_semaphore, #tpu.memory_space<semaphore_mem>>) src(%dma_wait3A_339 : memref<10240x128xf32, #tpu.memory_space<hbm>>) dst(%arg10 : memref<80x128xf32, #tpu.memory_space<vmem>>)
      %run_scoped3A_340 = arith.constant 1 : i32
      "tpu.region"() ({
        %run_scoped3A_431 = tpu.sem_alloc : memref<!tpu.dma_semaphore, #tpu.memory_space<semaphore_mem>>
        %dma_start3A_432 = arith.constant 0 : i32
        %dma_start3A_433 = tpu.memref_slice %arg9[%run_scoped3A_340, %dma_start3A_432] : memref<5x80xi32, #tpu.memory_space<vmem>> -> memref<1x80xi32, #tpu.memory_space<vmem>>
        %dma_start3A_434 = tpu.memref_squeeze %dma_start3A_433 : memref<1x80xi32, #tpu.memory_space<vmem>> -> memref<80xi32, #tpu.memory_space<vmem>>
        %dma_start3A_435 = arith.constant 0 : i32
        %dma_start3A_436 = arith.constant 0 : i32
        %dma_start3A_437 = tpu.memref_slice %arg12[%dma_start3A_435, %dma_start3A_436] : memref<10240x128xf32, #tpu.memory_space<vmem_shared>> -> memref<10240x128xf32, #tpu.memory_space<vmem_shared>>
        tpu.enqueue_indirect_dma source(%arg10 : memref<80x128xf32, #tpu.memory_space<vmem>>) target(%dma_start3A_437 : memref<10240x128xf32, #tpu.memory_space<vmem_shared>>) offsets(%dma_start3A_434 : memref<80xi32, #tpu.memory_space<vmem>>) semaphore(%run_scoped3A_431 : memref<!tpu.dma_semaphore, #tpu.memory_space<semaphore_mem>>) {add = true}
        %dma_wait3A_438 = arith.constant 0 : i32
        %dma_wait3A_439 = tpu.memref_slice %arg9[%run_scoped3A_340, %dma_wait3A_438] : memref<5x80xi32, #tpu.memory_space<vmem>> -> memref<1x80xi32, #tpu.memory_space<vmem>>
        %dma_wait3A_440 = tpu.memref_squeeze %dma_wait3A_439 : memref<1x80xi32, #tpu.memory_space<vmem>> -> memref<80xi32, #tpu.memory_space<vmem>>
        %dma_wait3A_441 = arith.constant 0 : i32
        %dma_wait3A_442 = arith.constant 0 : i32
        %dma_wait3A_443 = tpu.memref_slice %arg12[%dma_wait3A_441, %dma_wait3A_442] : memref<10240x128xf32, #tpu.memory_space<vmem_shared>> -> memref<10240x128xf32, #tpu.memory_space<vmem_shared>>
        tpu.wait_indirect_dma semaphore(%run_scoped3A_431 : memref<!tpu.dma_semaphore, #tpu.memory_space<semaphore_mem>>) src(%arg10 : memref<80x128xf32, #tpu.memory_space<vmem>>) dst(%dma_wait3A_443 : memref<10240x128xf32, #tpu.memory_space<vmem_shared>>)
        tpu.yield
      }) : () -> ()
      %dma_start3A_341 = arith.constant 3 : i32
      %dma_start3A_342 = arith.constant 0 : i32
      %dma_start3A_343 = tpu.memref_slice %arg7[%dma_start3A_341, %dma_start3A_342] : memref<5x80xi32, #tpu.memory_space<vmem>> -> memref<1x80xi32, #tpu.memory_space<vmem>>
      %dma_start3A_344 = tpu.memref_squeeze %dma_start3A_343 : memref<1x80xi32, #tpu.memory_space<vmem>> -> memref<80xi32, #tpu.memory_space<vmem>>
      %dma_start3A_345 = arith.constant 0 : i32
      %dma_start3A_346 = arith.constant 0 : i32
      %dma_start3A_347 = tpu.memref_slice %arg2[%dma_start3A_345, %dma_start3A_346] : memref<10240x128xf32, #tpu.memory_space<hbm>> -> memref<10240x128xf32, #tpu.memory_space<hbm>>
      tpu.enqueue_indirect_dma source(%dma_start3A_347 : memref<10240x128xf32, #tpu.memory_space<hbm>>) target(%arg10 : memref<80x128xf32, #tpu.memory_space<vmem>>) offsets(%dma_start3A_344 : memref<80xi32, #tpu.memory_space<vmem>>) semaphore(%arg13 : memref<!tpu.dma_semaphore, #tpu.memory_space<semaphore_mem>>)
      %dma_wait3A_348 = arith.constant 2 : i32
      %dma_wait3A_349 = arith.constant 0 : i32
      %dma_wait3A_350 = tpu.memref_slice %arg7[%dma_wait3A_348, %dma_wait3A_349] : memref<5x80xi32, #tpu.memory_space<vmem>> -> memref<1x80xi32, #tpu.memory_space<vmem>>
      %dma_wait3A_351 = tpu.memref_squeeze %dma_wait3A_350 : memref<1x80xi32, #tpu.memory_space<vmem>> -> memref<80xi32, #tpu.memory_space<vmem>>
      %dma_wait3A_352 = arith.constant 0 : i32
      %dma_wait3A_353 = arith.constant 0 : i32
      %dma_wait3A_354 = tpu.memref_slice %arg2[%dma_wait3A_352, %dma_wait3A_353] : memref<10240x128xf32, #tpu.memory_space<hbm>> -> memref<10240x128xf32, #tpu.memory_space<hbm>>
      tpu.wait_indirect_dma semaphore(%arg13 : memref<!tpu.dma_semaphore, #tpu.memory_space<semaphore_mem>>) src(%dma_wait3A_354 : memref<10240x128xf32, #tpu.memory_space<hbm>>) dst(%arg11 : memref<80x128xf32, #tpu.memory_space<vmem>>)
      %run_scoped3A_355 = arith.constant 2 : i32
      "tpu.region"() ({
        %run_scoped3A_431 = tpu.sem_alloc : memref<!tpu.dma_semaphore, #tpu.memory_space<semaphore_mem>>
        %dma_start3A_432 = arith.constant 0 : i32
        %dma_start3A_433 = tpu.memref_slice %arg9[%run_scoped3A_355, %dma_start3A_432] : memref<5x80xi32, #tpu.memory_space<vmem>> -> memref<1x80xi32, #tpu.memory_space<vmem>>
        %dma_start3A_434 = tpu.memref_squeeze %dma_start3A_433 : memref<1x80xi32, #tpu.memory_space<vmem>> -> memref<80xi32, #tpu.memory_space<vmem>>
        %dma_start3A_435 = arith.constant 0 : i32
        %dma_start3A_436 = arith.constant 0 : i32
        %dma_start3A_437 = tpu.memref_slice %arg12[%dma_start3A_435, %dma_start3A_436] : memref<10240x128xf32, #tpu.memory_space<vmem_shared>> -> memref<10240x128xf32, #tpu.memory_space<vmem_shared>>
        tpu.enqueue_indirect_dma source(%arg11 : memref<80x128xf32, #tpu.memory_space<vmem>>) target(%dma_start3A_437 : memref<10240x128xf32, #tpu.memory_space<vmem_shared>>) offsets(%dma_start3A_434 : memref<80xi32, #tpu.memory_space<vmem>>) semaphore(%run_scoped3A_431 : memref<!tpu.dma_semaphore, #tpu.memory_space<semaphore_mem>>) {add = true}
        %dma_wait3A_438 = arith.constant 0 : i32
        %dma_wait3A_439 = tpu.memref_slice %arg9[%run_scoped3A_355, %dma_wait3A_438] : memref<5x80xi32, #tpu.memory_space<vmem>> -> memref<1x80xi32, #tpu.memory_space<vmem>>
        %dma_wait3A_440 = tpu.memref_squeeze %dma_wait3A_439 : memref<1x80xi32, #tpu.memory_space<vmem>> -> memref<80xi32, #tpu.memory_space<vmem>>
        %dma_wait3A_441 = arith.constant 0 : i32
        %dma_wait3A_442 = arith.constant 0 : i32
        %dma_wait3A_443 = tpu.memref_slice %arg12[%dma_wait3A_441, %dma_wait3A_442] : memref<10240x128xf32, #tpu.memory_space<vmem_shared>> -> memref<10240x128xf32, #tpu.memory_space<vmem_shared>>
        tpu.wait_indirect_dma semaphore(%run_scoped3A_431 : memref<!tpu.dma_semaphore, #tpu.memory_space<semaphore_mem>>) src(%arg11 : memref<80x128xf32, #tpu.memory_space<vmem>>) dst(%dma_wait3A_443 : memref<10240x128xf32, #tpu.memory_space<vmem_shared>>)
        tpu.yield
      }) : () -> ()
      %dma_start3A_356 = arith.constant 4 : i32
      %dma_start3A_357 = arith.constant 0 : i32
      %dma_start3A_358 = tpu.memref_slice %arg7[%dma_start3A_356, %dma_start3A_357] : memref<5x80xi32, #tpu.memory_space<vmem>> -> memref<1x80xi32, #tpu.memory_space<vmem>>
      %dma_start3A_359 = tpu.memref_squeeze %dma_start3A_358 : memref<1x80xi32, #tpu.memory_space<vmem>> -> memref<80xi32, #tpu.memory_space<vmem>>
      %dma_start3A_360 = arith.constant 0 : i32
      %dma_start3A_361 = arith.constant 0 : i32
      %dma_start3A_362 = tpu.memref_slice %arg2[%dma_start3A_360, %dma_start3A_361] : memref<10240x128xf32, #tpu.memory_space<hbm>> -> memref<10240x128xf32, #tpu.memory_space<hbm>>
      tpu.enqueue_indirect_dma source(%dma_start3A_362 : memref<10240x128xf32, #tpu.memory_space<hbm>>) target(%arg11 : memref<80x128xf32, #tpu.memory_space<vmem>>) offsets(%dma_start3A_359 : memref<80xi32, #tpu.memory_space<vmem>>) semaphore(%arg13 : memref<!tpu.dma_semaphore, #tpu.memory_space<semaphore_mem>>)
      %dma_wait3A_363 = arith.constant 3 : i32
      %dma_wait3A_364 = arith.constant 0 : i32
      %dma_wait3A_365 = tpu.memref_slice %arg7[%dma_wait3A_363, %dma_wait3A_364] : memref<5x80xi32, #tpu.memory_space<vmem>> -> memref<1x80xi32, #tpu.memory_space<vmem>>
      %dma_wait3A_366 = tpu.memref_squeeze %dma_wait3A_365 : memref<1x80xi32, #tpu.memory_space<vmem>> -> memref<80xi32, #tpu.memory_space<vmem>>
      %dma_wait3A_367 = arith.constant 0 : i32
      %dma_wait3A_368 = arith.constant 0 : i32
      %dma_wait3A_369 = tpu.memref_slice %arg2[%dma_wait3A_367, %dma_wait3A_368] : memref<10240x128xf32, #tpu.memory_space<hbm>> -> memref<10240x128xf32, #tpu.memory_space<hbm>>
      tpu.wait_indirect_dma semaphore(%arg13 : memref<!tpu.dma_semaphore, #tpu.memory_space<semaphore_mem>>) src(%dma_wait3A_369 : memref<10240x128xf32, #tpu.memory_space<hbm>>) dst(%arg10 : memref<80x128xf32, #tpu.memory_space<vmem>>)
      %run_scoped3A_370 = arith.constant 3 : i32
      "tpu.region"() ({
        %run_scoped3A_431 = tpu.sem_alloc : memref<!tpu.dma_semaphore, #tpu.memory_space<semaphore_mem>>
        %dma_start3A_432 = arith.constant 0 : i32
        %dma_start3A_433 = tpu.memref_slice %arg9[%run_scoped3A_370, %dma_start3A_432] : memref<5x80xi32, #tpu.memory_space<vmem>> -> memref<1x80xi32, #tpu.memory_space<vmem>>
        %dma_start3A_434 = tpu.memref_squeeze %dma_start3A_433 : memref<1x80xi32, #tpu.memory_space<vmem>> -> memref<80xi32, #tpu.memory_space<vmem>>
        %dma_start3A_435 = arith.constant 0 : i32
        %dma_start3A_436 = arith.constant 0 : i32
        %dma_start3A_437 = tpu.memref_slice %arg12[%dma_start3A_435, %dma_start3A_436] : memref<10240x128xf32, #tpu.memory_space<vmem_shared>> -> memref<10240x128xf32, #tpu.memory_space<vmem_shared>>
        tpu.enqueue_indirect_dma source(%arg10 : memref<80x128xf32, #tpu.memory_space<vmem>>) target(%dma_start3A_437 : memref<10240x128xf32, #tpu.memory_space<vmem_shared>>) offsets(%dma_start3A_434 : memref<80xi32, #tpu.memory_space<vmem>>) semaphore(%run_scoped3A_431 : memref<!tpu.dma_semaphore, #tpu.memory_space<semaphore_mem>>) {add = true}
        %dma_wait3A_438 = arith.constant 0 : i32
        %dma_wait3A_439 = tpu.memref_slice %arg9[%run_scoped3A_370, %dma_wait3A_438] : memref<5x80xi32, #tpu.memory_space<vmem>> -> memref<1x80xi32, #tpu.memory_space<vmem>>
        %dma_wait3A_440 = tpu.memref_squeeze %dma_wait3A_439 : memref<1x80xi32, #tpu.memory_space<vmem>> -> memref<80xi32, #tpu.memory_space<vmem>>
        %dma_wait3A_441 = arith.constant 0 : i32
        %dma_wait3A_442 = arith.constant 0 : i32
        %dma_wait3A_443 = tpu.memref_slice %arg12[%dma_wait3A_441, %dma_wait3A_442] : memref<10240x128xf32, #tpu.memory_space<vmem_shared>> -> memref<10240x128xf32, #tpu.memory_space<vmem_shared>>
        tpu.wait_indirect_dma semaphore(%run_scoped3A_431 : memref<!tpu.dma_semaphore, #tpu.memory_space<semaphore_mem>>) src(%arg10 : memref<80x128xf32, #tpu.memory_space<vmem>>) dst(%dma_wait3A_443 : memref<10240x128xf32, #tpu.memory_space<vmem_shared>>)
        tpu.yield
      }) : () -> ()
      %add3A_371 = arith.constant 2 : i32
      %add3A_372 = arith.addi %mul3A_197, %add3A_371 : i32
      %min3A_373 = arith.minsi %add3A_372, %scan3A_73 : i32
      %dma_wait3A_374 = arith.constant 0 : i32
      %dma_wait3A_375 = arith.constant 0 : i32
      %dma_wait3A_376 = tpu.memref_slice %arg3[%add3A, %min3A_373, %dma_wait3A_374, %dma_wait3A_375] : memref<32x25x5x80xi32, #tpu.memory_space<hbm>> -> memref<1x1x5x80xi32, #tpu.memory_space<hbm>>
      %dma_wait3A_377 = tpu.memref_squeeze %dma_wait3A_376 : memref<1x1x5x80xi32, #tpu.memory_space<hbm>> -> memref<5x80xi32, #tpu.memory_space<hbm>>
      %dma_wait3A_378 = arith.constant 0 : i32
      %dma_wait3A_379 = arith.constant 0 : i32
      %dma_wait3A_380 = tpu.memref_slice %arg3[%add3A, %min3A_373, %dma_wait3A_378, %dma_wait3A_379] : memref<32x25x5x80xi32, #tpu.memory_space<hbm>> -> memref<1x1x5x80xi32, #tpu.memory_space<hbm>>
      %dma_wait3A_381 = tpu.memref_squeeze %dma_wait3A_380 : memref<1x1x5x80xi32, #tpu.memory_space<hbm>> -> memref<5x80xi32, #tpu.memory_space<hbm>>
      tpu.wait_dma2 semaphore(%arg14 : memref<!tpu.dma_semaphore, #tpu.memory_space<semaphore_mem>>) src(%dma_wait3A_381 : memref<5x80xi32, #tpu.memory_space<hbm>>) dst(%arg6 : memref<5x80xi32, #tpu.memory_space<vmem>>)
      %dma_start3A_382 = arith.constant 0 : i32
      %dma_start3A_383 = arith.constant 0 : i32
      %dma_start3A_384 = tpu.memref_slice %arg6[%dma_start3A_382, %dma_start3A_383] : memref<5x80xi32, #tpu.memory_space<vmem>> -> memref<1x80xi32, #tpu.memory_space<vmem>>
      %dma_start3A_385 = tpu.memref_squeeze %dma_start3A_384 : memref<1x80xi32, #tpu.memory_space<vmem>> -> memref<80xi32, #tpu.memory_space<vmem>>
      %dma_start3A_386 = arith.constant 0 : i32
      %dma_start3A_387 = arith.constant 0 : i32
      %dma_start3A_388 = tpu.memref_slice %arg2[%dma_start3A_386, %dma_start3A_387] : memref<10240x128xf32, #tpu.memory_space<hbm>> -> memref<10240x128xf32, #tpu.memory_space<hbm>>
      tpu.enqueue_indirect_dma source(%dma_start3A_388 : memref<10240x128xf32, #tpu.memory_space<hbm>>) target(%arg10 : memref<80x128xf32, #tpu.memory_space<vmem>>) offsets(%dma_start3A_385 : memref<80xi32, #tpu.memory_space<vmem>>) semaphore(%arg13 : memref<!tpu.dma_semaphore, #tpu.memory_space<semaphore_mem>>)
      %dma_wait3A_389 = arith.constant 4 : i32
      %dma_wait3A_390 = arith.constant 0 : i32
      %dma_wait3A_391 = tpu.memref_slice %arg7[%dma_wait3A_389, %dma_wait3A_390] : memref<5x80xi32, #tpu.memory_space<vmem>> -> memref<1x80xi32, #tpu.memory_space<vmem>>
      %dma_wait3A_392 = tpu.memref_squeeze %dma_wait3A_391 : memref<1x80xi32, #tpu.memory_space<vmem>> -> memref<80xi32, #tpu.memory_space<vmem>>
      %dma_wait3A_393 = arith.constant 0 : i32
      %dma_wait3A_394 = arith.constant 0 : i32
      %dma_wait3A_395 = tpu.memref_slice %arg2[%dma_wait3A_393, %dma_wait3A_394] : memref<10240x128xf32, #tpu.memory_space<hbm>> -> memref<10240x128xf32, #tpu.memory_space<hbm>>
      tpu.wait_indirect_dma semaphore(%arg13 : memref<!tpu.dma_semaphore, #tpu.memory_space<semaphore_mem>>) src(%dma_wait3A_395 : memref<10240x128xf32, #tpu.memory_space<hbm>>) dst(%arg11 : memref<80x128xf32, #tpu.memory_space<vmem>>)
      %run_scoped3A_396 = arith.constant 4 : i32
      "tpu.region"() ({
        %run_scoped3A_431 = tpu.sem_alloc : memref<!tpu.dma_semaphore, #tpu.memory_space<semaphore_mem>>
        %dma_start3A_432 = arith.constant 0 : i32
        %dma_start3A_433 = tpu.memref_slice %arg9[%run_scoped3A_396, %dma_start3A_432] : memref<5x80xi32, #tpu.memory_space<vmem>> -> memref<1x80xi32, #tpu.memory_space<vmem>>
        %dma_start3A_434 = tpu.memref_squeeze %dma_start3A_433 : memref<1x80xi32, #tpu.memory_space<vmem>> -> memref<80xi32, #tpu.memory_space<vmem>>
        %dma_start3A_435 = arith.constant 0 : i32
        %dma_start3A_436 = arith.constant 0 : i32
        %dma_start3A_437 = tpu.memref_slice %arg12[%dma_start3A_435, %dma_start3A_436] : memref<10240x128xf32, #tpu.memory_space<vmem_shared>> -> memref<10240x128xf32, #tpu.memory_space<vmem_shared>>
        tpu.enqueue_indirect_dma source(%arg11 : memref<80x128xf32, #tpu.memory_space<vmem>>) target(%dma_start3A_437 : memref<10240x128xf32, #tpu.memory_space<vmem_shared>>) offsets(%dma_start3A_434 : memref<80xi32, #tpu.memory_space<vmem>>) semaphore(%run_scoped3A_431 : memref<!tpu.dma_semaphore, #tpu.memory_space<semaphore_mem>>) {add = true}
        %dma_wait3A_438 = arith.constant 0 : i32
        %dma_wait3A_439 = tpu.memref_slice %arg9[%run_scoped3A_396, %dma_wait3A_438] : memref<5x80xi32, #tpu.memory_space<vmem>> -> memref<1x80xi32, #tpu.memory_space<vmem>>
        %dma_wait3A_440 = tpu.memref_squeeze %dma_wait3A_439 : memref<1x80xi32, #tpu.memory_space<vmem>> -> memref<80xi32, #tpu.memory_space<vmem>>
        %dma_wait3A_441 = arith.constant 0 : i32
        %dma_wait3A_442 = arith.constant 0 : i32
        %dma_wait3A_443 = tpu.memref_slice %arg12[%dma_wait3A_441, %dma_wait3A_442] : memref<10240x128xf32, #tpu.memory_space<vmem_shared>> -> memref<10240x128xf32, #tpu.memory_space<vmem_shared>>
        tpu.wait_indirect_dma semaphore(%run_scoped3A_431 : memref<!tpu.dma_semaphore, #tpu.memory_space<semaphore_mem>>) src(%arg11 : memref<80x128xf32, #tpu.memory_space<vmem>>) dst(%dma_wait3A_443 : memref<10240x128xf32, #tpu.memory_space<vmem_shared>>)
        tpu.yield
      }) : () -> ()
      %add3A_397 = arith.constant 2 : i32
      %add3A_398 = arith.addi %mul3A_197, %add3A_397 : i32
      %min3A_399 = arith.minsi %add3A_398, %scan3A_73 : i32
      %dma_start3A_400 = arith.constant 0 : i32
      %dma_start3A_401 = arith.constant 0 : i32
      %dma_start3A_402 = tpu.memref_slice %arg4[%add3A, %min3A_399, %dma_start3A_400, %dma_start3A_401] : memref<32x25x5x80xi32, #tpu.memory_space<hbm>> -> memref<1x1x5x80xi32, #tpu.memory_space<hbm>>
      %dma_start3A_403 = tpu.memref_squeeze %dma_start3A_402 : memref<1x1x5x80xi32, #tpu.memory_space<hbm>> -> memref<5x80xi32, #tpu.memory_space<hbm>>
      %dma_start3A_404 = arith.constant 0 : i32
      %dma_start3A_405 = arith.constant 0 : i32
      %dma_start3A_406 = tpu.memref_slice %arg4[%add3A, %min3A_399, %dma_start3A_404, %dma_start3A_405] : memref<32x25x5x80xi32, #tpu.memory_space<hbm>> -> memref<1x1x5x80xi32, #tpu.memory_space<hbm>>
      %dma_start3A_407 = tpu.memref_squeeze %dma_start3A_406 : memref<1x1x5x80xi32, #tpu.memory_space<hbm>> -> memref<5x80xi32, #tpu.memory_space<hbm>>
      tpu.enqueue_dma source(%dma_start3A_407 : memref<5x80xi32, #tpu.memory_space<hbm>>) target(%arg8 : memref<5x80xi32, #tpu.memory_space<vmem>>) target_semaphore(%arg15 : memref<!tpu.dma_semaphore, #tpu.memory_space<semaphore_mem>>)
      %add3A_408 = arith.constant 3 : i32
      %add3A_409 = arith.addi %mul3A_197, %add3A_408 : i32
      %min3A_410 = arith.minsi %add3A_409, %scan3A_73 : i32
      %dma_start3A_411 = arith.constant 0 : i32
      %dma_start3A_412 = arith.constant 0 : i32
      %dma_start3A_413 = tpu.memref_slice %arg3[%add3A, %min3A_410, %dma_start3A_411, %dma_start3A_412] : memref<32x25x5x80xi32, #tpu.memory_space<hbm>> -> memref<1x1x5x80xi32, #tpu.memory_space<hbm>>
      %dma_start3A_414 = tpu.memref_squeeze %dma_start3A_413 : memref<1x1x5x80xi32, #tpu.memory_space<hbm>> -> memref<5x80xi32, #tpu.memory_space<hbm>>
      %dma_start3A_415 = arith.constant 0 : i32
      %dma_start3A_416 = arith.constant 0 : i32
      %dma_start3A_417 = tpu.memref_slice %arg3[%add3A, %min3A_410, %dma_start3A_415, %dma_start3A_416] : memref<32x25x5x80xi32, #tpu.memory_space<hbm>> -> memref<1x1x5x80xi32, #tpu.memory_space<hbm>>
      %dma_start3A_418 = tpu.memref_squeeze %dma_start3A_417 : memref<1x1x5x80xi32, #tpu.memory_space<hbm>> -> memref<5x80xi32, #tpu.memory_space<hbm>>
      tpu.enqueue_dma source(%dma_start3A_418 : memref<5x80xi32, #tpu.memory_space<hbm>>) target(%arg7 : memref<5x80xi32, #tpu.memory_space<vmem>>) target_semaphore(%arg14 : memref<!tpu.dma_semaphore, #tpu.memory_space<semaphore_mem>>)
      %add3A_419 = arith.constant 3 : i32
      %add3A_420 = arith.addi %mul3A_197, %add3A_419 : i32
      %min3A_421 = arith.minsi %add3A_420, %scan3A_73 : i32
      %dma_start3A_422 = arith.constant 0 : i32
      %dma_start3A_423 = arith.constant 0 : i32
      %dma_start3A_424 = tpu.memref_slice %arg4[%add3A, %min3A_421, %dma_start3A_422, %dma_start3A_423] : memref<32x25x5x80xi32, #tpu.memory_space<hbm>> -> memref<1x1x5x80xi32, #tpu.memory_space<hbm>>
      %dma_start3A_425 = tpu.memref_squeeze %dma_start3A_424 : memref<1x1x5x80xi32, #tpu.memory_space<hbm>> -> memref<5x80xi32, #tpu.memory_space<hbm>>
      %dma_start3A_426 = arith.constant 0 : i32
      %dma_start3A_427 = arith.constant 0 : i32
      %dma_start3A_428 = tpu.memref_slice %arg4[%add3A, %min3A_421, %dma_start3A_426, %dma_start3A_427] : memref<32x25x5x80xi32, #tpu.memory_space<hbm>> -> memref<1x1x5x80xi32, #tpu.memory_space<hbm>>
      %dma_start3A_429 = tpu.memref_squeeze %dma_start3A_428 : memref<1x1x5x80xi32, #tpu.memory_space<hbm>> -> memref<5x80xi32, #tpu.memory_space<hbm>>
      tpu.enqueue_dma source(%dma_start3A_429 : memref<5x80xi32, #tpu.memory_space<hbm>>) target(%arg9 : memref<5x80xi32, #tpu.memory_space<vmem>>) target_semaphore(%arg15 : memref<!tpu.dma_semaphore, #tpu.memory_space<semaphore_mem>>)
      %scan3A_430 = arith.constant 0 : i32
      scf.yield %scan3A_430 : i32
    }
    %scan3A_80 = arith.constant 12 : i32
    %dma_wait3A = arith.constant 24 : i32
    %dma_wait3A_81 = arith.constant 0 : i32
    %dma_wait3A_82 = arith.constant 0 : i32
    %dma_wait3A_83 = tpu.memref_slice %arg4[%add3A, %dma_wait3A, %dma_wait3A_81, %dma_wait3A_82] : memref<32x25x5x80xi32, #tpu.memory_space<hbm>> -> memref<1x1x5x80xi32, #tpu.memory_space<hbm>>
    %dma_wait3A_84 = tpu.memref_squeeze %dma_wait3A_83 : memref<1x1x5x80xi32, #tpu.memory_space<hbm>> -> memref<5x80xi32, #tpu.memory_space<hbm>>
    %dma_wait3A_85 = arith.constant 0 : i32
    %dma_wait3A_86 = arith.constant 0 : i32
    %dma_wait3A_87 = tpu.memref_slice %arg4[%add3A, %dma_wait3A, %dma_wait3A_85, %dma_wait3A_86] : memref<32x25x5x80xi32, #tpu.memory_space<hbm>> -> memref<1x1x5x80xi32, #tpu.memory_space<hbm>>
    %dma_wait3A_88 = tpu.memref_squeeze %dma_wait3A_87 : memref<1x1x5x80xi32, #tpu.memory_space<hbm>> -> memref<5x80xi32, #tpu.memory_space<hbm>>
    tpu.wait_dma2 semaphore(%arg15 : memref<!tpu.dma_semaphore, #tpu.memory_space<semaphore_mem>>) src(%dma_wait3A_88 : memref<5x80xi32, #tpu.memory_space<hbm>>) dst(%arg8 : memref<5x80xi32, #tpu.memory_space<vmem>>)
    %dma_start3A_89 = arith.constant 1 : i32
    %dma_start3A_90 = arith.constant 0 : i32
    %dma_start3A_91 = tpu.memref_slice %arg6[%dma_start3A_89, %dma_start3A_90] : memref<5x80xi32, #tpu.memory_space<vmem>> -> memref<1x80xi32, #tpu.memory_space<vmem>>
    %dma_start3A_92 = tpu.memref_squeeze %dma_start3A_91 : memref<1x80xi32, #tpu.memory_space<vmem>> -> memref<80xi32, #tpu.memory_space<vmem>>
    %dma_start3A_93 = arith.constant 0 : i32
    %dma_start3A_94 = arith.constant 0 : i32
    %dma_start3A_95 = tpu.memref_slice %arg2[%dma_start3A_93, %dma_start3A_94] : memref<10240x128xf32, #tpu.memory_space<hbm>> -> memref<10240x128xf32, #tpu.memory_space<hbm>>
    tpu.enqueue_indirect_dma source(%dma_start3A_95 : memref<10240x128xf32, #tpu.memory_space<hbm>>) target(%arg11 : memref<80x128xf32, #tpu.memory_space<vmem>>) offsets(%dma_start3A_92 : memref<80xi32, #tpu.memory_space<vmem>>) semaphore(%arg13 : memref<!tpu.dma_semaphore, #tpu.memory_space<semaphore_mem>>)
    %dma_wait3A_96 = arith.constant 0 : i32
    %dma_wait3A_97 = arith.constant 0 : i32
    %dma_wait3A_98 = tpu.memref_slice %arg6[%dma_wait3A_96, %dma_wait3A_97] : memref<5x80xi32, #tpu.memory_space<vmem>> -> memref<1x80xi32, #tpu.memory_space<vmem>>
    %dma_wait3A_99 = tpu.memref_squeeze %dma_wait3A_98 : memref<1x80xi32, #tpu.memory_space<vmem>> -> memref<80xi32, #tpu.memory_space<vmem>>
    %dma_wait3A_100 = arith.constant 0 : i32
    %dma_wait3A_101 = arith.constant 0 : i32
    %dma_wait3A_102 = tpu.memref_slice %arg2[%dma_wait3A_100, %dma_wait3A_101] : memref<10240x128xf32, #tpu.memory_space<hbm>> -> memref<10240x128xf32, #tpu.memory_space<hbm>>
    tpu.wait_indirect_dma semaphore(%arg13 : memref<!tpu.dma_semaphore, #tpu.memory_space<semaphore_mem>>) src(%dma_wait3A_102 : memref<10240x128xf32, #tpu.memory_space<hbm>>) dst(%arg10 : memref<80x128xf32, #tpu.memory_space<vmem>>)
    %run_scoped3A_103 = arith.constant 0 : i32
    "tpu.region"() ({
      %run_scoped3A_194 = tpu.sem_alloc : memref<!tpu.dma_semaphore, #tpu.memory_space<semaphore_mem>>
      %dma_start3A_195 = arith.constant 0 : i32
      %dma_start3A_196 = tpu.memref_slice %arg8[%run_scoped3A_103, %dma_start3A_195] : memref<5x80xi32, #tpu.memory_space<vmem>> -> memref<1x80xi32, #tpu.memory_space<vmem>>
      %dma_start3A_197 = tpu.memref_squeeze %dma_start3A_196 : memref<1x80xi32, #tpu.memory_space<vmem>> -> memref<80xi32, #tpu.memory_space<vmem>>
      %dma_start3A_198 = arith.constant 0 : i32
      %dma_start3A_199 = arith.constant 0 : i32
      %dma_start3A_200 = tpu.memref_slice %arg12[%dma_start3A_198, %dma_start3A_199] : memref<10240x128xf32, #tpu.memory_space<vmem_shared>> -> memref<10240x128xf32, #tpu.memory_space<vmem_shared>>
      tpu.enqueue_indirect_dma source(%arg10 : memref<80x128xf32, #tpu.memory_space<vmem>>) target(%dma_start3A_200 : memref<10240x128xf32, #tpu.memory_space<vmem_shared>>) offsets(%dma_start3A_197 : memref<80xi32, #tpu.memory_space<vmem>>) semaphore(%run_scoped3A_194 : memref<!tpu.dma_semaphore, #tpu.memory_space<semaphore_mem>>) {add = true}
      %dma_wait3A_201 = arith.constant 0 : i32
      %dma_wait3A_202 = tpu.memref_slice %arg8[%run_scoped3A_103, %dma_wait3A_201] : memref<5x80xi32, #tpu.memory_space<vmem>> -> memref<1x80xi32, #tpu.memory_space<vmem>>
      %dma_wait3A_203 = tpu.memref_squeeze %dma_wait3A_202 : memref<1x80xi32, #tpu.memory_space<vmem>> -> memref<80xi32, #tpu.memory_space<vmem>>
      %dma_wait3A_204 = arith.constant 0 : i32
      %dma_wait3A_205 = arith.constant 0 : i32
      %dma_wait3A_206 = tpu.memref_slice %arg12[%dma_wait3A_204, %dma_wait3A_205] : memref<10240x128xf32, #tpu.memory_space<vmem_shared>> -> memref<10240x128xf32, #tpu.memory_space<vmem_shared>>
      tpu.wait_indirect_dma semaphore(%run_scoped3A_194 : memref<!tpu.dma_semaphore, #tpu.memory_space<semaphore_mem>>) src(%arg10 : memref<80x128xf32, #tpu.memory_space<vmem>>) dst(%dma_wait3A_206 : memref<10240x128xf32, #tpu.memory_space<vmem_shared>>)
      tpu.yield
    }) : () -> ()
    %dma_start3A_104 = arith.constant 2 : i32
    %dma_start3A_105 = arith.constant 0 : i32
    %dma_start3A_106 = tpu.memref_slice %arg6[%dma_start3A_104, %dma_start3A_105] : memref<5x80xi32, #tpu.memory_space<vmem>> -> memref<1x80xi32, #tpu.memory_space<vmem>>
    %dma_start3A_107 = tpu.memref_squeeze %dma_start3A_106 : memref<1x80xi32, #tpu.memory_space<vmem>> -> memref<80xi32, #tpu.memory_space<vmem>>
    %dma_start3A_108 = arith.constant 0 : i32
    %dma_start3A_109 = arith.constant 0 : i32
    %dma_start3A_110 = tpu.memref_slice %arg2[%dma_start3A_108, %dma_start3A_109] : memref<10240x128xf32, #tpu.memory_space<hbm>> -> memref<10240x128xf32, #tpu.memory_space<hbm>>
    tpu.enqueue_indirect_dma source(%dma_start3A_110 : memref<10240x128xf32, #tpu.memory_space<hbm>>) target(%arg10 : memref<80x128xf32, #tpu.memory_space<vmem>>) offsets(%dma_start3A_107 : memref<80xi32, #tpu.memory_space<vmem>>) semaphore(%arg13 : memref<!tpu.dma_semaphore, #tpu.memory_space<semaphore_mem>>)
    %dma_wait3A_111 = arith.constant 1 : i32
    %dma_wait3A_112 = arith.constant 0 : i32
    %dma_wait3A_113 = tpu.memref_slice %arg6[%dma_wait3A_111, %dma_wait3A_112] : memref<5x80xi32, #tpu.memory_space<vmem>> -> memref<1x80xi32, #tpu.memory_space<vmem>>
    %dma_wait3A_114 = tpu.memref_squeeze %dma_wait3A_113 : memref<1x80xi32, #tpu.memory_space<vmem>> -> memref<80xi32, #tpu.memory_space<vmem>>
    %dma_wait3A_115 = arith.constant 0 : i32
    %dma_wait3A_116 = arith.constant 0 : i32
    %dma_wait3A_117 = tpu.memref_slice %arg2[%dma_wait3A_115, %dma_wait3A_116] : memref<10240x128xf32, #tpu.memory_space<hbm>> -> memref<10240x128xf32, #tpu.memory_space<hbm>>
    tpu.wait_indirect_dma semaphore(%arg13 : memref<!tpu.dma_semaphore, #tpu.memory_space<semaphore_mem>>) src(%dma_wait3A_117 : memref<10240x128xf32, #tpu.memory_space<hbm>>) dst(%arg11 : memref<80x128xf32, #tpu.memory_space<vmem>>)
    %run_scoped3A_118 = arith.constant 1 : i32
    "tpu.region"() ({
      %run_scoped3A_194 = tpu.sem_alloc : memref<!tpu.dma_semaphore, #tpu.memory_space<semaphore_mem>>
      %dma_start3A_195 = arith.constant 0 : i32
      %dma_start3A_196 = tpu.memref_slice %arg8[%run_scoped3A_118, %dma_start3A_195] : memref<5x80xi32, #tpu.memory_space<vmem>> -> memref<1x80xi32, #tpu.memory_space<vmem>>
      %dma_start3A_197 = tpu.memref_squeeze %dma_start3A_196 : memref<1x80xi32, #tpu.memory_space<vmem>> -> memref<80xi32, #tpu.memory_space<vmem>>
      %dma_start3A_198 = arith.constant 0 : i32
      %dma_start3A_199 = arith.constant 0 : i32
      %dma_start3A_200 = tpu.memref_slice %arg12[%dma_start3A_198, %dma_start3A_199] : memref<10240x128xf32, #tpu.memory_space<vmem_shared>> -> memref<10240x128xf32, #tpu.memory_space<vmem_shared>>
      tpu.enqueue_indirect_dma source(%arg11 : memref<80x128xf32, #tpu.memory_space<vmem>>) target(%dma_start3A_200 : memref<10240x128xf32, #tpu.memory_space<vmem_shared>>) offsets(%dma_start3A_197 : memref<80xi32, #tpu.memory_space<vmem>>) semaphore(%run_scoped3A_194 : memref<!tpu.dma_semaphore, #tpu.memory_space<semaphore_mem>>) {add = true}
      %dma_wait3A_201 = arith.constant 0 : i32
      %dma_wait3A_202 = tpu.memref_slice %arg8[%run_scoped3A_118, %dma_wait3A_201] : memref<5x80xi32, #tpu.memory_space<vmem>> -> memref<1x80xi32, #tpu.memory_space<vmem>>
      %dma_wait3A_203 = tpu.memref_squeeze %dma_wait3A_202 : memref<1x80xi32, #tpu.memory_space<vmem>> -> memref<80xi32, #tpu.memory_space<vmem>>
      %dma_wait3A_204 = arith.constant 0 : i32
      %dma_wait3A_205 = arith.constant 0 : i32
      %dma_wait3A_206 = tpu.memref_slice %arg12[%dma_wait3A_204, %dma_wait3A_205] : memref<10240x128xf32, #tpu.memory_space<vmem_shared>> -> memref<10240x128xf32, #tpu.memory_space<vmem_shared>>
      tpu.wait_indirect_dma semaphore(%run_scoped3A_194 : memref<!tpu.dma_semaphore, #tpu.memory_space<semaphore_mem>>) src(%arg11 : memref<80x128xf32, #tpu.memory_space<vmem>>) dst(%dma_wait3A_206 : memref<10240x128xf32, #tpu.memory_space<vmem_shared>>)
      tpu.yield
    }) : () -> ()
    %dma_start3A_119 = arith.constant 3 : i32
    %dma_start3A_120 = arith.constant 0 : i32
    %dma_start3A_121 = tpu.memref_slice %arg6[%dma_start3A_119, %dma_start3A_120] : memref<5x80xi32, #tpu.memory_space<vmem>> -> memref<1x80xi32, #tpu.memory_space<vmem>>
    %dma_start3A_122 = tpu.memref_squeeze %dma_start3A_121 : memref<1x80xi32, #tpu.memory_space<vmem>> -> memref<80xi32, #tpu.memory_space<vmem>>
    %dma_start3A_123 = arith.constant 0 : i32
    %dma_start3A_124 = arith.constant 0 : i32
    %dma_start3A_125 = tpu.memref_slice %arg2[%dma_start3A_123, %dma_start3A_124] : memref<10240x128xf32, #tpu.memory_space<hbm>> -> memref<10240x128xf32, #tpu.memory_space<hbm>>
    tpu.enqueue_indirect_dma source(%dma_start3A_125 : memref<10240x128xf32, #tpu.memory_space<hbm>>) target(%arg11 : memref<80x128xf32, #tpu.memory_space<vmem>>) offsets(%dma_start3A_122 : memref<80xi32, #tpu.memory_space<vmem>>) semaphore(%arg13 : memref<!tpu.dma_semaphore, #tpu.memory_space<semaphore_mem>>)
    %dma_wait3A_126 = arith.constant 2 : i32
    %dma_wait3A_127 = arith.constant 0 : i32
    %dma_wait3A_128 = tpu.memref_slice %arg6[%dma_wait3A_126, %dma_wait3A_127] : memref<5x80xi32, #tpu.memory_space<vmem>> -> memref<1x80xi32, #tpu.memory_space<vmem>>
    %dma_wait3A_129 = tpu.memref_squeeze %dma_wait3A_128 : memref<1x80xi32, #tpu.memory_space<vmem>> -> memref<80xi32, #tpu.memory_space<vmem>>
    %dma_wait3A_130 = arith.constant 0 : i32
    %dma_wait3A_131 = arith.constant 0 : i32
    %dma_wait3A_132 = tpu.memref_slice %arg2[%dma_wait3A_130, %dma_wait3A_131] : memref<10240x128xf32, #tpu.memory_space<hbm>> -> memref<10240x128xf32, #tpu.memory_space<hbm>>
    tpu.wait_indirect_dma semaphore(%arg13 : memref<!tpu.dma_semaphore, #tpu.memory_space<semaphore_mem>>) src(%dma_wait3A_132 : memref<10240x128xf32, #tpu.memory_space<hbm>>) dst(%arg10 : memref<80x128xf32, #tpu.memory_space<vmem>>)
    %run_scoped3A_133 = arith.constant 2 : i32
    "tpu.region"() ({
      %run_scoped3A_194 = tpu.sem_alloc : memref<!tpu.dma_semaphore, #tpu.memory_space<semaphore_mem>>
      %dma_start3A_195 = arith.constant 0 : i32
      %dma_start3A_196 = tpu.memref_slice %arg8[%run_scoped3A_133, %dma_start3A_195] : memref<5x80xi32, #tpu.memory_space<vmem>> -> memref<1x80xi32, #tpu.memory_space<vmem>>
      %dma_start3A_197 = tpu.memref_squeeze %dma_start3A_196 : memref<1x80xi32, #tpu.memory_space<vmem>> -> memref<80xi32, #tpu.memory_space<vmem>>
      %dma_start3A_198 = arith.constant 0 : i32
      %dma_start3A_199 = arith.constant 0 : i32
      %dma_start3A_200 = tpu.memref_slice %arg12[%dma_start3A_198, %dma_start3A_199] : memref<10240x128xf32, #tpu.memory_space<vmem_shared>> -> memref<10240x128xf32, #tpu.memory_space<vmem_shared>>
      tpu.enqueue_indirect_dma source(%arg10 : memref<80x128xf32, #tpu.memory_space<vmem>>) target(%dma_start3A_200 : memref<10240x128xf32, #tpu.memory_space<vmem_shared>>) offsets(%dma_start3A_197 : memref<80xi32, #tpu.memory_space<vmem>>) semaphore(%run_scoped3A_194 : memref<!tpu.dma_semaphore, #tpu.memory_space<semaphore_mem>>) {add = true}
      %dma_wait3A_201 = arith.constant 0 : i32
      %dma_wait3A_202 = tpu.memref_slice %arg8[%run_scoped3A_133, %dma_wait3A_201] : memref<5x80xi32, #tpu.memory_space<vmem>> -> memref<1x80xi32, #tpu.memory_space<vmem>>
      %dma_wait3A_203 = tpu.memref_squeeze %dma_wait3A_202 : memref<1x80xi32, #tpu.memory_space<vmem>> -> memref<80xi32, #tpu.memory_space<vmem>>
      %dma_wait3A_204 = arith.constant 0 : i32
      %dma_wait3A_205 = arith.constant 0 : i32
      %dma_wait3A_206 = tpu.memref_slice %arg12[%dma_wait3A_204, %dma_wait3A_205] : memref<10240x128xf32, #tpu.memory_space<vmem_shared>> -> memref<10240x128xf32, #tpu.memory_space<vmem_shared>>
      tpu.wait_indirect_dma semaphore(%run_scoped3A_194 : memref<!tpu.dma_semaphore, #tpu.memory_space<semaphore_mem>>) src(%arg10 : memref<80x128xf32, #tpu.memory_space<vmem>>) dst(%dma_wait3A_206 : memref<10240x128xf32, #tpu.memory_space<vmem_shared>>)
      tpu.yield
    }) : () -> ()
    %dma_start3A_134 = arith.constant 4 : i32
    %dma_start3A_135 = arith.constant 0 : i32
    %dma_start3A_136 = tpu.memref_slice %arg6[%dma_start3A_134, %dma_start3A_135] : memref<5x80xi32, #tpu.memory_space<vmem>> -> memref<1x80xi32, #tpu.memory_space<vmem>>
    %dma_start3A_137 = tpu.memref_squeeze %dma_start3A_136 : memref<1x80xi32, #tpu.memory_space<vmem>> -> memref<80xi32, #tpu.memory_space<vmem>>
    %dma_start3A_138 = arith.constant 0 : i32
    %dma_start3A_139 = arith.constant 0 : i32
    %dma_start3A_140 = tpu.memref_slice %arg2[%dma_start3A_138, %dma_start3A_139] : memref<10240x128xf32, #tpu.memory_space<hbm>> -> memref<10240x128xf32, #tpu.memory_space<hbm>>
    tpu.enqueue_indirect_dma source(%dma_start3A_140 : memref<10240x128xf32, #tpu.memory_space<hbm>>) target(%arg10 : memref<80x128xf32, #tpu.memory_space<vmem>>) offsets(%dma_start3A_137 : memref<80xi32, #tpu.memory_space<vmem>>) semaphore(%arg13 : memref<!tpu.dma_semaphore, #tpu.memory_space<semaphore_mem>>)
    %dma_wait3A_141 = arith.constant 3 : i32
    %dma_wait3A_142 = arith.constant 0 : i32
    %dma_wait3A_143 = tpu.memref_slice %arg6[%dma_wait3A_141, %dma_wait3A_142] : memref<5x80xi32, #tpu.memory_space<vmem>> -> memref<1x80xi32, #tpu.memory_space<vmem>>
    %dma_wait3A_144 = tpu.memref_squeeze %dma_wait3A_143 : memref<1x80xi32, #tpu.memory_space<vmem>> -> memref<80xi32, #tpu.memory_space<vmem>>
    %dma_wait3A_145 = arith.constant 0 : i32
    %dma_wait3A_146 = arith.constant 0 : i32
    %dma_wait3A_147 = tpu.memref_slice %arg2[%dma_wait3A_145, %dma_wait3A_146] : memref<10240x128xf32, #tpu.memory_space<hbm>> -> memref<10240x128xf32, #tpu.memory_space<hbm>>
    tpu.wait_indirect_dma semaphore(%arg13 : memref<!tpu.dma_semaphore, #tpu.memory_space<semaphore_mem>>) src(%dma_wait3A_147 : memref<10240x128xf32, #tpu.memory_space<hbm>>) dst(%arg11 : memref<80x128xf32, #tpu.memory_space<vmem>>)
    %run_scoped3A_148 = arith.constant 3 : i32
    "tpu.region"() ({
      %run_scoped3A_194 = tpu.sem_alloc : memref<!tpu.dma_semaphore, #tpu.memory_space<semaphore_mem>>
      %dma_start3A_195 = arith.constant 0 : i32
      %dma_start3A_196 = tpu.memref_slice %arg8[%run_scoped3A_148, %dma_start3A_195] : memref<5x80xi32, #tpu.memory_space<vmem>> -> memref<1x80xi32, #tpu.memory_space<vmem>>
      %dma_start3A_197 = tpu.memref_squeeze %dma_start3A_196 : memref<1x80xi32, #tpu.memory_space<vmem>> -> memref<80xi32, #tpu.memory_space<vmem>>
      %dma_start3A_198 = arith.constant 0 : i32
      %dma_start3A_199 = arith.constant 0 : i32
      %dma_start3A_200 = tpu.memref_slice %arg12[%dma_start3A_198, %dma_start3A_199] : memref<10240x128xf32, #tpu.memory_space<vmem_shared>> -> memref<10240x128xf32, #tpu.memory_space<vmem_shared>>
      tpu.enqueue_indirect_dma source(%arg11 : memref<80x128xf32, #tpu.memory_space<vmem>>) target(%dma_start3A_200 : memref<10240x128xf32, #tpu.memory_space<vmem_shared>>) offsets(%dma_start3A_197 : memref<80xi32, #tpu.memory_space<vmem>>) semaphore(%run_scoped3A_194 : memref<!tpu.dma_semaphore, #tpu.memory_space<semaphore_mem>>) {add = true}
      %dma_wait3A_201 = arith.constant 0 : i32
      %dma_wait3A_202 = tpu.memref_slice %arg8[%run_scoped3A_148, %dma_wait3A_201] : memref<5x80xi32, #tpu.memory_space<vmem>> -> memref<1x80xi32, #tpu.memory_space<vmem>>
      %dma_wait3A_203 = tpu.memref_squeeze %dma_wait3A_202 : memref<1x80xi32, #tpu.memory_space<vmem>> -> memref<80xi32, #tpu.memory_space<vmem>>
      %dma_wait3A_204 = arith.constant 0 : i32
      %dma_wait3A_205 = arith.constant 0 : i32
      %dma_wait3A_206 = tpu.memref_slice %arg12[%dma_wait3A_204, %dma_wait3A_205] : memref<10240x128xf32, #tpu.memory_space<vmem_shared>> -> memref<10240x128xf32, #tpu.memory_space<vmem_shared>>
      tpu.wait_indirect_dma semaphore(%run_scoped3A_194 : memref<!tpu.dma_semaphore, #tpu.memory_space<semaphore_mem>>) src(%arg11 : memref<80x128xf32, #tpu.memory_space<vmem>>) dst(%dma_wait3A_206 : memref<10240x128xf32, #tpu.memory_space<vmem_shared>>)
      tpu.yield
    }) : () -> ()
    %dma_start3A_149 = arith.constant 4 : i32
    %dma_start3A_150 = arith.constant 0 : i32
    %dma_start3A_151 = tpu.memref_slice %arg6[%dma_start3A_149, %dma_start3A_150] : memref<5x80xi32, #tpu.memory_space<vmem>> -> memref<1x80xi32, #tpu.memory_space<vmem>>
    %dma_start3A_152 = tpu.memref_squeeze %dma_start3A_151 : memref<1x80xi32, #tpu.memory_space<vmem>> -> memref<80xi32, #tpu.memory_space<vmem>>
    %dma_start3A_153 = arith.constant 0 : i32
    %dma_start3A_154 = arith.constant 0 : i32
    %dma_start3A_155 = tpu.memref_slice %arg2[%dma_start3A_153, %dma_start3A_154] : memref<10240x128xf32, #tpu.memory_space<hbm>> -> memref<10240x128xf32, #tpu.memory_space<hbm>>
    tpu.enqueue_indirect_dma source(%dma_start3A_155 : memref<10240x128xf32, #tpu.memory_space<hbm>>) target(%arg11 : memref<80x128xf32, #tpu.memory_space<vmem>>) offsets(%dma_start3A_152 : memref<80xi32, #tpu.memory_space<vmem>>) semaphore(%arg13 : memref<!tpu.dma_semaphore, #tpu.memory_space<semaphore_mem>>)
    %dma_wait3A_156 = arith.constant 4 : i32
    %dma_wait3A_157 = arith.constant 0 : i32
    %dma_wait3A_158 = tpu.memref_slice %arg6[%dma_wait3A_156, %dma_wait3A_157] : memref<5x80xi32, #tpu.memory_space<vmem>> -> memref<1x80xi32, #tpu.memory_space<vmem>>
    %dma_wait3A_159 = tpu.memref_squeeze %dma_wait3A_158 : memref<1x80xi32, #tpu.memory_space<vmem>> -> memref<80xi32, #tpu.memory_space<vmem>>
    %dma_wait3A_160 = arith.constant 0 : i32
    %dma_wait3A_161 = arith.constant 0 : i32
    %dma_wait3A_162 = tpu.memref_slice %arg2[%dma_wait3A_160, %dma_wait3A_161] : memref<10240x128xf32, #tpu.memory_space<hbm>> -> memref<10240x128xf32, #tpu.memory_space<hbm>>
    tpu.wait_indirect_dma semaphore(%arg13 : memref<!tpu.dma_semaphore, #tpu.memory_space<semaphore_mem>>) src(%dma_wait3A_162 : memref<10240x128xf32, #tpu.memory_space<hbm>>) dst(%arg10 : memref<80x128xf32, #tpu.memory_space<vmem>>)
    %run_scoped3A_163 = arith.constant 4 : i32
    "tpu.region"() ({
      %run_scoped3A_194 = tpu.sem_alloc : memref<!tpu.dma_semaphore, #tpu.memory_space<semaphore_mem>>
      %dma_start3A_195 = arith.constant 0 : i32
      %dma_start3A_196 = tpu.memref_slice %arg8[%run_scoped3A_163, %dma_start3A_195] : memref<5x80xi32, #tpu.memory_space<vmem>> -> memref<1x80xi32, #tpu.memory_space<vmem>>
      %dma_start3A_197 = tpu.memref_squeeze %dma_start3A_196 : memref<1x80xi32, #tpu.memory_space<vmem>> -> memref<80xi32, #tpu.memory_space<vmem>>
      %dma_start3A_198 = arith.constant 0 : i32
      %dma_start3A_199 = arith.constant 0 : i32
      %dma_start3A_200 = tpu.memref_slice %arg12[%dma_start3A_198, %dma_start3A_199] : memref<10240x128xf32, #tpu.memory_space<vmem_shared>> -> memref<10240x128xf32, #tpu.memory_space<vmem_shared>>
      tpu.enqueue_indirect_dma source(%arg10 : memref<80x128xf32, #tpu.memory_space<vmem>>) target(%dma_start3A_200 : memref<10240x128xf32, #tpu.memory_space<vmem_shared>>) offsets(%dma_start3A_197 : memref<80xi32, #tpu.memory_space<vmem>>) semaphore(%run_scoped3A_194 : memref<!tpu.dma_semaphore, #tpu.memory_space<semaphore_mem>>) {add = true}
      %dma_wait3A_201 = arith.constant 0 : i32
      %dma_wait3A_202 = tpu.memref_slice %arg8[%run_scoped3A_163, %dma_wait3A_201] : memref<5x80xi32, #tpu.memory_space<vmem>> -> memref<1x80xi32, #tpu.memory_space<vmem>>
      %dma_wait3A_203 = tpu.memref_squeeze %dma_wait3A_202 : memref<1x80xi32, #tpu.memory_space<vmem>> -> memref<80xi32, #tpu.memory_space<vmem>>
      %dma_wait3A_204 = arith.constant 0 : i32
      %dma_wait3A_205 = arith.constant 0 : i32
      %dma_wait3A_206 = tpu.memref_slice %arg12[%dma_wait3A_204, %dma_wait3A_205] : memref<10240x128xf32, #tpu.memory_space<vmem_shared>> -> memref<10240x128xf32, #tpu.memory_space<vmem_shared>>
      tpu.wait_indirect_dma semaphore(%run_scoped3A_194 : memref<!tpu.dma_semaphore, #tpu.memory_space<semaphore_mem>>) src(%arg10 : memref<80x128xf32, #tpu.memory_space<vmem>>) dst(%dma_wait3A_206 : memref<10240x128xf32, #tpu.memory_space<vmem_shared>>)
      tpu.yield
    }) : () -> ()
    %dma_wait3A_164 = arith.constant 4 : i32
    %dma_wait3A_165 = arith.constant 0 : i32
    %dma_wait3A_166 = tpu.memref_slice %arg6[%dma_wait3A_164, %dma_wait3A_165] : memref<5x80xi32, #tpu.memory_space<vmem>> -> memref<1x80xi32, #tpu.memory_space<vmem>>
    %dma_wait3A_167 = tpu.memref_squeeze %dma_wait3A_166 : memref<1x80xi32, #tpu.memory_space<vmem>> -> memref<80xi32, #tpu.memory_space<vmem>>
    %dma_wait3A_168 = arith.constant 0 : i32
    %dma_wait3A_169 = arith.constant 0 : i32
    %dma_wait3A_170 = tpu.memref_slice %arg2[%dma_wait3A_168, %dma_wait3A_169] : memref<10240x128xf32, #tpu.memory_space<hbm>> -> memref<10240x128xf32, #tpu.memory_space<hbm>>
    tpu.wait_indirect_dma semaphore(%arg13 : memref<!tpu.dma_semaphore, #tpu.memory_space<semaphore_mem>>) src(%dma_wait3A_170 : memref<10240x128xf32, #tpu.memory_space<hbm>>) dst(%arg11 : memref<80x128xf32, #tpu.memory_space<vmem>>)
    %dma_wait3A_171 = arith.constant 24 : i32
    %dma_wait3A_172 = arith.constant 0 : i32
    %dma_wait3A_173 = arith.constant 0 : i32
    %dma_wait3A_174 = tpu.memref_slice %arg3[%add3A, %dma_wait3A_171, %dma_wait3A_172, %dma_wait3A_173] : memref<32x25x5x80xi32, #tpu.memory_space<hbm>> -> memref<1x1x5x80xi32, #tpu.memory_space<hbm>>
    %dma_wait3A_175 = tpu.memref_squeeze %dma_wait3A_174 : memref<1x1x5x80xi32, #tpu.memory_space<hbm>> -> memref<5x80xi32, #tpu.memory_space<hbm>>
    %dma_wait3A_176 = arith.constant 0 : i32
    %dma_wait3A_177 = arith.constant 0 : i32
    %dma_wait3A_178 = tpu.memref_slice %arg3[%add3A, %dma_wait3A_171, %dma_wait3A_176, %dma_wait3A_177] : memref<32x25x5x80xi32, #tpu.memory_space<hbm>> -> memref<1x1x5x80xi32, #tpu.memory_space<hbm>>
    %dma_wait3A_179 = tpu.memref_squeeze %dma_wait3A_178 : memref<1x1x5x80xi32, #tpu.memory_space<hbm>> -> memref<5x80xi32, #tpu.memory_space<hbm>>
    tpu.wait_dma2 semaphore(%arg14 : memref<!tpu.dma_semaphore, #tpu.memory_space<semaphore_mem>>) src(%dma_wait3A_179 : memref<5x80xi32, #tpu.memory_space<hbm>>) dst(%arg7 : memref<5x80xi32, #tpu.memory_space<vmem>>)
    %dma_wait3A_180 = arith.constant 24 : i32
    %dma_wait3A_181 = arith.constant 0 : i32
    %dma_wait3A_182 = arith.constant 0 : i32
    %dma_wait3A_183 = tpu.memref_slice %arg4[%add3A, %dma_wait3A_180, %dma_wait3A_181, %dma_wait3A_182] : memref<32x25x5x80xi32, #tpu.memory_space<hbm>> -> memref<1x1x5x80xi32, #tpu.memory_space<hbm>>
    %dma_wait3A_184 = tpu.memref_squeeze %dma_wait3A_183 : memref<1x1x5x80xi32, #tpu.memory_space<hbm>> -> memref<5x80xi32, #tpu.memory_space<hbm>>
    %dma_wait3A_185 = arith.constant 0 : i32
    %dma_wait3A_186 = arith.constant 0 : i32
    %dma_wait3A_187 = tpu.memref_slice %arg4[%add3A, %dma_wait3A_180, %dma_wait3A_185, %dma_wait3A_186] : memref<32x25x5x80xi32, #tpu.memory_space<hbm>> -> memref<1x1x5x80xi32, #tpu.memory_space<hbm>>
    %dma_wait3A_188 = tpu.memref_squeeze %dma_wait3A_187 : memref<1x1x5x80xi32, #tpu.memory_space<hbm>> -> memref<5x80xi32, #tpu.memory_space<hbm>>
    tpu.wait_dma2 semaphore(%arg15 : memref<!tpu.dma_semaphore, #tpu.memory_space<semaphore_mem>>) src(%dma_wait3A_188 : memref<5x80xi32, #tpu.memory_space<hbm>>) dst(%arg9 : memref<5x80xi32, #tpu.memory_space<vmem>>)
    %barrier3A_189 = arith.constant 0 : index
    tpu.barrier barrier_id(%barrier3A_189)
    %mul3A_190 = arith.constant 640 : i32
    %mul3A_191 = arith.muli %arg1, %mul3A_190 : i32
    %mul3A_192 = arith.constant 640 : i32
    %mul3A_193 = arith.muli %arg1, %mul3A_192 : i32
    "tpu.region"() ({
      %run_scoped3A_194 = tpu.sem_alloc : memref<!tpu.dma_semaphore, #tpu.memory_space<semaphore_mem>>
      %dma_start3A_195 = arith.constant 0 : i32
      %dma_start3A_196 = tpu.memref_slice %arg5[%arg0, %mul3A_193, %dma_start3A_195] : memref<2x10240x128xf32, #tpu.memory_space<hbm>> -> memref<1x640x128xf32, #tpu.memory_space<hbm>>
      %dma_start3A_197 = tpu.memref_squeeze %dma_start3A_196 : memref<1x640x128xf32, #tpu.memory_space<hbm>> -> memref<640x128xf32, #tpu.memory_space<hbm>>
      %dma_start3A_198 = arith.constant 0 : i32
      %dma_start3A_199 = tpu.memref_slice %arg12[%mul3A_191, %dma_start3A_198] : memref<10240x128xf32, #tpu.memory_space<vmem_shared>> -> memref<640x128xf32, #tpu.memory_space<vmem_shared>>
      tpu.enqueue_dma source(%dma_start3A_199 : memref<640x128xf32, #tpu.memory_space<vmem_shared>>) target(%dma_start3A_197 : memref<640x128xf32, #tpu.memory_space<hbm>>) target_semaphore(%run_scoped3A_194 : memref<!tpu.dma_semaphore, #tpu.memory_space<semaphore_mem>>)
      %dma_wait3A_200 = arith.constant 0 : i32
      %dma_wait3A_201 = tpu.memref_slice %arg5[%arg0, %mul3A_193, %dma_wait3A_200] : memref<2x10240x128xf32, #tpu.memory_space<hbm>> -> memref<1x640x128xf32, #tpu.memory_space<hbm>>
      %dma_wait3A_202 = tpu.memref_squeeze %dma_wait3A_201 : memref<1x640x128xf32, #tpu.memory_space<hbm>> -> memref<640x128xf32, #tpu.memory_space<hbm>>
      %dma_wait3A_203 = arith.constant 0 : i32
      %dma_wait3A_204 = tpu.memref_slice %arg12[%mul3A_191, %dma_wait3A_203] : memref<10240x128xf32, #tpu.memory_space<vmem_shared>> -> memref<640x128xf32, #tpu.memory_space<vmem_shared>>
      tpu.wait_dma2 semaphore(%run_scoped3A_194 : memref<!tpu.dma_semaphore, #tpu.memory_space<semaphore_mem>>) src(%dma_wait3A_204 : memref<640x128xf32, #tpu.memory_space<vmem_shared>>) dst(%dma_wait3A_202 : memref<640x128xf32, #tpu.memory_space<hbm>>)
      tpu.yield
    }) : () -> ()
    return
  }
}

module attributes {stable_mosaic.version = 14 : i64} {
  func.func @_first_body(%arg0: i32, %arg1: memref<2048x128xf32, #tpu.memory_space<vmem>>, %arg2: memref<128x128xf32, #tpu.memory_space<vmem>>, %arg3: memref<2x2048x16xf32, #tpu.memory_space<vmem>>, %arg4: memref<2048x128xf32, #tpu.memory_space<vmem>>) attributes {dimension_semantics = [#tpu.dimension_semantics<arbitrary>], iteration_bounds = array<i64: 5>, scalar_prefetch = 0 : i64, scratch_operands = 0 : i64, tpu.core_type = #tpu.core_type<tc>, window_params = [{transform_indices = @transform_0, window_bounds = array<i64: 2048, 128>}, {pipeline_mode = #tpu.pipeline_mode<synchronous>, transform_indices = @transform_1, window_bounds = array<i64: 128, 128>}, {transform_indices = @transform_2, window_bounds = array<i64: 2, 2048, 16>}, {transform_indices = @transform_3, window_bounds = array<i64: 2048, 128>}]} {
    %get3A = arith.constant 0 : index
    %get3A_0 = arith.constant 0 : index
    %get3A_1 = arith.constant 0 : index
    %get3A_2 = vector.load %arg3[%get3A, %get3A_0, %get3A_1] : memref<2x2048x16xf32, #tpu.memory_space<vmem>>, vector<2x2048x16xf32>
    %slice3A = vector.extract_strided_slice %get3A_2 {offsets = [0, 0, 0], sizes = [1, 2048, 1], strides = [1, 1, 1]} : vector<2x2048x16xf32> to vector<1x2048x1xf32>
    %squeeze3A = vector.shape_cast %slice3A : vector<1x2048x1xf32> to vector<2048xf32>
    %slice3A_3 = vector.extract_strided_slice %get3A_2 {offsets = [1, 0, 0], sizes = [1, 2048, 1], strides = [1, 1, 1]} : vector<2x2048x16xf32> to vector<1x2048x1xf32>
    %squeeze3A_4 = vector.shape_cast %slice3A_3 : vector<1x2048x1xf32> to vector<2048xf32>
    %add3A = arith.addf %squeeze3A, %squeeze3A_4 : vector<2048xf32>
    %add3A_5 = arith.constant 1.000000e+00 : f32
    %add3A_6 = vector.broadcast %add3A_5 : f32 to vector<2048xf32>
    %add3A_7 = arith.addf %add3A, %add3A_6 : vector<2048xf32>
    %rsqrt3A = math.rsqrt %add3A_7 : vector<2048xf32>
    %get3A_8 = arith.constant 0 : index
    %get3A_9 = arith.constant 0 : index
    %get3A_10 = vector.load %arg1[%get3A_8, %get3A_9] : memref<2048x128xf32, #tpu.memory_space<vmem>>, vector<2048x128xf32>
    %get3A_11 = arith.constant 0 : index
    %get3A_12 = arith.constant 0 : index
    %get3A_13 = vector.load %arg2[%get3A_11, %get3A_12] : memref<128x128xf32, #tpu.memory_space<vmem>>, vector<128x128xf32>
    %dot_general3A = arith.constant dense<0.000000e+00> : vector<2048x128xf32>
    %dot_general3A_14 = tpu.matmul %get3A_10, %get3A_13, %dot_general3A {dimension_numbers = #tpu.dot_dimension_numbers<[1], [0], [0], [1], [0, 0, 1, 1], [], []>, transpose_lhs_hint = false} : vector<2048x128xf32>, vector<128x128xf32>, vector<2048x128xf32> -> vector<2048x128xf32>
    %broadcast_in_dim3A = vector.shape_cast %rsqrt3A : vector<2048xf32> to vector<2048x1xf32>
    %mul3A = vector.broadcast %broadcast_in_dim3A : vector<2048x1xf32> to vector<2048x128xf32>
    %mul3A_15 = arith.mulf %dot_general3A_14, %mul3A : vector<2048x128xf32>
    %swap3A = arith.constant 0 : index
    %swap3A_16 = arith.constant 0 : index
    %swap3A_17 = vector.load %arg4[%swap3A, %swap3A_16] : memref<2048x128xf32, #tpu.memory_space<vmem>>, vector<2048x128xf32>
    tpu.vector_store %arg4[%swap3A, %swap3A_16], %mul3A_15 {strides = array<i32>} : memref<2048x128xf32, #tpu.memory_space<vmem>>, vector<2048x128xf32>,
    return
  }
  func.func @transform_0(%arg0: i32) -> (i32, i32) {
    %c0_i32 = arith.constant 0 : i32
    %c0_i32_0 = arith.constant 0 : i32
    return %arg0, %c0_i32 : i32, i32
  }
  func.func @transform_1(%arg0: i32) -> (i32, i32) {
    %c0_i32 = arith.constant 0 : i32
    %c0_i32_0 = arith.constant 0 : i32
    %c0_i32_1 = arith.constant 0 : i32
    return %c0_i32, %c0_i32_0 : i32, i32
  }
  func.func @transform_2(%arg0: i32) -> (i32, i32, i32) {
    %c0_i32 = arith.constant 0 : i32
    %c0_i32_0 = arith.constant 0 : i32
    %c0_i32_1 = arith.constant 0 : i32
    return %c0_i32, %arg0, %c0_i32_0 : i32, i32, i32
  }
  func.func @transform_3(%arg0: i32) -> (i32, i32) {
    %c0_i32 = arith.constant 0 : i32
    %c0_i32_0 = arith.constant 0 : i32
    return %arg0, %c0_i32 : i32, i32
  }
}

module attributes {stable_mosaic.version = 14 : i64} {
  func.func @_mid_body(%arg0: i32, %arg1: memref<2x2048x128xf32, #tpu.memory_space<vmem>>, %arg2: memref<2048x128xf32, #tpu.memory_space<vmem>>, %arg3: memref<2x2048x16xf32, #tpu.memory_space<vmem>>, %arg4: memref<1x128xf32, #tpu.memory_space<vmem>>, %arg5: memref<128x128xf32, #tpu.memory_space<vmem>>, %arg6: memref<2048x128xf32, #tpu.memory_space<vmem>>) attributes {dimension_semantics = [#tpu.dimension_semantics<arbitrary>], iteration_bounds = array<i64: 5>, scalar_prefetch = 0 : i64, scratch_operands = 0 : i64, tpu.core_type = #tpu.core_type<tc>, window_params = [{transform_indices = @transform_0, window_bounds = array<i64: 2, 2048, 128>}, {transform_indices = @transform_1, window_bounds = array<i64: 2048, 128>}, {transform_indices = @transform_2, window_bounds = array<i64: 2, 2048, 16>}, {pipeline_mode = #tpu.pipeline_mode<synchronous>, transform_indices = @transform_3, window_bounds = array<i64: 1, 128>}, {pipeline_mode = #tpu.pipeline_mode<synchronous>, transform_indices = @transform_4, window_bounds = array<i64: 128, 128>}, {transform_indices = @transform_5, window_bounds = array<i64: 2048, 128>}]} {
    %get3A = arith.constant 0 : index
    %get3A_0 = arith.constant 0 : index
    %get3A_1 = arith.constant 0 : index
    %get3A_2 = vector.load %arg3[%get3A, %get3A_0, %get3A_1] : memref<2x2048x16xf32, #tpu.memory_space<vmem>>, vector<2x2048x16xf32>
    %slice3A = vector.extract_strided_slice %get3A_2 {offsets = [0, 0, 0], sizes = [1, 2048, 1], strides = [1, 1, 1]} : vector<2x2048x16xf32> to vector<1x2048x1xf32>
    %squeeze3A = vector.shape_cast %slice3A : vector<1x2048x1xf32> to vector<2048xf32>
    %slice3A_3 = vector.extract_strided_slice %get3A_2 {offsets = [1, 0, 0], sizes = [1, 2048, 1], strides = [1, 1, 1]} : vector<2x2048x16xf32> to vector<1x2048x1xf32>
    %squeeze3A_4 = vector.shape_cast %slice3A_3 : vector<1x2048x1xf32> to vector<2048xf32>
    %add3A = arith.addf %squeeze3A, %squeeze3A_4 : vector<2048xf32>
    %add3A_5 = arith.constant 1.000000e+00 : f32
    %add3A_6 = vector.broadcast %add3A_5 : f32 to vector<2048xf32>
    %add3A_7 = arith.addf %add3A, %add3A_6 : vector<2048xf32>
    %rsqrt3A = math.rsqrt %add3A_7 : vector<2048xf32>
    %get3A_8 = arith.constant 0 : index
    %get3A_9 = arith.constant 0 : index
    %get3A_10 = arith.constant 0 : index
    %get3A_11 = vector.load %arg1[%get3A_8, %get3A_9, %get3A_10] : memref<2x2048x128xf32, #tpu.memory_space<vmem>>, vector<1x2048x128xf32>
    %get3A_12 = vector.shape_cast %get3A_11 : vector<1x2048x128xf32> to vector<2048x128xf32>
    %get3A_13 = arith.constant 1 : index
    %get3A_14 = arith.constant 0 : index
    %get3A_15 = arith.constant 0 : index
    %get3A_16 = vector.load %arg1[%get3A_13, %get3A_14, %get3A_15] : memref<2x2048x128xf32, #tpu.memory_space<vmem>>, vector<1x2048x128xf32>
    %get3A_17 = vector.shape_cast %get3A_16 : vector<1x2048x128xf32> to vector<2048x128xf32>
    %add3A_18 = arith.addf %get3A_12, %get3A_17 : vector<2048x128xf32>
    %get3A_19 = arith.constant 0 : index
    %get3A_20 = arith.constant 0 : index
    %get3A_21 = vector.load %arg2[%get3A_19, %get3A_20] : memref<2048x128xf32, #tpu.memory_space<vmem>>, vector<2048x128xf32>
    %add3A_22 = arith.addf %add3A_18, %get3A_21 : vector<2048x128xf32>
    %broadcast_in_dim3A = vector.shape_cast %rsqrt3A : vector<2048xf32> to vector<2048x1xf32>
    %mul3A = vector.broadcast %broadcast_in_dim3A : vector<2048x1xf32> to vector<2048x128xf32>
    %mul3A_23 = arith.mulf %add3A_22, %mul3A : vector<2048x128xf32>
    %get3A_24 = arith.constant 0 : index
    %get3A_25 = arith.constant 0 : index
    %get3A_26 = vector.load %arg4[%get3A_24, %get3A_25] : memref<1x128xf32, #tpu.memory_space<vmem>>, vector<1x128xf32>
    %add3A_27 = vector.broadcast %get3A_26 : vector<1x128xf32> to vector<2048x128xf32>
    %add3A_28 = arith.addf %mul3A_23, %add3A_27 : vector<2048x128xf32>
    %max3A = arith.constant 0.000000e+00 : f32
    %max3A_29 = vector.broadcast %max3A : f32 to vector<2048x128xf32>
    %max3A_30 = arith.maximumf %add3A_28, %max3A_29 : vector<2048x128xf32>
    %get3A_31 = arith.constant 0 : index
    %get3A_32 = arith.constant 0 : index
    %get3A_33 = vector.load %arg5[%get3A_31, %get3A_32] : memref<128x128xf32, #tpu.memory_space<vmem>>, vector<128x128xf32>
    %dot_general3A = arith.constant dense<0.000000e+00> : vector<2048x128xf32>
    %dot_general3A_34 = tpu.matmul %max3A_30, %get3A_33, %dot_general3A {dimension_numbers = #tpu.dot_dimension_numbers<[1], [0], [0], [1], [0, 0, 1, 1], [], []>, transpose_lhs_hint = false} : vector<2048x128xf32>, vector<128x128xf32>, vector<2048x128xf32> -> vector<2048x128xf32>
    %broadcast_in_dim3A_35 = vector.shape_cast %rsqrt3A : vector<2048xf32> to vector<2048x1xf32>
    %mul3A_36 = vector.broadcast %broadcast_in_dim3A_35 : vector<2048x1xf32> to vector<2048x128xf32>
    %mul3A_37 = arith.mulf %dot_general3A_34, %mul3A_36 : vector<2048x128xf32>
    %swap3A = arith.constant 0 : index
    %swap3A_38 = arith.constant 0 : index
    %swap3A_39 = vector.load %arg6[%swap3A, %swap3A_38] : memref<2048x128xf32, #tpu.memory_space<vmem>>, vector<2048x128xf32>
    tpu.vector_store %arg6[%swap3A, %swap3A_38], %mul3A_37 {strides = array<i32>} : memref<2048x128xf32, #tpu.memory_space<vmem>>, vector<2048x128xf32>,
    return
  }
  func.func @transform_0(%arg0: i32) -> (i32, i32, i32) {
    %c0_i32 = arith.constant 0 : i32
    %c0_i32_0 = arith.constant 0 : i32
    %c0_i32_1 = arith.constant 0 : i32
    return %c0_i32, %arg0, %c0_i32_0 : i32, i32, i32
  }
  func.func @transform_1(%arg0: i32) -> (i32, i32) {
    %c0_i32 = arith.constant 0 : i32
    %c0_i32_0 = arith.constant 0 : i32
    return %arg0, %c0_i32 : i32, i32
  }
  func.func @transform_2(%arg0: i32) -> (i32, i32, i32) {
    %c0_i32 = arith.constant 0 : i32
    %c0_i32_0 = arith.constant 0 : i32
    %c0_i32_1 = arith.constant 0 : i32
    return %c0_i32, %arg0, %c0_i32_0 : i32, i32, i32
  }
  func.func @transform_3(%arg0: i32) -> (i32, i32) {
    %c0_i32 = arith.constant 0 : i32
    %c0_i32_0 = arith.constant 0 : i32
    %c0_i32_1 = arith.constant 0 : i32
    return %c0_i32, %c0_i32_0 : i32, i32
  }
  func.func @transform_4(%arg0: i32) -> (i32, i32) {
    %c0_i32 = arith.constant 0 : i32
    %c0_i32_0 = arith.constant 0 : i32
    %c0_i32_1 = arith.constant 0 : i32
    return %c0_i32, %c0_i32_0 : i32, i32
  }
  func.func @transform_5(%arg0: i32) -> (i32, i32) {
    %c0_i32 = arith.constant 0 : i32
    %c0_i32_0 = arith.constant 0 : i32
    return %arg0, %c0_i32 : i32, i32
  }
}

module attributes {stable_mosaic.version = 14 : i64} {
  func.func @_last_body(%arg0: i32, %arg1: memref<2x2048x128xf32, #tpu.memory_space<vmem>>, %arg2: memref<2048x128xf32, #tpu.memory_space<vmem>>, %arg3: memref<2x2048x16xf32, #tpu.memory_space<vmem>>, %arg4: memref<1x128xf32, #tpu.memory_space<vmem>>, %arg5: memref<2048x128xf32, #tpu.memory_space<vmem>>) attributes {dimension_semantics = [#tpu.dimension_semantics<arbitrary>], iteration_bounds = array<i64: 5>, scalar_prefetch = 0 : i64, scratch_operands = 0 : i64, tpu.core_type = #tpu.core_type<tc>, window_params = [{transform_indices = @transform_0, window_bounds = array<i64: 2, 2048, 128>}, {transform_indices = @transform_1, window_bounds = array<i64: 2048, 128>}, {transform_indices = @transform_2, window_bounds = array<i64: 2, 2048, 16>}, {pipeline_mode = #tpu.pipeline_mode<synchronous>, transform_indices = @transform_3, window_bounds = array<i64: 1, 128>}, {transform_indices = @transform_4, window_bounds = array<i64: 2048, 128>}]} {
    %get3A = arith.constant 0 : index
    %get3A_0 = arith.constant 0 : index
    %get3A_1 = arith.constant 0 : index
    %get3A_2 = vector.load %arg3[%get3A, %get3A_0, %get3A_1] : memref<2x2048x16xf32, #tpu.memory_space<vmem>>, vector<2x2048x16xf32>
    %slice3A = vector.extract_strided_slice %get3A_2 {offsets = [0, 0, 0], sizes = [1, 2048, 1], strides = [1, 1, 1]} : vector<2x2048x16xf32> to vector<1x2048x1xf32>
    %squeeze3A = vector.shape_cast %slice3A : vector<1x2048x1xf32> to vector<2048xf32>
    %slice3A_3 = vector.extract_strided_slice %get3A_2 {offsets = [1, 0, 0], sizes = [1, 2048, 1], strides = [1, 1, 1]} : vector<2x2048x16xf32> to vector<1x2048x1xf32>
    %squeeze3A_4 = vector.shape_cast %slice3A_3 : vector<1x2048x1xf32> to vector<2048xf32>
    %add3A = arith.addf %squeeze3A, %squeeze3A_4 : vector<2048xf32>
    %add3A_5 = arith.constant 1.000000e+00 : f32
    %add3A_6 = vector.broadcast %add3A_5 : f32 to vector<2048xf32>
    %add3A_7 = arith.addf %add3A, %add3A_6 : vector<2048xf32>
    %rsqrt3A = math.rsqrt %add3A_7 : vector<2048xf32>
    %get3A_8 = arith.constant 0 : index
    %get3A_9 = arith.constant 0 : index
    %get3A_10 = arith.constant 0 : index
    %get3A_11 = vector.load %arg1[%get3A_8, %get3A_9, %get3A_10] : memref<2x2048x128xf32, #tpu.memory_space<vmem>>, vector<1x2048x128xf32>
    %get3A_12 = vector.shape_cast %get3A_11 : vector<1x2048x128xf32> to vector<2048x128xf32>
    %get3A_13 = arith.constant 1 : index
    %get3A_14 = arith.constant 0 : index
    %get3A_15 = arith.constant 0 : index
    %get3A_16 = vector.load %arg1[%get3A_13, %get3A_14, %get3A_15] : memref<2x2048x128xf32, #tpu.memory_space<vmem>>, vector<1x2048x128xf32>
    %get3A_17 = vector.shape_cast %get3A_16 : vector<1x2048x128xf32> to vector<2048x128xf32>
    %add3A_18 = arith.addf %get3A_12, %get3A_17 : vector<2048x128xf32>
    %get3A_19 = arith.constant 0 : index
    %get3A_20 = arith.constant 0 : index
    %get3A_21 = vector.load %arg2[%get3A_19, %get3A_20] : memref<2048x128xf32, #tpu.memory_space<vmem>>, vector<2048x128xf32>
    %add3A_22 = arith.addf %add3A_18, %get3A_21 : vector<2048x128xf32>
    %broadcast_in_dim3A = vector.shape_cast %rsqrt3A : vector<2048xf32> to vector<2048x1xf32>
    %mul3A = vector.broadcast %broadcast_in_dim3A : vector<2048x1xf32> to vector<2048x128xf32>
    %mul3A_23 = arith.mulf %add3A_22, %mul3A : vector<2048x128xf32>
    %get3A_24 = arith.constant 0 : index
    %get3A_25 = arith.constant 0 : index
    %get3A_26 = vector.load %arg4[%get3A_24, %get3A_25] : memref<1x128xf32, #tpu.memory_space<vmem>>, vector<1x128xf32>
    %add3A_27 = vector.broadcast %get3A_26 : vector<1x128xf32> to vector<2048x128xf32>
    %add3A_28 = arith.addf %mul3A_23, %add3A_27 : vector<2048x128xf32>
    %swap3A = arith.constant 0 : index
    %swap3A_29 = arith.constant 0 : index
    %swap3A_30 = vector.load %arg5[%swap3A, %swap3A_29] : memref<2048x128xf32, #tpu.memory_space<vmem>>, vector<2048x128xf32>
    tpu.vector_store %arg5[%swap3A, %swap3A_29], %add3A_28 {strides = array<i32>} : memref<2048x128xf32, #tpu.memory_space<vmem>>, vector<2048x128xf32>,
    return
  }
  func.func @transform_0(%arg0: i32) -> (i32, i32, i32) {
    %c0_i32 = arith.constant 0 : i32
    %c0_i32_0 = arith.constant 0 : i32
    %c0_i32_1 = arith.constant 0 : i32
    return %c0_i32, %arg0, %c0_i32_0 : i32, i32, i32
  }
  func.func @transform_1(%arg0: i32) -> (i32, i32) {
    %c0_i32 = arith.constant 0 : i32
    %c0_i32_0 = arith.constant 0 : i32
    return %arg0, %c0_i32 : i32, i32
  }
  func.func @transform_2(%arg0: i32) -> (i32, i32, i32) {
    %c0_i32 = arith.constant 0 : i32
    %c0_i32_0 = arith.constant 0 : i32
    %c0_i32_1 = arith.constant 0 : i32
    return %c0_i32, %arg0, %c0_i32_0 : i32, i32, i32
  }
  func.func @transform_3(%arg0: i32) -> (i32, i32) {
    %c0_i32 = arith.constant 0 : i32
    %c0_i32_0 = arith.constant 0 : i32
    %c0_i32_1 = arith.constant 0 : i32
    return %c0_i32, %c0_i32_0 : i32, i32
  }
  func.func @transform_4(%arg0: i32) -> (i32, i32) {
    %c0_i32 = arith.constant 0 : i32
    %c0_i32_0 = arith.constant 0 : i32
    return %arg0, %c0_i32 : i32, i32
  }
}

</mosaic_0001>

<sc_bundles>
// kernel: kernel.10.cloned.1.call-start
scs
__scs_entry_jumppad:
0x0: {  	(pc) =	sbr.rel $0x88, $3  }
0x1: {  	(tag) =	ssettag $0x0;
	lr =	simm.s32 $0x1  }
0x2: {  	[smem:$0x3F99] =	sst lr;
	_ =	strace $0xD0000000  }
0x3: {  	_ = 	snop  }
0x4: {  	_ = 	snop  }
0x5: {  	_ = 	snop  }
0x6: {  	_ = 	snop  }
0x7: {  	_ = 	snop  }
__scs_overlays_trampoline_lowered:
0x8: {  	[smem:$0x3FA8] =	sst s0  }
0x9: {  	[smem:$0x3FA9] =	sst s1  }
0xa: {  	[smem:$0x3FAA] =	sst s2  }
0xb: {  	[smem:$0x3FAB] =	sst s3  }
0xc: {  	[smem:$0x3FAC] =	sst s4  }
0xd: {  	[smem:$0x3FAD] =	sst s5  }
0xe: {  	[smem:$0x3FAE] =	sst s6  }
0xf: {  	[smem:$0x3FAF] =	sst s7  }
0x10: {  	[smem:$0x3FB0] =	sst s8  }
0x11: {  	[smem:$0x3FB1] =	sst s9;
	s0 =	simm.s32 @!p0 $0x0  }
0x12: {  	s1 =	sld [smem:$0x3F97];
	s0 =	simm.s32 @p0 $0x1  }
0x13: {  	[smem:$0x3FB2] =	sst s0;
	s0 =	simm.s32 @!p1 $0x0  }
0x14: {  	s2 =	sld [smem:$0x3F96];
	s0 =	simm.s32 @p1 $0x1  }
0x15: {  	[smem:$0x3FB3] =	sst s0;
	s0 =	simm.s32 @!p2 $0x0  }
0x16: {  	s3 =	sld [smem:$0x3FDB];
	s0 =	simm.s32 @p2 $0x1  }
0x17: {  	s4 =	simm.s32 $0x1BF5;
	[smem:$0x3FB5] =	sst s0  }
0x18: {  	s0 =	sld [smem:$0x3F98];
	_ =	swait.ge [sflag:s4], $0x0  }
0x19: {  	s7 =	sld [smem:$0x3F99]  }
0x1a: {  	s8 =	sadd.s32 $0xFFFFE003, lr  }
0x1b: {  	s9 =	sadd.s32 $0xFFFFFEF7, lr;
	s5 =	simm.s32 $0xFFFFFFFF;
	p2 =	slt.u32 s8, $0xFFFFF086  }
0x1c: {  	p1 =	slt.u32 s9, $0xF7A;
	s5 =	simm.s32 @!p2 $0x0  }
0x1d: {  	s5 =	simm.s32 @p1 $0x1;
	p0 =	seq.s32 s7, s2  }
0x1e: {  	s7 =	smul.u32 @!p0 $0xF7A, s2;
	p2 =	seq.s32 @!p0 s5, $0x0  }
0x1f: {  	s9 =	smul.u32 $0xF7A, s1;
	s8 =	simm.s32 @!p0 $0x1BF5;
	p2 =	por !p2, p0  }
0x20: {  	[sflag:s8] =	ssyncset.s32 @!p0 $0xFFFFF086;
	s6 =	sadd.s32 @!p0 s3, s7;
	s7 =	simm.s32 @!p0 $0x108  }
0x21: {  	s3 =	sadd.s32 s3, s9;
	s6 =	sadd.s32 @!p0 $0x88, s6;
	s7 =	simm.s32 @p2 $0x1082  }
0x22: {  	[simem:s7], [sflag:s8] =	dma.local @!p0 [hbm:s6], $0xF7A  }
0x23: {  	s9 =	sor.u32 $0xD0000000, s2;
	s6 =	simm.s32 $0x108;
	_ =	swait.ge @!p0 [sflag:s8], $0x0  }
0x24: {  	s3 =	sadd.s32 $0x88, s3;
	s6 =	simm.s32 @!p1 $0x1082;
	[sflag:s4] =	ssyncset.s32 $0xFFFFF086  }
0x25: {  	[simem:s6], [sflag:s4] =	dma.local [hbm:s3], $0xF7A  }
0x26: {  	[smem:$0x3F99] =	sst s1;
	(tag) =	ssettag s2;
	_ =	strace s9  }
0x27: {  	s1 =	sld [smem:$0x3FA9]  }
0x28: {  	s2 =	sld [smem:$0x3FAA]  }
0x29: {  	s4 =	sld [smem:$0x3FAC]  }
0x2a: {  	p0 =	seq.s32 s5, $0x0;
	s5 =	sld [smem:$0x3FAD]  }
0x2b: {  	s6 =	sld [smem:$0x3FAE]  }
0x2c: {  	s7 =	sld [smem:$0x3FAF]  }
0x2d: {  	s3 =	simm.s32 $0x108;
	s8 =	sld [smem:$0x3FB0]  }
0x2e: {  	s3 =	simm.s32 @!p0 $0x1082;
	s9 =	sld [smem:$0x3FB1]  }
0x2f: {  	lr =	sadd.s32 s0, s3;
	s0 =	sld [smem:$0x3FA8]  }
0x30: {  	s3 =	sld [smem:$0x3FAB]  }
0x31: {  	[smem:$0x3FB4] =	sst s10  }
0x32: {  	s10 =	sld [smem:$0x3FB2];
	_ =	sdelay $0x3  }
0x33: {  	p0 =	seq.s32 s10, $0x1;
	s10 =	sld [smem:$0x3FB4];
	_ =	sdelay $0x3  }
0x34: {  	[smem:$0x3FB4] =	sst s10  }
0x35: {  	s10 =	sld [smem:$0x3FB3];
	_ =	sdelay $0x3  }
0x36: {  	p1 =	seq.s32 s10, $0x1;
	s10 =	sld [smem:$0x3FB4];
	_ =	sdelay $0x3  }
0x37: {  	[smem:$0x3FB4] =	sst s10  }
0x38: {  	s10 =	sld [smem:$0x3FB5]  }
0x39: {  	_ = 	snop;
	(pc) =	sbr.ind lr, $3  }
0x3a: {  	_ = 	snop  }
0x3b: {  	_ = 	snop  }
0x3c: {  	p2 =	seq.s32 s10, $0x1;
	s10 =	sld [smem:$0x3FB4]  }
0x3d: {  	_ =	shalt  }
0x3e: {  	_ =	shalt  }
0x3f: {  	_ =	shalt  }
0x40: {  	_ =	shalt  }
0x41: {  	_ =	shalt  }
0x42: {  	_ =	shalt  }
0x43: {  	_ =	shalt  }
0x44: {  	_ =	shalt  }
0x45: {  	_ =	shalt  }
0x46: {  	_ =	shalt  }
0x47: {  	_ =	shalt  }
0x48: {  	_ =	shalt  }
0x49: {  	_ =	shalt  }
0x4a: {  	_ =	shalt  }
0x4b: {  	_ =	shalt  }
0x4c: {  	_ =	shalt  }
0x4d: {  	_ =	shalt  }
0x4e: {  	_ =	shalt  }
0x4f: {  	_ =	shalt  }
0x50: {  	_ =	shalt  }
0x51: {  	_ =	shalt  }
0x52: {  	_ =	shalt  }
0x53: {  	_ =	shalt  }
0x54: {  	_ =	shalt  }
0x55: {  	_ =	shalt  }
0x56: {  	_ =	shalt  }
0x57: {  	_ =	shalt  }
0x58: {  	_ =	shalt  }
0x59: {  	_ =	shalt  }
0x5a: {  	_ =	shalt  }
0x5b: {  	_ =	shalt  }
0x5c: {  	_ =	shalt  }
0x5d: {  	_ =	shalt  }
0x5e: {  	_ =	shalt  }
0x5f: {  	_ =	shalt  }
0x60: {  	_ =	shalt  }
0x61: {  	_ =	shalt  }
0x62: {  	_ =	shalt  }
0x63: {  	_ =	shalt  }
0x64: {  	_ =	shalt  }
0x65: {  	_ =	shalt  }
0x66: {  	_ =	shalt  }
0x67: {  	_ =	shalt  }
0x68: {  	_ =	shalt  }
0x69: {  	_ =	shalt  }
0x6a: {  	_ =	shalt  }
0x6b: {  	_ =	shalt  }
0x6c: {  	_ =	shalt  }
0x6d: {  	_ =	shalt  }
0x6e: {  	_ =	shalt  }
0x6f: {  	_ =	shalt  }
0x70: {  	_ =	shalt  }
0x71: {  	_ =	shalt  }
0x72: {  	_ =	shalt  }
0x73: {  	_ =	shalt  }
0x74: {  	_ =	shalt  }
0x75: {  	_ =	shalt  }
0x76: {  	_ =	shalt  }
0x77: {  	_ =	shalt  }
0x78: {  	_ =	shalt  }
0x79: {  	_ =	shalt  }
0x7a: {  	_ =	shalt  }
0x7b: {  	_ =	shalt  }
0x7c: {  	_ =	shalt  }
0x7d: {  	_ =	shalt  }
0x7e: {  	_ =	shalt  }
0x7f: {  	_ =	shalt  }
0x80: {  	_ =	shalt  }
0x81: {  	_ =	shalt  }
0x82: {  	_ =	shalt  }
0x83: {  	_ =	shalt  }
0x84: {  	_ =	shalt  }
0x85: {  	_ =	shalt  }
0x86: {  	_ =	shalt  }
0x87: {  	_ =	shalt  }
.Lfunc_end0:
.L_simem_size_0:
called_computation_lowered:
.L_overlay_start_0:
0x88: {  	s2 =	sld [smem:$0x3FD9]  }
0x89: {  	s3 =	sld [smem:$0x3FFE];
	_ =	sdelay $0x1  }
0x8a: {  	s1 =	srdreg.scid  }
0x8b: {  	s0 =	sand.u32 $0x1, s1  }
0x8c: {  	s16 =	sshll.u32 s0, $0xA;
	s2 =	sadd.s32 s3, s2  }
0x8d: {  	s2 =	sadd.s32 s2, s16  }
0x8e: {  	[smem:$0x3FC0] =	sst s2  }
0x8f: {  	_ = 	snop  }
0x90: {  	(tm) =	ssettm $0x1  }
0x91: {  	s17 =	sld [smem:$0x3FFB];
	_ =	sdelay $0x3  }
0x92: {  	_ =	strace s17  }
0x93: {  	s2 =	sld [smem:$0x3FFC];
	_ =	sdelay $0x3  }
0x94: {  	_ =	strace s2  }
0x95: {  	s2 =	sld [smem:$0x3FFD];
	_ =	sdelay $0x3  }
0x96: {  	_ =	strace s2  }
0x97: {  	_ =	strace $0x8FFFFFFF  }
0x98: {  	s18 =	sld [smem:$0x3FDB];
	_ =	sdelay $0x1  }
0x99: {  	s19 =	simm.s32 $_scs_section_size  }
0x9a: {  	s4 =	simm.s32 $_size__tile_overlayer_lowered;
	s5 =	simm.s32 $_tile_overlayer_lowered  }
0x9b: {  	s22 =	simm.s32 $0x1BFF;
	s21 =	sshll.u32 s5, $0x1;
	s2 =	sadd.s32 s19, s18  }
0x9c: {  	s6 =	simm.s32 $0x0;
	s20 =	sshll.u32 s4, $0x1;
	s4 =	sadd.s32 s21, s2  }
0x9d: {  	[timem:s6], [sflag:s22] =	dma.local [hbm:s4], s20  }
0x9e: {  	_ =	swait.ge [sflag:s22], s20  }
0x9f: {  	s3 =	ssub.s32 $0x0, s20;
	[sflag:s22] =	ssyncset.done $0x0  }
0xa0: {  	[sflag:s22] =	ssyncadd.s32 s3;
	_ =	sdelay $0x1  }
0xa1: {  	s23 =	simm.s32 $0x1B8B  }
0xa2: {  	_ =	swait.ge [sflag:s23], $0x1  }
0xa3: {  	[sflag:s23] =	ssyncset.done $0x0  }
0xa4: {  	s25 =	simm.s32 $0x1B8E;
	s24 =	sld [smem:$0x3FFE];
	[sflag:s23] =	ssyncadd.s32 $0xFFFFFFFF  }
0xa5: {  	s26 =	simm.s32 $execute0_lowered;
	[smem:$0x3FD2] =	sst s25  }
0xa6: {  	s4 =	sshll.u32 s26, $0x1;
	_ =	strace $0x80000046;
	[dreg:$0x1] =	wrdreg $0xFFFFFFFF  }
0xa7: {  	s28 =	simm.s32 $_size_execute0_lowered;
	s2 =	sadd.s32 s2, s4;
	[dreg:$0x0] =	wrdreg $0x0  }
0xa8: {  	s4 =	sshll.u32 s28, $0x1;
	[dreg:$0x2] =	wrdreg s2  }
0xa9: {  	[dreg:$0x3] =	wrdreg s4  }
0xaa: {  	[dreg:$0x4] =	wrdreg $0xC0  }
0xab: {  	_ =	task [dreg:s6], $0x5FFFF  }
0xac: {  	[dreg:$0x1] =	wrdreg $0xFFFFFFFF  }
0xad: {  	[dreg:$0x0] =	wrdreg $0x60  }
0xae: {  	[dreg:$0x2] =	wrdreg s24  }
0xaf: {  	[dreg:$0x3] =	wrdreg $0x90000  }
0xb0: {  	[dreg:$0x4] =	wrdreg $0x9  }
0xb1: {  	_ =	task.clear_ibuf [dreg:s6], $0x5FFFF;
	_ =	strace $0x90000046  }
0xb2: {  	s29 =	simm.s32 $0x9;
	_ =	strace $0x80000048  }
0xb3: {  	_ =	swait.ge [sflag:s29], $0x1  }
0xb4: {  	[sflag:s29] =	ssyncadd.s32 $0xFFFFFFFF  }
0xb5: {  	_ =	strace $0x90000048  }
0xb6: {  	_ =	sfence  }
0xb7: {  	s30 =	sld [smem:$0x0];
	_ =	sdelay $0x2  }
0xb8: {  	s31 =	sshll.u32 s1, $0xD;
	s1 =	sshrl.u32 s1, $0x2  }
0xb9: {  	s3 =	sand.u32 $0x4000, s31;
	s1 =	sadd.s32 s1, s30  }
0xba: {  	s0 =	sor.u32 s3, s0;
	s1 =	sshll.u32 s1, $0x11  }
0xbb: {  	s0 =	sor.u32 s1, s0  }
0xbc: {  	s0 =	sadd.s32 $0x8F2B, s0  }
0xbd: {  	[sflag:s0] =	ssyncadd.remote.s32 $0x1  }
0xbe: {  	_ =	sfence.sel $0xFFFF  }
0xbf: {  	[dreg:$0x0] =	wrdreg $0xFFFFFFFF;
	(pc) =	sbr.abs _section_cstart, $3  }
0xc0: {  	[dreg:$0x1] =	wrdreg $0xFFFFFFFF  }
0xc1: {  	_ =	task.clear_ibuf [dreg:s6], $0x2FFFF;
	_ =	strace $0x9FFFFFFF  }
0xc2: {  	(tm) =	ssettm $0x7FFFFFFF  }
0xc3: {  	_ =	shalt  }
tec
execute0_lowered:
.L_overlay_start_1:
0x0: {  	(tag) =	ssettag $0x1  }
0x1: {  	s5 =	rddreg [dreg:$0x0];
	s0 =	srdreg.scid  }
0x2: {  	s2 =	rddreg [dreg:$0x1];
	s1 =	stileid.u32;
	s3 =	simm.s32 $0x0  }
0x3: {  	s15 =	simm.s32 $0x6800;
	s16 =	simm.s32 $0x1;
	s17 =	simm.s32 $0x50  }
0x4: {  	s8 =	sand.u32 $0x1, s0;
	s0 =	rddreg [dreg:$0x2];
	s6 =	smul.u32 $0x14000, s1  }
0x5: {  	s18 =	simm.s32 $0x4000;
	[smem:$0x7FF] =	sst s3;
	s9 =	smul.u32 $0x50000, s1  }
0x6: {  	s7 =	sshll.u32 s1, $0xB;
	s19 =	sshll.u32 s1, $0x6;
	s4 =	smul.u32 $0x140000, s8  }
0x7: {  	_ =	strace $0x80000047;
	s10 =	sadd.s32 s7, s5;
	s28 =	ssub.s32 $0x2, s8  }
0x8: {  	s31 =	sshll.u32 s8, $0xF;
	s19 =	sor.u32 $0x1C01, s19;
	s29 =	sshrl.u32 s9, $0x2  }
0x9: {  	s11 =	sshrl.u32 s28, $0x1;
	s12 =	sadd.s32 s31, s10;
	s4 =	sadd.s32 s6, s4  }
0xa: {  	s14 =	ssub.s32 s28, s11;
	s12 =	sadd.s32 $0x3000, s12;
	s30 =	sshrl.u32 s4, $0x3  }
0xb: {  	s4 =	sadd.s32 s29, s2;
	s14 =	smax.u32 s14, $0x1;
	s13 =	sadd.s32 s30, s5  }
0xc: {  	s5 =	sadd.s32 $0x2800, s4;
	s6 =	sadd.s32 $0x5000, s4;
	s7 =	sadd.s32 $0x7800, s4  }
0xd: {  	s8 =	sadd.s32 $0xA000, s4;
	s9 =	sadd.s32 $0xC800, s4;
	s10 =	sadd.s32 $0xF000, s4  }
0xe: {  	v0 =	vimm.f32 $1.000000000e+00;
	v1 =	vimm.f32 $0.0e+00;
	s11 =	sadd.s32 $0x11800, s4;
	s20 =	sshrl.u32 s4, $0x3;
	s13 =	sadd.s32 $0x13000, s13  }
.LBB2_1:
0xf: {  	s21 =	simm.s32 $0x200;
	s22 =	simm.s32 $0x0  }
.LBB2_2:
0x10: {  	p0 =	sne.s32 s21, $0x9E00;
	[tilespmem:s22+$0x4000] =	vst v0;
	s23 =	smov.u32 s21;
	s21 =	sadd.s32 $0x200, s21  }
.Ltmp0:
0x11: {  	[tilespmem:s22+$0x6800] =	vst v1;
	(pc) =	sbr.rel @p0 .LBB2_2-.Ltmp0, $2  }
0x12: {  	_ =	sdelay $0x2  }
0x13: {  	s22 =	sshra.s32 s23, $0x2  }
0x14: {  	[tilespmem:s22+$0x4000] =	vst v0  }
0x15: {  	[tilespmem:s22+$0x6800] =	vst v1  }
0x16: {  	[spmem:s4] =	stream.linear.scatter [tilespmem:s15], [sflag:$0x1], $0x2800, $0x38;
	[tilespmem:$0xB800] =	vst v63  }
0x17: {  	_ =	swait.ge [sflag:s16], $0x2800  }
0x18: {  	[sflag:s16] =	ssyncset.done $0x0  }
0x19: {  	[sflag:s16] =	ssyncadd.s32 $0xFFFFD800  }
0x1a: {  	[spmem:s5] =	stream.linear.scatter [tilespmem:s15], [sflag:$0x1], $0x2800, $0x38;
	[tilespmem:$0xB800] =	vst v63  }
0x1b: {  	_ =	swait.ge [sflag:s16], $0x2800  }
0x1c: {  	[sflag:s16] =	ssyncset.done $0x0  }
0x1d: {  	[sflag:s16] =	ssyncadd.s32 $0xFFFFD800  }
0x1e: {  	[spmem:s6] =	stream.linear.scatter [tilespmem:s15], [sflag:$0x1], $0x2800, $0x38;
	[tilespmem:$0xB800] =	vst v63  }
0x1f: {  	_ =	swait.ge [sflag:s16], $0x2800  }
0x20: {  	[sflag:s16] =	ssyncset.done $0x0  }
0x21: {  	[sflag:s16] =	ssyncadd.s32 $0xFFFFD800  }
0x22: {  	[spmem:s7] =	stream.linear.scatter [tilespmem:s15], [sflag:$0x1], $0x2800, $0x38;
	[tilespmem:$0xB800] =	vst v63  }
0x23: {  	_ =	swait.ge [sflag:s16], $0x2800  }
0x24: {  	[sflag:s16] =	ssyncset.done $0x0  }
0x25: {  	[sflag:s16] =	ssyncadd.s32 $0xFFFFD800  }
0x26: {  	[spmem:s8] =	stream.linear.scatter [tilespmem:s15], [sflag:$0x1], $0x2800, $0x38;
	[tilespmem:$0xB800] =	vst v63  }
0x27: {  	_ =	swait.ge [sflag:s16], $0x2800  }
0x28: {  	[sflag:s16] =	ssyncset.done $0x0  }
0x29: {  	[sflag:s16] =	ssyncadd.s32 $0xFFFFD800  }
0x2a: {  	[spmem:s9] =	stream.linear.scatter [tilespmem:s15], [sflag:$0x1], $0x2800, $0x38;
	[tilespmem:$0xB800] =	vst v63  }
0x2b: {  	_ =	swait.ge [sflag:s16], $0x2800  }
0x2c: {  	[sflag:s16] =	ssyncset.done $0x0  }
0x2d: {  	[sflag:s16] =	ssyncadd.s32 $0xFFFFD800  }
0x2e: {  	[spmem:s10] =	stream.linear.scatter [tilespmem:s15], [sflag:$0x1], $0x2800, $0x38;
	[tilespmem:$0xB800] =	vst v63  }
0x2f: {  	_ =	swait.ge [sflag:s16], $0x2800  }
0x30: {  	[sflag:s16] =	ssyncset.done $0x0  }
0x31: {  	[sflag:s16] =	ssyncadd.s32 $0xFFFFD800  }
0x32: {  	[spmem:s11] =	stream.linear.scatter [tilespmem:s15], [sflag:$0x1], $0x2800, $0x38;
	[tilespmem:$0xB800] =	vst v63  }
0x33: {  	_ =	swait.ge [sflag:s16], $0x2800  }
0x34: {  	[sflag:s16] =	ssyncset.done $0x0  }
0x35: {  	[sflag:s16] =	ssyncadd.s32 $0xFFFFD800  }
0x36: {  	s21 =	simm.s32 $0x0;
	[bflag:$0x0] =	sbarrier.arrive $0xFFFF  }
0x37: {  	[tilespmem:s21], [sflag:$0x1] =	stream.linear.gather [hbm4b:s12+s21], $0x3E80, $0x38;
	[tilespmem:$0xB800] =	vst v63  }
0x38: {  	_ =	swait.ge [sflag:s16], $0x3E80  }
0x39: {  	[sflag:s16] =	ssyncset.done $0x0  }
0x3a: {  	s31 =	simm.s32 $0x0;
	[sflag:s16] =	ssyncadd.s32 $0xFFFFC180  }
0x3b: {  	[spmem:s2] =	stream.indirect.scatter.add.f32 [tilespmem:s18], [sflag:$0x1], $0x10, s31, s17, $0xb8;
	[tilespmem:$0xB800] =	vst v63  }
0x3c: {  	_ =	swait.ge [sflag:s16], $0x500  }
0x3d: {  	s21 =	simm.s32 $0x200;
	[sflag:s16] =	ssyncset.done $0x0  }
.LBB2_4:
0x3e: {  	s22 =	sshra.s32 s21, $0x2;
	[sflag:s16] =	ssyncadd.s32 $0xFFFFFB00;
	p0 =	sne.s32 s21, $0xF800  }
0x3f: {  	[spmem:s2] =	stream.indirect.scatter.add.f32 [tilespmem:s18], [sflag:$0x1], $0x10, s22, s17, $0xb8;
	[tilespmem:$0xB800] =	vst v63  }
.Ltmp1:
0x40: {  	_ = 	snop;
	(pc) =	sbr.rel @p0 .LBB2_4-.Ltmp1, $4  }
0x41: {  	_ = 	snop  }
0x42: {  	s21 =	sadd.s32 $0x200, s21  }
0x43: {  	_ =	swait.ge [sflag:s16], $0x500  }
0x44: {  	[sflag:s16] =	ssyncset.done $0x0  }
0x45: {  	s3 =	sadd.s32 $0x1, s3  }
0x46: {  	[sflag:s16] =	ssyncadd.s32 $0xFFFFFB00;
	p0 =	sne.s32 s3, s14  }
.Ltmp2:
0x47: {  	[bflag:$0x0] =	sbarrier.arrive $0xFFFF;
	(pc) =	sbr.rel @p0 .LBB2_1-.Ltmp2, $4  }
0x48: {  	[hbm:s13], [sflag:s19] =	dma.local [spmem:s20], $0x2800  }
0x49: {  	_ =	swait.ge [sflag:s16], $0x2800  }
0x4a: {  	[sflag:s16] =	ssyncset.done $0x0  }
0x4b: {  	[sflag:s16] =	ssyncadd.s32 $0xFFFFD800  }
0x4c: {  	_ =	sfence.sel $0x180000  }
0x4d: {  	[bflag:$0x0] =	sbarrier.arrive $0xFFFF  }
0x4e: {  	p0 =	sne.s32 s1, $0x0;
	_ =	strace $0x90000047  }
0x4f: {  	s0 =	sadd.s32 @!p0 $0x100000, s0;
	[bflag:$0x2] =	sbarrier.arrive $0xFFFF  }
0x50: {  	[sflag:s0] =	ssyncadd.tile.s32 @!p0 $0x1;
	_ =	shalt  }
.Lfunc_end2:
_tile_overlayer_lowered:
.L_overlay_start_2:
0x51: {  	(tag) =	ssettag $0x2  }
0x52: {  	s0 =	rddreg [dreg:$0x0];
	s2 =	stileid.u32  }
0x53: {  	s1 =	rddreg [dreg:$0x1];
	p0 =	sne.s32 s2, $0x0  }
0x54: {  	s3 =	rddreg [dreg:$0x2];
	[bflag:$0x3] =	sbarrier.arrive $0xFFFF;
	s2 =	simm.s32 @!p0 $0x1C01  }
0x55: {  	[timem:s3], [sflag:s2] =	dma.local @!p0 [hbm:s0], s1  }
0x56: {  	s0 =	simm.s32 @!p0 $0x1  }
0x57: {  	_ =	swait.ge @!p0 [sflag:s0], s1  }
0x58: {  	s1 =	ssub.s32 @!p0 $0x0, s1;
	[sflag:s0] =	ssyncset.done @!p0 $0x0  }
0x59: {  	[sflag:s0] =	ssyncadd.s32 @!p0 s1  }
0x5a: {  	[bflag:$0x3] =	sbarrier.arrive $0xFFFF  }
0x5b: {  	_ =	shalt  }

// kernel: kernel.13.cloned.1.call-start
scs
__scs_entry_jumppad:
0x0: {  	(pc) =	sbr.rel $0x88, $3  }
0x1: {  	(tag) =	ssettag $0x0;
	lr =	simm.s32 $0x1  }
0x2: {  	[smem:$0x3F99] =	sst lr;
	_ =	strace $0xD0000000  }
0x3: {  	_ = 	snop  }
0x4: {  	_ = 	snop  }
0x5: {  	_ = 	snop  }
0x6: {  	_ = 	snop  }
0x7: {  	_ = 	snop  }
__scs_overlays_trampoline_lowered:
0x8: {  	[smem:$0x3FA8] =	sst s0  }
0x9: {  	[smem:$0x3FA9] =	sst s1  }
0xa: {  	[smem:$0x3FAA] =	sst s2  }
0xb: {  	[smem:$0x3FAB] =	sst s3  }
0xc: {  	[smem:$0x3FAC] =	sst s4  }
0xd: {  	[smem:$0x3FAD] =	sst s5  }
0xe: {  	[smem:$0x3FAE] =	sst s6  }
0xf: {  	[smem:$0x3FAF] =	sst s7  }
0x10: {  	[smem:$0x3FB0] =	sst s8  }
0x11: {  	[smem:$0x3FB1] =	sst s9;
	s0 =	simm.s32 @!p0 $0x0  }
0x12: {  	s1 =	sld [smem:$0x3F97];
	s0 =	simm.s32 @p0 $0x1  }
0x13: {  	[smem:$0x3FB2] =	sst s0;
	s0 =	simm.s32 @!p1 $0x0  }
0x14: {  	s2 =	sld [smem:$0x3F96];
	s0 =	simm.s32 @p1 $0x1  }
0x15: {  	[smem:$0x3FB3] =	sst s0;
	s0 =	simm.s32 @!p2 $0x0  }
0x16: {  	s3 =	sld [smem:$0x3FDB];
	s0 =	simm.s32 @p2 $0x1  }
0x17: {  	s4 =	simm.s32 $0x1BF5;
	[smem:$0x3FB5] =	sst s0  }
0x18: {  	s0 =	sld [smem:$0x3F98];
	_ =	swait.ge [sflag:s4], $0x0  }
0x19: {  	s7 =	sld [smem:$0x3F99]  }
0x1a: {  	s8 =	sadd.s32 $0xFFFFE003, lr  }
0x1b: {  	s9 =	sadd.s32 $0xFFFFFEF7, lr;
	s5 =	simm.s32 $0xFFFFFFFF;
	p2 =	slt.u32 s8, $0xFFFFF086  }
0x1c: {  	p1 =	slt.u32 s9, $0xF7A;
	s5 =	simm.s32 @!p2 $0x0  }
0x1d: {  	s5 =	simm.s32 @p1 $0x1;
	p0 =	seq.s32 s7, s2  }
0x1e: {  	s7 =	smul.u32 @!p0 $0xF7A, s2;
	p2 =	seq.s32 @!p0 s5, $0x0  }
0x1f: {  	s9 =	smul.u32 $0xF7A, s1;
	s8 =	simm.s32 @!p0 $0x1BF5;
	p2 =	por !p2, p0  }
0x20: {  	[sflag:s8] =	ssyncset.s32 @!p0 $0xFFFFF086;
	s6 =	sadd.s32 @!p0 s3, s7;
	s7 =	simm.s32 @!p0 $0x108  }
0x21: {  	s3 =	sadd.s32 s3, s9;
	s6 =	sadd.s32 @!p0 $0x88, s6;
	s7 =	simm.s32 @p2 $0x1082  }
0x22: {  	[simem:s7], [sflag:s8] =	dma.local @!p0 [hbm:s6], $0xF7A  }
0x23: {  	s9 =	sor.u32 $0xD0000000, s2;
	s6 =	simm.s32 $0x108;
	_ =	swait.ge @!p0 [sflag:s8], $0x0  }
0x24: {  	s3 =	sadd.s32 $0x88, s3;
	s6 =	simm.s32 @!p1 $0x1082;
	[sflag:s4] =	ssyncset.s32 $0xFFFFF086  }
0x25: {  	[simem:s6], [sflag:s4] =	dma.local [hbm:s3], $0xF7A  }
0x26: {  	[smem:$0x3F99] =	sst s1;
	(tag) =	ssettag s2;
	_ =	strace s9  }
0x27: {  	s1 =	sld [smem:$0x3FA9]  }
0x28: {  	s2 =	sld [smem:$0x3FAA]  }
0x29: {  	s4 =	sld [smem:$0x3FAC]  }
0x2a: {  	p0 =	seq.s32 s5, $0x0;
	s5 =	sld [smem:$0x3FAD]  }
0x2b: {  	s6 =	sld [smem:$0x3FAE]  }
0x2c: {  	s7 =	sld [smem:$0x3FAF]  }
0x2d: {  	s3 =	simm.s32 $0x108;
	s8 =	sld [smem:$0x3FB0]  }
0x2e: {  	s3 =	simm.s32 @!p0 $0x1082;
	s9 =	sld [smem:$0x3FB1]  }
0x2f: {  	lr =	sadd.s32 s0, s3;
	s0 =	sld [smem:$0x3FA8]  }
0x30: {  	s3 =	sld [smem:$0x3FAB]  }
0x31: {  	[smem:$0x3FB4] =	sst s10  }
0x32: {  	s10 =	sld [smem:$0x3FB2];
	_ =	sdelay $0x3  }
0x33: {  	p0 =	seq.s32 s10, $0x1;
	s10 =	sld [smem:$0x3FB4];
	_ =	sdelay $0x3  }
0x34: {  	[smem:$0x3FB4] =	sst s10  }
0x35: {  	s10 =	sld [smem:$0x3FB3];
	_ =	sdelay $0x3  }
0x36: {  	p1 =	seq.s32 s10, $0x1;
	s10 =	sld [smem:$0x3FB4];
	_ =	sdelay $0x3  }
0x37: {  	[smem:$0x3FB4] =	sst s10  }
0x38: {  	s10 =	sld [smem:$0x3FB5]  }
0x39: {  	_ = 	snop;
	(pc) =	sbr.ind lr, $3  }
0x3a: {  	_ = 	snop  }
0x3b: {  	_ = 	snop  }
0x3c: {  	p2 =	seq.s32 s10, $0x1;
	s10 =	sld [smem:$0x3FB4]  }
0x3d: {  	_ =	shalt  }
0x3e: {  	_ =	shalt  }
0x3f: {  	_ =	shalt  }
0x40: {  	_ =	shalt  }
0x41: {  	_ =	shalt  }
0x42: {  	_ =	shalt  }
0x43: {  	_ =	shalt  }
0x44: {  	_ =	shalt  }
0x45: {  	_ =	shalt  }
0x46: {  	_ =	shalt  }
0x47: {  	_ =	shalt  }
0x48: {  	_ =	shalt  }
0x49: {  	_ =	shalt  }
0x4a: {  	_ =	shalt  }
0x4b: {  	_ =	shalt  }
0x4c: {  	_ =	shalt  }
0x4d: {  	_ =	shalt  }
0x4e: {  	_ =	shalt  }
0x4f: {  	_ =	shalt  }
0x50: {  	_ =	shalt  }
0x51: {  	_ =	shalt  }
0x52: {  	_ =	shalt  }
0x53: {  	_ =	shalt  }
0x54: {  	_ =	shalt  }
0x55: {  	_ =	shalt  }
0x56: {  	_ =	shalt  }
0x57: {  	_ =	shalt  }
0x58: {  	_ =	shalt  }
0x59: {  	_ =	shalt  }
0x5a: {  	_ =	shalt  }
0x5b: {  	_ =	shalt  }
0x5c: {  	_ =	shalt  }
0x5d: {  	_ =	shalt  }
0x5e: {  	_ =	shalt  }
0x5f: {  	_ =	shalt  }
0x60: {  	_ =	shalt  }
0x61: {  	_ =	shalt  }
0x62: {  	_ =	shalt  }
0x63: {  	_ =	shalt  }
0x64: {  	_ =	shalt  }
0x65: {  	_ =	shalt  }
0x66: {  	_ =	shalt  }
0x67: {  	_ =	shalt  }
0x68: {  	_ =	shalt  }
0x69: {  	_ =	shalt  }
0x6a: {  	_ =	shalt  }
0x6b: {  	_ =	shalt  }
0x6c: {  	_ =	shalt  }
0x6d: {  	_ =	shalt  }
0x6e: {  	_ =	shalt  }
0x6f: {  	_ =	shalt  }
0x70: {  	_ =	shalt  }
0x71: {  	_ =	shalt  }
0x72: {  	_ =	shalt  }
0x73: {  	_ =	shalt  }
0x74: {  	_ =	shalt  }
0x75: {  	_ =	shalt  }
0x76: {  	_ =	shalt  }
0x77: {  	_ =	shalt  }
0x78: {  	_ =	shalt  }
0x79: {  	_ =	shalt  }
0x7a: {  	_ =	shalt  }
0x7b: {  	_ =	shalt  }
0x7c: {  	_ =	shalt  }
0x7d: {  	_ =	shalt  }
0x7e: {  	_ =	shalt  }
0x7f: {  	_ =	shalt  }
0x80: {  	_ =	shalt  }
0x81: {  	_ =	shalt  }
0x82: {  	_ =	shalt  }
0x83: {  	_ =	shalt  }
0x84: {  	_ =	shalt  }
0x85: {  	_ =	shalt  }
0x86: {  	_ =	shalt  }
0x87: {  	_ =	shalt  }
.Lfunc_end0:
.L_simem_size_0:
called_computation.1_lowered:
.L_overlay_start_0:
0x88: {  	s2 =	sld [smem:$0x3FD9]  }
0x89: {  	s3 =	sld [smem:$0x3FFE];
	_ =	sdelay $0x1  }
0x8a: {  	s1 =	srdreg.scid  }
0x8b: {  	s0 =	sand.u32 $0x1, s1  }
0x8c: {  	s17 =	sshll.u32 s0, $0xA;
	s2 =	sadd.s32 s3, s2  }
0x8d: {  	s2 =	sadd.s32 s2, s17  }
0x8e: {  	[smem:$0x3FC0] =	sst s2  }
0x8f: {  	_ = 	snop  }
0x90: {  	s2 =	sld [smem:$0x3FD0];
	(tm) =	ssettm $0x1  }
0x91: {  	s18 =	sld [smem:$0x3FFB];
	_ =	sdelay $0x3  }
0x92: {  	_ =	strace s18  }
0x93: {  	s3 =	sld [smem:$0x3FFC];
	_ =	sdelay $0x3  }
0x94: {  	_ =	strace s3  }
0x95: {  	s3 =	sld [smem:$0x3FFD];
	_ =	sdelay $0x3  }
0x96: {  	_ =	strace s3  }
0x97: {  	_ =	strace $0x8FFFFFFF  }
0x98: {  	s19 =	sld [smem:$0x3FDB];
	_ =	sdelay $0x1  }
0x99: {  	s4 =	simm.s32 $_scs_section_size  }
0x9a: {  	s5 =	simm.s32 $_size__tile_overlayer_lowered;
	s6 =	simm.s32 $_tile_overlayer_lowered  }
0x9b: {  	s22 =	simm.s32 $0x1BFF;
	s21 =	sshll.u32 s6, $0x1;
	s3 =	sadd.s32 s4, s19  }
0x9c: {  	s7 =	simm.s32 $0x0;
	s20 =	sshll.u32 s5, $0x1;
	s5 =	sadd.s32 s21, s3  }
0x9d: {  	[timem:s7], [sflag:s22] =	dma.local [hbm:s5], s20  }
0x9e: {  	_ =	swait.ge [sflag:s22], s20  }
0x9f: {  	s4 =	ssub.s32 $0x0, s20;
	[sflag:s22] =	ssyncset.done $0x0  }
0xa0: {  	[sflag:s22] =	ssyncadd.s32 s4;
	_ =	sdelay $0x1  }
0xa1: {  	s23 =	simm.s32 $0x1B8B  }
0xa2: {  	_ =	swait.ge [sflag:s23], $0x1  }
0xa3: {  	[sflag:s23] =	ssyncset.done $0x0  }
0xa4: {  	s25 =	simm.s32 $0x1B8E;
	s24 =	sld [smem:$0x3FFE];
	[sflag:s23] =	ssyncadd.s32 $0xFFFFFFFF  }
0xa5: {  	s26 =	simm.s32 $execute0_lowered;
	[smem:$0x3FD2] =	sst s25  }
0xa6: {  	s5 =	sshll.u32 s26, $0x1;
	_ =	strace $0x80000049;
	[dreg:$0x1] =	wrdreg $0xFFFFFFFF  }
0xa7: {  	s28 =	simm.s32 $_size_execute0_lowered;
	s3 =	sadd.s32 s3, s5;
	[dreg:$0x0] =	wrdreg $0x0  }
0xa8: {  	s5 =	sshll.u32 s28, $0x1;
	[dreg:$0x2] =	wrdreg s3  }
0xa9: {  	[dreg:$0x3] =	wrdreg s5  }
0xaa: {  	[dreg:$0x4] =	wrdreg $0xC0  }
0xab: {  	_ =	task [dreg:s7], $0x5FFFF  }
0xac: {  	[dreg:$0x1] =	wrdreg $0xFFFFFFFF  }
0xad: {  	[dreg:$0x0] =	wrdreg $0x60  }
0xae: {  	[dreg:$0x2] =	wrdreg s24  }
0xaf: {  	[dreg:$0x3] =	wrdreg s2  }
0xb0: {  	[dreg:$0x4] =	wrdreg $0x60000  }
0xb1: {  	[dreg:$0x5] =	wrdreg $0x9  }
0xb2: {  	_ =	task.clear_ibuf [dreg:s7], $0x6FFFF;
	_ =	strace $0x90000049  }
0xb3: {  	s29 =	simm.s32 $0x9;
	_ =	strace $0x8000004B  }
0xb4: {  	_ =	swait.ge [sflag:s29], $0x1  }
0xb5: {  	[sflag:s29] =	ssyncadd.s32 $0xFFFFFFFF  }
0xb6: {  	_ =	strace $0x9000004B  }
0xb7: {  	_ =	sfence  }
0xb8: {  	s30 =	sld [smem:$0x0];
	_ =	sdelay $0x2  }
0xb9: {  	s31 =	sshll.u32 s1, $0xD;
	s1 =	sshrl.u32 s1, $0x2  }
0xba: {  	s3 =	sand.u32 $0x4000, s31;
	s1 =	sadd.s32 s1, s30  }
0xbb: {  	s0 =	sor.u32 s3, s0;
	s1 =	sshll.u32 s1, $0x11  }
0xbc: {  	s0 =	sor.u32 s1, s0  }
0xbd: {  	s0 =	sadd.s32 $0x8F2B, s0  }
0xbe: {  	[sflag:s0] =	ssyncadd.remote.s32 $0x1  }
0xbf: {  	_ =	sfence.sel $0xFFFF  }
0xc0: {  	[dreg:$0x0] =	wrdreg $0xFFFFFFFF;
	(pc) =	sbr.abs _section_cstart, $3  }
0xc1: {  	[dreg:$0x1] =	wrdreg $0xFFFFFFFF  }
0xc2: {  	_ =	task.clear_ibuf [dreg:s7], $0x2FFFF;
	_ =	strace $0x9FFFFFFF  }
0xc3: {  	(tm) =	ssettm $0x7FFFFFFF  }
tec
execute0_lowered:
.L_overlay_start_1:
0x0: {  	(tag) =	ssettag $0x1  }
0x1: {  	s0 =	rddreg [dreg:$0x0]  }
0x2: {  	s2 =	rddreg [dreg:$0x1];
	s1 =	srdreg.scid  }
0x3: {  	s3 =	rddreg [dreg:$0x2];
	s11 =	stileid.u32  }
0x4: {  	s4 =	simm.s32 $0x0;
	s18 =	simm.s32 $0x480;
	s19 =	simm.s32 $0x500  }
0x5: {  	s21 =	simm.s32 $0xC80;
	s28 =	simm.s32 $0x50;
	s6 =	smul.u32 $0x14000, s11  }
0x6: {  	s1 =	sand.u32 $0x1, s1;
	[smem:$0x7FF] =	sst s4;
	s8 =	smul.u32 $0x50000, s11  }
0x7: {  	s20 =	smul.u32 $0x6400, s11;
	_ =	strace $0x8000004A;
	[dreg:$0x5] =	wrdreg s18  }
0x8: {  	s5 =	smul.u32 $0x140000, s1;
	s22 =	ssub.s32 $0x2, s1;
	[dreg:$0x6] =	wrdreg s19  }
0x9: {  	s10 =	sshll.u32 s1, $0x4;
	s1 =	smul.u32 $0x64000, s1;
	[dreg:$0x7] =	wrdreg s21  }
0xa: {  	s9 =	sshrl.u32 s22, $0x1;
	s8 =	sshrl.u32 s8, $0x2;
	s6 =	sadd.s32 s6, s5  }
0xb: {  	s5 =	sadd.s32 $0x7C000, s0;
	s9 =	ssub.s32 s22, s9;
	s22 =	simm.s32 $0x580  }
0xc: {  	s1 =	sadd.s32 s20, s1;
	s7 =	sshrl.u32 s6, $0x3;
	s6 =	sadd.s32 $0x63000, s0  }
0xd: {  	s9 =	smax.u32 s9, $0x1;
	[dreg:$0x8] =	wrdreg s22;
	s1 =	sadd.s32 $0x800, s1  }
0xe: {  	s0 =	sadd.s32 s7, s0;
	s7 =	sadd.s32 s8, s3;
	[dreg:$0x19] =	wrdreg s9  }
0xf: {  	s29 =	simm.s32 $0x3;
	[dreg:$0x1a] =	wrdreg s1;
	s8 =	sadd.s32 $0x2800, s7  }
0x10: {  	s30 =	simm.s32 $0x80;
	s23 =	sadd.s32 $0x5000, s7;
	[dreg:$0xd] =	wrdreg s8  }
0x11: {  	s31 =	simm.s32 $0x3800;
	s25 =	sadd.s32 $0x7800, s7;
	[dreg:$0xe] =	wrdreg s23  }
0x12: {  	s10 =	sor.u32 s11, s10;
	s26 =	sadd.s32 $0xA000, s7;
	[dreg:$0xf] =	wrdreg s25  }
0x13: {  	s24 =	smul.u32 $0x6400, s10;
	s12 =	sadd.s32 $0xC800, s7;
	[dreg:$0x10] =	wrdreg s26  }
0x14: {  	s11 =	simm.s32 $0x200;
	s13 =	sadd.s32 $0xF000, s7;
	[dreg:$0x11] =	wrdreg s12  }
0x15: {  	s15 =	sshrl.u32 s24, $0x3;
	s14 =	sadd.s32 $0x11800, s7;
	[dreg:$0x12] =	wrdreg s13  }
0x16: {  	s22 =	simm.s32 $0x1000;
	s16 =	sadd.s32 s6, s15;
	[dreg:$0x13] =	wrdreg s14  }
0x17: {  	s1 =	simm.s32 $0x100;
	s0 =	sadd.s32 $0xA4000, s0;
	[dreg:$0x15] =	wrdreg s16  }
0x18: {  	s10 =	sadd.s32 $0x80, s15;
	s12 =	sadd.s32 s2, s15;
	[dreg:$0x18] =	wrdreg s0  }
0x19: {  	s9 =	simm.s32 $0x180;
	s17 =	sadd.s32 s2, s10;
	[dreg:$0x14] =	wrdreg s12  }
0x1a: {  	s10 =	sadd.s32 s6, s10;
	s8 =	sadd.s32 $0xC00, s24;
	[dreg:$0x16] =	wrdreg s17  }
0x1b: {  	s23 =	simm.s32 $0xD00;
	s24 =	simm.s32 $0x600;
	[dreg:$0x17] =	wrdreg s10  }
0x1c: {  	s25 =	simm.s32 $0xD80;
	s26 =	simm.s32 $0xE00;
	[dreg:$0x4] =	wrdreg s8  }
0x1d: {  	s0 =	simm.s32 $0x1;
	s13 =	simm.s32 $0x2;
	[dreg:$0x9] =	wrdreg s23  }
0x1e: {  	s14 =	simm.s32 $0xA00;
	s15 =	simm.s32 $0x0;
	[dreg:$0xa] =	wrdreg s24  }
0x1f: {  	s23 =	simm.s32 $0x4;
	[dreg:$0xb] =	wrdreg s25;
	s24 =	simm.s32 $0x800  }
0x20: {  	[dreg:$0xc] =	wrdreg s26;
	s25 =	simm.s32 $0x400;
	s26 =	simm.s32 $0xC00  }
0x21: {  	v0 =	vimm.f32 $0.0e+00;
	s8 =	simm.s32 $0x880;
	s10 =	simm.s32 $0x900;
	s12 =	simm.s32 $0x980  }
.LBB2_1:
0x22: {  	s16 =	simm.s32 $0x0;
	s17 =	simm.s32 $0x200  }
.LBB2_2:
0x23: {  	p0 =	sne.s32 s17, $0x9E00;
	[tilespmem:s16+$0x1070] =	vst v0  }
0x24: {  	[tilespmem:s16+$0x1000] =	vst v0  }
0x25: {  	[tilespmem:s16+$0x1010] =	vst v0  }
.Ltmp0:
0x26: {  	[tilespmem:s16+$0x1020] =	vst v0;
	(pc) =	sbr.rel @p0 .LBB2_2-.Ltmp0, $4  }
0x27: {  	[tilespmem:s16+$0x1030] =	vst v0  }
0x28: {  	[tilespmem:s16+$0x1040] =	vst v0  }
0x29: {  	[tilespmem:s16+$0x1050] =	vst v0  }
0x2a: {  	[tilespmem:s16+$0x1060] =	vst v0;
	s16 =	sshra.s32 s17, $0x2;
	s17 =	sadd.s32 $0x200, s17  }
0x2b: {  	[tilespmem:s16+$0x1070] =	vst v0  }
0x2c: {  	[tilespmem:s16+$0x1000] =	vst v0  }
0x2d: {  	[tilespmem:s16+$0x1010] =	vst v0  }
0x2e: {  	[tilespmem:s16+$0x1020] =	vst v0  }
0x2f: {  	[tilespmem:s16+$0x1030] =	vst v0  }
0x30: {  	[tilespmem:s16+$0x1040] =	vst v0  }
0x31: {  	[tilespmem:s16+$0x1050] =	vst v0  }
0x32: {  	[tilespmem:s16+$0x1060] =	vst v0  }
0x33: {  	[spmem:s7] =	stream.linear.scatter [tilespmem:s22], [sflag:$0x4], $0x2800, $0x38;
	[tilespmem:$0x1A000] =	vst v63  }
0x34: {  	_ =	swait.ge [sflag:s23], $0x2800  }
0x35: {  	[sflag:s23] =	ssyncset.done $0x0  }
0x36: {  	s18 =	rddreg [dreg:$0xd];
	[sflag:s23] =	ssyncadd.s32 $0xFFFFD800  }
0x37: {  	[spmem:s18] =	stream.linear.scatter [tilespmem:s22], [sflag:$0x4], $0x2800, $0x38;
	[tilespmem:$0x1A000] =	vst v63  }
0x38: {  	_ =	swait.ge [sflag:s23], $0x2800  }
0x39: {  	[sflag:s23] =	ssyncset.done $0x0  }
0x3a: {  	s19 =	rddreg [dreg:$0xe];
	[sflag:s23] =	ssyncadd.s32 $0xFFFFD800  }
0x3b: {  	[spmem:s19] =	stream.linear.scatter [tilespmem:s22], [sflag:$0x4], $0x2800, $0x38;
	[tilespmem:$0x1A000] =	vst v63  }
0x3c: {  	_ =	swait.ge [sflag:s23], $0x2800  }
0x3d: {  	[sflag:s23] =	ssyncset.done $0x0  }
0x3e: {  	s20 =	rddreg [dreg:$0xf];
	[sflag:s23] =	ssyncadd.s32 $0xFFFFD800  }
0x3f: {  	[spmem:s20] =	stream.linear.scatter [tilespmem:s22], [sflag:$0x4], $0x2800, $0x38;
	[tilespmem:$0x1A000] =	vst v63  }
0x40: {  	_ =	swait.ge [sflag:s23], $0x2800  }
0x41: {  	[sflag:s23] =	ssyncset.done $0x0  }
0x42: {  	s21 =	rddreg [dreg:$0x10];
	[sflag:s23] =	ssyncadd.s32 $0xFFFFD800  }
0x43: {  	[spmem:s21] =	stream.linear.scatter [tilespmem:s22], [sflag:$0x4], $0x2800, $0x38;
	[tilespmem:$0x1A000] =	vst v63  }
0x44: {  	_ =	swait.ge [sflag:s23], $0x2800  }
0x45: {  	[sflag:s23] =	ssyncset.done $0x0  }
0x46: {  	s17 =	rddreg [dreg:$0x11];
	[sflag:s23] =	ssyncadd.s32 $0xFFFFD800  }
0x47: {  	[spmem:s17] =	stream.linear.scatter [tilespmem:s22], [sflag:$0x4], $0x2800, $0x38;
	[tilespmem:$0x1A000] =	vst v63  }
0x48: {  	_ =	swait.ge [sflag:s23], $0x2800  }
0x49: {  	[sflag:s23] =	ssyncset.done $0x0  }
0x4a: {  	s18 =	rddreg [dreg:$0x12];
	[sflag:s23] =	ssyncadd.s32 $0xFFFFD800  }
0x4b: {  	[spmem:s18] =	stream.linear.scatter [tilespmem:s22], [sflag:$0x4], $0x2800, $0x38;
	[tilespmem:$0x1A000] =	vst v63  }
0x4c: {  	_ =	swait.ge [sflag:s23], $0x2800  }
0x4d: {  	[sflag:s23] =	ssyncset.done $0x0  }
0x4e: {  	s19 =	rddreg [dreg:$0x13];
	[sflag:s23] =	ssyncadd.s32 $0xFFFFD800  }
0x4f: {  	[spmem:s19] =	stream.linear.scatter [tilespmem:s22], [sflag:$0x4], $0x2800, $0x38;
	[tilespmem:$0x1A000] =	vst v63  }
0x50: {  	_ =	swait.ge [sflag:s23], $0x2800  }
0x51: {  	[sflag:s23] =	ssyncset.done $0x0  }
0x52: {  	[sflag:s23] =	ssyncadd.s32 $0xFFFFD800  }
0x53: {  	[bflag:$0x0] =	sbarrier.arrive $0xFFFF  }
0x54: {  	s16 =	simm.s32 $0x0;
	s17 =	rddreg [dreg:$0x14]  }
0x55: {  	[tilespmem:s16], [sflag:$0x4] =	stream.linear.gather [hbm4b:s17+s16], $0x280, $0x38;
	[tilespmem:$0x1A000] =	vst v63  }
0x56: {  	_ =	swait.ge [sflag:s23], $0x280  }
0x57: {  	[sflag:s23] =	ssyncset.done $0x0  }
0x58: {  	s20 =	rddreg [dreg:$0x15];
	[sflag:s23] =	ssyncadd.s32 $0xFFFFFD80  }
0x59: {  	[tilespmem:s24], [sflag:$0x3] =	stream.linear.gather [hbm4b:s20+s16], $0x280, $0x38;
	[tilespmem:$0x1A000] =	vst v63  }
0x5a: {  	s21 =	rddreg [dreg:$0x16]  }
0x5b: {  	[tilespmem:s25], [sflag:$0x2] =	stream.linear.gather [hbm4b:s21+s16], $0x280, $0x38;
	[tilespmem:$0x1A000] =	vst v63  }
0x5c: {  	s18 =	rddreg [dreg:$0x17]  }
0x5d: {  	[tilespmem:s26], [sflag:$0x3] =	stream.linear.gather [hbm4b:s18+s16], $0x280, $0x38;
	[tilespmem:$0x1A000] =	vst v63  }
0x5e: {  	_ = 	snop  }
0x5f: {  	[tilespmem:s22], [sflag:$0x1] =	stream.indirect.gather [hbm4b:s5+s28], $0x80, s16, s28, $0xb8;
	[tilespmem:$0x1A000] =	vst v63  }
0x60: {  	_ =	swait.ge [sflag:s29], $0x280  }
0x61: {  	[sflag:s29] =	ssyncset.done $0x0  }
0x62: {  	[sflag:s29] =	ssyncadd.s32 $0xFFFFFD80  }
0x63: {  	[tilespmem:s31], [sflag:$0x1] =	stream.indirect.gather [hbm4b:s5+s28], $0x80, s30, s28, $0xb8;
	[tilespmem:$0x1A000] =	vst v63  }
0x64: {  	_ =	swait.ge [sflag:s0], $0x2800  }
0x65: {  	[sflag:s0] =	ssyncset.done $0x0  }
0x66: {  	[sflag:s0] =	ssyncadd.s32 $0xFFFFD800  }
0x67: {  	[spmem:s3] =	stream.indirect.scatter.add.f32 [tilespmem:s22], [sflag:$0x4], $0x80, s24, s28, $0xb8;
	[tilespmem:$0x1A000] =	vst v63  }
0x68: {  	_ =	swait.ge [sflag:s23], $0x2800  }
0x69: {  	[sflag:s23] =	ssyncset.done $0x0  }
0x6a: {  	[sflag:s23] =	ssyncadd.s32 $0xFFFFD800  }
0x6b: {  	[tilespmem:s22], [sflag:$0x1] =	stream.indirect.gather [hbm4b:s5+s28], $0x80, s1, s28, $0xb8;
	[tilespmem:$0x1A000] =	vst v63  }
0x6c: {  	_ =	swait.ge [sflag:s0], $0x2800  }
0x6d: {  	[sflag:s0] =	ssyncset.done $0x0  }
0x6e: {  	[sflag:s0] =	ssyncadd.s32 $0xFFFFD800  }
0x6f: {  	[spmem:s3] =	stream.indirect.scatter.add.f32 [tilespmem:s31], [sflag:$0x4], $0x80, s8, s28, $0xb8;
	[tilespmem:$0x1A000] =	vst v63  }
0x70: {  	_ =	swait.ge [sflag:s23], $0x2800  }
0x71: {  	[sflag:s23] =	ssyncset.done $0x0  }
0x72: {  	[sflag:s23] =	ssyncadd.s32 $0xFFFFD800  }
0x73: {  	[tilespmem:s31], [sflag:$0x1] =	stream.indirect.gather [hbm4b:s5+s28], $0x80, s9, s28, $0xb8;
	[tilespmem:$0x1A000] =	vst v63  }
0x74: {  	_ =	swait.ge [sflag:s0], $0x2800  }
0x75: {  	[sflag:s0] =	ssyncset.done $0x0  }
0x76: {  	[sflag:s0] =	ssyncadd.s32 $0xFFFFD800  }
0x77: {  	[spmem:s3] =	stream.indirect.scatter.add.f32 [tilespmem:s22], [sflag:$0x4], $0x80, s10, s28, $0xb8;
	[tilespmem:$0x1A000] =	vst v63  }
0x78: {  	_ =	swait.ge [sflag:s23], $0x2800  }
0x79: {  	[sflag:s23] =	ssyncset.done $0x0  }
0x7a: {  	[sflag:s23] =	ssyncadd.s32 $0xFFFFD800  }
0x7b: {  	[tilespmem:s22], [sflag:$0x1] =	stream.indirect.gather [hbm4b:s5+s28], $0x80, s11, s28, $0xb8;
	[tilespmem:$0x1A000] =	vst v63  }
0x7c: {  	_ =	swait.ge [sflag:s0], $0x2800  }
0x7d: {  	[sflag:s0] =	ssyncset.done $0x0  }
0x7e: {  	[sflag:s0] =	ssyncadd.s32 $0xFFFFD800  }
0x7f: {  	[spmem:s3] =	stream.indirect.scatter.add.f32 [tilespmem:s31], [sflag:$0x4], $0x80, s12, s28, $0xb8;
	[tilespmem:$0x1A000] =	vst v63  }
0x80: {  	_ =	swait.ge [sflag:s23], $0x2800  }
0x81: {  	[sflag:s23] =	ssyncset.done $0x0  }
0x82: {  	[sflag:s23] =	ssyncadd.s32 $0xFFFFD800  }
0x83: {  	_ =	swait.ge [sflag:s13], $0x280  }
0x84: {  	[sflag:s13] =	ssyncset.done $0x0  }
0x85: {  	[sflag:s13] =	ssyncadd.s32 $0xFFFFFD80  }
0x86: {  	[tilespmem:s31], [sflag:$0x1] =	stream.indirect.gather [hbm4b:s5+s28], $0x80, s25, s28, $0xb8;
	[tilespmem:$0x1A000] =	vst v63  }
0x87: {  	_ =	swait.ge [sflag:s0], $0x2800  }
0x88: {  	[sflag:s0] =	ssyncset.done $0x0  }
0x89: {  	[sflag:s0] =	ssyncadd.s32 $0xFFFFD800  }
0x8a: {  	[spmem:s3] =	stream.indirect.scatter.add.f32 [tilespmem:s22], [sflag:$0x4], $0x80, s14, s28, $0xb8;
	[tilespmem:$0x1A000] =	vst v63  }
0x8b: {  	_ =	swait.ge [sflag:s23], $0x2800  }
0x8c: {  	[sflag:s23] =	ssyncset.done $0x0  }
0x8d: {  	[sflag:s23] =	ssyncadd.s32 $0xFFFFD800  }
0x8e: {  	_ =	swait.ge [sflag:s29], $0x280  }
0x8f: {  	[sflag:s29] =	ssyncset.done $0x0  }
0x90: {  	s19 =	rddreg [dreg:$0x5];
	[sflag:s29] =	ssyncadd.s32 $0xFFFFFD80  }
0x91: {  	[tilespmem:s22], [sflag:$0x1] =	stream.indirect.gather [hbm4b:s5+s28], $0x80, s19, s28, $0xb8;
	[tilespmem:$0x1A000] =	vst v63  }
0x92: {  	_ =	swait.ge [sflag:s0], $0x2800  }
0x93: {  	[sflag:s0] =	ssyncset.done $0x0  }
0x94: {  	[sflag:s0] =	ssyncadd.s32 $0xFFFFD800  }
0x95: {  	[spmem:s3] =	stream.indirect.scatter.add.f32 [tilespmem:s31], [sflag:$0x4], $0x80, s26, s28, $0xb8;
	[tilespmem:$0x1A000] =	vst v63  }
0x96: {  	_ =	swait.ge [sflag:s23], $0x2800  }
0x97: {  	s21 =	rddreg [dreg:$0x1a]  }
0x98: {  	[sflag:s23] =	ssyncset.done $0x0;
	s17 =	sshrl.u32 s21, $0x3  }
0x99: {  	[sflag:s23] =	ssyncadd.s32 $0xFFFFD800;
	s18 =	sadd.s32 s2, s17  }
0x9a: {  	[tilespmem:s4], [sflag:$0x2] =	stream.linear.gather [hbm4b:s18+s4], $0x280, $0x38;
	[tilespmem:$0x1A000] =	vst v63  }
0x9b: {  	s19 =	rddreg [dreg:$0x6]  }
0x9c: {  	[tilespmem:s31], [sflag:$0x1] =	stream.indirect.gather [hbm4b:s5+s28], $0x80, s19, s28, $0xb8;
	[tilespmem:$0x1A000] =	vst v63  }
0x9d: {  	_ =	swait.ge [sflag:s0], $0x2800  }
0x9e: {  	[sflag:s0] =	ssyncset.done $0x0  }
0x9f: {  	s20 =	rddreg [dreg:$0x7];
	[sflag:s0] =	ssyncadd.s32 $0xFFFFD800  }
0xa0: {  	[spmem:s3] =	stream.indirect.scatter.add.f32 [tilespmem:s22], [sflag:$0x4], $0x80, s20, s28, $0xb8;
	[tilespmem:$0x1A000] =	vst v63  }
0xa1: {  	_ =	swait.ge [sflag:s23], $0x2800  }
0xa2: {  	[sflag:s23] =	ssyncset.done $0x0  }
0xa3: {  	s19 =	rddreg [dreg:$0x8];
	[sflag:s23] =	ssyncadd.s32 $0xFFFFD800  }
0xa4: {  	[tilespmem:s22], [sflag:$0x1] =	stream.indirect.gather [hbm4b:s5+s28], $0x80, s19, s28, $0xb8;
	[tilespmem:$0x1A000] =	vst v63  }
0xa5: {  	_ =	swait.ge [sflag:s0], $0x2800  }
0xa6: {  	[sflag:s0] =	ssyncset.done $0x0  }
0xa7: {  	s20 =	rddreg [dreg:$0x9];
	[sflag:s0] =	ssyncadd.s32 $0xFFFFD800  }
0xa8: {  	[spmem:s3] =	stream.indirect.scatter.add.f32 [tilespmem:s31], [sflag:$0x4], $0x80, s20, s28, $0xb8;
	[tilespmem:$0x1A000] =	vst v63  }
0xa9: {  	_ =	swait.ge [sflag:s23], $0x2800  }
0xaa: {  	[sflag:s23] =	ssyncset.done $0x0  }
0xab: {  	s19 =	rddreg [dreg:$0xa];
	[sflag:s23] =	ssyncadd.s32 $0xFFFFD800  }
0xac: {  	[tilespmem:s31], [sflag:$0x1] =	stream.indirect.gather [hbm4b:s5+s28], $0x80, s19, s28, $0xb8;
	[tilespmem:$0x1A000] =	vst v63  }
0xad: {  	_ =	swait.ge [sflag:s0], $0x2800  }
0xae: {  	[sflag:s0] =	ssyncset.done $0x0  }
0xaf: {  	s20 =	rddreg [dreg:$0xb];
	[sflag:s0] =	ssyncadd.s32 $0xFFFFD800  }
0xb0: {  	[spmem:s3] =	stream.indirect.scatter.add.f32 [tilespmem:s22], [sflag:$0x4], $0x80, s20, s28, $0xb8;
	[tilespmem:$0x1A000] =	vst v63  }
0xb1: {  	_ =	swait.ge [sflag:s23], $0x2800  }
0xb2: {  	[sflag:s23] =	ssyncset.done $0x0  }
0xb3: {  	[sflag:s23] =	ssyncadd.s32 $0xFFFFD800  }
0xb4: {  	_ =	swait.ge [sflag:s13], $0x280  }
0xb5: {  	[sflag:s13] =	ssyncset.done $0x0  }
0xb6: {  	[sflag:s13] =	ssyncadd.s32 $0xFFFFFD80  }
0xb7: {  	[tilespmem:s22], [sflag:$0x1] =	stream.indirect.gather [hbm4b:s5+s28], $0x80, s4, s28, $0xb8;
	[tilespmem:$0x1A000] =	vst v63  }
0xb8: {  	_ =	swait.ge [sflag:s0], $0x2800  }
0xb9: {  	[sflag:s0] =	ssyncset.done $0x0  }
0xba: {  	s19 =	rddreg [dreg:$0xc];
	[sflag:s0] =	ssyncadd.s32 $0xFFFFD800  }
0xbb: {  	[spmem:s3] =	stream.indirect.scatter.add.f32 [tilespmem:s31], [sflag:$0x4], $0x80, s19, s28, $0xb8;
	[tilespmem:$0x1A000] =	vst v63  }
0xbc: {  	s20 =	smin.u32 s16, $0x15;
	_ =	swait.ge [sflag:s23], $0x2800  }
0xbd: {  	s16 =	simm.s32 $0x2;
	s20 =	sshll.u32 s20, $0xA;
	s18 =	rddreg [dreg:$0x4]  }
0xbe: {  	s19 =	sadd.s32 s6, s17;
	[sflag:s23] =	ssyncset.done $0x0;
	s20 =	sadd.s32 s20, s18  }
0xbf: {  	s17 =	sadd.s32 $0x800, s21;
	[sflag:s23] =	ssyncadd.s32 $0xFFFFD800;
	s20 =	sshrl.u32 s20, $0x3  }
.LBB2_4:
0xc0: {  	[tilespmem:s24], [sflag:$0x3] =	stream.linear.gather [hbm4b:s19+s4], $0x280, $0x38;
	[tilespmem:$0x1A000] =	vst v63  }
0xc1: {  	s21 =	sadd.s32 s2, s20  }
0xc2: {  	[tilespmem:s25], [sflag:$0x2] =	stream.linear.gather [hbm4b:s21+s4], $0x280, $0x38;
	[tilespmem:$0x1A000] =	vst v63  }
0xc3: {  	s21 =	sadd.s32 s6, s20  }
0xc4: {  	[tilespmem:s26], [sflag:$0x3] =	stream.linear.gather [hbm4b:s21+s4], $0x280, $0x38;
	[tilespmem:$0x1A000] =	vst v63  }
0xc5: {  	_ =	swait.ge [sflag:s29], $0x280  }
0xc6: {  	[sflag:s29] =	ssyncset.done $0x0  }
0xc7: {  	[sflag:s29] =	ssyncadd.s32 $0xFFFFFD80  }
0xc8: {  	[tilespmem:s31], [sflag:$0x1] =	stream.indirect.gather [hbm4b:s5+s28], $0x80, s30, s28, $0xb8;
	[tilespmem:$0x1A000] =	vst v63  }
0xc9: {  	_ =	swait.ge [sflag:s0], $0x2800  }
0xca: {  	[sflag:s0] =	ssyncset.done $0x0  }
0xcb: {  	[sflag:s0] =	ssyncadd.s32 $0xFFFFD800  }
0xcc: {  	[spmem:s3] =	stream.indirect.scatter.add.f32 [tilespmem:s22], [sflag:$0x4], $0x80, s24, s28, $0xb8;
	[tilespmem:$0x1A000] =	vst v63  }
0xcd: {  	_ =	swait.ge [sflag:s23], $0x2800  }
0xce: {  	[sflag:s23] =	ssyncset.done $0x0  }
0xcf: {  	[sflag:s23] =	ssyncadd.s32 $0xFFFFD800  }
0xd0: {  	[tilespmem:s22], [sflag:$0x1] =	stream.indirect.gather [hbm4b:s5+s28], $0x80, s1, s28, $0xb8;
	[tilespmem:$0x1A000] =	vst v63  }
0xd1: {  	_ =	swait.ge [sflag:s0], $0x2800  }
0xd2: {  	[sflag:s0] =	ssyncset.done $0x0  }
0xd3: {  	[sflag:s0] =	ssyncadd.s32 $0xFFFFD800  }
0xd4: {  	[spmem:s3] =	stream.indirect.scatter.add.f32 [tilespmem:s31], [sflag:$0x4], $0x80, s8, s28, $0xb8;
	[tilespmem:$0x1A000] =	vst v63  }
0xd5: {  	_ =	swait.ge [sflag:s23], $0x2800  }
0xd6: {  	[sflag:s23] =	ssyncset.done $0x0  }
0xd7: {  	[sflag:s23] =	ssyncadd.s32 $0xFFFFD800  }
0xd8: {  	[tilespmem:s31], [sflag:$0x1] =	stream.indirect.gather [hbm4b:s5+s28], $0x80, s9, s28, $0xb8;
	[tilespmem:$0x1A000] =	vst v63  }
0xd9: {  	_ =	swait.ge [sflag:s0], $0x2800  }
0xda: {  	[sflag:s0] =	ssyncset.done $0x0  }
0xdb: {  	[sflag:s0] =	ssyncadd.s32 $0xFFFFD800  }
0xdc: {  	[spmem:s3] =	stream.indirect.scatter.add.f32 [tilespmem:s22], [sflag:$0x4], $0x80, s10, s28, $0xb8;
	[tilespmem:$0x1A000] =	vst v63  }
0xdd: {  	_ =	swait.ge [sflag:s23], $0x2800  }
0xde: {  	[sflag:s23] =	ssyncset.done $0x0  }
0xdf: {  	[sflag:s23] =	ssyncadd.s32 $0xFFFFD800  }
0xe0: {  	[tilespmem:s22], [sflag:$0x1] =	stream.indirect.gather [hbm4b:s5+s28], $0x80, s11, s28, $0xb8;
	[tilespmem:$0x1A000] =	vst v63  }
0xe1: {  	_ =	swait.ge [sflag:s0], $0x2800  }
0xe2: {  	[sflag:s0] =	ssyncset.done $0x0  }
0xe3: {  	[sflag:s0] =	ssyncadd.s32 $0xFFFFD800  }
0xe4: {  	[spmem:s3] =	stream.indirect.scatter.add.f32 [tilespmem:s31], [sflag:$0x4], $0x80, s12, s28, $0xb8;
	[tilespmem:$0x1A000] =	vst v63  }
0xe5: {  	_ =	swait.ge [sflag:s23], $0x2800  }
0xe6: {  	[sflag:s23] =	ssyncset.done $0x0  }
0xe7: {  	[sflag:s23] =	ssyncadd.s32 $0xFFFFD800  }
0xe8: {  	_ =	swait.ge [sflag:s13], $0x280  }
0xe9: {  	[sflag:s13] =	ssyncset.done $0x0  }
0xea: {  	[sflag:s13] =	ssyncadd.s32 $0xFFFFFD80  }
0xeb: {  	[tilespmem:s31], [sflag:$0x1] =	stream.indirect.gather [hbm4b:s5+s28], $0x80, s25, s28, $0xb8;
	[tilespmem:$0x1A000] =	vst v63  }
0xec: {  	_ =	swait.ge [sflag:s0], $0x2800  }
0xed: {  	[sflag:s0] =	ssyncset.done $0x0  }
0xee: {  	[sflag:s0] =	ssyncadd.s32 $0xFFFFD800  }
0xef: {  	[spmem:s3] =	stream.indirect.scatter.add.f32 [tilespmem:s22], [sflag:$0x4], $0x80, s14, s28, $0xb8;
	[tilespmem:$0x1A000] =	vst v63  }
0xf0: {  	_ =	swait.ge [sflag:s23], $0x2800  }
0xf1: {  	[sflag:s23] =	ssyncset.done $0x0  }
0xf2: {  	[sflag:s23] =	ssyncadd.s32 $0xFFFFD800  }
0xf3: {  	_ =	swait.ge [sflag:s29], $0x280  }
0xf4: {  	[sflag:s29] =	ssyncset.done $0x0  }
0xf5: {  	s20 =	rddreg [dreg:$0x5];
	[sflag:s29] =	ssyncadd.s32 $0xFFFFFD80  }
0xf6: {  	[tilespmem:s22], [sflag:$0x1] =	stream.indirect.gather [hbm4b:s5+s28], $0x80, s20, s28, $0xb8;
	[tilespmem:$0x1A000] =	vst v63  }
0xf7: {  	_ =	swait.ge [sflag:s0], $0x2800  }
0xf8: {  	[sflag:s0] =	ssyncset.done $0x0  }
0xf9: {  	[sflag:s0] =	ssyncadd.s32 $0xFFFFD800  }
0xfa: {  	[spmem:s3] =	stream.indirect.scatter.add.f32 [tilespmem:s31], [sflag:$0x4], $0x80, s26, s28, $0xb8;
	[tilespmem:$0x1A000] =	vst v63  }
0xfb: {  	_ =	swait.ge [sflag:s23], $0x2800  }
0xfc: {  	s19 =	sshrl.u32 s17, $0x3;
	[sflag:s23] =	ssyncset.done $0x0  }
0xfd: {  	s20 =	sadd.s32 s2, s19;
	[sflag:s23] =	ssyncadd.s32 $0xFFFFD800  }
0xfe: {  	[tilespmem:s4], [sflag:$0x2] =	stream.linear.gather [hbm4b:s20+s4], $0x280, $0x38;
	[tilespmem:$0x1A000] =	vst v63  }
0xff: {  	s21 =	rddreg [dreg:$0x6]  }
0x100: {  	[tilespmem:s31], [sflag:$0x1] =	stream.indirect.gather [hbm4b:s5+s28], $0x80, s21, s28, $0xb8;
	[tilespmem:$0x1A000] =	vst v63  }
0x101: {  	_ =	swait.ge [sflag:s0], $0x2800  }
0x102: {  	[sflag:s0] =	ssyncset.done $0x0  }
0x103: {  	s21 =	rddreg [dreg:$0x7];
	[sflag:s0] =	ssyncadd.s32 $0xFFFFD800  }
0x104: {  	[spmem:s3] =	stream.indirect.scatter.add.f32 [tilespmem:s22], [sflag:$0x4], $0x80, s21, s28, $0xb8;
	[tilespmem:$0x1A000] =	vst v63  }
0x105: {  	_ =	swait.ge [sflag:s23], $0x2800  }
0x106: {  	[sflag:s23] =	ssyncset.done $0x0  }
0x107: {  	s21 =	rddreg [dreg:$0x8];
	[sflag:s23] =	ssyncadd.s32 $0xFFFFD800  }
0x108: {  	[tilespmem:s22], [sflag:$0x1] =	stream.indirect.gather [hbm4b:s5+s28], $0x80, s21, s28, $0xb8;
	[tilespmem:$0x1A000] =	vst v63  }
0x109: {  	_ =	swait.ge [sflag:s0], $0x2800  }
0x10a: {  	[sflag:s0] =	ssyncset.done $0x0  }
0x10b: {  	s21 =	rddreg [dreg:$0x9];
	[sflag:s0] =	ssyncadd.s32 $0xFFFFD800  }
0x10c: {  	[spmem:s3] =	stream.indirect.scatter.add.f32 [tilespmem:s31], [sflag:$0x4], $0x80, s21, s28, $0xb8;
	[tilespmem:$0x1A000] =	vst v63  }
0x10d: {  	_ =	swait.ge [sflag:s23], $0x2800  }
0x10e: {  	[sflag:s23] =	ssyncset.done $0x0  }
0x10f: {  	s21 =	rddreg [dreg:$0xa];
	[sflag:s23] =	ssyncadd.s32 $0xFFFFD800  }
0x110: {  	[tilespmem:s31], [sflag:$0x1] =	stream.indirect.gather [hbm4b:s5+s28], $0x80, s21, s28, $0xb8;
	[tilespmem:$0x1A000] =	vst v63  }
0x111: {  	_ =	swait.ge [sflag:s0], $0x2800  }
0x112: {  	[sflag:s0] =	ssyncset.done $0x0  }
0x113: {  	s21 =	rddreg [dreg:$0xb];
	[sflag:s0] =	ssyncadd.s32 $0xFFFFD800  }
0x114: {  	[spmem:s3] =	stream.indirect.scatter.add.f32 [tilespmem:s22], [sflag:$0x4], $0x80, s21, s28, $0xb8;
	[tilespmem:$0x1A000] =	vst v63  }
0x115: {  	_ =	swait.ge [sflag:s23], $0x2800  }
0x116: {  	[sflag:s23] =	ssyncset.done $0x0  }
0x117: {  	[sflag:s23] =	ssyncadd.s32 $0xFFFFD800  }
0x118: {  	_ =	swait.ge [sflag:s13], $0x280  }
0x119: {  	[sflag:s13] =	ssyncset.done $0x0  }
0x11a: {  	[sflag:s13] =	ssyncadd.s32 $0xFFFFFD80  }
0x11b: {  	[tilespmem:s22], [sflag:$0x1] =	stream.indirect.gather [hbm4b:s5+s28], $0x80, s4, s28, $0xb8;
	[tilespmem:$0x1A000] =	vst v63  }
0x11c: {  	_ =	swait.ge [sflag:s0], $0x2800  }
0x11d: {  	[sflag:s0] =	ssyncset.done $0x0  }
0x11e: {  	p0 =	sne.s32 s16, $0x16;
	s21 =	rddreg [dreg:$0xc];
	[sflag:s0] =	ssyncadd.s32 $0xFFFFD800  }
0x11f: {  	[spmem:s3] =	stream.indirect.scatter.add.f32 [tilespmem:s31], [sflag:$0x4], $0x80, s21, s28, $0xb8;
	[tilespmem:$0x1A000] =	vst v63  }
.Ltmp1:
0x120: {  	s18 =	smov.u32 s16;
	(pc) =	sbr.rel @p0 .LBB2_4-.Ltmp1, $4  }
0x121: {  	s18 =	smin.u32 s18, $0x15;
	_ =	swait.ge [sflag:s23], $0x2800  }
0x122: {  	s16 =	sadd.s32 $0x2, s16;
	s18 =	sshll.u32 s18, $0xA;
	s21 =	rddreg [dreg:$0x4]  }
0x123: {  	s17 =	sadd.s32 $0x800, s17;
	[sflag:s23] =	ssyncset.done $0x0;
	s18 =	sadd.s32 s18, s21  }
0x124: {  	s19 =	sadd.s32 s6, s19;
	[sflag:s23] =	ssyncadd.s32 $0xFFFFD800;
	s20 =	sshrl.u32 s18, $0x3  }
0x125: {  	[tilespmem:s24], [sflag:$0x3] =	stream.linear.gather [hbm4b:s19+s4], $0x280, $0x38;
	[tilespmem:$0x1A000] =	vst v63  }
0x126: {  	s16 =	sadd.s32 s2, s20  }
0x127: {  	[tilespmem:s25], [sflag:$0x2] =	stream.linear.gather [hbm4b:s16+s4], $0x280, $0x38;
	[tilespmem:$0x1A000] =	vst v63  }
0x128: {  	s19 =	sadd.s32 s6, s20  }
0x129: {  	[tilespmem:s26], [sflag:$0x3] =	stream.linear.gather [hbm4b:s19+s4], $0x280, $0x38;
	[tilespmem:$0x1A000] =	vst v63  }
0x12a: {  	_ =	swait.ge [sflag:s29], $0x280  }
0x12b: {  	[sflag:s29] =	ssyncset.done $0x0  }
0x12c: {  	[sflag:s29] =	ssyncadd.s32 $0xFFFFFD80  }
0x12d: {  	[tilespmem:s31], [sflag:$0x1] =	stream.indirect.gather [hbm4b:s5+s28], $0x80, s30, s28, $0xb8;
	[tilespmem:$0x1A000] =	vst v63  }
0x12e: {  	_ =	swait.ge [sflag:s0], $0x2800  }
0x12f: {  	[sflag:s0] =	ssyncset.done $0x0  }
0x130: {  	[sflag:s0] =	ssyncadd.s32 $0xFFFFD800  }
0x131: {  	[spmem:s3] =	stream.indirect.scatter.add.f32 [tilespmem:s22], [sflag:$0x4], $0x80, s24, s28, $0xb8;
	[tilespmem:$0x1A000] =	vst v63  }
0x132: {  	_ =	swait.ge [sflag:s23], $0x2800  }
0x133: {  	[sflag:s23] =	ssyncset.done $0x0  }
0x134: {  	[sflag:s23] =	ssyncadd.s32 $0xFFFFD800  }
0x135: {  	[tilespmem:s22], [sflag:$0x1] =	stream.indirect.gather [hbm4b:s5+s28], $0x80, s1, s28, $0xb8;
	[tilespmem:$0x1A000] =	vst v63  }
0x136: {  	_ =	swait.ge [sflag:s0], $0x2800  }
0x137: {  	[sflag:s0] =	ssyncset.done $0x0  }
0x138: {  	[sflag:s0] =	ssyncadd.s32 $0xFFFFD800  }
0x139: {  	[spmem:s3] =	stream.indirect.scatter.add.f32 [tilespmem:s31], [sflag:$0x4], $0x80, s8, s28, $0xb8;
	[tilespmem:$0x1A000] =	vst v63  }
0x13a: {  	_ =	swait.ge [sflag:s23], $0x2800  }
0x13b: {  	[sflag:s23] =	ssyncset.done $0x0  }
0x13c: {  	[sflag:s23] =	ssyncadd.s32 $0xFFFFD800  }
0x13d: {  	[tilespmem:s31], [sflag:$0x1] =	stream.indirect.gather [hbm4b:s5+s28], $0x80, s9, s28, $0xb8;
	[tilespmem:$0x1A000] =	vst v63  }
0x13e: {  	_ =	swait.ge [sflag:s0], $0x2800  }
0x13f: {  	[sflag:s0] =	ssyncset.done $0x0  }
0x140: {  	[sflag:s0] =	ssyncadd.s32 $0xFFFFD800  }
0x141: {  	[spmem:s3] =	stream.indirect.scatter.add.f32 [tilespmem:s22], [sflag:$0x4], $0x80, s10, s28, $0xb8;
	[tilespmem:$0x1A000] =	vst v63  }
0x142: {  	_ =	swait.ge [sflag:s23], $0x2800  }
0x143: {  	[sflag:s23] =	ssyncset.done $0x0  }
0x144: {  	[sflag:s23] =	ssyncadd.s32 $0xFFFFD800  }
0x145: {  	[tilespmem:s22], [sflag:$0x1] =	stream.indirect.gather [hbm4b:s5+s28], $0x80, s11, s28, $0xb8;
	[tilespmem:$0x1A000] =	vst v63  }
0x146: {  	_ =	swait.ge [sflag:s0], $0x2800  }
0x147: {  	[sflag:s0] =	ssyncset.done $0x0  }
0x148: {  	[sflag:s0] =	ssyncadd.s32 $0xFFFFD800  }
0x149: {  	[spmem:s3] =	stream.indirect.scatter.add.f32 [tilespmem:s31], [sflag:$0x4], $0x80, s12, s28, $0xb8;
	[tilespmem:$0x1A000] =	vst v63  }
0x14a: {  	_ =	swait.ge [sflag:s23], $0x2800  }
0x14b: {  	[sflag:s23] =	ssyncset.done $0x0  }
0x14c: {  	[sflag:s23] =	ssyncadd.s32 $0xFFFFD800  }
0x14d: {  	[tilespmem:s31], [sflag:$0x1] =	stream.indirect.gather [hbm4b:s5+s28], $0x80, s11, s28, $0xb8;
	[tilespmem:$0x1A000] =	vst v63  }
0x14e: {  	_ =	swait.ge [sflag:s0], $0x2800  }
0x14f: {  	[sflag:s0] =	ssyncset.done $0x0  }
0x150: {  	[sflag:s0] =	ssyncadd.s32 $0xFFFFD800  }
0x151: {  	[spmem:s3] =	stream.indirect.scatter.add.f32 [tilespmem:s22], [sflag:$0x4], $0x80, s14, s28, $0xb8;
	[tilespmem:$0x1A000] =	vst v63  }
0x152: {  	_ =	swait.ge [sflag:s23], $0x2800  }
0x153: {  	[sflag:s23] =	ssyncset.done $0x0  }
0x154: {  	[sflag:s23] =	ssyncadd.s32 $0xFFFFD800  }
0x155: {  	_ =	swait.ge [sflag:s0], $0x2800  }
0x156: {  	[sflag:s0] =	ssyncset.done $0x0  }
0x157: {  	[sflag:s0] =	ssyncadd.s32 $0xFFFFD800  }
0x158: {  	_ =	swait.ge [sflag:s13], $0x280  }
0x159: {  	[sflag:s13] =	ssyncset.done $0x0  }
0x15a: {  	[sflag:s13] =	ssyncadd.s32 $0xFFFFFD80  }
0x15b: {  	_ =	swait.ge [sflag:s29], $0x280  }
0x15c: {  	[sflag:s29] =	ssyncset.done $0x0  }
0x15d: {  	s20 =	stileid.u32;
	[sflag:s29] =	ssyncadd.s32 $0xFFFFFD80  }
0x15e: {  	s16 =	sshll.u32 s20, $0x6;
	[bflag:$0x0] =	sbarrier.arrive $0xFFFF  }
0x15f: {  	s17 =	sshrl.u32 s7, $0x3;
	s16 =	sor.u32 $0x1C04, s16;
	s18 =	rddreg [dreg:$0x18]  }
0x160: {  	[hbm:s18], [sflag:s16] =	dma.local [spmem:s17], $0x2800  }
0x161: {  	_ =	swait.ge [sflag:s23], $0x2800  }
0x162: {  	s15 =	sadd.s32 $0x1, s15;
	s21 =	rddreg [dreg:$0x19]  }
0x163: {  	p0 =	sne.s32 s15, s21  }
.Ltmp2:
0x164: {  	_ = 	snop;
	(pc) =	sbr.rel @p0 .LBB2_1-.Ltmp2, $3  }
0x165: {  	_ =	sdelay $0x1  }
0x166: {  	[sflag:s23] =	ssyncset.done $0x0  }
0x167: {  	[sflag:s23] =	ssyncadd.s32 $0xFFFFD800  }
0x168: {  	_ =	sfence.sel $0x180000  }
0x169: {  	[bflag:$0x0] =	sbarrier.arrive $0xFFFF  }
0x16a: {  	_ =	strace $0x9000004A  }
0x16b: {  	s0 =	stileid.u32;
	[bflag:$0x2] =	sbarrier.arrive $0xFFFF  }
0x16c: {  	p0 =	sne.s32 s0, $0x0;
	s0 =	rddreg [dreg:$0x3]  }
0x16d: {  	s0 =	sadd.s32 @!p0 $0x100000, s0  }
0x16e: {  	[sflag:s0] =	ssyncadd.tile.s32 @!p0 $0x1;
	_ =	shalt  }
.Lfunc_end2:
_tile_overlayer_lowered:
.L_overlay_start_2:
0x16f: {  	(tag) =	ssettag $0x2  }
0x170: {  	s0 =	rddreg [dreg:$0x0];
	s2 =	stileid.u32  }
0x171: {  	s1 =	rddreg [dreg:$0x1];
	p0 =	sne.s32 s2, $0x0  }
0x172: {  	s3 =	rddreg [dreg:$0x2];
	[bflag:$0x3] =	sbarrier.arrive $0xFFFF;
	s2 =	simm.s32 @!p0 $0x1C04  }
0x173: {  	[timem:s3], [sflag:s2] =	dma.local @!p0 [hbm:s0], s1  }
0x174: {  	s0 =	simm.s32 @!p0 $0x4  }
0x175: {  	_ =	swait.ge @!p0 [sflag:s0], s1  }
0x176: {  	s1 =	ssub.s32 @!p0 $0x0, s1;
	[sflag:s0] =	ssyncset.done @!p0 $0x0  }
0x177: {  	[sflag:s0] =	ssyncadd.s32 @!p0 s1  }
0x178: {  	[bflag:$0x3] =	sbarrier.arrive $0xFFFF  }
0x179: {  	_ =	shalt  }

// kernel: kernel.16.cloned.1.call-start
scs
__scs_entry_jumppad:
0x0: {  	(pc) =	sbr.rel $0x88, $3  }
0x1: {  	(tag) =	ssettag $0x0;
	lr =	simm.s32 $0x1  }
0x2: {  	[smem:$0x3F99] =	sst lr;
	_ =	strace $0xD0000000  }
0x3: {  	_ = 	snop  }
0x4: {  	_ = 	snop  }
0x5: {  	_ = 	snop  }
0x6: {  	_ = 	snop  }
0x7: {  	_ = 	snop  }
__scs_overlays_trampoline_lowered:
0x8: {  	[smem:$0x3FA8] =	sst s0  }
0x9: {  	[smem:$0x3FA9] =	sst s1  }
0xa: {  	[smem:$0x3FAA] =	sst s2  }
0xb: {  	[smem:$0x3FAB] =	sst s3  }
0xc: {  	[smem:$0x3FAC] =	sst s4  }
0xd: {  	[smem:$0x3FAD] =	sst s5  }
0xe: {  	[smem:$0x3FAE] =	sst s6  }
0xf: {  	[smem:$0x3FAF] =	sst s7  }
0x10: {  	[smem:$0x3FB0] =	sst s8  }
0x11: {  	[smem:$0x3FB1] =	sst s9;
	s0 =	simm.s32 @!p0 $0x0  }
0x12: {  	s1 =	sld [smem:$0x3F97];
	s0 =	simm.s32 @p0 $0x1  }
0x13: {  	[smem:$0x3FB2] =	sst s0;
	s0 =	simm.s32 @!p1 $0x0  }
0x14: {  	s2 =	sld [smem:$0x3F96];
	s0 =	simm.s32 @p1 $0x1  }
0x15: {  	[smem:$0x3FB3] =	sst s0;
	s0 =	simm.s32 @!p2 $0x0  }
0x16: {  	s3 =	sld [smem:$0x3FDB];
	s0 =	simm.s32 @p2 $0x1  }
0x17: {  	s4 =	simm.s32 $0x1BF5;
	[smem:$0x3FB5] =	sst s0  }
0x18: {  	s0 =	sld [smem:$0x3F98];
	_ =	swait.ge [sflag:s4], $0x0  }
0x19: {  	s7 =	sld [smem:$0x3F99]  }
0x1a: {  	s8 =	sadd.s32 $0xFFFFE003, lr  }
0x1b: {  	s9 =	sadd.s32 $0xFFFFFEF7, lr;
	s5 =	simm.s32 $0xFFFFFFFF;
	p2 =	slt.u32 s8, $0xFFFFF086  }
0x1c: {  	p1 =	slt.u32 s9, $0xF7A;
	s5 =	simm.s32 @!p2 $0x0  }
0x1d: {  	s5 =	simm.s32 @p1 $0x1;
	p0 =	seq.s32 s7, s2  }
0x1e: {  	s7 =	smul.u32 @!p0 $0xF7A, s2;
	p2 =	seq.s32 @!p0 s5, $0x0  }
0x1f: {  	s9 =	smul.u32 $0xF7A, s1;
	s8 =	simm.s32 @!p0 $0x1BF5;
	p2 =	por !p2, p0  }
0x20: {  	[sflag:s8] =	ssyncset.s32 @!p0 $0xFFFFF086;
	s6 =	sadd.s32 @!p0 s3, s7;
	s7 =	simm.s32 @!p0 $0x108  }
0x21: {  	s3 =	sadd.s32 s3, s9;
	s6 =	sadd.s32 @!p0 $0x88, s6;
	s7 =	simm.s32 @p2 $0x1082  }
0x22: {  	[simem:s7], [sflag:s8] =	dma.local @!p0 [hbm:s6], $0xF7A  }
0x23: {  	s9 =	sor.u32 $0xD0000000, s2;
	s6 =	simm.s32 $0x108;
	_ =	swait.ge @!p0 [sflag:s8], $0x0  }
0x24: {  	s3 =	sadd.s32 $0x88, s3;
	s6 =	simm.s32 @!p1 $0x1082;
	[sflag:s4] =	ssyncset.s32 $0xFFFFF086  }
0x25: {  	[simem:s6], [sflag:s4] =	dma.local [hbm:s3], $0xF7A  }
0x26: {  	[smem:$0x3F99] =	sst s1;
	(tag) =	ssettag s2;
	_ =	strace s9  }
0x27: {  	s1 =	sld [smem:$0x3FA9]  }
0x28: {  	s2 =	sld [smem:$0x3FAA]  }
0x29: {  	s4 =	sld [smem:$0x3FAC]  }
0x2a: {  	p0 =	seq.s32 s5, $0x0;
	s5 =	sld [smem:$0x3FAD]  }
0x2b: {  	s6 =	sld [smem:$0x3FAE]  }
0x2c: {  	s7 =	sld [smem:$0x3FAF]  }
0x2d: {  	s3 =	simm.s32 $0x108;
	s8 =	sld [smem:$0x3FB0]  }
0x2e: {  	s3 =	simm.s32 @!p0 $0x1082;
	s9 =	sld [smem:$0x3FB1]  }
0x2f: {  	lr =	sadd.s32 s0, s3;
	s0 =	sld [smem:$0x3FA8]  }
0x30: {  	s3 =	sld [smem:$0x3FAB]  }
0x31: {  	[smem:$0x3FB4] =	sst s10  }
0x32: {  	s10 =	sld [smem:$0x3FB2];
	_ =	sdelay $0x3  }
0x33: {  	p0 =	seq.s32 s10, $0x1;
	s10 =	sld [smem:$0x3FB4];
	_ =	sdelay $0x3  }
0x34: {  	[smem:$0x3FB4] =	sst s10  }
0x35: {  	s10 =	sld [smem:$0x3FB3];
	_ =	sdelay $0x3  }
0x36: {  	p1 =	seq.s32 s10, $0x1;
	s10 =	sld [smem:$0x3FB4];
	_ =	sdelay $0x3  }
0x37: {  	[smem:$0x3FB4] =	sst s10  }
0x38: {  	s10 =	sld [smem:$0x3FB5]  }
0x39: {  	_ = 	snop;
	(pc) =	sbr.ind lr, $3  }
0x3a: {  	_ = 	snop  }
0x3b: {  	_ = 	snop  }
0x3c: {  	p2 =	seq.s32 s10, $0x1;
	s10 =	sld [smem:$0x3FB4]  }
0x3d: {  	_ =	shalt  }
0x3e: {  	_ =	shalt  }
0x3f: {  	_ =	shalt  }
0x40: {  	_ =	shalt  }
0x41: {  	_ =	shalt  }
0x42: {  	_ =	shalt  }
0x43: {  	_ =	shalt  }
0x44: {  	_ =	shalt  }
0x45: {  	_ =	shalt  }
0x46: {  	_ =	shalt  }
0x47: {  	_ =	shalt  }
0x48: {  	_ =	shalt  }
0x49: {  	_ =	shalt  }
0x4a: {  	_ =	shalt  }
0x4b: {  	_ =	shalt  }
0x4c: {  	_ =	shalt  }
0x4d: {  	_ =	shalt  }
0x4e: {  	_ =	shalt  }
0x4f: {  	_ =	shalt  }
0x50: {  	_ =	shalt  }
0x51: {  	_ =	shalt  }
0x52: {  	_ =	shalt  }
0x53: {  	_ =	shalt  }
0x54: {  	_ =	shalt  }
0x55: {  	_ =	shalt  }
0x56: {  	_ =	shalt  }
0x57: {  	_ =	shalt  }
0x58: {  	_ =	shalt  }
0x59: {  	_ =	shalt  }
0x5a: {  	_ =	shalt  }
0x5b: {  	_ =	shalt  }
0x5c: {  	_ =	shalt  }
0x5d: {  	_ =	shalt  }
0x5e: {  	_ =	shalt  }
0x5f: {  	_ =	shalt  }
0x60: {  	_ =	shalt  }
0x61: {  	_ =	shalt  }
0x62: {  	_ =	shalt  }
0x63: {  	_ =	shalt  }
0x64: {  	_ =	shalt  }
0x65: {  	_ =	shalt  }
0x66: {  	_ =	shalt  }
0x67: {  	_ =	shalt  }
0x68: {  	_ =	shalt  }
0x69: {  	_ =	shalt  }
0x6a: {  	_ =	shalt  }
0x6b: {  	_ =	shalt  }
0x6c: {  	_ =	shalt  }
0x6d: {  	_ =	shalt  }
0x6e: {  	_ =	shalt  }
0x6f: {  	_ =	shalt  }
0x70: {  	_ =	shalt  }
0x71: {  	_ =	shalt  }
0x72: {  	_ =	shalt  }
0x73: {  	_ =	shalt  }
0x74: {  	_ =	shalt  }
0x75: {  	_ =	shalt  }
0x76: {  	_ =	shalt  }
0x77: {  	_ =	shalt  }
0x78: {  	_ =	shalt  }
0x79: {  	_ =	shalt  }
0x7a: {  	_ =	shalt  }
0x7b: {  	_ =	shalt  }
0x7c: {  	_ =	shalt  }
0x7d: {  	_ =	shalt  }
0x7e: {  	_ =	shalt  }
0x7f: {  	_ =	shalt  }
0x80: {  	_ =	shalt  }
0x81: {  	_ =	shalt  }
0x82: {  	_ =	shalt  }
0x83: {  	_ =	shalt  }
0x84: {  	_ =	shalt  }
0x85: {  	_ =	shalt  }
0x86: {  	_ =	shalt  }
0x87: {  	_ =	shalt  }
.Lfunc_end0:
.L_simem_size_0:
called_computation.2_lowered:
.L_overlay_start_0:
0x88: {  	s2 =	sld [smem:$0x3FD9]  }
0x89: {  	s3 =	sld [smem:$0x3FFE];
	_ =	sdelay $0x1  }
0x8a: {  	s1 =	srdreg.scid  }
0x8b: {  	s0 =	sand.u32 $0x1, s1  }
0x8c: {  	s17 =	sshll.u32 s0, $0xA;
	s2 =	sadd.s32 s3, s2  }
0x8d: {  	s2 =	sadd.s32 s2, s17  }
0x8e: {  	[smem:$0x3FC0] =	sst s2  }
0x8f: {  	_ = 	snop  }
0x90: {  	s2 =	sld [smem:$0x3FD0];
	(tm) =	ssettm $0x1  }
0x91: {  	s18 =	sld [smem:$0x3FFB];
	_ =	sdelay $0x3  }
0x92: {  	_ =	strace s18  }
0x93: {  	s3 =	sld [smem:$0x3FFC];
	_ =	sdelay $0x3  }
0x94: {  	_ =	strace s3  }
0x95: {  	s3 =	sld [smem:$0x3FFD];
	_ =	sdelay $0x3  }
0x96: {  	_ =	strace s3  }
0x97: {  	_ =	strace $0x8FFFFFFF  }
0x98: {  	s19 =	sld [smem:$0x3FDB];
	_ =	sdelay $0x1  }
0x99: {  	s4 =	simm.s32 $_scs_section_size  }
0x9a: {  	s5 =	simm.s32 $_size__tile_overlayer_lowered;
	s6 =	simm.s32 $_tile_overlayer_lowered  }
0x9b: {  	s22 =	simm.s32 $0x1BFF;
	s21 =	sshll.u32 s6, $0x1;
	s3 =	sadd.s32 s4, s19  }
0x9c: {  	s7 =	simm.s32 $0x0;
	s20 =	sshll.u32 s5, $0x1;
	s5 =	sadd.s32 s21, s3  }
0x9d: {  	[timem:s7], [sflag:s22] =	dma.local [hbm:s5], s20  }
0x9e: {  	_ =	swait.ge [sflag:s22], s20  }
0x9f: {  	s4 =	ssub.s32 $0x0, s20;
	[sflag:s22] =	ssyncset.done $0x0  }
0xa0: {  	[sflag:s22] =	ssyncadd.s32 s4;
	_ =	sdelay $0x1  }
0xa1: {  	s23 =	simm.s32 $0x1B8B  }
0xa2: {  	_ =	swait.ge [sflag:s23], $0x1  }
0xa3: {  	[sflag:s23] =	ssyncset.done $0x0  }
0xa4: {  	s25 =	simm.s32 $0x1B8E;
	s24 =	sld [smem:$0x3FFE];
	[sflag:s23] =	ssyncadd.s32 $0xFFFFFFFF  }
0xa5: {  	s26 =	simm.s32 $execute0_lowered;
	[smem:$0x3FD2] =	sst s25  }
0xa6: {  	s5 =	sshll.u32 s26, $0x1;
	_ =	strace $0x8000004C;
	[dreg:$0x1] =	wrdreg $0xFFFFFFFF  }
0xa7: {  	s28 =	simm.s32 $_size_execute0_lowered;
	s3 =	sadd.s32 s3, s5;
	[dreg:$0x0] =	wrdreg $0x0  }
0xa8: {  	s5 =	sshll.u32 s28, $0x1;
	[dreg:$0x2] =	wrdreg s3  }
0xa9: {  	[dreg:$0x3] =	wrdreg s5  }
0xaa: {  	[dreg:$0x4] =	wrdreg $0xC0  }
0xab: {  	_ =	task [dreg:s7], $0x5FFFF  }
0xac: {  	[dreg:$0x1] =	wrdreg $0xFFFFFFFF  }
0xad: {  	[dreg:$0x0] =	wrdreg $0x60  }
0xae: {  	[dreg:$0x2] =	wrdreg s24  }
0xaf: {  	[dreg:$0x3] =	wrdreg s2  }
0xb0: {  	[dreg:$0x4] =	wrdreg $0x60000  }
0xb1: {  	[dreg:$0x5] =	wrdreg $0x9  }
0xb2: {  	_ =	task.clear_ibuf [dreg:s7], $0x6FFFF;
	_ =	strace $0x9000004C  }
0xb3: {  	s29 =	simm.s32 $0x9;
	_ =	strace $0x8000004E  }
0xb4: {  	_ =	swait.ge [sflag:s29], $0x1  }
0xb5: {  	[sflag:s29] =	ssyncadd.s32 $0xFFFFFFFF  }
0xb6: {  	_ =	strace $0x9000004E  }
0xb7: {  	_ =	sfence  }
0xb8: {  	s30 =	sld [smem:$0x0];
	_ =	sdelay $0x2  }
0xb9: {  	s31 =	sshll.u32 s1, $0xD;
	s1 =	sshrl.u32 s1, $0x2  }
0xba: {  	s3 =	sand.u32 $0x4000, s31;
	s1 =	sadd.s32 s1, s30  }
0xbb: {  	s0 =	sor.u32 s3, s0;
	s1 =	sshll.u32 s1, $0x11  }
0xbc: {  	s0 =	sor.u32 s1, s0  }
0xbd: {  	s0 =	sadd.s32 $0x8F2B, s0  }
0xbe: {  	[sflag:s0] =	ssyncadd.remote.s32 $0x1  }
0xbf: {  	_ =	sfence.sel $0xFFFF  }
0xc0: {  	[dreg:$0x0] =	wrdreg $0xFFFFFFFF;
	(pc) =	sbr.abs _section_cstart, $3  }
0xc1: {  	[dreg:$0x1] =	wrdreg $0xFFFFFFFF  }
0xc2: {  	_ =	task.clear_ibuf [dreg:s7], $0x2FFFF;
	_ =	strace $0x9FFFFFFF  }
0xc3: {  	(tm) =	ssettm $0x7FFFFFFF  }
tec
execute0_lowered:
.L_overlay_start_1:
0x0: {  	(tag) =	ssettag $0x1  }
0x1: {  	s0 =	rddreg [dreg:$0x0]  }
0x2: {  	s2 =	rddreg [dreg:$0x1];
	s1 =	srdreg.scid  }
0x3: {  	s3 =	rddreg [dreg:$0x2];
	s11 =	stileid.u32  }
0x4: {  	s4 =	simm.s32 $0x0;
	s18 =	simm.s32 $0x480;
	s19 =	simm.s32 $0x500  }
0x5: {  	s21 =	simm.s32 $0xC80;
	s28 =	simm.s32 $0x50;
	s6 =	smul.u32 $0x14000, s11  }
0x6: {  	s1 =	sand.u32 $0x1, s1;
	[smem:$0x7FF] =	sst s4;
	s8 =	smul.u32 $0x50000, s11  }
0x7: {  	s20 =	smul.u32 $0x6400, s11;
	_ =	strace $0x8000004D;
	[dreg:$0x5] =	wrdreg s18  }
0x8: {  	s5 =	smul.u32 $0x140000, s1;
	s22 =	ssub.s32 $0x2, s1;
	[dreg:$0x6] =	wrdreg s19  }
0x9: {  	s10 =	sshll.u32 s1, $0x4;
	s1 =	smul.u32 $0x64000, s1;
	[dreg:$0x7] =	wrdreg s21  }
0xa: {  	s9 =	sshrl.u32 s22, $0x1;
	s8 =	sshrl.u32 s8, $0x2;
	s6 =	sadd.s32 s6, s5  }
0xb: {  	s5 =	sadd.s32 $0x7C000, s0;
	s9 =	ssub.s32 s22, s9;
	s22 =	simm.s32 $0x580  }
0xc: {  	s1 =	sadd.s32 s20, s1;
	s7 =	sshrl.u32 s6, $0x3;
	s6 =	sadd.s32 $0x63000, s0  }
0xd: {  	s9 =	smax.u32 s9, $0x1;
	[dreg:$0x8] =	wrdreg s22;
	s1 =	sadd.s32 $0x800, s1  }
0xe: {  	s0 =	sadd.s32 s7, s0;
	s7 =	sadd.s32 s8, s3;
	[dreg:$0x19] =	wrdreg s9  }
0xf: {  	s29 =	simm.s32 $0x3;
	[dreg:$0x1a] =	wrdreg s1;
	s8 =	sadd.s32 $0x2800, s7  }
0x10: {  	s30 =	simm.s32 $0x80;
	s23 =	sadd.s32 $0x5000, s7;
	[dreg:$0xd] =	wrdreg s8  }
0x11: {  	s31 =	simm.s32 $0x3800;
	s25 =	sadd.s32 $0x7800, s7;
	[dreg:$0xe] =	wrdreg s23  }
0x12: {  	s10 =	sor.u32 s11, s10;
	s26 =	sadd.s32 $0xA000, s7;
	[dreg:$0xf] =	wrdreg s25  }
0x13: {  	s24 =	smul.u32 $0x6400, s10;
	s12 =	sadd.s32 $0xC800, s7;
	[dreg:$0x10] =	wrdreg s26  }
0x14: {  	s11 =	simm.s32 $0x200;
	s13 =	sadd.s32 $0xF000, s7;
	[dreg:$0x11] =	wrdreg s12  }
0x15: {  	s15 =	sshrl.u32 s24, $0x3;
	s14 =	sadd.s32 $0x11800, s7;
	[dreg:$0x12] =	wrdreg s13  }
0x16: {  	s22 =	simm.s32 $0x1000;
	s16 =	sadd.s32 s6, s15;
	[dreg:$0x13] =	wrdreg s14  }
0x17: {  	s1 =	simm.s32 $0x100;
	s0 =	sadd.s32 $0xA4000, s0;
	[dreg:$0x15] =	wrdreg s16  }
0x18: {  	s10 =	sadd.s32 $0x80, s15;
	s12 =	sadd.s32 s2, s15;
	[dreg:$0x18] =	wrdreg s0  }
0x19: {  	s9 =	simm.s32 $0x180;
	s17 =	sadd.s32 s2, s10;
	[dreg:$0x14] =	wrdreg s12  }
0x1a: {  	s10 =	sadd.s32 s6, s10;
	s8 =	sadd.s32 $0xC00, s24;
	[dreg:$0x16] =	wrdreg s17  }
0x1b: {  	s23 =	simm.s32 $0xD00;
	s24 =	simm.s32 $0x600;
	[dreg:$0x17] =	wrdreg s10  }
0x1c: {  	s25 =	simm.s32 $0xD80;
	s26 =	simm.s32 $0xE00;
	[dreg:$0x4] =	wrdreg s8  }
0x1d: {  	s0 =	simm.s32 $0x1;
	s13 =	simm.s32 $0x2;
	[dreg:$0x9] =	wrdreg s23  }
0x1e: {  	s14 =	simm.s32 $0xA00;
	s15 =	simm.s32 $0x0;
	[dreg:$0xa] =	wrdreg s24  }
0x1f: {  	s23 =	simm.s32 $0x4;
	[dreg:$0xb] =	wrdreg s25;
	s24 =	simm.s32 $0x800  }
0x20: {  	[dreg:$0xc] =	wrdreg s26;
	s25 =	simm.s32 $0x400;
	s26 =	simm.s32 $0xC00  }
0x21: {  	v0 =	vimm.f32 $0.0e+00;
	s8 =	simm.s32 $0x880;
	s10 =	simm.s32 $0x900;
	s12 =	simm.s32 $0x980  }
.LBB2_1:
0x22: {  	s16 =	simm.s32 $0x0;
	s17 =	simm.s32 $0x200  }
.LBB2_2:
0x23: {  	p0 =	sne.s32 s17, $0x9E00;
	[tilespmem:s16+$0x1070] =	vst v0  }
0x24: {  	[tilespmem:s16+$0x1000] =	vst v0  }
0x25: {  	[tilespmem:s16+$0x1010] =	vst v0  }
.Ltmp0:
0x26: {  	[tilespmem:s16+$0x1020] =	vst v0;
	(pc) =	sbr.rel @p0 .LBB2_2-.Ltmp0, $4  }
0x27: {  	[tilespmem:s16+$0x1030] =	vst v0  }
0x28: {  	[tilespmem:s16+$0x1040] =	vst v0  }
0x29: {  	[tilespmem:s16+$0x1050] =	vst v0  }
0x2a: {  	[tilespmem:s16+$0x1060] =	vst v0;
	s16 =	sshra.s32 s17, $0x2;
	s17 =	sadd.s32 $0x200, s17  }
0x2b: {  	[tilespmem:s16+$0x1070] =	vst v0  }
0x2c: {  	[tilespmem:s16+$0x1000] =	vst v0  }
0x2d: {  	[tilespmem:s16+$0x1010] =	vst v0  }
0x2e: {  	[tilespmem:s16+$0x1020] =	vst v0  }
0x2f: {  	[tilespmem:s16+$0x1030] =	vst v0  }
0x30: {  	[tilespmem:s16+$0x1040] =	vst v0  }
0x31: {  	[tilespmem:s16+$0x1050] =	vst v0  }
0x32: {  	[tilespmem:s16+$0x1060] =	vst v0  }
0x33: {  	[spmem:s7] =	stream.linear.scatter [tilespmem:s22], [sflag:$0x4], $0x2800, $0x38;
	[tilespmem:$0x1A000] =	vst v63  }
0x34: {  	_ =	swait.ge [sflag:s23], $0x2800  }
0x35: {  	[sflag:s23] =	ssyncset.done $0x0  }
0x36: {  	s18 =	rddreg [dreg:$0xd];
	[sflag:s23] =	ssyncadd.s32 $0xFFFFD800  }
0x37: {  	[spmem:s18] =	stream.linear.scatter [tilespmem:s22], [sflag:$0x4], $0x2800, $0x38;
	[tilespmem:$0x1A000] =	vst v63  }
0x38: {  	_ =	swait.ge [sflag:s23], $0x2800  }
0x39: {  	[sflag:s23] =	ssyncset.done $0x0  }
0x3a: {  	s19 =	rddreg [dreg:$0xe];
	[sflag:s23] =	ssyncadd.s32 $0xFFFFD800  }
0x3b: {  	[spmem:s19] =	stream.linear.scatter [tilespmem:s22], [sflag:$0x4], $0x2800, $0x38;
	[tilespmem:$0x1A000] =	vst v63  }
0x3c: {  	_ =	swait.ge [sflag:s23], $0x2800  }
0x3d: {  	[sflag:s23] =	ssyncset.done $0x0  }
0x3e: {  	s20 =	rddreg [dreg:$0xf];
	[sflag:s23] =	ssyncadd.s32 $0xFFFFD800  }
0x3f: {  	[spmem:s20] =	stream.linear.scatter [tilespmem:s22], [sflag:$0x4], $0x2800, $0x38;
	[tilespmem:$0x1A000] =	vst v63  }
0x40: {  	_ =	swait.ge [sflag:s23], $0x2800  }
0x41: {  	[sflag:s23] =	ssyncset.done $0x0  }
0x42: {  	s21 =	rddreg [dreg:$0x10];
	[sflag:s23] =	ssyncadd.s32 $0xFFFFD800  }
0x43: {  	[spmem:s21] =	stream.linear.scatter [tilespmem:s22], [sflag:$0x4], $0x2800, $0x38;
	[tilespmem:$0x1A000] =	vst v63  }
0x44: {  	_ =	swait.ge [sflag:s23], $0x2800  }
0x45: {  	[sflag:s23] =	ssyncset.done $0x0  }
0x46: {  	s17 =	rddreg [dreg:$0x11];
	[sflag:s23] =	ssyncadd.s32 $0xFFFFD800  }
0x47: {  	[spmem:s17] =	stream.linear.scatter [tilespmem:s22], [sflag:$0x4], $0x2800, $0x38;
	[tilespmem:$0x1A000] =	vst v63  }
0x48: {  	_ =	swait.ge [sflag:s23], $0x2800  }
0x49: {  	[sflag:s23] =	ssyncset.done $0x0  }
0x4a: {  	s18 =	rddreg [dreg:$0x12];
	[sflag:s23] =	ssyncadd.s32 $0xFFFFD800  }
0x4b: {  	[spmem:s18] =	stream.linear.scatter [tilespmem:s22], [sflag:$0x4], $0x2800, $0x38;
	[tilespmem:$0x1A000] =	vst v63  }
0x4c: {  	_ =	swait.ge [sflag:s23], $0x2800  }
0x4d: {  	[sflag:s23] =	ssyncset.done $0x0  }
0x4e: {  	s19 =	rddreg [dreg:$0x13];
	[sflag:s23] =	ssyncadd.s32 $0xFFFFD800  }
0x4f: {  	[spmem:s19] =	stream.linear.scatter [tilespmem:s22], [sflag:$0x4], $0x2800, $0x38;
	[tilespmem:$0x1A000] =	vst v63  }
0x50: {  	_ =	swait.ge [sflag:s23], $0x2800  }
0x51: {  	[sflag:s23] =	ssyncset.done $0x0  }
0x52: {  	[sflag:s23] =	ssyncadd.s32 $0xFFFFD800  }
0x53: {  	[bflag:$0x0] =	sbarrier.arrive $0xFFFF  }
0x54: {  	s16 =	simm.s32 $0x0;
	s17 =	rddreg [dreg:$0x14]  }
0x55: {  	[tilespmem:s16], [sflag:$0x4] =	stream.linear.gather [hbm4b:s17+s16], $0x280, $0x38;
	[tilespmem:$0x1A000] =	vst v63  }
0x56: {  	_ =	swait.ge [sflag:s23], $0x280  }
0x57: {  	[sflag:s23] =	ssyncset.done $0x0  }
0x58: {  	s20 =	rddreg [dreg:$0x15];
	[sflag:s23] =	ssyncadd.s32 $0xFFFFFD80  }
0x59: {  	[tilespmem:s24], [sflag:$0x3] =	stream.linear.gather [hbm4b:s20+s16], $0x280, $0x38;
	[tilespmem:$0x1A000] =	vst v63  }
0x5a: {  	s21 =	rddreg [dreg:$0x16]  }
0x5b: {  	[tilespmem:s25], [sflag:$0x2] =	stream.linear.gather [hbm4b:s21+s16], $0x280, $0x38;
	[tilespmem:$0x1A000] =	vst v63  }
0x5c: {  	s18 =	rddreg [dreg:$0x17]  }
0x5d: {  	[tilespmem:s26], [sflag:$0x3] =	stream.linear.gather [hbm4b:s18+s16], $0x280, $0x38;
	[tilespmem:$0x1A000] =	vst v63  }
0x5e: {  	_ = 	snop  }
0x5f: {  	[tilespmem:s22], [sflag:$0x1] =	stream.indirect.gather [hbm4b:s5+s28], $0x80, s16, s28, $0xb8;
	[tilespmem:$0x1A000] =	vst v63  }
0x60: {  	_ =	swait.ge [sflag:s29], $0x280  }
0x61: {  	[sflag:s29] =	ssyncset.done $0x0  }
0x62: {  	[sflag:s29] =	ssyncadd.s32 $0xFFFFFD80  }
0x63: {  	[tilespmem:s31], [sflag:$0x1] =	stream.indirect.gather [hbm4b:s5+s28], $0x80, s30, s28, $0xb8;
	[tilespmem:$0x1A000] =	vst v63  }
0x64: {  	_ =	swait.ge [sflag:s0], $0x2800  }
0x65: {  	[sflag:s0] =	ssyncset.done $0x0  }
0x66: {  	[sflag:s0] =	ssyncadd.s32 $0xFFFFD800  }
0x67: {  	[spmem:s3] =	stream.indirect.scatter.add.f32 [tilespmem:s22], [sflag:$0x4], $0x80, s24, s28, $0xb8;
	[tilespmem:$0x1A000] =	vst v63  }
0x68: {  	_ =	swait.ge [sflag:s23], $0x2800  }
0x69: {  	[sflag:s23] =	ssyncset.done $0x0  }
0x6a: {  	[sflag:s23] =	ssyncadd.s32 $0xFFFFD800  }
0x6b: {  	[tilespmem:s22], [sflag:$0x1] =	stream.indirect.gather [hbm4b:s5+s28], $0x80, s1, s28, $0xb8;
	[tilespmem:$0x1A000] =	vst v63  }
0x6c: {  	_ =	swait.ge [sflag:s0], $0x2800  }
0x6d: {  	[sflag:s0] =	ssyncset.done $0x0  }
0x6e: {  	[sflag:s0] =	ssyncadd.s32 $0xFFFFD800  }
0x6f: {  	[spmem:s3] =	stream.indirect.scatter.add.f32 [tilespmem:s31], [sflag:$0x4], $0x80, s8, s28, $0xb8;
	[tilespmem:$0x1A000] =	vst v63  }
0x70: {  	_ =	swait.ge [sflag:s23], $0x2800  }
0x71: {  	[sflag:s23] =	ssyncset.done $0x0  }
0x72: {  	[sflag:s23] =	ssyncadd.s32 $0xFFFFD800  }
0x73: {  	[tilespmem:s31], [sflag:$0x1] =	stream.indirect.gather [hbm4b:s5+s28], $0x80, s9, s28, $0xb8;
	[tilespmem:$0x1A000] =	vst v63  }
0x74: {  	_ =	swait.ge [sflag:s0], $0x2800  }
0x75: {  	[sflag:s0] =	ssyncset.done $0x0  }
0x76: {  	[sflag:s0] =	ssyncadd.s32 $0xFFFFD800  }
0x77: {  	[spmem:s3] =	stream.indirect.scatter.add.f32 [tilespmem:s22], [sflag:$0x4], $0x80, s10, s28, $0xb8;
	[tilespmem:$0x1A000] =	vst v63  }
0x78: {  	_ =	swait.ge [sflag:s23], $0x2800  }
0x79: {  	[sflag:s23] =	ssyncset.done $0x0  }
0x7a: {  	[sflag:s23] =	ssyncadd.s32 $0xFFFFD800  }
0x7b: {  	[tilespmem:s22], [sflag:$0x1] =	stream.indirect.gather [hbm4b:s5+s28], $0x80, s11, s28, $0xb8;
	[tilespmem:$0x1A000] =	vst v63  }
0x7c: {  	_ =	swait.ge [sflag:s0], $0x2800  }
0x7d: {  	[sflag:s0] =	ssyncset.done $0x0  }
0x7e: {  	[sflag:s0] =	ssyncadd.s32 $0xFFFFD800  }
0x7f: {  	[spmem:s3] =	stream.indirect.scatter.add.f32 [tilespmem:s31], [sflag:$0x4], $0x80, s12, s28, $0xb8;
	[tilespmem:$0x1A000] =	vst v63  }
0x80: {  	_ =	swait.ge [sflag:s23], $0x2800  }
0x81: {  	[sflag:s23] =	ssyncset.done $0x0  }
0x82: {  	[sflag:s23] =	ssyncadd.s32 $0xFFFFD800  }
0x83: {  	_ =	swait.ge [sflag:s13], $0x280  }
0x84: {  	[sflag:s13] =	ssyncset.done $0x0  }
0x85: {  	[sflag:s13] =	ssyncadd.s32 $0xFFFFFD80  }
0x86: {  	[tilespmem:s31], [sflag:$0x1] =	stream.indirect.gather [hbm4b:s5+s28], $0x80, s25, s28, $0xb8;
	[tilespmem:$0x1A000] =	vst v63  }
0x87: {  	_ =	swait.ge [sflag:s0], $0x2800  }
0x88: {  	[sflag:s0] =	ssyncset.done $0x0  }
0x89: {  	[sflag:s0] =	ssyncadd.s32 $0xFFFFD800  }
0x8a: {  	[spmem:s3] =	stream.indirect.scatter.add.f32 [tilespmem:s22], [sflag:$0x4], $0x80, s14, s28, $0xb8;
	[tilespmem:$0x1A000] =	vst v63  }
0x8b: {  	_ =	swait.ge [sflag:s23], $0x2800  }
0x8c: {  	[sflag:s23] =	ssyncset.done $0x0  }
0x8d: {  	[sflag:s23] =	ssyncadd.s32 $0xFFFFD800  }
0x8e: {  	_ =	swait.ge [sflag:s29], $0x280  }
0x8f: {  	[sflag:s29] =	ssyncset.done $0x0  }
0x90: {  	s19 =	rddreg [dreg:$0x5];
	[sflag:s29] =	ssyncadd.s32 $0xFFFFFD80  }
0x91: {  	[tilespmem:s22], [sflag:$0x1] =	stream.indirect.gather [hbm4b:s5+s28], $0x80, s19, s28, $0xb8;
	[tilespmem:$0x1A000] =	vst v63  }
0x92: {  	_ =	swait.ge [sflag:s0], $0x2800  }
0x93: {  	[sflag:s0] =	ssyncset.done $0x0  }
0x94: {  	[sflag:s0] =	ssyncadd.s32 $0xFFFFD800  }
0x95: {  	[spmem:s3] =	stream.indirect.scatter.add.f32 [tilespmem:s31], [sflag:$0x4], $0x80, s26, s28, $0xb8;
	[tilespmem:$0x1A000] =	vst v63  }
0x96: {  	_ =	swait.ge [sflag:s23], $0x2800  }
0x97: {  	s21 =	rddreg [dreg:$0x1a]  }
0x98: {  	[sflag:s23] =	ssyncset.done $0x0;
	s17 =	sshrl.u32 s21, $0x3  }
0x99: {  	[sflag:s23] =	ssyncadd.s32 $0xFFFFD800;
	s18 =	sadd.s32 s2, s17  }
0x9a: {  	[tilespmem:s4], [sflag:$0x2] =	stream.linear.gather [hbm4b:s18+s4], $0x280, $0x38;
	[tilespmem:$0x1A000] =	vst v63  }
0x9b: {  	s19 =	rddreg [dreg:$0x6]  }
0x9c: {  	[tilespmem:s31], [sflag:$0x1] =	stream.indirect.gather [hbm4b:s5+s28], $0x80, s19, s28, $0xb8;
	[tilespmem:$0x1A000] =	vst v63  }
0x9d: {  	_ =	swait.ge [sflag:s0], $0x2800  }
0x9e: {  	[sflag:s0] =	ssyncset.done $0x0  }
0x9f: {  	s20 =	rddreg [dreg:$0x7];
	[sflag:s0] =	ssyncadd.s32 $0xFFFFD800  }
0xa0: {  	[spmem:s3] =	stream.indirect.scatter.add.f32 [tilespmem:s22], [sflag:$0x4], $0x80, s20, s28, $0xb8;
	[tilespmem:$0x1A000] =	vst v63  }
0xa1: {  	_ =	swait.ge [sflag:s23], $0x2800  }
0xa2: {  	[sflag:s23] =	ssyncset.done $0x0  }
0xa3: {  	s19 =	rddreg [dreg:$0x8];
	[sflag:s23] =	ssyncadd.s32 $0xFFFFD800  }
0xa4: {  	[tilespmem:s22], [sflag:$0x1] =	stream.indirect.gather [hbm4b:s5+s28], $0x80, s19, s28, $0xb8;
	[tilespmem:$0x1A000] =	vst v63  }
0xa5: {  	_ =	swait.ge [sflag:s0], $0x2800  }
0xa6: {  	[sflag:s0] =	ssyncset.done $0x0  }
0xa7: {  	s20 =	rddreg [dreg:$0x9];
	[sflag:s0] =	ssyncadd.s32 $0xFFFFD800  }
0xa8: {  	[spmem:s3] =	stream.indirect.scatter.add.f32 [tilespmem:s31], [sflag:$0x4], $0x80, s20, s28, $0xb8;
	[tilespmem:$0x1A000] =	vst v63  }
0xa9: {  	_ =	swait.ge [sflag:s23], $0x2800  }
0xaa: {  	[sflag:s23] =	ssyncset.done $0x0  }
0xab: {  	s19 =	rddreg [dreg:$0xa];
	[sflag:s23] =	ssyncadd.s32 $0xFFFFD800  }
0xac: {  	[tilespmem:s31], [sflag:$0x1] =	stream.indirect.gather [hbm4b:s5+s28], $0x80, s19, s28, $0xb8;
	[tilespmem:$0x1A000] =	vst v63  }
0xad: {  	_ =	swait.ge [sflag:s0], $0x2800  }
0xae: {  	[sflag:s0] =	ssyncset.done $0x0  }
0xaf: {  	s20 =	rddreg [dreg:$0xb];
	[sflag:s0] =	ssyncadd.s32 $0xFFFFD800  }
0xb0: {  	[spmem:s3] =	stream.indirect.scatter.add.f32 [tilespmem:s22], [sflag:$0x4], $0x80, s20, s28, $0xb8;
	[tilespmem:$0x1A000] =	vst v63  }
0xb1: {  	_ =	swait.ge [sflag:s23], $0x2800  }
0xb2: {  	[sflag:s23] =	ssyncset.done $0x0  }
0xb3: {  	[sflag:s23] =	ssyncadd.s32 $0xFFFFD800  }
0xb4: {  	_ =	swait.ge [sflag:s13], $0x280  }
0xb5: {  	[sflag:s13] =	ssyncset.done $0x0  }
0xb6: {  	[sflag:s13] =	ssyncadd.s32 $0xFFFFFD80  }
0xb7: {  	[tilespmem:s22], [sflag:$0x1] =	stream.indirect.gather [hbm4b:s5+s28], $0x80, s4, s28, $0xb8;
	[tilespmem:$0x1A000] =	vst v63  }
0xb8: {  	_ =	swait.ge [sflag:s0], $0x2800  }
0xb9: {  	[sflag:s0] =	ssyncset.done $0x0  }
0xba: {  	s19 =	rddreg [dreg:$0xc];
	[sflag:s0] =	ssyncadd.s32 $0xFFFFD800  }
0xbb: {  	[spmem:s3] =	stream.indirect.scatter.add.f32 [tilespmem:s31], [sflag:$0x4], $0x80, s19, s28, $0xb8;
	[tilespmem:$0x1A000] =	vst v63  }
0xbc: {  	s20 =	smin.u32 s16, $0x15;
	_ =	swait.ge [sflag:s23], $0x2800  }
0xbd: {  	s16 =	simm.s32 $0x2;
	s20 =	sshll.u32 s20, $0xA;
	s18 =	rddreg [dreg:$0x4]  }
0xbe: {  	s19 =	sadd.s32 s6, s17;
	[sflag:s23] =	ssyncset.done $0x0;
	s20 =	sadd.s32 s20, s18  }
0xbf: {  	s17 =	sadd.s32 $0x800, s21;
	[sflag:s23] =	ssyncadd.s32 $0xFFFFD800;
	s20 =	sshrl.u32 s20, $0x3  }
.LBB2_4:
0xc0: {  	[tilespmem:s24], [sflag:$0x3] =	stream.linear.gather [hbm4b:s19+s4], $0x280, $0x38;
	[tilespmem:$0x1A000] =	vst v63  }
0xc1: {  	s21 =	sadd.s32 s2, s20  }
0xc2: {  	[tilespmem:s25], [sflag:$0x2] =	stream.linear.gather [hbm4b:s21+s4], $0x280, $0x38;
	[tilespmem:$0x1A000] =	vst v63  }
0xc3: {  	s21 =	sadd.s32 s6, s20  }
0xc4: {  	[tilespmem:s26], [sflag:$0x3] =	stream.linear.gather [hbm4b:s21+s4], $0x280, $0x38;
	[tilespmem:$0x1A000] =	vst v63  }
0xc5: {  	_ =	swait.ge [sflag:s29], $0x280  }
0xc6: {  	[sflag:s29] =	ssyncset.done $0x0  }
0xc7: {  	[sflag:s29] =	ssyncadd.s32 $0xFFFFFD80  }
0xc8: {  	[tilespmem:s31], [sflag:$0x1] =	stream.indirect.gather [hbm4b:s5+s28], $0x80, s30, s28, $0xb8;
	[tilespmem:$0x1A000] =	vst v63  }
0xc9: {  	_ =	swait.ge [sflag:s0], $0x2800  }
0xca: {  	[sflag:s0] =	ssyncset.done $0x0  }
0xcb: {  	[sflag:s0] =	ssyncadd.s32 $0xFFFFD800  }
0xcc: {  	[spmem:s3] =	stream.indirect.scatter.add.f32 [tilespmem:s22], [sflag:$0x4], $0x80, s24, s28, $0xb8;
	[tilespmem:$0x1A000] =	vst v63  }
0xcd: {  	_ =	swait.ge [sflag:s23], $0x2800  }
0xce: {  	[sflag:s23] =	ssyncset.done $0x0  }
0xcf: {  	[sflag:s23] =	ssyncadd.s32 $0xFFFFD800  }
0xd0: {  	[tilespmem:s22], [sflag:$0x1] =	stream.indirect.gather [hbm4b:s5+s28], $0x80, s1, s28, $0xb8;
	[tilespmem:$0x1A000] =	vst v63  }
0xd1: {  	_ =	swait.ge [sflag:s0], $0x2800  }
0xd2: {  	[sflag:s0] =	ssyncset.done $0x0  }
0xd3: {  	[sflag:s0] =	ssyncadd.s32 $0xFFFFD800  }
0xd4: {  	[spmem:s3] =	stream.indirect.scatter.add.f32 [tilespmem:s31], [sflag:$0x4], $0x80, s8, s28, $0xb8;
	[tilespmem:$0x1A000] =	vst v63  }
0xd5: {  	_ =	swait.ge [sflag:s23], $0x2800  }
0xd6: {  	[sflag:s23] =	ssyncset.done $0x0  }
0xd7: {  	[sflag:s23] =	ssyncadd.s32 $0xFFFFD800  }
0xd8: {  	[tilespmem:s31], [sflag:$0x1] =	stream.indirect.gather [hbm4b:s5+s28], $0x80, s9, s28, $0xb8;
	[tilespmem:$0x1A000] =	vst v63  }
0xd9: {  	_ =	swait.ge [sflag:s0], $0x2800  }
0xda: {  	[sflag:s0] =	ssyncset.done $0x0  }
0xdb: {  	[sflag:s0] =	ssyncadd.s32 $0xFFFFD800  }
0xdc: {  	[spmem:s3] =	stream.indirect.scatter.add.f32 [tilespmem:s22], [sflag:$0x4], $0x80, s10, s28, $0xb8;
	[tilespmem:$0x1A000] =	vst v63  }
0xdd: {  	_ =	swait.ge [sflag:s23], $0x2800  }
0xde: {  	[sflag:s23] =	ssyncset.done $0x0  }
0xdf: {  	[sflag:s23] =	ssyncadd.s32 $0xFFFFD800  }
0xe0: {  	[tilespmem:s22], [sflag:$0x1] =	stream.indirect.gather [hbm4b:s5+s28], $0x80, s11, s28, $0xb8;
	[tilespmem:$0x1A000] =	vst v63  }
0xe1: {  	_ =	swait.ge [sflag:s0], $0x2800  }
0xe2: {  	[sflag:s0] =	ssyncset.done $0x0  }
0xe3: {  	[sflag:s0] =	ssyncadd.s32 $0xFFFFD800  }
0xe4: {  	[spmem:s3] =	stream.indirect.scatter.add.f32 [tilespmem:s31], [sflag:$0x4], $0x80, s12, s28, $0xb8;
	[tilespmem:$0x1A000] =	vst v63  }
0xe5: {  	_ =	swait.ge [sflag:s23], $0x2800  }
0xe6: {  	[sflag:s23] =	ssyncset.done $0x0  }
0xe7: {  	[sflag:s23] =	ssyncadd.s32 $0xFFFFD800  }
0xe8: {  	_ =	swait.ge [sflag:s13], $0x280  }
0xe9: {  	[sflag:s13] =	ssyncset.done $0x0  }
0xea: {  	[sflag:s13] =	ssyncadd.s32 $0xFFFFFD80  }
0xeb: {  	[tilespmem:s31], [sflag:$0x1] =	stream.indirect.gather [hbm4b:s5+s28], $0x80, s25, s28, $0xb8;
	[tilespmem:$0x1A000] =	vst v63  }
0xec: {  	_ =	swait.ge [sflag:s0], $0x2800  }
0xed: {  	[sflag:s0] =	ssyncset.done $0x0  }
0xee: {  	[sflag:s0] =	ssyncadd.s32 $0xFFFFD800  }
0xef: {  	[spmem:s3] =	stream.indirect.scatter.add.f32 [tilespmem:s22], [sflag:$0x4], $0x80, s14, s28, $0xb8;
	[tilespmem:$0x1A000] =	vst v63  }
0xf0: {  	_ =	swait.ge [sflag:s23], $0x2800  }
0xf1: {  	[sflag:s23] =	ssyncset.done $0x0  }
0xf2: {  	[sflag:s23] =	ssyncadd.s32 $0xFFFFD800  }
0xf3: {  	_ =	swait.ge [sflag:s29], $0x280  }
0xf4: {  	[sflag:s29] =	ssyncset.done $0x0  }
0xf5: {  	s20 =	rddreg [dreg:$0x5];
	[sflag:s29] =	ssyncadd.s32 $0xFFFFFD80  }
0xf6: {  	[tilespmem:s22], [sflag:$0x1] =	stream.indirect.gather [hbm4b:s5+s28], $0x80, s20, s28, $0xb8;
	[tilespmem:$0x1A000] =	vst v63  }
0xf7: {  	_ =	swait.ge [sflag:s0], $0x2800  }
0xf8: {  	[sflag:s0] =	ssyncset.done $0x0  }
0xf9: {  	[sflag:s0] =	ssyncadd.s32 $0xFFFFD800  }
0xfa: {  	[spmem:s3] =	stream.indirect.scatter.add.f32 [tilespmem:s31], [sflag:$0x4], $0x80, s26, s28, $0xb8;
	[tilespmem:$0x1A000] =	vst v63  }
0xfb: {  	_ =	swait.ge [sflag:s23], $0x2800  }
0xfc: {  	s19 =	sshrl.u32 s17, $0x3;
	[sflag:s23] =	ssyncset.done $0x0  }
0xfd: {  	s20 =	sadd.s32 s2, s19;
	[sflag:s23] =	ssyncadd.s32 $0xFFFFD800  }
0xfe: {  	[tilespmem:s4], [sflag:$0x2] =	stream.linear.gather [hbm4b:s20+s4], $0x280, $0x38;
	[tilespmem:$0x1A000] =	vst v63  }
0xff: {  	s21 =	rddreg [dreg:$0x6]  }
0x100: {  	[tilespmem:s31], [sflag:$0x1] =	stream.indirect.gather [hbm4b:s5+s28], $0x80, s21, s28, $0xb8;
	[tilespmem:$0x1A000] =	vst v63  }
0x101: {  	_ =	swait.ge [sflag:s0], $0x2800  }
0x102: {  	[sflag:s0] =	ssyncset.done $0x0  }
0x103: {  	s21 =	rddreg [dreg:$0x7];
	[sflag:s0] =	ssyncadd.s32 $0xFFFFD800  }
0x104: {  	[spmem:s3] =	stream.indirect.scatter.add.f32 [tilespmem:s22], [sflag:$0x4], $0x80, s21, s28, $0xb8;
	[tilespmem:$0x1A000] =	vst v63  }
0x105: {  	_ =	swait.ge [sflag:s23], $0x2800  }
0x106: {  	[sflag:s23] =	ssyncset.done $0x0  }
0x107: {  	s21 =	rddreg [dreg:$0x8];
	[sflag:s23] =	ssyncadd.s32 $0xFFFFD800  }
0x108: {  	[tilespmem:s22], [sflag:$0x1] =	stream.indirect.gather [hbm4b:s5+s28], $0x80, s21, s28, $0xb8;
	[tilespmem:$0x1A000] =	vst v63  }
0x109: {  	_ =	swait.ge [sflag:s0], $0x2800  }
0x10a: {  	[sflag:s0] =	ssyncset.done $0x0  }
0x10b: {  	s21 =	rddreg [dreg:$0x9];
	[sflag:s0] =	ssyncadd.s32 $0xFFFFD800  }
0x10c: {  	[spmem:s3] =	stream.indirect.scatter.add.f32 [tilespmem:s31], [sflag:$0x4], $0x80, s21, s28, $0xb8;
	[tilespmem:$0x1A000] =	vst v63  }
0x10d: {  	_ =	swait.ge [sflag:s23], $0x2800  }
0x10e: {  	[sflag:s23] =	ssyncset.done $0x0  }
0x10f: {  	s21 =	rddreg [dreg:$0xa];
	[sflag:s23] =	ssyncadd.s32 $0xFFFFD800  }
0x110: {  	[tilespmem:s31], [sflag:$0x1] =	stream.indirect.gather [hbm4b:s5+s28], $0x80, s21, s28, $0xb8;
	[tilespmem:$0x1A000] =	vst v63  }
0x111: {  	_ =	swait.ge [sflag:s0], $0x2800  }
0x112: {  	[sflag:s0] =	ssyncset.done $0x0  }
0x113: {  	s21 =	rddreg [dreg:$0xb];
	[sflag:s0] =	ssyncadd.s32 $0xFFFFD800  }
0x114: {  	[spmem:s3] =	stream.indirect.scatter.add.f32 [tilespmem:s22], [sflag:$0x4], $0x80, s21, s28, $0xb8;
	[tilespmem:$0x1A000] =	vst v63  }
0x115: {  	_ =	swait.ge [sflag:s23], $0x2800  }
0x116: {  	[sflag:s23] =	ssyncset.done $0x0  }
0x117: {  	[sflag:s23] =	ssyncadd.s32 $0xFFFFD800  }
0x118: {  	_ =	swait.ge [sflag:s13], $0x280  }
0x119: {  	[sflag:s13] =	ssyncset.done $0x0  }
0x11a: {  	[sflag:s13] =	ssyncadd.s32 $0xFFFFFD80  }
0x11b: {  	[tilespmem:s22], [sflag:$0x1] =	stream.indirect.gather [hbm4b:s5+s28], $0x80, s4, s28, $0xb8;
	[tilespmem:$0x1A000] =	vst v63  }
0x11c: {  	_ =	swait.ge [sflag:s0], $0x2800  }
0x11d: {  	[sflag:s0] =	ssyncset.done $0x0  }
0x11e: {  	p0 =	sne.s32 s16, $0x16;
	s21 =	rddreg [dreg:$0xc];
	[sflag:s0] =	ssyncadd.s32 $0xFFFFD800  }
0x11f: {  	[spmem:s3] =	stream.indirect.scatter.add.f32 [tilespmem:s31], [sflag:$0x4], $0x80, s21, s28, $0xb8;
	[tilespmem:$0x1A000] =	vst v63  }
.Ltmp1:
0x120: {  	s18 =	smov.u32 s16;
	(pc) =	sbr.rel @p0 .LBB2_4-.Ltmp1, $4  }
0x121: {  	s18 =	smin.u32 s18, $0x15;
	_ =	swait.ge [sflag:s23], $0x2800  }
0x122: {  	s16 =	sadd.s32 $0x2, s16;
	s18 =	sshll.u32 s18, $0xA;
	s21 =	rddreg [dreg:$0x4]  }
0x123: {  	s17 =	sadd.s32 $0x800, s17;
	[sflag:s23] =	ssyncset.done $0x0;
	s18 =	sadd.s32 s18, s21  }
0x124: {  	s19 =	sadd.s32 s6, s19;
	[sflag:s23] =	ssyncadd.s32 $0xFFFFD800;
	s20 =	sshrl.u32 s18, $0x3  }
0x125: {  	[tilespmem:s24], [sflag:$0x3] =	stream.linear.gather [hbm4b:s19+s4], $0x280, $0x38;
	[tilespmem:$0x1A000] =	vst v63  }
0x126: {  	s16 =	sadd.s32 s2, s20  }
0x127: {  	[tilespmem:s25], [sflag:$0x2] =	stream.linear.gather [hbm4b:s16+s4], $0x280, $0x38;
	[tilespmem:$0x1A000] =	vst v63  }
0x128: {  	s19 =	sadd.s32 s6, s20  }
0x129: {  	[tilespmem:s26], [sflag:$0x3] =	stream.linear.gather [hbm4b:s19+s4], $0x280, $0x38;
	[tilespmem:$0x1A000] =	vst v63  }
0x12a: {  	_ =	swait.ge [sflag:s29], $0x280  }
0x12b: {  	[sflag:s29] =	ssyncset.done $0x0  }
0x12c: {  	[sflag:s29] =	ssyncadd.s32 $0xFFFFFD80  }
0x12d: {  	[tilespmem:s31], [sflag:$0x1] =	stream.indirect.gather [hbm4b:s5+s28], $0x80, s30, s28, $0xb8;
	[tilespmem:$0x1A000] =	vst v63  }
0x12e: {  	_ =	swait.ge [sflag:s0], $0x2800  }
0x12f: {  	[sflag:s0] =	ssyncset.done $0x0  }
0x130: {  	[sflag:s0] =	ssyncadd.s32 $0xFFFFD800  }
0x131: {  	[spmem:s3] =	stream.indirect.scatter.add.f32 [tilespmem:s22], [sflag:$0x4], $0x80, s24, s28, $0xb8;
	[tilespmem:$0x1A000] =	vst v63  }
0x132: {  	_ =	swait.ge [sflag:s23], $0x2800  }
0x133: {  	[sflag:s23] =	ssyncset.done $0x0  }
0x134: {  	[sflag:s23] =	ssyncadd.s32 $0xFFFFD800  }
0x135: {  	[tilespmem:s22], [sflag:$0x1] =	stream.indirect.gather [hbm4b:s5+s28], $0x80, s1, s28, $0xb8;
	[tilespmem:$0x1A000] =	vst v63  }
0x136: {  	_ =	swait.ge [sflag:s0], $0x2800  }
0x137: {  	[sflag:s0] =	ssyncset.done $0x0  }
0x138: {  	[sflag:s0] =	ssyncadd.s32 $0xFFFFD800  }
0x139: {  	[spmem:s3] =	stream.indirect.scatter.add.f32 [tilespmem:s31], [sflag:$0x4], $0x80, s8, s28, $0xb8;
	[tilespmem:$0x1A000] =	vst v63  }
0x13a: {  	_ =	swait.ge [sflag:s23], $0x2800  }
0x13b: {  	[sflag:s23] =	ssyncset.done $0x0  }
0x13c: {  	[sflag:s23] =	ssyncadd.s32 $0xFFFFD800  }
0x13d: {  	[tilespmem:s31], [sflag:$0x1] =	stream.indirect.gather [hbm4b:s5+s28], $0x80, s9, s28, $0xb8;
	[tilespmem:$0x1A000] =	vst v63  }
0x13e: {  	_ =	swait.ge [sflag:s0], $0x2800  }
0x13f: {  	[sflag:s0] =	ssyncset.done $0x0  }
0x140: {  	[sflag:s0] =	ssyncadd.s32 $0xFFFFD800  }
0x141: {  	[spmem:s3] =	stream.indirect.scatter.add.f32 [tilespmem:s22], [sflag:$0x4], $0x80, s10, s28, $0xb8;
	[tilespmem:$0x1A000] =	vst v63  }
0x142: {  	_ =	swait.ge [sflag:s23], $0x2800  }
0x143: {  	[sflag:s23] =	ssyncset.done $0x0  }
0x144: {  	[sflag:s23] =	ssyncadd.s32 $0xFFFFD800  }
0x145: {  	[tilespmem:s22], [sflag:$0x1] =	stream.indirect.gather [hbm4b:s5+s28], $0x80, s11, s28, $0xb8;
	[tilespmem:$0x1A000] =	vst v63  }
0x146: {  	_ =	swait.ge [sflag:s0], $0x2800  }
0x147: {  	[sflag:s0] =	ssyncset.done $0x0  }
0x148: {  	[sflag:s0] =	ssyncadd.s32 $0xFFFFD800  }
0x149: {  	[spmem:s3] =	stream.indirect.scatter.add.f32 [tilespmem:s31], [sflag:$0x4], $0x80, s12, s28, $0xb8;
	[tilespmem:$0x1A000] =	vst v63  }
0x14a: {  	_ =	swait.ge [sflag:s23], $0x2800  }
0x14b: {  	[sflag:s23] =	ssyncset.done $0x0  }
0x14c: {  	[sflag:s23] =	ssyncadd.s32 $0xFFFFD800  }
0x14d: {  	[tilespmem:s31], [sflag:$0x1] =	stream.indirect.gather [hbm4b:s5+s28], $0x80, s11, s28, $0xb8;
	[tilespmem:$0x1A000] =	vst v63  }
0x14e: {  	_ =	swait.ge [sflag:s0], $0x2800  }
0x14f: {  	[sflag:s0] =	ssyncset.done $0x0  }
0x150: {  	[sflag:s0] =	ssyncadd.s32 $0xFFFFD800  }
0x151: {  	[spmem:s3] =	stream.indirect.scatter.add.f32 [tilespmem:s22], [sflag:$0x4], $0x80, s14, s28, $0xb8;
	[tilespmem:$0x1A000] =	vst v63  }
0x152: {  	_ =	swait.ge [sflag:s23], $0x2800  }
0x153: {  	[sflag:s23] =	ssyncset.done $0x0  }
0x154: {  	[sflag:s23] =	ssyncadd.s32 $0xFFFFD800  }
0x155: {  	_ =	swait.ge [sflag:s0], $0x2800  }
0x156: {  	[sflag:s0] =	ssyncset.done $0x0  }
0x157: {  	[sflag:s0] =	ssyncadd.s32 $0xFFFFD800  }
0x158: {  	_ =	swait.ge [sflag:s13], $0x280  }
0x159: {  	[sflag:s13] =	ssyncset.done $0x0  }
0x15a: {  	[sflag:s13] =	ssyncadd.s32 $0xFFFFFD80  }
0x15b: {  	_ =	swait.ge [sflag:s29], $0x280  }
0x15c: {  	[sflag:s29] =	ssyncset.done $0x0  }
0x15d: {  	s20 =	stileid.u32;
	[sflag:s29] =	ssyncadd.s32 $0xFFFFFD80  }
0x15e: {  	s16 =	sshll.u32 s20, $0x6;
	[bflag:$0x0] =	sbarrier.arrive $0xFFFF  }
0x15f: {  	s17 =	sshrl.u32 s7, $0x3;
	s16 =	sor.u32 $0x1C04, s16;
	s18 =	rddreg [dreg:$0x18]  }
0x160: {  	[hbm:s18], [sflag:s16] =	dma.local [spmem:s17], $0x2800  }
0x161: {  	_ =	swait.ge [sflag:s23], $0x2800  }
0x162: {  	s15 =	sadd.s32 $0x1, s15;
	s21 =	rddreg [dreg:$0x19]  }
0x163: {  	p0 =	sne.s32 s15, s21  }
.Ltmp2:
0x164: {  	_ = 	snop;
	(pc) =	sbr.rel @p0 .LBB2_1-.Ltmp2, $3  }
0x165: {  	_ =	sdelay $0x1  }
0x166: {  	[sflag:s23] =	ssyncset.done $0x0  }
0x167: {  	[sflag:s23] =	ssyncadd.s32 $0xFFFFD800  }
0x168: {  	_ =	sfence.sel $0x180000  }
0x169: {  	[bflag:$0x0] =	sbarrier.arrive $0xFFFF  }
0x16a: {  	_ =	strace $0x9000004D  }
0x16b: {  	s0 =	stileid.u32;
	[bflag:$0x2] =	sbarrier.arrive $0xFFFF  }
0x16c: {  	p0 =	sne.s32 s0, $0x0;
	s0 =	rddreg [dreg:$0x3]  }
0x16d: {  	s0 =	sadd.s32 @!p0 $0x100000, s0  }
0x16e: {  	[sflag:s0] =	ssyncadd.tile.s32 @!p0 $0x1;
	_ =	shalt  }
.Lfunc_end2:
_tile_overlayer_lowered:
.L_overlay_start_2:
0x16f: {  	(tag) =	ssettag $0x2  }
0x170: {  	s0 =	rddreg [dreg:$0x0];
	s2 =	stileid.u32  }
0x171: {  	s1 =	rddreg [dreg:$0x1];
	p0 =	sne.s32 s2, $0x0  }
0x172: {  	s3 =	rddreg [dreg:$0x2];
	[bflag:$0x3] =	sbarrier.arrive $0xFFFF;
	s2 =	simm.s32 @!p0 $0x1C04  }
0x173: {  	[timem:s3], [sflag:s2] =	dma.local @!p0 [hbm:s0], s1  }
0x174: {  	s0 =	simm.s32 @!p0 $0x4  }
0x175: {  	_ =	swait.ge @!p0 [sflag:s0], s1  }
0x176: {  	s1 =	ssub.s32 @!p0 $0x0, s1;
	[sflag:s0] =	ssyncset.done @!p0 $0x0  }
0x177: {  	[sflag:s0] =	ssyncadd.s32 @!p0 s1  }
0x178: {  	[bflag:$0x3] =	sbarrier.arrive $0xFFFF  }
0x179: {  	_ =	shalt  }

// kernel: kernel.19.cloned.1.call-start
scs
__scs_entry_jumppad:
0x0: {  	(pc) =	sbr.rel $0x88, $3  }
0x1: {  	(tag) =	ssettag $0x0;
	lr =	simm.s32 $0x1  }
0x2: {  	[smem:$0x3F99] =	sst lr;
	_ =	strace $0xD0000000  }
0x3: {  	_ = 	snop  }
0x4: {  	_ = 	snop  }
0x5: {  	_ = 	snop  }
0x6: {  	_ = 	snop  }
0x7: {  	_ = 	snop  }
__scs_overlays_trampoline_lowered:
0x8: {  	[smem:$0x3FA8] =	sst s0  }
0x9: {  	[smem:$0x3FA9] =	sst s1  }
0xa: {  	[smem:$0x3FAA] =	sst s2  }
0xb: {  	[smem:$0x3FAB] =	sst s3  }
0xc: {  	[smem:$0x3FAC] =	sst s4  }
0xd: {  	[smem:$0x3FAD] =	sst s5  }
0xe: {  	[smem:$0x3FAE] =	sst s6  }
0xf: {  	[smem:$0x3FAF] =	sst s7  }
0x10: {  	[smem:$0x3FB0] =	sst s8  }
0x11: {  	[smem:$0x3FB1] =	sst s9;
	s0 =	simm.s32 @!p0 $0x0  }
0x12: {  	s1 =	sld [smem:$0x3F97];
	s0 =	simm.s32 @p0 $0x1  }
0x13: {  	[smem:$0x3FB2] =	sst s0;
	s0 =	simm.s32 @!p1 $0x0  }
0x14: {  	s2 =	sld [smem:$0x3F96];
	s0 =	simm.s32 @p1 $0x1  }
0x15: {  	[smem:$0x3FB3] =	sst s0;
	s0 =	simm.s32 @!p2 $0x0  }
0x16: {  	s3 =	sld [smem:$0x3FDB];
	s0 =	simm.s32 @p2 $0x1  }
0x17: {  	s4 =	simm.s32 $0x1BF5;
	[smem:$0x3FB5] =	sst s0  }
0x18: {  	s0 =	sld [smem:$0x3F98];
	_ =	swait.ge [sflag:s4], $0x0  }
0x19: {  	s7 =	sld [smem:$0x3F99]  }
0x1a: {  	s8 =	sadd.s32 $0xFFFFE003, lr  }
0x1b: {  	s9 =	sadd.s32 $0xFFFFFEF7, lr;
	s5 =	simm.s32 $0xFFFFFFFF;
	p2 =	slt.u32 s8, $0xFFFFF086  }
0x1c: {  	p1 =	slt.u32 s9, $0xF7A;
	s5 =	simm.s32 @!p2 $0x0  }
0x1d: {  	s5 =	simm.s32 @p1 $0x1;
	p0 =	seq.s32 s7, s2  }
0x1e: {  	s7 =	smul.u32 @!p0 $0xF7A, s2;
	p2 =	seq.s32 @!p0 s5, $0x0  }
0x1f: {  	s9 =	smul.u32 $0xF7A, s1;
	s8 =	simm.s32 @!p0 $0x1BF5;
	p2 =	por !p2, p0  }
0x20: {  	[sflag:s8] =	ssyncset.s32 @!p0 $0xFFFFF086;
	s6 =	sadd.s32 @!p0 s3, s7;
	s7 =	simm.s32 @!p0 $0x108  }
0x21: {  	s3 =	sadd.s32 s3, s9;
	s6 =	sadd.s32 @!p0 $0x88, s6;
	s7 =	simm.s32 @p2 $0x1082  }
0x22: {  	[simem:s7], [sflag:s8] =	dma.local @!p0 [hbm:s6], $0xF7A  }
0x23: {  	s9 =	sor.u32 $0xD0000000, s2;
	s6 =	simm.s32 $0x108;
	_ =	swait.ge @!p0 [sflag:s8], $0x0  }
0x24: {  	s3 =	sadd.s32 $0x88, s3;
	s6 =	simm.s32 @!p1 $0x1082;
	[sflag:s4] =	ssyncset.s32 $0xFFFFF086  }
0x25: {  	[simem:s6], [sflag:s4] =	dma.local [hbm:s3], $0xF7A  }
0x26: {  	[smem:$0x3F99] =	sst s1;
	(tag) =	ssettag s2;
	_ =	strace s9  }
0x27: {  	s1 =	sld [smem:$0x3FA9]  }
0x28: {  	s2 =	sld [smem:$0x3FAA]  }
0x29: {  	s4 =	sld [smem:$0x3FAC]  }
0x2a: {  	p0 =	seq.s32 s5, $0x0;
	s5 =	sld [smem:$0x3FAD]  }
0x2b: {  	s6 =	sld [smem:$0x3FAE]  }
0x2c: {  	s7 =	sld [smem:$0x3FAF]  }
0x2d: {  	s3 =	simm.s32 $0x108;
	s8 =	sld [smem:$0x3FB0]  }
0x2e: {  	s3 =	simm.s32 @!p0 $0x1082;
	s9 =	sld [smem:$0x3FB1]  }
0x2f: {  	lr =	sadd.s32 s0, s3;
	s0 =	sld [smem:$0x3FA8]  }
0x30: {  	s3 =	sld [smem:$0x3FAB]  }
0x31: {  	[smem:$0x3FB4] =	sst s10  }
0x32: {  	s10 =	sld [smem:$0x3FB2];
	_ =	sdelay $0x3  }
0x33: {  	p0 =	seq.s32 s10, $0x1;
	s10 =	sld [smem:$0x3FB4];
	_ =	sdelay $0x3  }
0x34: {  	[smem:$0x3FB4] =	sst s10  }
0x35: {  	s10 =	sld [smem:$0x3FB3];
	_ =	sdelay $0x3  }
0x36: {  	p1 =	seq.s32 s10, $0x1;
	s10 =	sld [smem:$0x3FB4];
	_ =	sdelay $0x3  }
0x37: {  	[smem:$0x3FB4] =	sst s10  }
0x38: {  	s10 =	sld [smem:$0x3FB5]  }
0x39: {  	_ = 	snop;
	(pc) =	sbr.ind lr, $3  }
0x3a: {  	_ = 	snop  }
0x3b: {  	_ = 	snop  }
0x3c: {  	p2 =	seq.s32 s10, $0x1;
	s10 =	sld [smem:$0x3FB4]  }
0x3d: {  	_ =	shalt  }
0x3e: {  	_ =	shalt  }
0x3f: {  	_ =	shalt  }
0x40: {  	_ =	shalt  }
0x41: {  	_ =	shalt  }
0x42: {  	_ =	shalt  }
0x43: {  	_ =	shalt  }
0x44: {  	_ =	shalt  }
0x45: {  	_ =	shalt  }
0x46: {  	_ =	shalt  }
0x47: {  	_ =	shalt  }
0x48: {  	_ =	shalt  }
0x49: {  	_ =	shalt  }
0x4a: {  	_ =	shalt  }
0x4b: {  	_ =	shalt  }
0x4c: {  	_ =	shalt  }
0x4d: {  	_ =	shalt  }
0x4e: {  	_ =	shalt  }
0x4f: {  	_ =	shalt  }
0x50: {  	_ =	shalt  }
0x51: {  	_ =	shalt  }
0x52: {  	_ =	shalt  }
0x53: {  	_ =	shalt  }
0x54: {  	_ =	shalt  }
0x55: {  	_ =	shalt  }
0x56: {  	_ =	shalt  }
0x57: {  	_ =	shalt  }
0x58: {  	_ =	shalt  }
0x59: {  	_ =	shalt  }
0x5a: {  	_ =	shalt  }
0x5b: {  	_ =	shalt  }
0x5c: {  	_ =	shalt  }
0x5d: {  	_ =	shalt  }
0x5e: {  	_ =	shalt  }
0x5f: {  	_ =	shalt  }
0x60: {  	_ =	shalt  }
0x61: {  	_ =	shalt  }
0x62: {  	_ =	shalt  }
0x63: {  	_ =	shalt  }
0x64: {  	_ =	shalt  }
0x65: {  	_ =	shalt  }
0x66: {  	_ =	shalt  }
0x67: {  	_ =	shalt  }
0x68: {  	_ =	shalt  }
0x69: {  	_ =	shalt  }
0x6a: {  	_ =	shalt  }
0x6b: {  	_ =	shalt  }
0x6c: {  	_ =	shalt  }
0x6d: {  	_ =	shalt  }
0x6e: {  	_ =	shalt  }
0x6f: {  	_ =	shalt  }
0x70: {  	_ =	shalt  }
0x71: {  	_ =	shalt  }
0x72: {  	_ =	shalt  }
0x73: {  	_ =	shalt  }
0x74: {  	_ =	shalt  }
0x75: {  	_ =	shalt  }
0x76: {  	_ =	shalt  }
0x77: {  	_ =	shalt  }
0x78: {  	_ =	shalt  }
0x79: {  	_ =	shalt  }
0x7a: {  	_ =	shalt  }
0x7b: {  	_ =	shalt  }
0x7c: {  	_ =	shalt  }
0x7d: {  	_ =	shalt  }
0x7e: {  	_ =	shalt  }
0x7f: {  	_ =	shalt  }
0x80: {  	_ =	shalt  }
0x81: {  	_ =	shalt  }
0x82: {  	_ =	shalt  }
0x83: {  	_ =	shalt  }
0x84: {  	_ =	shalt  }
0x85: {  	_ =	shalt  }
0x86: {  	_ =	shalt  }
0x87: {  	_ =	shalt  }
.Lfunc_end0:
.L_simem_size_0:
called_computation.3_lowered:
.L_overlay_start_0:
0x88: {  	s2 =	sld [smem:$0x3FD9]  }
0x89: {  	s3 =	sld [smem:$0x3FFE];
	_ =	sdelay $0x1  }
0x8a: {  	s1 =	srdreg.scid  }
0x8b: {  	s0 =	sand.u32 $0x1, s1  }
0x8c: {  	s17 =	sshll.u32 s0, $0xA;
	s2 =	sadd.s32 s3, s2  }
0x8d: {  	s2 =	sadd.s32 s2, s17  }
0x8e: {  	[smem:$0x3FC0] =	sst s2  }
0x8f: {  	_ = 	snop  }
0x90: {  	s2 =	sld [smem:$0x3FD0];
	(tm) =	ssettm $0x1  }
0x91: {  	s18 =	sld [smem:$0x3FFB];
	_ =	sdelay $0x3  }
0x92: {  	_ =	strace s18  }
0x93: {  	s3 =	sld [smem:$0x3FFC];
	_ =	sdelay $0x3  }
0x94: {  	_ =	strace s3  }
0x95: {  	s3 =	sld [smem:$0x3FFD];
	_ =	sdelay $0x3  }
0x96: {  	_ =	strace s3  }
0x97: {  	_ =	strace $0x8FFFFFFF  }
0x98: {  	s19 =	sld [smem:$0x3FDB];
	_ =	sdelay $0x1  }
0x99: {  	s4 =	simm.s32 $_scs_section_size  }
0x9a: {  	s5 =	simm.s32 $_size__tile_overlayer_lowered;
	s6 =	simm.s32 $_tile_overlayer_lowered  }
0x9b: {  	s22 =	simm.s32 $0x1BFF;
	s21 =	sshll.u32 s6, $0x1;
	s3 =	sadd.s32 s4, s19  }
0x9c: {  	s7 =	simm.s32 $0x0;
	s20 =	sshll.u32 s5, $0x1;
	s5 =	sadd.s32 s21, s3  }
0x9d: {  	[timem:s7], [sflag:s22] =	dma.local [hbm:s5], s20  }
0x9e: {  	_ =	swait.ge [sflag:s22], s20  }
0x9f: {  	s4 =	ssub.s32 $0x0, s20;
	[sflag:s22] =	ssyncset.done $0x0  }
0xa0: {  	[sflag:s22] =	ssyncadd.s32 s4;
	_ =	sdelay $0x1  }
0xa1: {  	s23 =	simm.s32 $0x1B8B  }
0xa2: {  	_ =	swait.ge [sflag:s23], $0x1  }
0xa3: {  	[sflag:s23] =	ssyncset.done $0x0  }
0xa4: {  	s25 =	simm.s32 $0x1B8E;
	s24 =	sld [smem:$0x3FFE];
	[sflag:s23] =	ssyncadd.s32 $0xFFFFFFFF  }
0xa5: {  	s26 =	simm.s32 $execute0_lowered;
	[smem:$0x3FD2] =	sst s25  }
0xa6: {  	s5 =	sshll.u32 s26, $0x1;
	_ =	strace $0x8000004F;
	[dreg:$0x1] =	wrdreg $0xFFFFFFFF  }
0xa7: {  	s28 =	simm.s32 $_size_execute0_lowered;
	s3 =	sadd.s32 s3, s5;
	[dreg:$0x0] =	wrdreg $0x0  }
0xa8: {  	s5 =	sshll.u32 s28, $0x1;
	[dreg:$0x2] =	wrdreg s3  }
0xa9: {  	[dreg:$0x3] =	wrdreg s5  }
0xaa: {  	[dreg:$0x4] =	wrdreg $0xC0  }
0xab: {  	_ =	task [dreg:s7], $0x5FFFF  }
0xac: {  	[dreg:$0x1] =	wrdreg $0xFFFFFFFF  }
0xad: {  	[dreg:$0x0] =	wrdreg $0x60  }
0xae: {  	[dreg:$0x2] =	wrdreg s24  }
0xaf: {  	[dreg:$0x3] =	wrdreg s2  }
0xb0: {  	[dreg:$0x4] =	wrdreg $0x60000  }
0xb1: {  	[dreg:$0x5] =	wrdreg $0x9  }
0xb2: {  	_ =	task.clear_ibuf [dreg:s7], $0x6FFFF;
	_ =	strace $0x9000004F  }
0xb3: {  	s29 =	simm.s32 $0x9;
	_ =	strace $0x80000051  }
0xb4: {  	_ =	swait.ge [sflag:s29], $0x1  }
0xb5: {  	[sflag:s29] =	ssyncadd.s32 $0xFFFFFFFF  }
0xb6: {  	_ =	strace $0x90000051  }
0xb7: {  	_ =	sfence  }
0xb8: {  	s30 =	sld [smem:$0x0];
	_ =	sdelay $0x2  }
0xb9: {  	s31 =	sshll.u32 s1, $0xD;
	s1 =	sshrl.u32 s1, $0x2  }
0xba: {  	s3 =	sand.u32 $0x4000, s31;
	s1 =	sadd.s32 s1, s30  }
0xbb: {  	s0 =	sor.u32 s3, s0;
	s1 =	sshll.u32 s1, $0x11  }
0xbc: {  	s0 =	sor.u32 s1, s0  }
0xbd: {  	s0 =	sadd.s32 $0x8F2B, s0  }
0xbe: {  	[sflag:s0] =	ssyncadd.remote.s32 $0x1  }
0xbf: {  	_ =	sfence.sel $0xFFFF  }
0xc0: {  	[dreg:$0x0] =	wrdreg $0xFFFFFFFF;
	(pc) =	sbr.abs _section_cstart, $3  }
0xc1: {  	[dreg:$0x1] =	wrdreg $0xFFFFFFFF  }
0xc2: {  	_ =	task.clear_ibuf [dreg:s7], $0x2FFFF;
	_ =	strace $0x9FFFFFFF  }
0xc3: {  	(tm) =	ssettm $0x7FFFFFFF  }
tec
execute0_lowered:
.L_overlay_start_1:
0x0: {  	(tag) =	ssettag $0x1  }
0x1: {  	s0 =	rddreg [dreg:$0x0]  }
0x2: {  	s2 =	rddreg [dreg:$0x1];
	s1 =	srdreg.scid  }
0x3: {  	s3 =	rddreg [dreg:$0x2];
	s11 =	stileid.u32  }
0x4: {  	s4 =	simm.s32 $0x0;
	s18 =	simm.s32 $0x480;
	s19 =	simm.s32 $0x500  }
0x5: {  	s21 =	simm.s32 $0xC80;
	s28 =	simm.s32 $0x50;
	s6 =	smul.u32 $0x14000, s11  }
0x6: {  	s1 =	sand.u32 $0x1, s1;
	[smem:$0x7FF] =	sst s4;
	s8 =	smul.u32 $0x50000, s11  }
0x7: {  	s20 =	smul.u32 $0x6400, s11;
	_ =	strace $0x80000050;
	[dreg:$0x5] =	wrdreg s18  }
0x8: {  	s5 =	smul.u32 $0x140000, s1;
	s22 =	ssub.s32 $0x2, s1;
	[dreg:$0x6] =	wrdreg s19  }
0x9: {  	s10 =	sshll.u32 s1, $0x4;
	s1 =	smul.u32 $0x64000, s1;
	[dreg:$0x7] =	wrdreg s21  }
0xa: {  	s9 =	sshrl.u32 s22, $0x1;
	s8 =	sshrl.u32 s8, $0x2;
	s6 =	sadd.s32 s6, s5  }
0xb: {  	s5 =	sadd.s32 $0x7C000, s0;
	s9 =	ssub.s32 s22, s9;
	s22 =	simm.s32 $0x580  }
0xc: {  	s1 =	sadd.s32 s20, s1;
	s7 =	sshrl.u32 s6, $0x3;
	s6 =	sadd.s32 $0x63000, s0  }
0xd: {  	s9 =	smax.u32 s9, $0x1;
	[dreg:$0x8] =	wrdreg s22;
	s1 =	sadd.s32 $0x800, s1  }
0xe: {  	s0 =	sadd.s32 s7, s0;
	s7 =	sadd.s32 s8, s3;
	[dreg:$0x19] =	wrdreg s9  }
0xf: {  	s29 =	simm.s32 $0x3;
	[dreg:$0x1a] =	wrdreg s1;
	s8 =	sadd.s32 $0x2800, s7  }
0x10: {  	s30 =	simm.s32 $0x80;
	s23 =	sadd.s32 $0x5000, s7;
	[dreg:$0xd] =	wrdreg s8  }
0x11: {  	s31 =	simm.s32 $0x3800;
	s25 =	sadd.s32 $0x7800, s7;
	[dreg:$0xe] =	wrdreg s23  }
0x12: {  	s10 =	sor.u32 s11, s10;
	s26 =	sadd.s32 $0xA000, s7;
	[dreg:$0xf] =	wrdreg s25  }
0x13: {  	s24 =	smul.u32 $0x6400, s10;
	s12 =	sadd.s32 $0xC800, s7;
	[dreg:$0x10] =	wrdreg s26  }
0x14: {  	s11 =	simm.s32 $0x200;
	s13 =	sadd.s32 $0xF000, s7;
	[dreg:$0x11] =	wrdreg s12  }
0x15: {  	s15 =	sshrl.u32 s24, $0x3;
	s14 =	sadd.s32 $0x11800, s7;
	[dreg:$0x12] =	wrdreg s13  }
0x16: {  	s22 =	simm.s32 $0x1000;
	s16 =	sadd.s32 s6, s15;
	[dreg:$0x13] =	wrdreg s14  }
0x17: {  	s1 =	simm.s32 $0x100;
	s0 =	sadd.s32 $0xA4000, s0;
	[dreg:$0x15] =	wrdreg s16  }
0x18: {  	s10 =	sadd.s32 $0x80, s15;
	s12 =	sadd.s32 s2, s15;
	[dreg:$0x18] =	wrdreg s0  }
0x19: {  	s9 =	simm.s32 $0x180;
	s17 =	sadd.s32 s2, s10;
	[dreg:$0x14] =	wrdreg s12  }
0x1a: {  	s10 =	sadd.s32 s6, s10;
	s8 =	sadd.s32 $0xC00, s24;
	[dreg:$0x16] =	wrdreg s17  }
0x1b: {  	s23 =	simm.s32 $0xD00;
	s24 =	simm.s32 $0x600;
	[dreg:$0x17] =	wrdreg s10  }
0x1c: {  	s25 =	simm.s32 $0xD80;
	s26 =	simm.s32 $0xE00;
	[dreg:$0x4] =	wrdreg s8  }
0x1d: {  	s0 =	simm.s32 $0x1;
	s13 =	simm.s32 $0x2;
	[dreg:$0x9] =	wrdreg s23  }
0x1e: {  	s14 =	simm.s32 $0xA00;
	s15 =	simm.s32 $0x0;
	[dreg:$0xa] =	wrdreg s24  }
0x1f: {  	s23 =	simm.s32 $0x4;
	[dreg:$0xb] =	wrdreg s25;
	s24 =	simm.s32 $0x800  }
0x20: {  	[dreg:$0xc] =	wrdreg s26;
	s25 =	simm.s32 $0x400;
	s26 =	simm.s32 $0xC00  }
0x21: {  	v0 =	vimm.f32 $0.0e+00;
	s8 =	simm.s32 $0x880;
	s10 =	simm.s32 $0x900;
	s12 =	simm.s32 $0x980  }
.LBB2_1:
0x22: {  	s16 =	simm.s32 $0x0;
	s17 =	simm.s32 $0x200  }
.LBB2_2:
0x23: {  	p0 =	sne.s32 s17, $0x9E00;
	[tilespmem:s16+$0x1070] =	vst v0  }
0x24: {  	[tilespmem:s16+$0x1000] =	vst v0  }
0x25: {  	[tilespmem:s16+$0x1010] =	vst v0  }
.Ltmp0:
0x26: {  	[tilespmem:s16+$0x1020] =	vst v0;
	(pc) =	sbr.rel @p0 .LBB2_2-.Ltmp0, $4  }
0x27: {  	[tilespmem:s16+$0x1030] =	vst v0  }
0x28: {  	[tilespmem:s16+$0x1040] =	vst v0  }
0x29: {  	[tilespmem:s16+$0x1050] =	vst v0  }
0x2a: {  	[tilespmem:s16+$0x1060] =	vst v0;
	s16 =	sshra.s32 s17, $0x2;
	s17 =	sadd.s32 $0x200, s17  }
0x2b: {  	[tilespmem:s16+$0x1070] =	vst v0  }
0x2c: {  	[tilespmem:s16+$0x1000] =	vst v0  }
0x2d: {  	[tilespmem:s16+$0x1010] =	vst v0  }
0x2e: {  	[tilespmem:s16+$0x1020] =	vst v0  }
0x2f: {  	[tilespmem:s16+$0x1030] =	vst v0  }
0x30: {  	[tilespmem:s16+$0x1040] =	vst v0  }
0x31: {  	[tilespmem:s16+$0x1050] =	vst v0  }
0x32: {  	[tilespmem:s16+$0x1060] =	vst v0  }
0x33: {  	[spmem:s7] =	stream.linear.scatter [tilespmem:s22], [sflag:$0x4], $0x2800, $0x38;
	[tilespmem:$0x1A000] =	vst v63  }
0x34: {  	_ =	swait.ge [sflag:s23], $0x2800  }
0x35: {  	[sflag:s23] =	ssyncset.done $0x0  }
0x36: {  	s18 =	rddreg [dreg:$0xd];
	[sflag:s23] =	ssyncadd.s32 $0xFFFFD800  }
0x37: {  	[spmem:s18] =	stream.linear.scatter [tilespmem:s22], [sflag:$0x4], $0x2800, $0x38;
	[tilespmem:$0x1A000] =	vst v63  }
0x38: {  	_ =	swait.ge [sflag:s23], $0x2800  }
0x39: {  	[sflag:s23] =	ssyncset.done $0x0  }
0x3a: {  	s19 =	rddreg [dreg:$0xe];
	[sflag:s23] =	ssyncadd.s32 $0xFFFFD800  }
0x3b: {  	[spmem:s19] =	stream.linear.scatter [tilespmem:s22], [sflag:$0x4], $0x2800, $0x38;
	[tilespmem:$0x1A000] =	vst v63  }
0x3c: {  	_ =	swait.ge [sflag:s23], $0x2800  }
0x3d: {  	[sflag:s23] =	ssyncset.done $0x0  }
0x3e: {  	s20 =	rddreg [dreg:$0xf];
	[sflag:s23] =	ssyncadd.s32 $0xFFFFD800  }
0x3f: {  	[spmem:s20] =	stream.linear.scatter [tilespmem:s22], [sflag:$0x4], $0x2800, $0x38;
	[tilespmem:$0x1A000] =	vst v63  }
0x40: {  	_ =	swait.ge [sflag:s23], $0x2800  }
0x41: {  	[sflag:s23] =	ssyncset.done $0x0  }
0x42: {  	s21 =	rddreg [dreg:$0x10];
	[sflag:s23] =	ssyncadd.s32 $0xFFFFD800  }
0x43: {  	[spmem:s21] =	stream.linear.scatter [tilespmem:s22], [sflag:$0x4], $0x2800, $0x38;
	[tilespmem:$0x1A000] =	vst v63  }
0x44: {  	_ =	swait.ge [sflag:s23], $0x2800  }
0x45: {  	[sflag:s23] =	ssyncset.done $0x0  }
0x46: {  	s17 =	rddreg [dreg:$0x11];
	[sflag:s23] =	ssyncadd.s32 $0xFFFFD800  }
0x47: {  	[spmem:s17] =	stream.linear.scatter [tilespmem:s22], [sflag:$0x4], $0x2800, $0x38;
	[tilespmem:$0x1A000] =	vst v63  }
0x48: {  	_ =	swait.ge [sflag:s23], $0x2800  }
0x49: {  	[sflag:s23] =	ssyncset.done $0x0  }
0x4a: {  	s18 =	rddreg [dreg:$0x12];
	[sflag:s23] =	ssyncadd.s32 $0xFFFFD800  }
0x4b: {  	[spmem:s18] =	stream.linear.scatter [tilespmem:s22], [sflag:$0x4], $0x2800, $0x38;
	[tilespmem:$0x1A000] =	vst v63  }
0x4c: {  	_ =	swait.ge [sflag:s23], $0x2800  }
0x4d: {  	[sflag:s23] =	ssyncset.done $0x0  }
0x4e: {  	s19 =	rddreg [dreg:$0x13];
	[sflag:s23] =	ssyncadd.s32 $0xFFFFD800  }
0x4f: {  	[spmem:s19] =	stream.linear.scatter [tilespmem:s22], [sflag:$0x4], $0x2800, $0x38;
	[tilespmem:$0x1A000] =	vst v63  }
0x50: {  	_ =	swait.ge [sflag:s23], $0x2800  }
0x51: {  	[sflag:s23] =	ssyncset.done $0x0  }
0x52: {  	[sflag:s23] =	ssyncadd.s32 $0xFFFFD800  }
0x53: {  	[bflag:$0x0] =	sbarrier.arrive $0xFFFF  }
0x54: {  	s16 =	simm.s32 $0x0;
	s17 =	rddreg [dreg:$0x14]  }
0x55: {  	[tilespmem:s16], [sflag:$0x4] =	stream.linear.gather [hbm4b:s17+s16], $0x280, $0x38;
	[tilespmem:$0x1A000] =	vst v63  }
0x56: {  	_ =	swait.ge [sflag:s23], $0x280  }
0x57: {  	[sflag:s23] =	ssyncset.done $0x0  }
0x58: {  	s20 =	rddreg [dreg:$0x15];
	[sflag:s23] =	ssyncadd.s32 $0xFFFFFD80  }
0x59: {  	[tilespmem:s24], [sflag:$0x3] =	stream.linear.gather [hbm4b:s20+s16], $0x280, $0x38;
	[tilespmem:$0x1A000] =	vst v63  }
0x5a: {  	s21 =	rddreg [dreg:$0x16]  }
0x5b: {  	[tilespmem:s25], [sflag:$0x2] =	stream.linear.gather [hbm4b:s21+s16], $0x280, $0x38;
	[tilespmem:$0x1A000] =	vst v63  }
0x5c: {  	s18 =	rddreg [dreg:$0x17]  }
0x5d: {  	[tilespmem:s26], [sflag:$0x3] =	stream.linear.gather [hbm4b:s18+s16], $0x280, $0x38;
	[tilespmem:$0x1A000] =	vst v63  }
0x5e: {  	_ = 	snop  }
0x5f: {  	[tilespmem:s22], [sflag:$0x1] =	stream.indirect.gather [hbm4b:s5+s28], $0x80, s16, s28, $0xb8;
	[tilespmem:$0x1A000] =	vst v63  }
0x60: {  	_ =	swait.ge [sflag:s29], $0x280  }
0x61: {  	[sflag:s29] =	ssyncset.done $0x0  }
0x62: {  	[sflag:s29] =	ssyncadd.s32 $0xFFFFFD80  }
0x63: {  	[tilespmem:s31], [sflag:$0x1] =	stream.indirect.gather [hbm4b:s5+s28], $0x80, s30, s28, $0xb8;
	[tilespmem:$0x1A000] =	vst v63  }
0x64: {  	_ =	swait.ge [sflag:s0], $0x2800  }
0x65: {  	[sflag:s0] =	ssyncset.done $0x0  }
0x66: {  	[sflag:s0] =	ssyncadd.s32 $0xFFFFD800  }
0x67: {  	[spmem:s3] =	stream.indirect.scatter.add.f32 [tilespmem:s22], [sflag:$0x4], $0x80, s24, s28, $0xb8;
	[tilespmem:$0x1A000] =	vst v63  }
0x68: {  	_ =	swait.ge [sflag:s23], $0x2800  }
0x69: {  	[sflag:s23] =	ssyncset.done $0x0  }
0x6a: {  	[sflag:s23] =	ssyncadd.s32 $0xFFFFD800  }
0x6b: {  	[tilespmem:s22], [sflag:$0x1] =	stream.indirect.gather [hbm4b:s5+s28], $0x80, s1, s28, $0xb8;
	[tilespmem:$0x1A000] =	vst v63  }
0x6c: {  	_ =	swait.ge [sflag:s0], $0x2800  }
0x6d: {  	[sflag:s0] =	ssyncset.done $0x0  }
0x6e: {  	[sflag:s0] =	ssyncadd.s32 $0xFFFFD800  }
0x6f: {  	[spmem:s3] =	stream.indirect.scatter.add.f32 [tilespmem:s31], [sflag:$0x4], $0x80, s8, s28, $0xb8;
	[tilespmem:$0x1A000] =	vst v63  }
0x70: {  	_ =	swait.ge [sflag:s23], $0x2800  }
0x71: {  	[sflag:s23] =	ssyncset.done $0x0  }
0x72: {  	[sflag:s23] =	ssyncadd.s32 $0xFFFFD800  }
0x73: {  	[tilespmem:s31], [sflag:$0x1] =	stream.indirect.gather [hbm4b:s5+s28], $0x80, s9, s28, $0xb8;
	[tilespmem:$0x1A000] =	vst v63  }
0x74: {  	_ =	swait.ge [sflag:s0], $0x2800  }
0x75: {  	[sflag:s0] =	ssyncset.done $0x0  }
0x76: {  	[sflag:s0] =	ssyncadd.s32 $0xFFFFD800  }
0x77: {  	[spmem:s3] =	stream.indirect.scatter.add.f32 [tilespmem:s22], [sflag:$0x4], $0x80, s10, s28, $0xb8;
	[tilespmem:$0x1A000] =	vst v63  }
0x78: {  	_ =	swait.ge [sflag:s23], $0x2800  }
0x79: {  	[sflag:s23] =	ssyncset.done $0x0  }
0x7a: {  	[sflag:s23] =	ssyncadd.s32 $0xFFFFD800  }
0x7b: {  	[tilespmem:s22], [sflag:$0x1] =	stream.indirect.gather [hbm4b:s5+s28], $0x80, s11, s28, $0xb8;
	[tilespmem:$0x1A000] =	vst v63  }
0x7c: {  	_ =	swait.ge [sflag:s0], $0x2800  }
0x7d: {  	[sflag:s0] =	ssyncset.done $0x0  }
0x7e: {  	[sflag:s0] =	ssyncadd.s32 $0xFFFFD800  }
0x7f: {  	[spmem:s3] =	stream.indirect.scatter.add.f32 [tilespmem:s31], [sflag:$0x4], $0x80, s12, s28, $0xb8;
	[tilespmem:$0x1A000] =	vst v63  }
0x80: {  	_ =	swait.ge [sflag:s23], $0x2800  }
0x81: {  	[sflag:s23] =	ssyncset.done $0x0  }
0x82: {  	[sflag:s23] =	ssyncadd.s32 $0xFFFFD800  }
0x83: {  	_ =	swait.ge [sflag:s13], $0x280  }
0x84: {  	[sflag:s13] =	ssyncset.done $0x0  }
0x85: {  	[sflag:s13] =	ssyncadd.s32 $0xFFFFFD80  }
0x86: {  	[tilespmem:s31], [sflag:$0x1] =	stream.indirect.gather [hbm4b:s5+s28], $0x80, s25, s28, $0xb8;
	[tilespmem:$0x1A000] =	vst v63  }
0x87: {  	_ =	swait.ge [sflag:s0], $0x2800  }
0x88: {  	[sflag:s0] =	ssyncset.done $0x0  }
0x89: {  	[sflag:s0] =	ssyncadd.s32 $0xFFFFD800  }
0x8a: {  	[spmem:s3] =	stream.indirect.scatter.add.f32 [tilespmem:s22], [sflag:$0x4], $0x80, s14, s28, $0xb8;
	[tilespmem:$0x1A000] =	vst v63  }
0x8b: {  	_ =	swait.ge [sflag:s23], $0x2800  }
0x8c: {  	[sflag:s23] =	ssyncset.done $0x0  }
0x8d: {  	[sflag:s23] =	ssyncadd.s32 $0xFFFFD800  }
0x8e: {  	_ =	swait.ge [sflag:s29], $0x280  }
0x8f: {  	[sflag:s29] =	ssyncset.done $0x0  }
0x90: {  	s19 =	rddreg [dreg:$0x5];
	[sflag:s29] =	ssyncadd.s32 $0xFFFFFD80  }
0x91: {  	[tilespmem:s22], [sflag:$0x1] =	stream.indirect.gather [hbm4b:s5+s28], $0x80, s19, s28, $0xb8;
	[tilespmem:$0x1A000] =	vst v63  }
0x92: {  	_ =	swait.ge [sflag:s0], $0x2800  }
0x93: {  	[sflag:s0] =	ssyncset.done $0x0  }
0x94: {  	[sflag:s0] =	ssyncadd.s32 $0xFFFFD800  }
0x95: {  	[spmem:s3] =	stream.indirect.scatter.add.f32 [tilespmem:s31], [sflag:$0x4], $0x80, s26, s28, $0xb8;
	[tilespmem:$0x1A000] =	vst v63  }
0x96: {  	_ =	swait.ge [sflag:s23], $0x2800  }
0x97: {  	s21 =	rddreg [dreg:$0x1a]  }
0x98: {  	[sflag:s23] =	ssyncset.done $0x0;
	s17 =	sshrl.u32 s21, $0x3  }
0x99: {  	[sflag:s23] =	ssyncadd.s32 $0xFFFFD800;
	s18 =	sadd.s32 s2, s17  }
0x9a: {  	[tilespmem:s4], [sflag:$0x2] =	stream.linear.gather [hbm4b:s18+s4], $0x280, $0x38;
	[tilespmem:$0x1A000] =	vst v63  }
0x9b: {  	s19 =	rddreg [dreg:$0x6]  }
0x9c: {  	[tilespmem:s31], [sflag:$0x1] =	stream.indirect.gather [hbm4b:s5+s28], $0x80, s19, s28, $0xb8;
	[tilespmem:$0x1A000] =	vst v63  }
0x9d: {  	_ =	swait.ge [sflag:s0], $0x2800  }
0x9e: {  	[sflag:s0] =	ssyncset.done $0x0  }
0x9f: {  	s20 =	rddreg [dreg:$0x7];
	[sflag:s0] =	ssyncadd.s32 $0xFFFFD800  }
0xa0: {  	[spmem:s3] =	stream.indirect.scatter.add.f32 [tilespmem:s22], [sflag:$0x4], $0x80, s20, s28, $0xb8;
	[tilespmem:$0x1A000] =	vst v63  }
0xa1: {  	_ =	swait.ge [sflag:s23], $0x2800  }
0xa2: {  	[sflag:s23] =	ssyncset.done $0x0  }
0xa3: {  	s19 =	rddreg [dreg:$0x8];
	[sflag:s23] =	ssyncadd.s32 $0xFFFFD800  }
0xa4: {  	[tilespmem:s22], [sflag:$0x1] =	stream.indirect.gather [hbm4b:s5+s28], $0x80, s19, s28, $0xb8;
	[tilespmem:$0x1A000] =	vst v63  }
0xa5: {  	_ =	swait.ge [sflag:s0], $0x2800  }
0xa6: {  	[sflag:s0] =	ssyncset.done $0x0  }
0xa7: {  	s20 =	rddreg [dreg:$0x9];
	[sflag:s0] =	ssyncadd.s32 $0xFFFFD800  }
0xa8: {  	[spmem:s3] =	stream.indirect.scatter.add.f32 [tilespmem:s31], [sflag:$0x4], $0x80, s20, s28, $0xb8;
	[tilespmem:$0x1A000] =	vst v63  }
0xa9: {  	_ =	swait.ge [sflag:s23], $0x2800  }
0xaa: {  	[sflag:s23] =	ssyncset.done $0x0  }
0xab: {  	s19 =	rddreg [dreg:$0xa];
	[sflag:s23] =	ssyncadd.s32 $0xFFFFD800  }
0xac: {  	[tilespmem:s31], [sflag:$0x1] =	stream.indirect.gather [hbm4b:s5+s28], $0x80, s19, s28, $0xb8;
	[tilespmem:$0x1A000] =	vst v63  }
0xad: {  	_ =	swait.ge [sflag:s0], $0x2800  }
0xae: {  	[sflag:s0] =	ssyncset.done $0x0  }
0xaf: {  	s20 =	rddreg [dreg:$0xb];
	[sflag:s0] =	ssyncadd.s32 $0xFFFFD800  }
0xb0: {  	[spmem:s3] =	stream.indirect.scatter.add.f32 [tilespmem:s22], [sflag:$0x4], $0x80, s20, s28, $0xb8;
	[tilespmem:$0x1A000] =	vst v63  }
0xb1: {  	_ =	swait.ge [sflag:s23], $0x2800  }
0xb2: {  	[sflag:s23] =	ssyncset.done $0x0  }
0xb3: {  	[sflag:s23] =	ssyncadd.s32 $0xFFFFD800  }
0xb4: {  	_ =	swait.ge [sflag:s13], $0x280  }
0xb5: {  	[sflag:s13] =	ssyncset.done $0x0  }
0xb6: {  	[sflag:s13] =	ssyncadd.s32 $0xFFFFFD80  }
0xb7: {  	[tilespmem:s22], [sflag:$0x1] =	stream.indirect.gather [hbm4b:s5+s28], $0x80, s4, s28, $0xb8;
	[tilespmem:$0x1A000] =	vst v63  }
0xb8: {  	_ =	swait.ge [sflag:s0], $0x2800  }
0xb9: {  	[sflag:s0] =	ssyncset.done $0x0  }
0xba: {  	s19 =	rddreg [dreg:$0xc];
	[sflag:s0] =	ssyncadd.s32 $0xFFFFD800  }
0xbb: {  	[spmem:s3] =	stream.indirect.scatter.add.f32 [tilespmem:s31], [sflag:$0x4], $0x80, s19, s28, $0xb8;
	[tilespmem:$0x1A000] =	vst v63  }
0xbc: {  	s20 =	smin.u32 s16, $0x15;
	_ =	swait.ge [sflag:s23], $0x2800  }
0xbd: {  	s16 =	simm.s32 $0x2;
	s20 =	sshll.u32 s20, $0xA;
	s18 =	rddreg [dreg:$0x4]  }
0xbe: {  	s19 =	sadd.s32 s6, s17;
	[sflag:s23] =	ssyncset.done $0x0;
	s20 =	sadd.s32 s20, s18  }
0xbf: {  	s17 =	sadd.s32 $0x800, s21;
	[sflag:s23] =	ssyncadd.s32 $0xFFFFD800;
	s20 =	sshrl.u32 s20, $0x3  }
.LBB2_4:
0xc0: {  	[tilespmem:s24], [sflag:$0x3] =	stream.linear.gather [hbm4b:s19+s4], $0x280, $0x38;
	[tilespmem:$0x1A000] =	vst v63  }
0xc1: {  	s21 =	sadd.s32 s2, s20  }
0xc2: {  	[tilespmem:s25], [sflag:$0x2] =	stream.linear.gather [hbm4b:s21+s4], $0x280, $0x38;
	[tilespmem:$0x1A000] =	vst v63  }
0xc3: {  	s21 =	sadd.s32 s6, s20  }
0xc4: {  	[tilespmem:s26], [sflag:$0x3] =	stream.linear.gather [hbm4b:s21+s4], $0x280, $0x38;
	[tilespmem:$0x1A000] =	vst v63  }
0xc5: {  	_ =	swait.ge [sflag:s29], $0x280  }
0xc6: {  	[sflag:s29] =	ssyncset.done $0x0  }
0xc7: {  	[sflag:s29] =	ssyncadd.s32 $0xFFFFFD80  }
0xc8: {  	[tilespmem:s31], [sflag:$0x1] =	stream.indirect.gather [hbm4b:s5+s28], $0x80, s30, s28, $0xb8;
	[tilespmem:$0x1A000] =	vst v63  }
0xc9: {  	_ =	swait.ge [sflag:s0], $0x2800  }
0xca: {  	[sflag:s0] =	ssyncset.done $0x0  }
0xcb: {  	[sflag:s0] =	ssyncadd.s32 $0xFFFFD800  }
0xcc: {  	[spmem:s3] =	stream.indirect.scatter.add.f32 [tilespmem:s22], [sflag:$0x4], $0x80, s24, s28, $0xb8;
	[tilespmem:$0x1A000] =	vst v63  }
0xcd: {  	_ =	swait.ge [sflag:s23], $0x2800  }
0xce: {  	[sflag:s23] =	ssyncset.done $0x0  }
0xcf: {  	[sflag:s23] =	ssyncadd.s32 $0xFFFFD800  }
0xd0: {  	[tilespmem:s22], [sflag:$0x1] =	stream.indirect.gather [hbm4b:s5+s28], $0x80, s1, s28, $0xb8;
	[tilespmem:$0x1A000] =	vst v63  }
0xd1: {  	_ =	swait.ge [sflag:s0], $0x2800  }
0xd2: {  	[sflag:s0] =	ssyncset.done $0x0  }
0xd3: {  	[sflag:s0] =	ssyncadd.s32 $0xFFFFD800  }
0xd4: {  	[spmem:s3] =	stream.indirect.scatter.add.f32 [tilespmem:s31], [sflag:$0x4], $0x80, s8, s28, $0xb8;
	[tilespmem:$0x1A000] =	vst v63  }
0xd5: {  	_ =	swait.ge [sflag:s23], $0x2800  }
0xd6: {  	[sflag:s23] =	ssyncset.done $0x0  }
0xd7: {  	[sflag:s23] =	ssyncadd.s32 $0xFFFFD800  }
0xd8: {  	[tilespmem:s31], [sflag:$0x1] =	stream.indirect.gather [hbm4b:s5+s28], $0x80, s9, s28, $0xb8;
	[tilespmem:$0x1A000] =	vst v63  }
0xd9: {  	_ =	swait.ge [sflag:s0], $0x2800  }
0xda: {  	[sflag:s0] =	ssyncset.done $0x0  }
0xdb: {  	[sflag:s0] =	ssyncadd.s32 $0xFFFFD800  }
0xdc: {  	[spmem:s3] =	stream.indirect.scatter.add.f32 [tilespmem:s22], [sflag:$0x4], $0x80, s10, s28, $0xb8;
	[tilespmem:$0x1A000] =	vst v63  }
0xdd: {  	_ =	swait.ge [sflag:s23], $0x2800  }
0xde: {  	[sflag:s23] =	ssyncset.done $0x0  }
0xdf: {  	[sflag:s23] =	ssyncadd.s32 $0xFFFFD800  }
0xe0: {  	[tilespmem:s22], [sflag:$0x1] =	stream.indirect.gather [hbm4b:s5+s28], $0x80, s11, s28, $0xb8;
	[tilespmem:$0x1A000] =	vst v63  }
0xe1: {  	_ =	swait.ge [sflag:s0], $0x2800  }
0xe2: {  	[sflag:s0] =	ssyncset.done $0x0  }
0xe3: {  	[sflag:s0] =	ssyncadd.s32 $0xFFFFD800  }
0xe4: {  	[spmem:s3] =	stream.indirect.scatter.add.f32 [tilespmem:s31], [sflag:$0x4], $0x80, s12, s28, $0xb8;
	[tilespmem:$0x1A000] =	vst v63  }
0xe5: {  	_ =	swait.ge [sflag:s23], $0x2800  }
0xe6: {  	[sflag:s23] =	ssyncset.done $0x0  }
0xe7: {  	[sflag:s23] =	ssyncadd.s32 $0xFFFFD800  }
0xe8: {  	_ =	swait.ge [sflag:s13], $0x280  }
0xe9: {  	[sflag:s13] =	ssyncset.done $0x0  }
0xea: {  	[sflag:s13] =	ssyncadd.s32 $0xFFFFFD80  }
0xeb: {  	[tilespmem:s31], [sflag:$0x1] =	stream.indirect.gather [hbm4b:s5+s28], $0x80, s25, s28, $0xb8;
	[tilespmem:$0x1A000] =	vst v63  }
0xec: {  	_ =	swait.ge [sflag:s0], $0x2800  }
0xed: {  	[sflag:s0] =	ssyncset.done $0x0  }
0xee: {  	[sflag:s0] =	ssyncadd.s32 $0xFFFFD800  }
0xef: {  	[spmem:s3] =	stream.indirect.scatter.add.f32 [tilespmem:s22], [sflag:$0x4], $0x80, s14, s28, $0xb8;
	[tilespmem:$0x1A000] =	vst v63  }
0xf0: {  	_ =	swait.ge [sflag:s23], $0x2800  }
0xf1: {  	[sflag:s23] =	ssyncset.done $0x0  }
0xf2: {  	[sflag:s23] =	ssyncadd.s32 $0xFFFFD800  }
0xf3: {  	_ =	swait.ge [sflag:s29], $0x280  }
0xf4: {  	[sflag:s29] =	ssyncset.done $0x0  }
0xf5: {  	s20 =	rddreg [dreg:$0x5];
	[sflag:s29] =	ssyncadd.s32 $0xFFFFFD80  }
0xf6: {  	[tilespmem:s22], [sflag:$0x1] =	stream.indirect.gather [hbm4b:s5+s28], $0x80, s20, s28, $0xb8;
	[tilespmem:$0x1A000] =	vst v63  }
0xf7: {  	_ =	swait.ge [sflag:s0], $0x2800  }
0xf8: {  	[sflag:s0] =	ssyncset.done $0x0  }
0xf9: {  	[sflag:s0] =	ssyncadd.s32 $0xFFFFD800  }
0xfa: {  	[spmem:s3] =	stream.indirect.scatter.add.f32 [tilespmem:s31], [sflag:$0x4], $0x80, s26, s28, $0xb8;
	[tilespmem:$0x1A000] =	vst v63  }
0xfb: {  	_ =	swait.ge [sflag:s23], $0x2800  }
0xfc: {  	s19 =	sshrl.u32 s17, $0x3;
	[sflag:s23] =	ssyncset.done $0x0  }
0xfd: {  	s20 =	sadd.s32 s2, s19;
	[sflag:s23] =	ssyncadd.s32 $0xFFFFD800  }
0xfe: {  	[tilespmem:s4], [sflag:$0x2] =	stream.linear.gather [hbm4b:s20+s4], $0x280, $0x38;
	[tilespmem:$0x1A000] =	vst v63  }
0xff: {  	s21 =	rddreg [dreg:$0x6]  }
0x100: {  	[tilespmem:s31], [sflag:$0x1] =	stream.indirect.gather [hbm4b:s5+s28], $0x80, s21, s28, $0xb8;
	[tilespmem:$0x1A000] =	vst v63  }
0x101: {  	_ =	swait.ge [sflag:s0], $0x2800  }
0x102: {  	[sflag:s0] =	ssyncset.done $0x0  }
0x103: {  	s21 =	rddreg [dreg:$0x7];
	[sflag:s0] =	ssyncadd.s32 $0xFFFFD800  }
0x104: {  	[spmem:s3] =	stream.indirect.scatter.add.f32 [tilespmem:s22], [sflag:$0x4], $0x80, s21, s28, $0xb8;
	[tilespmem:$0x1A000] =	vst v63  }
0x105: {  	_ =	swait.ge [sflag:s23], $0x2800  }
0x106: {  	[sflag:s23] =	ssyncset.done $0x0  }
0x107: {  	s21 =	rddreg [dreg:$0x8];
	[sflag:s23] =	ssyncadd.s32 $0xFFFFD800  }
0x108: {  	[tilespmem:s22], [sflag:$0x1] =	stream.indirect.gather [hbm4b:s5+s28], $0x80, s21, s28, $0xb8;
	[tilespmem:$0x1A000] =	vst v63  }
0x109: {  	_ =	swait.ge [sflag:s0], $0x2800  }
0x10a: {  	[sflag:s0] =	ssyncset.done $0x0  }
0x10b: {  	s21 =	rddreg [dreg:$0x9];
	[sflag:s0] =	ssyncadd.s32 $0xFFFFD800  }
0x10c: {  	[spmem:s3] =	stream.indirect.scatter.add.f32 [tilespmem:s31], [sflag:$0x4], $0x80, s21, s28, $0xb8;
	[tilespmem:$0x1A000] =	vst v63  }
0x10d: {  	_ =	swait.ge [sflag:s23], $0x2800  }
0x10e: {  	[sflag:s23] =	ssyncset.done $0x0  }
0x10f: {  	s21 =	rddreg [dreg:$0xa];
	[sflag:s23] =	ssyncadd.s32 $0xFFFFD800  }
0x110: {  	[tilespmem:s31], [sflag:$0x1] =	stream.indirect.gather [hbm4b:s5+s28], $0x80, s21, s28, $0xb8;
	[tilespmem:$0x1A000] =	vst v63  }
0x111: {  	_ =	swait.ge [sflag:s0], $0x2800  }
0x112: {  	[sflag:s0] =	ssyncset.done $0x0  }
0x113: {  	s21 =	rddreg [dreg:$0xb];
	[sflag:s0] =	ssyncadd.s32 $0xFFFFD800  }
0x114: {  	[spmem:s3] =	stream.indirect.scatter.add.f32 [tilespmem:s22], [sflag:$0x4], $0x80, s21, s28, $0xb8;
	[tilespmem:$0x1A000] =	vst v63  }
0x115: {  	_ =	swait.ge [sflag:s23], $0x2800  }
0x116: {  	[sflag:s23] =	ssyncset.done $0x0  }
0x117: {  	[sflag:s23] =	ssyncadd.s32 $0xFFFFD800  }
0x118: {  	_ =	swait.ge [sflag:s13], $0x280  }
0x119: {  	[sflag:s13] =	ssyncset.done $0x0  }
0x11a: {  	[sflag:s13] =	ssyncadd.s32 $0xFFFFFD80  }
0x11b: {  	[tilespmem:s22], [sflag:$0x1] =	stream.indirect.gather [hbm4b:s5+s28], $0x80, s4, s28, $0xb8;
	[tilespmem:$0x1A000] =	vst v63  }
0x11c: {  	_ =	swait.ge [sflag:s0], $0x2800  }
0x11d: {  	[sflag:s0] =	ssyncset.done $0x0  }
0x11e: {  	p0 =	sne.s32 s16, $0x16;
	s21 =	rddreg [dreg:$0xc];
	[sflag:s0] =	ssyncadd.s32 $0xFFFFD800  }
0x11f: {  	[spmem:s3] =	stream.indirect.scatter.add.f32 [tilespmem:s31], [sflag:$0x4], $0x80, s21, s28, $0xb8;
	[tilespmem:$0x1A000] =	vst v63  }
.Ltmp1:
0x120: {  	s18 =	smov.u32 s16;
	(pc) =	sbr.rel @p0 .LBB2_4-.Ltmp1, $4  }
0x121: {  	s18 =	smin.u32 s18, $0x15;
	_ =	swait.ge [sflag:s23], $0x2800  }
0x122: {  	s16 =	sadd.s32 $0x2, s16;
	s18 =	sshll.u32 s18, $0xA;
	s21 =	rddreg [dreg:$0x4]  }
0x123: {  	s17 =	sadd.s32 $0x800, s17;
	[sflag:s23] =	ssyncset.done $0x0;
	s18 =	sadd.s32 s18, s21  }
0x124: {  	s19 =	sadd.s32 s6, s19;
	[sflag:s23] =	ssyncadd.s32 $0xFFFFD800;
	s20 =	sshrl.u32 s18, $0x3  }
0x125: {  	[tilespmem:s24], [sflag:$0x3] =	stream.linear.gather [hbm4b:s19+s4], $0x280, $0x38;
	[tilespmem:$0x1A000] =	vst v63  }
0x126: {  	s16 =	sadd.s32 s2, s20  }
0x127: {  	[tilespmem:s25], [sflag:$0x2] =	stream.linear.gather [hbm4b:s16+s4], $0x280, $0x38;
	[tilespmem:$0x1A000] =	vst v63  }
0x128: {  	s19 =	sadd.s32 s6, s20  }
0x129: {  	[tilespmem:s26], [sflag:$0x3] =	stream.linear.gather [hbm4b:s19+s4], $0x280, $0x38;
	[tilespmem:$0x1A000] =	vst v63  }
0x12a: {  	_ =	swait.ge [sflag:s29], $0x280  }
0x12b: {  	[sflag:s29] =	ssyncset.done $0x0  }
0x12c: {  	[sflag:s29] =	ssyncadd.s32 $0xFFFFFD80  }
0x12d: {  	[tilespmem:s31], [sflag:$0x1] =	stream.indirect.gather [hbm4b:s5+s28], $0x80, s30, s28, $0xb8;
	[tilespmem:$0x1A000] =	vst v63  }
0x12e: {  	_ =	swait.ge [sflag:s0], $0x2800  }
0x12f: {  	[sflag:s0] =	ssyncset.done $0x0  }
0x130: {  	[sflag:s0] =	ssyncadd.s32 $0xFFFFD800  }
0x131: {  	[spmem:s3] =	stream.indirect.scatter.add.f32 [tilespmem:s22], [sflag:$0x4], $0x80, s24, s28, $0xb8;
	[tilespmem:$0x1A000] =	vst v63  }
0x132: {  	_ =	swait.ge [sflag:s23], $0x2800  }
0x133: {  	[sflag:s23] =	ssyncset.done $0x0  }
0x134: {  	[sflag:s23] =	ssyncadd.s32 $0xFFFFD800  }
0x135: {  	[tilespmem:s22], [sflag:$0x1] =	stream.indirect.gather [hbm4b:s5+s28], $0x80, s1, s28, $0xb8;
	[tilespmem:$0x1A000] =	vst v63  }
0x136: {  	_ =	swait.ge [sflag:s0], $0x2800  }
0x137: {  	[sflag:s0] =	ssyncset.done $0x0  }
0x138: {  	[sflag:s0] =	ssyncadd.s32 $0xFFFFD800  }
0x139: {  	[spmem:s3] =	stream.indirect.scatter.add.f32 [tilespmem:s31], [sflag:$0x4], $0x80, s8, s28, $0xb8;
	[tilespmem:$0x1A000] =	vst v63  }
0x13a: {  	_ =	swait.ge [sflag:s23], $0x2800  }
0x13b: {  	[sflag:s23] =	ssyncset.done $0x0  }
0x13c: {  	[sflag:s23] =	ssyncadd.s32 $0xFFFFD800  }
0x13d: {  	[tilespmem:s31], [sflag:$0x1] =	stream.indirect.gather [hbm4b:s5+s28], $0x80, s9, s28, $0xb8;
	[tilespmem:$0x1A000] =	vst v63  }
0x13e: {  	_ =	swait.ge [sflag:s0], $0x2800  }
0x13f: {  	[sflag:s0] =	ssyncset.done $0x0  }
0x140: {  	[sflag:s0] =	ssyncadd.s32 $0xFFFFD800  }
0x141: {  	[spmem:s3] =	stream.indirect.scatter.add.f32 [tilespmem:s22], [sflag:$0x4], $0x80, s10, s28, $0xb8;
	[tilespmem:$0x1A000] =	vst v63  }
0x142: {  	_ =	swait.ge [sflag:s23], $0x2800  }
0x143: {  	[sflag:s23] =	ssyncset.done $0x0  }
0x144: {  	[sflag:s23] =	ssyncadd.s32 $0xFFFFD800  }
0x145: {  	[tilespmem:s22], [sflag:$0x1] =	stream.indirect.gather [hbm4b:s5+s28], $0x80, s11, s28, $0xb8;
	[tilespmem:$0x1A000] =	vst v63  }
0x146: {  	_ =	swait.ge [sflag:s0], $0x2800  }
0x147: {  	[sflag:s0] =	ssyncset.done $0x0  }
0x148: {  	[sflag:s0] =	ssyncadd.s32 $0xFFFFD800  }
0x149: {  	[spmem:s3] =	stream.indirect.scatter.add.f32 [tilespmem:s31], [sflag:$0x4], $0x80, s12, s28, $0xb8;
	[tilespmem:$0x1A000] =	vst v63  }
0x14a: {  	_ =	swait.ge [sflag:s23], $0x2800  }
0x14b: {  	[sflag:s23] =	ssyncset.done $0x0  }
0x14c: {  	[sflag:s23] =	ssyncadd.s32 $0xFFFFD800  }
0x14d: {  	[tilespmem:s31], [sflag:$0x1] =	stream.indirect.gather [hbm4b:s5+s28], $0x80, s11, s28, $0xb8;
	[tilespmem:$0x1A000] =	vst v63  }
0x14e: {  	_ =	swait.ge [sflag:s0], $0x2800  }
0x14f: {  	[sflag:s0] =	ssyncset.done $0x0  }
0x150: {  	[sflag:s0] =	ssyncadd.s32 $0xFFFFD800  }
0x151: {  	[spmem:s3] =	stream.indirect.scatter.add.f32 [tilespmem:s22], [sflag:$0x4], $0x80, s14, s28, $0xb8;
	[tilespmem:$0x1A000] =	vst v63  }
0x152: {  	_ =	swait.ge [sflag:s23], $0x2800  }
0x153: {  	[sflag:s23] =	ssyncset.done $0x0  }
0x154: {  	[sflag:s23] =	ssyncadd.s32 $0xFFFFD800  }
0x155: {  	_ =	swait.ge [sflag:s0], $0x2800  }
0x156: {  	[sflag:s0] =	ssyncset.done $0x0  }
0x157: {  	[sflag:s0] =	ssyncadd.s32 $0xFFFFD800  }
0x158: {  	_ =	swait.ge [sflag:s13], $0x280  }
0x159: {  	[sflag:s13] =	ssyncset.done $0x0  }
0x15a: {  	[sflag:s13] =	ssyncadd.s32 $0xFFFFFD80  }
0x15b: {  	_ =	swait.ge [sflag:s29], $0x280  }
0x15c: {  	[sflag:s29] =	ssyncset.done $0x0  }
0x15d: {  	s20 =	stileid.u32;
	[sflag:s29] =	ssyncadd.s32 $0xFFFFFD80  }
0x15e: {  	s16 =	sshll.u32 s20, $0x6;
	[bflag:$0x0] =	sbarrier.arrive $0xFFFF  }
0x15f: {  	s17 =	sshrl.u32 s7, $0x3;
	s16 =	sor.u32 $0x1C04, s16;
	s18 =	rddreg [dreg:$0x18]  }
0x160: {  	[hbm:s18], [sflag:s16] =	dma.local [spmem:s17], $0x2800  }
0x161: {  	_ =	swait.ge [sflag:s23], $0x2800  }
0x162: {  	s15 =	sadd.s32 $0x1, s15;
	s21 =	rddreg [dreg:$0x19]  }
0x163: {  	p0 =	sne.s32 s15, s21  }
.Ltmp2:
0x164: {  	_ = 	snop;
	(pc) =	sbr.rel @p0 .LBB2_1-.Ltmp2, $3  }
0x165: {  	_ =	sdelay $0x1  }
0x166: {  	[sflag:s23] =	ssyncset.done $0x0  }
0x167: {  	[sflag:s23] =	ssyncadd.s32 $0xFFFFD800  }
0x168: {  	_ =	sfence.sel $0x180000  }
0x169: {  	[bflag:$0x0] =	sbarrier.arrive $0xFFFF  }
0x16a: {  	_ =	strace $0x90000050  }
0x16b: {  	s0 =	stileid.u32;
	[bflag:$0x2] =	sbarrier.arrive $0xFFFF  }
0x16c: {  	p0 =	sne.s32 s0, $0x0;
	s0 =	rddreg [dreg:$0x3]  }
0x16d: {  	s0 =	sadd.s32 @!p0 $0x100000, s0  }
0x16e: {  	[sflag:s0] =	ssyncadd.tile.s32 @!p0 $0x1;
	_ =	shalt  }
.Lfunc_end2:
_tile_overlayer_lowered:
.L_overlay_start_2:
0x16f: {  	(tag) =	ssettag $0x2  }
0x170: {  	s0 =	rddreg [dreg:$0x0];
	s2 =	stileid.u32  }
0x171: {  	s1 =	rddreg [dreg:$0x1];
	p0 =	sne.s32 s2, $0x0  }
0x172: {  	s3 =	rddreg [dreg:$0x2];
	[bflag:$0x3] =	sbarrier.arrive $0xFFFF;
	s2 =	simm.s32 @!p0 $0x1C04  }
0x173: {  	[timem:s3], [sflag:s2] =	dma.local @!p0 [hbm:s0], s1  }
0x174: {  	s0 =	simm.s32 @!p0 $0x4  }
0x175: {  	_ =	swait.ge @!p0 [sflag:s0], s1  }
0x176: {  	s1 =	ssub.s32 @!p0 $0x0, s1;
	[sflag:s0] =	ssyncset.done @!p0 $0x0  }
0x177: {  	[sflag:s0] =	ssyncadd.s32 @!p0 s1  }
0x178: {  	[bflag:$0x3] =	sbarrier.arrive $0xFFFF  }
0x179: {  	_ =	shalt  }

</sc_bundles>
